<compile_context>
chip_gen: v7x
topology: tpu7x:2x2x1
jax: 0.10.2.dev20260603
libtpu: 0.0.44.dev20260713+nightly
codegen_flags: <defaults>
</compile_context>

<pallas_src>
import functools

import jax
import jax.numpy as jnp
import numpy as np
from jax import lax
from jax.experimental import pallas as pl
from jax.experimental.pallas import tpu as pltpu
from jax.experimental.pallas import tpu_sc as plsc

_F = 26
_V = 100000
_D = 16
_B = 4096
_NPAIR = (_F * (_F - 1)) // 2
_NW = 32
_IDXW = 128
_G = 8
_CW = _G * _IDXW
_CPP = _B // _CW
_NCHUNK = _NPAIR * _CPP
_BASE = _NCHUNK // _NW
_EXTRA = _NCHUNK % _NW


def _sc_ffm(idxa, idxb, table):
    mesh = plsc.VectorSubcoreMesh(core_axis_name="c", subcore_axis_name="s")

    @functools.partial(
        pl.kernel,
        mesh=mesh,
        out_type=jax.ShapeDtypeStruct((_NPAIR, _D, _B), jnp.float32),
        scratch_types=[
            pltpu.VMEM((2, _CW), jnp.int32),
            pltpu.VMEM((2, _CW), jnp.int32),
            pltpu.VMEM((2 * _CW, _D), jnp.float32),
            pltpu.VMEM((2 * _CW, _D), jnp.float32),
            pltpu.VMEM((2 * _D, _CW + 1), jnp.float32),
            pltpu.SemaphoreType.DMA,
            pltpu.SemaphoreType.DMA,
            pltpu.SemaphoreType.DMA,
            pltpu.SemaphoreType.DMA,
            pltpu.SemaphoreType.DMA,
        ],
        compiler_params=pltpu.CompilerParams(
            use_tc_tiling_on_sc=False, needs_layout_passes=False),
    )
    def k(idxa_hbm, idxb_hbm, table_hbm, out_hbm,
          idxa_v, idxb_v, ra_v, rb_v, out_v, semi, semg0, semg1, semo0, semo1):
        wid = lax.axis_index("s") * 2 + lax.axis_index("c")
        nchunk = _BASE + jnp.where(wid < _EXTRA, 1, 0)
        didx = lax.iota(jnp.int32, _D)
        semg = (semg0, semg1)
        semo = (semo0, semo1)

        def cc_of(ci):
            return wid + ci * _NW

        def idx_copy(ci, slot, fire):
            off = cc_of(ci) * _CW
            for src, dst in ((idxa_hbm, idxa_v), (idxb_hbm, idxb_v)):
                cp = pltpu.make_async_copy(
                    src.at[pl.ds(off, _CW)], dst.at[slot], semi)
                if fire:
                    cp.start()
                else:
                    cp.wait()

        def gathers(slot, fire):
            for g in range(_G):
                s = pl.ds(g * _IDXW, _IDXW)
                d = pl.ds(slot * _CW + g * _IDXW, _IDXW)
                for iv, rv in ((idxa_v, ra_v), (idxb_v, rb_v)):
                    cp = pltpu.make_async_copy(
                        table_hbm.at[iv.at[slot].at[s]], rv.at[d], semg[slot])
                    if fire:
                        cp.start()
                    else:
                        cp.wait()

        def out_fire(ci, slot):
            cc = cc_of(ci)
            p = cc // _CPP
            sub = cc % _CPP
            pltpu.make_async_copy(
                out_v.at[pl.ds(slot * _D, _D), pl.ds(0, _CW)],
                out_hbm.at[p, :, pl.ds(sub * _CW, _CW)],
                semo[slot]).start()

        def out_drain(slot):
            pltpu.make_async_copy(
                out_v.at[pl.ds(slot * _D, _D), pl.ds(0, _CW)],
                out_hbm.at[0, :, pl.ds(0, _CW)],
                semo[slot]).wait()

        def compute(slot):
            rowv = didx + slot * _D
            rbase = slot * _CW

            def prod8(q, c):
                l = q * 8
                for k_ in range(8):
                    mv = didx * 0 + (l + k_)
                    a = plsc.load_gather(ra_v, [mv + rbase, didx])
                    b = plsc.load_gather(rb_v, [mv + rbase, didx])
                    plsc.store_scatter(out_v, [rowv, mv], a * b)
                return c

            lax.fori_loop(0, _CW // 8, prod8, 0)

        idx_copy(0, 0, True)
        idx_copy(1, 1, True)
        idx_copy(0, 0, False)
        gathers(0, True)

        def body(ci, carry):
            for s_ in (0, 1):
                @pl.when(ci % 2 == s_)
                def _(s_=s_):
                    cur, oth = s_, 1 - s_

                    @pl.when(ci + 1 < nchunk)
                    def _():
                        idx_copy(ci + 1, oth, False)
                        gathers(oth, True)

                    gathers(cur, False)
                    @pl.when(ci + 2 < nchunk)
                    def _():
                        idx_copy(ci + 2, cur, True)

                    @pl.when(ci >= 2)
                    def _():
                        out_drain(cur)

                    compute(cur)
                    out_fire(ci, cur)
            return carry

        lax.fori_loop(0, nchunk, body, 0)

        out_drain(0)
        out_drain(1)

    return k(idxa, idxb, table)


def kernel(x, tables, offsets):
    xi_t = (x + offsets[None, :]).T
    iu, ju = np.triu_indices(_F, k=1)
    iu = jnp.asarray(iu, jnp.int32)
    ju = jnp.asarray(ju, jnp.int32)
    idxa = (xi_t[iu] + (ju * _V)[:, None]).reshape(_NPAIR * _B)
    idxb = (xi_t[ju] + (iu * _V)[:, None]).reshape(_NPAIR * _B)
    table = tables.reshape(_F * _V, _D)
    out = _sc_ffm(idxa, idxb, table)
    return jnp.transpose(out, (2, 0, 1))

# --- scband reference (transcript-rebuilt; emitter-appended) ---
"""Pipeline reference for scband-field-aware-factorization-machine-17368847745103 (READ-ONLY COPY).

The authoritative reference and input builder live on the scoring server;
editing this copy changes nothing except your own understanding.
"""

import jax, jax.numpy as jnp
import numpy as np

NUM_FIELDS = 26
TOTAL_FIELD_DIMS = 100000
EMBED_DIM = 16
BATCH = 4096
PER_FIELD = 3846


def setup_inputs(seed: int = 0) -> dict:
    key = jax.random.key(seed)
    k1, k2 = jax.random.split(key)
    x = jax.random.randint(k1, (BATCH, NUM_FIELDS), 0, PER_FIELD, dtype=jnp.int32)
    # 26 field-aware embedding tables, xavier-uniform init
    bound = float(np.sqrt(6.0 / (TOTAL_FIELD_DIMS + EMBED_DIM)))
    tables = jax.random.uniform(k2, (NUM_FIELDS, TOTAL_FIELD_DIMS, EMBED_DIM), dtype=jnp.float32, minval=-bound, maxval=bound)
    offsets = jnp.array([PER_FIELD * i for i in range(NUM_FIELDS)], dtype=jnp.int32)
    return {"x": x, "tables": tables, "offsets": offsets}


def reference(x, tables, offsets):
    # x: [B, F] int; tables: [F, V, D]; offsets: [F]
    xi = x + offsets[None, :]  # [B, F]
    # w_f[i] = embeddings[i](xi) -> [B, F, D]
    w_f = [jnp.take(tables[i], xi, axis=0) for i in range(NUM_FIELDS)]
    ffm_value = []
    for i in range(NUM_FIELDS - 1):
        for j in range(i + 1, NUM_FIELDS):
            ffm_value.append(w_f[j][:, i] * w_f[i][:, j])
    return jnp.stack(ffm_value, axis=1)  # [B, F*(F-1)/2, D]

if __name__ == "__main__":
    import jax
    _d = setup_inputs()
    print(jax.jit(kernel)(*tuple(_d.values())))

</pallas_src>

<mosaic_0001>
#map = affine_map<(d0, d1) -> (0)>
#map1 = affine_map<(d0, d1) -> (0, 0)>
#map2 = affine_map<(d0, d1) -> (0, 0, 0)>
module attributes {stable_mosaic.version = 14 : i64} {
  func.func @k(%arg0: i32, %arg1: i32, %arg2: memref<1331200xi32, #tpu.memory_space<hbm>>, %arg3: memref<1331200xi32, #tpu.memory_space<hbm>>, %arg4: memref<2600000x16xf32, #tpu.memory_space<hbm>>, %arg5: memref<325x16x4096xf32, #tpu.memory_space<hbm>>, %arg6: memref<2x1024xi32, #tpu.memory_space<vmem>>, %arg7: memref<2x1024xi32, #tpu.memory_space<vmem>>, %arg8: memref<2048x16xf32, #tpu.memory_space<vmem>>, %arg9: memref<2048x16xf32, #tpu.memory_space<vmem>>, %arg10: memref<32x1025xf32, #tpu.memory_space<vmem>>, %arg11: memref<!tpu.dma_semaphore, #tpu.memory_space<semaphore_mem>>, %arg12: memref<!tpu.dma_semaphore, #tpu.memory_space<semaphore_mem>>, %arg13: memref<!tpu.dma_semaphore, #tpu.memory_space<semaphore_mem>>, %arg14: memref<!tpu.dma_semaphore, #tpu.memory_space<semaphore_mem>>, %arg15: memref<!tpu.dma_semaphore, #tpu.memory_space<semaphore_mem>>) attributes {dimension_semantics = [#tpu.dimension_semantics<core_parallel>, #tpu.dimension_semantics<subcore_parallel>], iteration_bounds = array<i64: 2, 16>, scalar_prefetch = 0 : i64, scratch_operands = 10 : i64, tpu.core_type = #tpu.core_type<sc_vector_subcore>, window_params = [{transform_indices = #map}, {transform_indices = #map}, {transform_indices = #map1}, {transform_indices = #map2}]} {
    %mul3A = arith.constant 2 : i32
    %mul3A_0 = arith.muli %arg1, %mul3A : i32
    %add3A = arith.addi %mul3A_0, %arg0 : i32
    %lt3A = arith.constant 20 : i32
    %lt3A_1 = arith.cmpi slt, %add3A, %lt3A : i32
    %jit3A = arith.constant 1 : i32
    %jit3A_2 = arith.constant 0 : i32
    %select_n3A = arith.select %lt3A_1, %jit3A, %jit3A_2 : i32
    %add3A_3 = arith.constant 40 : i32
    %add3A_4 = arith.addi %add3A_3, %select_n3A : i32
    %iota3A = tpu.iota {dimensions = array<i32: 0>} : vector<16xi32>
    %add3A_5 = arith.constant 0 : i32
    %add3A_6 = arith.addi %add3A, %add3A_5 : i32
    %mul3A_7 = arith.constant 1024 : i32
    %mul3A_8 = arith.muli %add3A_6, %mul3A_7 : i32
    %dma_start3A = arith.constant 0 : i32
    %dma_start3A_9 = arith.constant 0 : i32
    %dma_start3A_10 = tpu.memref_slice %arg6[%dma_start3A, %dma_start3A_9] : memref<2x1024xi32, #tpu.memory_space<vmem>> -> memref<1x1024xi32, #tpu.memory_space<vmem>>
    %dma_start3A_11 = tpu.memref_squeeze %dma_start3A_10 : memref<1x1024xi32, #tpu.memory_space<vmem>> -> memref<1024xi32, #tpu.memory_space<vmem>>
    %dma_start3A_12 = tpu.memref_slice %arg2[%mul3A_8] : memref<1331200xi32, #tpu.memory_space<hbm>> -> memref<1024xi32, #tpu.memory_space<hbm>>
    %dma_start3A_13 = arith.constant 0 : i32
    %dma_start3A_14 = tpu.memref_slice %arg6[%dma_start3A, %dma_start3A_13] : memref<2x1024xi32, #tpu.memory_space<vmem>> -> memref<1x1024xi32, #tpu.memory_space<vmem>>
    %dma_start3A_15 = tpu.memref_squeeze %dma_start3A_14 : memref<1x1024xi32, #tpu.memory_space<vmem>> -> memref<1024xi32, #tpu.memory_space<vmem>>
    %dma_start3A_16 = tpu.memref_slice %arg2[%mul3A_8] : memref<1331200xi32, #tpu.memory_space<hbm>> -> memref<1024xi32, #tpu.memory_space<hbm>>
    tpu.enqueue_dma source(%dma_start3A_16 : memref<1024xi32, #tpu.memory_space<hbm>>) target(%dma_start3A_15 : memref<1024xi32, #tpu.memory_space<vmem>>) target_semaphore(%arg11 : memref<!tpu.dma_semaphore, #tpu.memory_space<semaphore_mem>>)
    %dma_start3A_17 = arith.constant 0 : i32
    %dma_start3A_18 = arith.constant 0 : i32
    %dma_start3A_19 = tpu.memref_slice %arg7[%dma_start3A_17, %dma_start3A_18] : memref<2x1024xi32, #tpu.memory_space<vmem>> -> memref<1x1024xi32, #tpu.memory_space<vmem>>
    %dma_start3A_20 = tpu.memref_squeeze %dma_start3A_19 : memref<1x1024xi32, #tpu.memory_space<vmem>> -> memref<1024xi32, #tpu.memory_space<vmem>>
    %dma_start3A_21 = tpu.memref_slice %arg3[%mul3A_8] : memref<1331200xi32, #tpu.memory_space<hbm>> -> memref<1024xi32, #tpu.memory_space<hbm>>
    %dma_start3A_22 = arith.constant 0 : i32
    %dma_start3A_23 = tpu.memref_slice %arg7[%dma_start3A_17, %dma_start3A_22] : memref<2x1024xi32, #tpu.memory_space<vmem>> -> memref<1x1024xi32, #tpu.memory_space<vmem>>
    %dma_start3A_24 = tpu.memref_squeeze %dma_start3A_23 : memref<1x1024xi32, #tpu.memory_space<vmem>> -> memref<1024xi32, #tpu.memory_space<vmem>>
    %dma_start3A_25 = tpu.memref_slice %arg3[%mul3A_8] : memref<1331200xi32, #tpu.memory_space<hbm>> -> memref<1024xi32, #tpu.memory_space<hbm>>
    tpu.enqueue_dma source(%dma_start3A_25 : memref<1024xi32, #tpu.memory_space<hbm>>) target(%dma_start3A_24 : memref<1024xi32, #tpu.memory_space<vmem>>) target_semaphore(%arg11 : memref<!tpu.dma_semaphore, #tpu.memory_space<semaphore_mem>>)
    %add3A_26 = arith.constant 32 : i32
    %add3A_27 = arith.addi %add3A, %add3A_26 : i32
    %mul3A_28 = arith.constant 1024 : i32
    %mul3A_29 = arith.muli %add3A_27, %mul3A_28 : i32
    %dma_start3A_30 = arith.constant 1 : i32
    %dma_start3A_31 = arith.constant 0 : i32
    %dma_start3A_32 = tpu.memref_slice %arg6[%dma_start3A_30, %dma_start3A_31] : memref<2x1024xi32, #tpu.memory_space<vmem>> -> memref<1x1024xi32, #tpu.memory_space<vmem>>
    %dma_start3A_33 = tpu.memref_squeeze %dma_start3A_32 : memref<1x1024xi32, #tpu.memory_space<vmem>> -> memref<1024xi32, #tpu.memory_space<vmem>>
    %dma_start3A_34 = tpu.memref_slice %arg2[%mul3A_29] : memref<1331200xi32, #tpu.memory_space<hbm>> -> memref<1024xi32, #tpu.memory_space<hbm>>
    %dma_start3A_35 = arith.constant 0 : i32
    %dma_start3A_36 = tpu.memref_slice %arg6[%dma_start3A_30, %dma_start3A_35] : memref<2x1024xi32, #tpu.memory_space<vmem>> -> memref<1x1024xi32, #tpu.memory_space<vmem>>
    %dma_start3A_37 = tpu.memref_squeeze %dma_start3A_36 : memref<1x1024xi32, #tpu.memory_space<vmem>> -> memref<1024xi32, #tpu.memory_space<vmem>>
    %dma_start3A_38 = tpu.memref_slice %arg2[%mul3A_29] : memref<1331200xi32, #tpu.memory_space<hbm>> -> memref<1024xi32, #tpu.memory_space<hbm>>
    tpu.enqueue_dma source(%dma_start3A_38 : memref<1024xi32, #tpu.memory_space<hbm>>) target(%dma_start3A_37 : memref<1024xi32, #tpu.memory_space<vmem>>) target_semaphore(%arg11 : memref<!tpu.dma_semaphore, #tpu.memory_space<semaphore_mem>>)
    %dma_start3A_39 = arith.constant 1 : i32
    %dma_start3A_40 = arith.constant 0 : i32
    %dma_start3A_41 = tpu.memref_slice %arg7[%dma_start3A_39, %dma_start3A_40] : memref<2x1024xi32, #tpu.memory_space<vmem>> -> memref<1x1024xi32, #tpu.memory_space<vmem>>
    %dma_start3A_42 = tpu.memref_squeeze %dma_start3A_41 : memref<1x1024xi32, #tpu.memory_space<vmem>> -> memref<1024xi32, #tpu.memory_space<vmem>>
    %dma_start3A_43 = tpu.memref_slice %arg3[%mul3A_29] : memref<1331200xi32, #tpu.memory_space<hbm>> -> memref<1024xi32, #tpu.memory_space<hbm>>
    %dma_start3A_44 = arith.constant 0 : i32
    %dma_start3A_45 = tpu.memref_slice %arg7[%dma_start3A_39, %dma_start3A_44] : memref<2x1024xi32, #tpu.memory_space<vmem>> -> memref<1x1024xi32, #tpu.memory_space<vmem>>
    %dma_start3A_46 = tpu.memref_squeeze %dma_start3A_45 : memref<1x1024xi32, #tpu.memory_space<vmem>> -> memref<1024xi32, #tpu.memory_space<vmem>>
    %dma_start3A_47 = tpu.memref_slice %arg3[%mul3A_29] : memref<1331200xi32, #tpu.memory_space<hbm>> -> memref<1024xi32, #tpu.memory_space<hbm>>
    tpu.enqueue_dma source(%dma_start3A_47 : memref<1024xi32, #tpu.memory_space<hbm>>) target(%dma_start3A_46 : memref<1024xi32, #tpu.memory_space<vmem>>) target_semaphore(%arg11 : memref<!tpu.dma_semaphore, #tpu.memory_space<semaphore_mem>>)
    %add3A_48 = arith.constant 0 : i32
    %add3A_49 = arith.addi %add3A, %add3A_48 : i32
    %mul3A_50 = arith.constant 1024 : i32
    %mul3A_51 = arith.muli %add3A_49, %mul3A_50 : i32
    %dma_wait3A = arith.constant 0 : i32
    %dma_wait3A_52 = arith.constant 0 : i32
    %dma_wait3A_53 = tpu.memref_slice %arg6[%dma_wait3A, %dma_wait3A_52] : memref<2x1024xi32, #tpu.memory_space<vmem>> -> memref<1x1024xi32, #tpu.memory_space<vmem>>
    %dma_wait3A_54 = tpu.memref_squeeze %dma_wait3A_53 : memref<1x1024xi32, #tpu.memory_space<vmem>> -> memref<1024xi32, #tpu.memory_space<vmem>>
    %dma_wait3A_55 = tpu.memref_slice %arg2[%mul3A_51] : memref<1331200xi32, #tpu.memory_space<hbm>> -> memref<1024xi32, #tpu.memory_space<hbm>>
    %dma_wait3A_56 = arith.constant 0 : i32
    %dma_wait3A_57 = tpu.memref_slice %arg6[%dma_wait3A, %dma_wait3A_56] : memref<2x1024xi32, #tpu.memory_space<vmem>> -> memref<1x1024xi32, #tpu.memory_space<vmem>>
    %dma_wait3A_58 = tpu.memref_squeeze %dma_wait3A_57 : memref<1x1024xi32, #tpu.memory_space<vmem>> -> memref<1024xi32, #tpu.memory_space<vmem>>
    %dma_wait3A_59 = tpu.memref_slice %arg2[%mul3A_51] : memref<1331200xi32, #tpu.memory_space<hbm>> -> memref<1024xi32, #tpu.memory_space<hbm>>
    tpu.wait_dma2 semaphore(%arg11 : memref<!tpu.dma_semaphore, #tpu.memory_space<semaphore_mem>>) src(%dma_wait3A_59 : memref<1024xi32, #tpu.memory_space<hbm>>) dst(%dma_wait3A_58 : memref<1024xi32, #tpu.memory_space<vmem>>)
    %dma_wait3A_60 = arith.constant 0 : i32
    %dma_wait3A_61 = arith.constant 0 : i32
    %dma_wait3A_62 = tpu.memref_slice %arg7[%dma_wait3A_60, %dma_wait3A_61] : memref<2x1024xi32, #tpu.memory_space<vmem>> -> memref<1x1024xi32, #tpu.memory_space<vmem>>
    %dma_wait3A_63 = tpu.memref_squeeze %dma_wait3A_62 : memref<1x1024xi32, #tpu.memory_space<vmem>> -> memref<1024xi32, #tpu.memory_space<vmem>>
    %dma_wait3A_64 = tpu.memref_slice %arg3[%mul3A_51] : memref<1331200xi32, #tpu.memory_space<hbm>> -> memref<1024xi32, #tpu.memory_space<hbm>>
    %dma_wait3A_65 = arith.constant 0 : i32
    %dma_wait3A_66 = tpu.memref_slice %arg7[%dma_wait3A_60, %dma_wait3A_65] : memref<2x1024xi32, #tpu.memory_space<vmem>> -> memref<1x1024xi32, #tpu.memory_space<vmem>>
    %dma_wait3A_67 = tpu.memref_squeeze %dma_wait3A_66 : memref<1x1024xi32, #tpu.memory_space<vmem>> -> memref<1024xi32, #tpu.memory_space<vmem>>
    %dma_wait3A_68 = tpu.memref_slice %arg3[%mul3A_51] : memref<1331200xi32, #tpu.memory_space<hbm>> -> memref<1024xi32, #tpu.memory_space<hbm>>
    tpu.wait_dma2 semaphore(%arg11 : memref<!tpu.dma_semaphore, #tpu.memory_space<semaphore_mem>>) src(%dma_wait3A_68 : memref<1024xi32, #tpu.memory_space<hbm>>) dst(%dma_wait3A_67 : memref<1024xi32, #tpu.memory_space<vmem>>)
    %dma_start3A_69 = arith.constant 0 : i32
    %dma_start3A_70 = arith.constant 0 : i32
    %dma_start3A_71 = arith.constant 0 : i32
    %dma_start3A_72 = tpu.memref_slice %arg8[%dma_start3A_70, %dma_start3A_71] : memref<2048x16xf32, #tpu.memory_space<vmem>> -> memref<128x16xf32, #tpu.memory_space<vmem>>
    %dma_start3A_73 = arith.constant 0 : i32
    %dma_start3A_74 = tpu.memref_slice %arg6[%dma_start3A_69, %dma_start3A_73] : memref<2x1024xi32, #tpu.memory_space<vmem>> -> memref<1x1024xi32, #tpu.memory_space<vmem>>
    %dma_start3A_75 = tpu.memref_squeeze %dma_start3A_74 : memref<1x1024xi32, #tpu.memory_space<vmem>> -> memref<1024xi32, #tpu.memory_space<vmem>>
    %dma_start3A_76 = arith.constant 0 : i32
    %dma_start3A_77 = tpu.memref_slice %dma_start3A_75[%dma_start3A_76] : memref<1024xi32, #tpu.memory_space<vmem>> -> memref<128xi32, #tpu.memory_space<vmem>>
    %dma_start3A_78 = arith.constant 0 : i32
    %dma_start3A_79 = arith.constant 0 : i32
    %dma_start3A_80 = tpu.memref_slice %arg4[%dma_start3A_78, %dma_start3A_79] : memref<2600000x16xf32, #tpu.memory_space<hbm>> -> memref<2600000x16xf32, #tpu.memory_space<hbm>>
    tpu.enqueue_indirect_dma source(%dma_start3A_80 : memref<2600000x16xf32, #tpu.memory_space<hbm>>) target(%dma_start3A_72 : memref<128x16xf32, #tpu.memory_space<vmem>>) offsets(%dma_start3A_77 : memref<128xi32, #tpu.memory_space<vmem>>) semaphore(%arg12 : memref<!tpu.dma_semaphore, #tpu.memory_space<semaphore_mem>>)
    %dma_start3A_81 = arith.constant 0 : i32
    %dma_start3A_82 = arith.constant 0 : i32
    %dma_start3A_83 = arith.constant 0 : i32
    %dma_start3A_84 = tpu.memref_slice %arg9[%dma_start3A_82, %dma_start3A_83] : memref<2048x16xf32, #tpu.memory_space<vmem>> -> memref<128x16xf32, #tpu.memory_space<vmem>>
    %dma_start3A_85 = arith.constant 0 : i32
    %dma_start3A_86 = tpu.memref_slice %arg7[%dma_start3A_81, %dma_start3A_85] : memref<2x1024xi32, #tpu.memory_space<vmem>> -> memref<1x1024xi32, #tpu.memory_space<vmem>>
    %dma_start3A_87 = tpu.memref_squeeze %dma_start3A_86 : memref<1x1024xi32, #tpu.memory_space<vmem>> -> memref<1024xi32, #tpu.memory_space<vmem>>
    %dma_start3A_88 = arith.constant 0 : i32
    %dma_start3A_89 = tpu.memref_slice %dma_start3A_87[%dma_start3A_88] : memref<1024xi32, #tpu.memory_space<vmem>> -> memref<128xi32, #tpu.memory_space<vmem>>
    %dma_start3A_90 = arith.constant 0 : i32
    %dma_start3A_91 = arith.constant 0 : i32
    %dma_start3A_92 = tpu.memref_slice %arg4[%dma_start3A_90, %dma_start3A_91] : memref<2600000x16xf32, #tpu.memory_space<hbm>> -> memref<2600000x16xf32, #tpu.memory_space<hbm>>
    tpu.enqueue_indirect_dma source(%dma_start3A_92 : memref<2600000x16xf32, #tpu.memory_space<hbm>>) target(%dma_start3A_84 : memref<128x16xf32, #tpu.memory_space<vmem>>) offsets(%dma_start3A_89 : memref<128xi32, #tpu.memory_space<vmem>>) semaphore(%arg12 : memref<!tpu.dma_semaphore, #tpu.memory_space<semaphore_mem>>)
    %dma_start3A_93 = arith.constant 0 : i32
    %dma_start3A_94 = arith.constant 128 : i32
    %dma_start3A_95 = arith.constant 0 : i32
    %dma_start3A_96 = tpu.memref_slice %arg8[%dma_start3A_94, %dma_start3A_95] : memref<2048x16xf32, #tpu.memory_space<vmem>> -> memref<128x16xf32, #tpu.memory_space<vmem>>
    %dma_start3A_97 = arith.constant 0 : i32
    %dma_start3A_98 = tpu.memref_slice %arg6[%dma_start3A_93, %dma_start3A_97] : memref<2x1024xi32, #tpu.memory_space<vmem>> -> memref<1x1024xi32, #tpu.memory_space<vmem>>
    %dma_start3A_99 = tpu.memref_squeeze %dma_start3A_98 : memref<1x1024xi32, #tpu.memory_space<vmem>> -> memref<1024xi32, #tpu.memory_space<vmem>>
    %dma_start3A_100 = arith.constant 128 : i32
    %dma_start3A_101 = tpu.memref_slice %dma_start3A_99[%dma_start3A_100] : memref<1024xi32, #tpu.memory_space<vmem>> -> memref<128xi32, #tpu.memory_space<vmem>>
    %dma_start3A_102 = arith.constant 0 : i32
    %dma_start3A_103 = arith.constant 0 : i32
    %dma_start3A_104 = tpu.memref_slice %arg4[%dma_start3A_102, %dma_start3A_103] : memref<2600000x16xf32, #tpu.memory_space<hbm>> -> memref<2600000x16xf32, #tpu.memory_space<hbm>>
    tpu.enqueue_indirect_dma source(%dma_start3A_104 : memref<2600000x16xf32, #tpu.memory_space<hbm>>) target(%dma_start3A_96 : memref<128x16xf32, #tpu.memory_space<vmem>>) offsets(%dma_start3A_101 : memref<128xi32, #tpu.memory_space<vmem>>) semaphore(%arg12 : memref<!tpu.dma_semaphore, #tpu.memory_space<semaphore_mem>>)
    %dma_start3A_105 = arith.constant 0 : i32
    %dma_start3A_106 = arith.constant 128 : i32
    %dma_start3A_107 = arith.constant 0 : i32
    %dma_start3A_108 = tpu.memref_slice %arg9[%dma_start3A_106, %dma_start3A_107] : memref<2048x16xf32, #tpu.memory_space<vmem>> -> memref<128x16xf32, #tpu.memory_space<vmem>>
    %dma_start3A_109 = arith.constant 0 : i32
    %dma_start3A_110 = tpu.memref_slice %arg7[%dma_start3A_105, %dma_start3A_109] : memref<2x1024xi32, #tpu.memory_space<vmem>> -> memref<1x1024xi32, #tpu.memory_space<vmem>>
    %dma_start3A_111 = tpu.memref_squeeze %dma_start3A_110 : memref<1x1024xi32, #tpu.memory_space<vmem>> -> memref<1024xi32, #tpu.memory_space<vmem>>
    %dma_start3A_112 = arith.constant 128 : i32
    %dma_start3A_113 = tpu.memref_slice %dma_start3A_111[%dma_start3A_112] : memref<1024xi32, #tpu.memory_space<vmem>> -> memref<128xi32, #tpu.memory_space<vmem>>
    %dma_start3A_114 = arith.constant 0 : i32
    %dma_start3A_115 = arith.constant 0 : i32
    %dma_start3A_116 = tpu.memref_slice %arg4[%dma_start3A_114, %dma_start3A_115] : memref<2600000x16xf32, #tpu.memory_space<hbm>> -> memref<2600000x16xf32, #tpu.memory_space<hbm>>
    tpu.enqueue_indirect_dma source(%dma_start3A_116 : memref<2600000x16xf32, #tpu.memory_space<hbm>>) target(%dma_start3A_108 : memref<128x16xf32, #tpu.memory_space<vmem>>) offsets(%dma_start3A_113 : memref<128xi32, #tpu.memory_space<vmem>>) semaphore(%arg12 : memref<!tpu.dma_semaphore, #tpu.memory_space<semaphore_mem>>)
    %dma_start3A_117 = arith.constant 0 : i32
    %dma_start3A_118 = arith.constant 256 : i32
    %dma_start3A_119 = arith.constant 0 : i32
    %dma_start3A_120 = tpu.memref_slice %arg8[%dma_start3A_118, %dma_start3A_119] : memref<2048x16xf32, #tpu.memory_space<vmem>> -> memref<128x16xf32, #tpu.memory_space<vmem>>
    %dma_start3A_121 = arith.constant 0 : i32
    %dma_start3A_122 = tpu.memref_slice %arg6[%dma_start3A_117, %dma_start3A_121] : memref<2x1024xi32, #tpu.memory_space<vmem>> -> memref<1x1024xi32, #tpu.memory_space<vmem>>
    %dma_start3A_123 = tpu.memref_squeeze %dma_start3A_122 : memref<1x1024xi32, #tpu.memory_space<vmem>> -> memref<1024xi32, #tpu.memory_space<vmem>>
    %dma_start3A_124 = arith.constant 256 : i32
    %dma_start3A_125 = tpu.memref_slice %dma_start3A_123[%dma_start3A_124] : memref<1024xi32, #tpu.memory_space<vmem>> -> memref<128xi32, #tpu.memory_space<vmem>>
    %dma_start3A_126 = arith.constant 0 : i32
    %dma_start3A_127 = arith.constant 0 : i32
    %dma_start3A_128 = tpu.memref_slice %arg4[%dma_start3A_126, %dma_start3A_127] : memref<2600000x16xf32, #tpu.memory_space<hbm>> -> memref<2600000x16xf32, #tpu.memory_space<hbm>>
    tpu.enqueue_indirect_dma source(%dma_start3A_128 : memref<2600000x16xf32, #tpu.memory_space<hbm>>) target(%dma_start3A_120 : memref<128x16xf32, #tpu.memory_space<vmem>>) offsets(%dma_start3A_125 : memref<128xi32, #tpu.memory_space<vmem>>) semaphore(%arg12 : memref<!tpu.dma_semaphore, #tpu.memory_space<semaphore_mem>>)
    %dma_start3A_129 = arith.constant 0 : i32
    %dma_start3A_130 = arith.constant 256 : i32
    %dma_start3A_131 = arith.constant 0 : i32
    %dma_start3A_132 = tpu.memref_slice %arg9[%dma_start3A_130, %dma_start3A_131] : memref<2048x16xf32, #tpu.memory_space<vmem>> -> memref<128x16xf32, #tpu.memory_space<vmem>>
    %dma_start3A_133 = arith.constant 0 : i32
    %dma_start3A_134 = tpu.memref_slice %arg7[%dma_start3A_129, %dma_start3A_133] : memref<2x1024xi32, #tpu.memory_space<vmem>> -> memref<1x1024xi32, #tpu.memory_space<vmem>>
    %dma_start3A_135 = tpu.memref_squeeze %dma_start3A_134 : memref<1x1024xi32, #tpu.memory_space<vmem>> -> memref<1024xi32, #tpu.memory_space<vmem>>
    %dma_start3A_136 = arith.constant 256 : i32
    %dma_start3A_137 = tpu.memref_slice %dma_start3A_135[%dma_start3A_136] : memref<1024xi32, #tpu.memory_space<vmem>> -> memref<128xi32, #tpu.memory_space<vmem>>
    %dma_start3A_138 = arith.constant 0 : i32
    %dma_start3A_139 = arith.constant 0 : i32
    %dma_start3A_140 = tpu.memref_slice %arg4[%dma_start3A_138, %dma_start3A_139] : memref<2600000x16xf32, #tpu.memory_space<hbm>> -> memref<2600000x16xf32, #tpu.memory_space<hbm>>
    tpu.enqueue_indirect_dma source(%dma_start3A_140 : memref<2600000x16xf32, #tpu.memory_space<hbm>>) target(%dma_start3A_132 : memref<128x16xf32, #tpu.memory_space<vmem>>) offsets(%dma_start3A_137 : memref<128xi32, #tpu.memory_space<vmem>>) semaphore(%arg12 : memref<!tpu.dma_semaphore, #tpu.memory_space<semaphore_mem>>)
    %dma_start3A_141 = arith.constant 0 : i32
    %dma_start3A_142 = arith.constant 384 : i32
    %dma_start3A_143 = arith.constant 0 : i32
    %dma_start3A_144 = tpu.memref_slice %arg8[%dma_start3A_142, %dma_start3A_143] : memref<2048x16xf32, #tpu.memory_space<vmem>> -> memref<128x16xf32, #tpu.memory_space<vmem>>
    %dma_start3A_145 = arith.constant 0 : i32
    %dma_start3A_146 = tpu.memref_slice %arg6[%dma_start3A_141, %dma_start3A_145] : memref<2x1024xi32, #tpu.memory_space<vmem>> -> memref<1x1024xi32, #tpu.memory_space<vmem>>
    %dma_start3A_147 = tpu.memref_squeeze %dma_start3A_146 : memref<1x1024xi32, #tpu.memory_space<vmem>> -> memref<1024xi32, #tpu.memory_space<vmem>>
    %dma_start3A_148 = arith.constant 384 : i32
    %dma_start3A_149 = tpu.memref_slice %dma_start3A_147[%dma_start3A_148] : memref<1024xi32, #tpu.memory_space<vmem>> -> memref<128xi32, #tpu.memory_space<vmem>>
    %dma_start3A_150 = arith.constant 0 : i32
    %dma_start3A_151 = arith.constant 0 : i32
    %dma_start3A_152 = tpu.memref_slice %arg4[%dma_start3A_150, %dma_start3A_151] : memref<2600000x16xf32, #tpu.memory_space<hbm>> -> memref<2600000x16xf32, #tpu.memory_space<hbm>>
    tpu.enqueue_indirect_dma source(%dma_start3A_152 : memref<2600000x16xf32, #tpu.memory_space<hbm>>) target(%dma_start3A_144 : memref<128x16xf32, #tpu.memory_space<vmem>>) offsets(%dma_start3A_149 : memref<128xi32, #tpu.memory_space<vmem>>) semaphore(%arg12 : memref<!tpu.dma_semaphore, #tpu.memory_space<semaphore_mem>>)
    %dma_start3A_153 = arith.constant 0 : i32
    %dma_start3A_154 = arith.constant 384 : i32
    %dma_start3A_155 = arith.constant 0 : i32
    %dma_start3A_156 = tpu.memref_slice %arg9[%dma_start3A_154, %dma_start3A_155] : memref<2048x16xf32, #tpu.memory_space<vmem>> -> memref<128x16xf32, #tpu.memory_space<vmem>>
    %dma_start3A_157 = arith.constant 0 : i32
    %dma_start3A_158 = tpu.memref_slice %arg7[%dma_start3A_153, %dma_start3A_157] : memref<2x1024xi32, #tpu.memory_space<vmem>> -> memref<1x1024xi32, #tpu.memory_space<vmem>>
    %dma_start3A_159 = tpu.memref_squeeze %dma_start3A_158 : memref<1x1024xi32, #tpu.memory_space<vmem>> -> memref<1024xi32, #tpu.memory_space<vmem>>
    %dma_start3A_160 = arith.constant 384 : i32
    %dma_start3A_161 = tpu.memref_slice %dma_start3A_159[%dma_start3A_160] : memref<1024xi32, #tpu.memory_space<vmem>> -> memref<128xi32, #tpu.memory_space<vmem>>
    %dma_start3A_162 = arith.constant 0 : i32
    %dma_start3A_163 = arith.constant 0 : i32
    %dma_start3A_164 = tpu.memref_slice %arg4[%dma_start3A_162, %dma_start3A_163] : memref<2600000x16xf32, #tpu.memory_space<hbm>> -> memref<2600000x16xf32, #tpu.memory_space<hbm>>
    tpu.enqueue_indirect_dma source(%dma_start3A_164 : memref<2600000x16xf32, #tpu.memory_space<hbm>>) target(%dma_start3A_156 : memref<128x16xf32, #tpu.memory_space<vmem>>) offsets(%dma_start3A_161 : memref<128xi32, #tpu.memory_space<vmem>>) semaphore(%arg12 : memref<!tpu.dma_semaphore, #tpu.memory_space<semaphore_mem>>)
    %dma_start3A_165 = arith.constant 0 : i32
    %dma_start3A_166 = arith.constant 512 : i32
    %dma_start3A_167 = arith.constant 0 : i32
    %dma_start3A_168 = tpu.memref_slice %arg8[%dma_start3A_166, %dma_start3A_167] : memref<2048x16xf32, #tpu.memory_space<vmem>> -> memref<128x16xf32, #tpu.memory_space<vmem>>
    %dma_start3A_169 = arith.constant 0 : i32
    %dma_start3A_170 = tpu.memref_slice %arg6[%dma_start3A_165, %dma_start3A_169] : memref<2x1024xi32, #tpu.memory_space<vmem>> -> memref<1x1024xi32, #tpu.memory_space<vmem>>
    %dma_start3A_171 = tpu.memref_squeeze %dma_start3A_170 : memref<1x1024xi32, #tpu.memory_space<vmem>> -> memref<1024xi32, #tpu.memory_space<vmem>>
    %dma_start3A_172 = arith.constant 512 : i32
    %dma_start3A_173 = tpu.memref_slice %dma_start3A_171[%dma_start3A_172] : memref<1024xi32, #tpu.memory_space<vmem>> -> memref<128xi32, #tpu.memory_space<vmem>>
    %dma_start3A_174 = arith.constant 0 : i32
    %dma_start3A_175 = arith.constant 0 : i32
    %dma_start3A_176 = tpu.memref_slice %arg4[%dma_start3A_174, %dma_start3A_175] : memref<2600000x16xf32, #tpu.memory_space<hbm>> -> memref<2600000x16xf32, #tpu.memory_space<hbm>>
    tpu.enqueue_indirect_dma source(%dma_start3A_176 : memref<2600000x16xf32, #tpu.memory_space<hbm>>) target(%dma_start3A_168 : memref<128x16xf32, #tpu.memory_space<vmem>>) offsets(%dma_start3A_173 : memref<128xi32, #tpu.memory_space<vmem>>) semaphore(%arg12 : memref<!tpu.dma_semaphore, #tpu.memory_space<semaphore_mem>>)
    %dma_start3A_177 = arith.constant 0 : i32
    %dma_start3A_178 = arith.constant 512 : i32
    %dma_start3A_179 = arith.constant 0 : i32
    %dma_start3A_180 = tpu.memref_slice %arg9[%dma_start3A_178, %dma_start3A_179] : memref<2048x16xf32, #tpu.memory_space<vmem>> -> memref<128x16xf32, #tpu.memory_space<vmem>>
    %dma_start3A_181 = arith.constant 0 : i32
    %dma_start3A_182 = tpu.memref_slice %arg7[%dma_start3A_177, %dma_start3A_181] : memref<2x1024xi32, #tpu.memory_space<vmem>> -> memref<1x1024xi32, #tpu.memory_space<vmem>>
    %dma_start3A_183 = tpu.memref_squeeze %dma_start3A_182 : memref<1x1024xi32, #tpu.memory_space<vmem>> -> memref<1024xi32, #tpu.memory_space<vmem>>
    %dma_start3A_184 = arith.constant 512 : i32
    %dma_start3A_185 = tpu.memref_slice %dma_start3A_183[%dma_start3A_184] : memref<1024xi32, #tpu.memory_space<vmem>> -> memref<128xi32, #tpu.memory_space<vmem>>
    %dma_start3A_186 = arith.constant 0 : i32
    %dma_start3A_187 = arith.constant 0 : i32
    %dma_start3A_188 = tpu.memref_slice %arg4[%dma_start3A_186, %dma_start3A_187] : memref<2600000x16xf32, #tpu.memory_space<hbm>> -> memref<2600000x16xf32, #tpu.memory_space<hbm>>
    tpu.enqueue_indirect_dma source(%dma_start3A_188 : memref<2600000x16xf32, #tpu.memory_space<hbm>>) target(%dma_start3A_180 : memref<128x16xf32, #tpu.memory_space<vmem>>) offsets(%dma_start3A_185 : memref<128xi32, #tpu.memory_space<vmem>>) semaphore(%arg12 : memref<!tpu.dma_semaphore, #tpu.memory_space<semaphore_mem>>)
    %dma_start3A_189 = arith.constant 0 : i32
    %dma_start3A_190 = arith.constant 640 : i32
    %dma_start3A_191 = arith.constant 0 : i32
    %dma_start3A_192 = tpu.memref_slice %arg8[%dma_start3A_190, %dma_start3A_191] : memref<2048x16xf32, #tpu.memory_space<vmem>> -> memref<128x16xf32, #tpu.memory_space<vmem>>
    %dma_start3A_193 = arith.constant 0 : i32
    %dma_start3A_194 = tpu.memref_slice %arg6[%dma_start3A_189, %dma_start3A_193] : memref<2x1024xi32, #tpu.memory_space<vmem>> -> memref<1x1024xi32, #tpu.memory_space<vmem>>
    %dma_start3A_195 = tpu.memref_squeeze %dma_start3A_194 : memref<1x1024xi32, #tpu.memory_space<vmem>> -> memref<1024xi32, #tpu.memory_space<vmem>>
    %dma_start3A_196 = arith.constant 640 : i32
    %dma_start3A_197 = tpu.memref_slice %dma_start3A_195[%dma_start3A_196] : memref<1024xi32, #tpu.memory_space<vmem>> -> memref<128xi32, #tpu.memory_space<vmem>>
    %dma_start3A_198 = arith.constant 0 : i32
    %dma_start3A_199 = arith.constant 0 : i32
    %dma_start3A_200 = tpu.memref_slice %arg4[%dma_start3A_198, %dma_start3A_199] : memref<2600000x16xf32, #tpu.memory_space<hbm>> -> memref<2600000x16xf32, #tpu.memory_space<hbm>>
    tpu.enqueue_indirect_dma source(%dma_start3A_200 : memref<2600000x16xf32, #tpu.memory_space<hbm>>) target(%dma_start3A_192 : memref<128x16xf32, #tpu.memory_space<vmem>>) offsets(%dma_start3A_197 : memref<128xi32, #tpu.memory_space<vmem>>) semaphore(%arg12 : memref<!tpu.dma_semaphore, #tpu.memory_space<semaphore_mem>>)
    %dma_start3A_201 = arith.constant 0 : i32
    %dma_start3A_202 = arith.constant 640 : i32
    %dma_start3A_203 = arith.constant 0 : i32
    %dma_start3A_204 = tpu.memref_slice %arg9[%dma_start3A_202, %dma_start3A_203] : memref<2048x16xf32, #tpu.memory_space<vmem>> -> memref<128x16xf32, #tpu.memory_space<vmem>>
    %dma_start3A_205 = arith.constant 0 : i32
    %dma_start3A_206 = tpu.memref_slice %arg7[%dma_start3A_201, %dma_start3A_205] : memref<2x1024xi32, #tpu.memory_space<vmem>> -> memref<1x1024xi32, #tpu.memory_space<vmem>>
    %dma_start3A_207 = tpu.memref_squeeze %dma_start3A_206 : memref<1x1024xi32, #tpu.memory_space<vmem>> -> memref<1024xi32, #tpu.memory_space<vmem>>
    %dma_start3A_208 = arith.constant 640 : i32
    %dma_start3A_209 = tpu.memref_slice %dma_start3A_207[%dma_start3A_208] : memref<1024xi32, #tpu.memory_space<vmem>> -> memref<128xi32, #tpu.memory_space<vmem>>
    %dma_start3A_210 = arith.constant 0 : i32
    %dma_start3A_211 = arith.constant 0 : i32
    %dma_start3A_212 = tpu.memref_slice %arg4[%dma_start3A_210, %dma_start3A_211] : memref<2600000x16xf32, #tpu.memory_space<hbm>> -> memref<2600000x16xf32, #tpu.memory_space<hbm>>
    tpu.enqueue_indirect_dma source(%dma_start3A_212 : memref<2600000x16xf32, #tpu.memory_space<hbm>>) target(%dma_start3A_204 : memref<128x16xf32, #tpu.memory_space<vmem>>) offsets(%dma_start3A_209 : memref<128xi32, #tpu.memory_space<vmem>>) semaphore(%arg12 : memref<!tpu.dma_semaphore, #tpu.memory_space<semaphore_mem>>)
    %dma_start3A_213 = arith.constant 0 : i32
    %dma_start3A_214 = arith.constant 768 : i32
    %dma_start3A_215 = arith.constant 0 : i32
    %dma_start3A_216 = tpu.memref_slice %arg8[%dma_start3A_214, %dma_start3A_215] : memref<2048x16xf32, #tpu.memory_space<vmem>> -> memref<128x16xf32, #tpu.memory_space<vmem>>
    %dma_start3A_217 = arith.constant 0 : i32
    %dma_start3A_218 = tpu.memref_slice %arg6[%dma_start3A_213, %dma_start3A_217] : memref<2x1024xi32, #tpu.memory_space<vmem>> -> memref<1x1024xi32, #tpu.memory_space<vmem>>
    %dma_start3A_219 = tpu.memref_squeeze %dma_start3A_218 : memref<1x1024xi32, #tpu.memory_space<vmem>> -> memref<1024xi32, #tpu.memory_space<vmem>>
    %dma_start3A_220 = arith.constant 768 : i32
    %dma_start3A_221 = tpu.memref_slice %dma_start3A_219[%dma_start3A_220] : memref<1024xi32, #tpu.memory_space<vmem>> -> memref<128xi32, #tpu.memory_space<vmem>>
    %dma_start3A_222 = arith.constant 0 : i32
    %dma_start3A_223 = arith.constant 0 : i32
    %dma_start3A_224 = tpu.memref_slice %arg4[%dma_start3A_222, %dma_start3A_223] : memref<2600000x16xf32, #tpu.memory_space<hbm>> -> memref<2600000x16xf32, #tpu.memory_space<hbm>>
    tpu.enqueue_indirect_dma source(%dma_start3A_224 : memref<2600000x16xf32, #tpu.memory_space<hbm>>) target(%dma_start3A_216 : memref<128x16xf32, #tpu.memory_space<vmem>>) offsets(%dma_start3A_221 : memref<128xi32, #tpu.memory_space<vmem>>) semaphore(%arg12 : memref<!tpu.dma_semaphore, #tpu.memory_space<semaphore_mem>>)
    %dma_start3A_225 = arith.constant 0 : i32
    %dma_start3A_226 = arith.constant 768 : i32
    %dma_start3A_227 = arith.constant 0 : i32
    %dma_start3A_228 = tpu.memref_slice %arg9[%dma_start3A_226, %dma_start3A_227] : memref<2048x16xf32, #tpu.memory_space<vmem>> -> memref<128x16xf32, #tpu.memory_space<vmem>>
    %dma_start3A_229 = arith.constant 0 : i32
    %dma_start3A_230 = tpu.memref_slice %arg7[%dma_start3A_225, %dma_start3A_229] : memref<2x1024xi32, #tpu.memory_space<vmem>> -> memref<1x1024xi32, #tpu.memory_space<vmem>>
    %dma_start3A_231 = tpu.memref_squeeze %dma_start3A_230 : memref<1x1024xi32, #tpu.memory_space<vmem>> -> memref<1024xi32, #tpu.memory_space<vmem>>
    %dma_start3A_232 = arith.constant 768 : i32
    %dma_start3A_233 = tpu.memref_slice %dma_start3A_231[%dma_start3A_232] : memref<1024xi32, #tpu.memory_space<vmem>> -> memref<128xi32, #tpu.memory_space<vmem>>
    %dma_start3A_234 = arith.constant 0 : i32
    %dma_start3A_235 = arith.constant 0 : i32
    %dma_start3A_236 = tpu.memref_slice %arg4[%dma_start3A_234, %dma_start3A_235] : memref<2600000x16xf32, #tpu.memory_space<hbm>> -> memref<2600000x16xf32, #tpu.memory_space<hbm>>
    tpu.enqueue_indirect_dma source(%dma_start3A_236 : memref<2600000x16xf32, #tpu.memory_space<hbm>>) target(%dma_start3A_228 : memref<128x16xf32, #tpu.memory_space<vmem>>) offsets(%dma_start3A_233 : memref<128xi32, #tpu.memory_space<vmem>>) semaphore(%arg12 : memref<!tpu.dma_semaphore, #tpu.memory_space<semaphore_mem>>)
    %dma_start3A_237 = arith.constant 0 : i32
    %dma_start3A_238 = arith.constant 896 : i32
    %dma_start3A_239 = arith.constant 0 : i32
    %dma_start3A_240 = tpu.memref_slice %arg8[%dma_start3A_238, %dma_start3A_239] : memref<2048x16xf32, #tpu.memory_space<vmem>> -> memref<128x16xf32, #tpu.memory_space<vmem>>
    %dma_start3A_241 = arith.constant 0 : i32
    %dma_start3A_242 = tpu.memref_slice %arg6[%dma_start3A_237, %dma_start3A_241] : memref<2x1024xi32, #tpu.memory_space<vmem>> -> memref<1x1024xi32, #tpu.memory_space<vmem>>
    %dma_start3A_243 = tpu.memref_squeeze %dma_start3A_242 : memref<1x1024xi32, #tpu.memory_space<vmem>> -> memref<1024xi32, #tpu.memory_space<vmem>>
    %dma_start3A_244 = arith.constant 896 : i32
    %dma_start3A_245 = tpu.memref_slice %dma_start3A_243[%dma_start3A_244] : memref<1024xi32, #tpu.memory_space<vmem>> -> memref<128xi32, #tpu.memory_space<vmem>>
    %dma_start3A_246 = arith.constant 0 : i32
    %dma_start3A_247 = arith.constant 0 : i32
    %dma_start3A_248 = tpu.memref_slice %arg4[%dma_start3A_246, %dma_start3A_247] : memref<2600000x16xf32, #tpu.memory_space<hbm>> -> memref<2600000x16xf32, #tpu.memory_space<hbm>>
    tpu.enqueue_indirect_dma source(%dma_start3A_248 : memref<2600000x16xf32, #tpu.memory_space<hbm>>) target(%dma_start3A_240 : memref<128x16xf32, #tpu.memory_space<vmem>>) offsets(%dma_start3A_245 : memref<128xi32, #tpu.memory_space<vmem>>) semaphore(%arg12 : memref<!tpu.dma_semaphore, #tpu.memory_space<semaphore_mem>>)
    %dma_start3A_249 = arith.constant 0 : i32
    %dma_start3A_250 = arith.constant 896 : i32
    %dma_start3A_251 = arith.constant 0 : i32
    %dma_start3A_252 = tpu.memref_slice %arg9[%dma_start3A_250, %dma_start3A_251] : memref<2048x16xf32, #tpu.memory_space<vmem>> -> memref<128x16xf32, #tpu.memory_space<vmem>>
    %dma_start3A_253 = arith.constant 0 : i32
    %dma_start3A_254 = tpu.memref_slice %arg7[%dma_start3A_249, %dma_start3A_253] : memref<2x1024xi32, #tpu.memory_space<vmem>> -> memref<1x1024xi32, #tpu.memory_space<vmem>>
    %dma_start3A_255 = tpu.memref_squeeze %dma_start3A_254 : memref<1x1024xi32, #tpu.memory_space<vmem>> -> memref<1024xi32, #tpu.memory_space<vmem>>
    %dma_start3A_256 = arith.constant 896 : i32
    %dma_start3A_257 = tpu.memref_slice %dma_start3A_255[%dma_start3A_256] : memref<1024xi32, #tpu.memory_space<vmem>> -> memref<128xi32, #tpu.memory_space<vmem>>
    %dma_start3A_258 = arith.constant 0 : i32
    %dma_start3A_259 = arith.constant 0 : i32
    %dma_start3A_260 = tpu.memref_slice %arg4[%dma_start3A_258, %dma_start3A_259] : memref<2600000x16xf32, #tpu.memory_space<hbm>> -> memref<2600000x16xf32, #tpu.memory_space<hbm>>
    tpu.enqueue_indirect_dma source(%dma_start3A_260 : memref<2600000x16xf32, #tpu.memory_space<hbm>>) target(%dma_start3A_252 : memref<128x16xf32, #tpu.memory_space<vmem>>) offsets(%dma_start3A_257 : memref<128xi32, #tpu.memory_space<vmem>>) semaphore(%arg12 : memref<!tpu.dma_semaphore, #tpu.memory_space<semaphore_mem>>)
    %while3A = arith.constant 0 : i32
    %while3A_261 = arith.constant 0 : i32
    %while3A_262 = arith.subi %add3A_4, %while3A_261 : i32
    %while3A_263 = arith.addi %while3A_261, %while3A_262 : i32
    %while3A_264 = arith.constant 1 : i32
    %while3A_265 = arith.divsi %while3A_262, %while3A_264 : i32
    %while3A_266 = arith.muli %while3A_265, %while3A_264 : i32
    %while3A_267 = arith.addi %while3A_261, %while3A_266 : i32
    %while3A_268 = arith.constant 1 : i32
    scf.for %while3A_300 = %while3A_261 to %while3A_267 step %while3A_268  : i32 {
      %jit3A_301 = arith.constant 2 : i32
      %eq3A = arith.constant 0 : i32
      %eq3A_302 = arith.cmpi eq, %jit3A_301, %eq3A : i32
      %jit3A_303 = arith.constant 1 : i32
      %select_n3A_304 = arith.select %eq3A_302, %jit3A_303, %jit3A_301 : i32
      %rem3A = arith.remsi %while3A_300, %select_n3A_304 : i32
      %ne3A = arith.constant 0 : i32
      %ne3A_305 = arith.cmpi ne, %rem3A, %ne3A : i32
      %lt3A_306 = arith.constant 0 : i32
      %lt3A_307 = arith.cmpi slt, %rem3A, %lt3A_306 : i32
      %lt3A_308 = arith.constant 0 : i32
      %lt3A_309 = arith.cmpi slt, %select_n3A_304, %lt3A_308 : i32
      %ne3A_310 = arith.xori %lt3A_307, %lt3A_309 : i1
      %and3A = arith.andi %ne3A_310, %ne3A_305 : i1
      %add3A_311 = arith.addi %rem3A, %select_n3A_304 : i32
      %select_n3A_312 = arith.select %and3A, %add3A_311, %rem3A : i32
      %eq3A_313 = arith.constant 0 : i32
      %eq3A_314 = arith.cmpi eq, %select_n3A_312, %eq3A_313 : i32
      %convert_element_type3A = arith.extui %eq3A_314 : i1 to i32
      %cond3A = arith.constant 0 : i32
      %cond3A_315 = arith.cmpi ne, %convert_element_type3A, %cond3A : i32
      scf.if %cond3A_315 {
        %add3A_337 = arith.constant 1 : i32
        %add3A_338 = arith.addi %while3A_300, %add3A_337 : i32
        %lt3A_339 = arith.cmpi slt, %add3A_338, %add3A_4 : i32
        %convert_element_type3A_340 = arith.extui %lt3A_339 : i1 to i32
        %cond3A_341 = arith.constant 0 : i32
        %cond3A_342 = arith.cmpi ne, %convert_element_type3A_340, %cond3A_341 : i32
        scf.if %cond3A_342 {
          %add3A_607 = arith.constant 1 : i32
          %add3A_608 = arith.addi %while3A_300, %add3A_607 : i32
          %mul3A_609 = arith.constant 32 : i32
          %mul3A_610 = arith.muli %add3A_608, %mul3A_609 : i32
          %add3A_611 = arith.addi %add3A, %mul3A_610 : i32
          %mul3A_612 = arith.constant 1024 : i32
          %mul3A_613 = arith.muli %add3A_611, %mul3A_612 : i32
          %dma_wait3A_614 = arith.constant 1 : i32
          %dma_wait3A_615 = arith.constant 0 : i32
          %dma_wait3A_616 = tpu.memref_slice %arg6[%dma_wait3A_614, %dma_wait3A_615] : memref<2x1024xi32, #tpu.memory_space<vmem>> -> memref<1x1024xi32, #tpu.memory_space<vmem>>
          %dma_wait3A_617 = tpu.memref_squeeze %dma_wait3A_616 : memref<1x1024xi32, #tpu.memory_space<vmem>> -> memref<1024xi32, #tpu.memory_space<vmem>>
          %dma_wait3A_618 = tpu.memref_slice %arg2[%mul3A_613] : memref<1331200xi32, #tpu.memory_space<hbm>> -> memref<1024xi32, #tpu.memory_space<hbm>>
          %dma_wait3A_619 = arith.constant 0 : i32
          %dma_wait3A_620 = tpu.memref_slice %arg6[%dma_wait3A_614, %dma_wait3A_619] : memref<2x1024xi32, #tpu.memory_space<vmem>> -> memref<1x1024xi32, #tpu.memory_space<vmem>>
          %dma_wait3A_621 = tpu.memref_squeeze %dma_wait3A_620 : memref<1x1024xi32, #tpu.memory_space<vmem>> -> memref<1024xi32, #tpu.memory_space<vmem>>
          %dma_wait3A_622 = tpu.memref_slice %arg2[%mul3A_613] : memref<1331200xi32, #tpu.memory_space<hbm>> -> memref<1024xi32, #tpu.memory_space<hbm>>
          tpu.wait_dma2 semaphore(%arg11 : memref<!tpu.dma_semaphore, #tpu.memory_space<semaphore_mem>>) src(%dma_wait3A_622 : memref<1024xi32, #tpu.memory_space<hbm>>) dst(%dma_wait3A_621 : memref<1024xi32, #tpu.memory_space<vmem>>)
          %dma_wait3A_623 = arith.constant 1 : i32
          %dma_wait3A_624 = arith.constant 0 : i32
          %dma_wait3A_625 = tpu.memref_slice %arg7[%dma_wait3A_623, %dma_wait3A_624] : memref<2x1024xi32, #tpu.memory_space<vmem>> -> memref<1x1024xi32, #tpu.memory_space<vmem>>
          %dma_wait3A_626 = tpu.memref_squeeze %dma_wait3A_625 : memref<1x1024xi32, #tpu.memory_space<vmem>> -> memref<1024xi32, #tpu.memory_space<vmem>>
          %dma_wait3A_627 = tpu.memref_slice %arg3[%mul3A_613] : memref<1331200xi32, #tpu.memory_space<hbm>> -> memref<1024xi32, #tpu.memory_space<hbm>>
          %dma_wait3A_628 = arith.constant 0 : i32
          %dma_wait3A_629 = tpu.memref_slice %arg7[%dma_wait3A_623, %dma_wait3A_628] : memref<2x1024xi32, #tpu.memory_space<vmem>> -> memref<1x1024xi32, #tpu.memory_space<vmem>>
          %dma_wait3A_630 = tpu.memref_squeeze %dma_wait3A_629 : memref<1x1024xi32, #tpu.memory_space<vmem>> -> memref<1024xi32, #tpu.memory_space<vmem>>
          %dma_wait3A_631 = tpu.memref_slice %arg3[%mul3A_613] : memref<1331200xi32, #tpu.memory_space<hbm>> -> memref<1024xi32, #tpu.memory_space<hbm>>
          tpu.wait_dma2 semaphore(%arg11 : memref<!tpu.dma_semaphore, #tpu.memory_space<semaphore_mem>>) src(%dma_wait3A_631 : memref<1024xi32, #tpu.memory_space<hbm>>) dst(%dma_wait3A_630 : memref<1024xi32, #tpu.memory_space<vmem>>)
          %dma_start3A_632 = arith.constant 1 : i32
          %dma_start3A_633 = arith.constant 1024 : i32
          %dma_start3A_634 = arith.constant 0 : i32
          %dma_start3A_635 = tpu.memref_slice %arg8[%dma_start3A_633, %dma_start3A_634] : memref<2048x16xf32, #tpu.memory_space<vmem>> -> memref<128x16xf32, #tpu.memory_space<vmem>>
          %dma_start3A_636 = arith.constant 0 : i32
          %dma_start3A_637 = tpu.memref_slice %arg6[%dma_start3A_632, %dma_start3A_636] : memref<2x1024xi32, #tpu.memory_space<vmem>> -> memref<1x1024xi32, #tpu.memory_space<vmem>>
          %dma_start3A_638 = tpu.memref_squeeze %dma_start3A_637 : memref<1x1024xi32, #tpu.memory_space<vmem>> -> memref<1024xi32, #tpu.memory_space<vmem>>
          %dma_start3A_639 = arith.constant 0 : i32
          %dma_start3A_640 = tpu.memref_slice %dma_start3A_638[%dma_start3A_639] : memref<1024xi32, #tpu.memory_space<vmem>> -> memref<128xi32, #tpu.memory_space<vmem>>
          %dma_start3A_641 = arith.constant 0 : i32
          %dma_start3A_642 = arith.constant 0 : i32
          %dma_start3A_643 = tpu.memref_slice %arg4[%dma_start3A_641, %dma_start3A_642] : memref<2600000x16xf32, #tpu.memory_space<hbm>> -> memref<2600000x16xf32, #tpu.memory_space<hbm>>
          tpu.enqueue_indirect_dma source(%dma_start3A_643 : memref<2600000x16xf32, #tpu.memory_space<hbm>>) target(%dma_start3A_635 : memref<128x16xf32, #tpu.memory_space<vmem>>) offsets(%dma_start3A_640 : memref<128xi32, #tpu.memory_space<vmem>>) semaphore(%arg13 : memref<!tpu.dma_semaphore, #tpu.memory_space<semaphore_mem>>)
          %dma_start3A_644 = arith.constant 1 : i32
          %dma_start3A_645 = arith.constant 1024 : i32
          %dma_start3A_646 = arith.constant 0 : i32
          %dma_start3A_647 = tpu.memref_slice %arg9[%dma_start3A_645, %dma_start3A_646] : memref<2048x16xf32, #tpu.memory_space<vmem>> -> memref<128x16xf32, #tpu.memory_space<vmem>>
          %dma_start3A_648 = arith.constant 0 : i32
          %dma_start3A_649 = tpu.memref_slice %arg7[%dma_start3A_644, %dma_start3A_648] : memref<2x1024xi32, #tpu.memory_space<vmem>> -> memref<1x1024xi32, #tpu.memory_space<vmem>>
          %dma_start3A_650 = tpu.memref_squeeze %dma_start3A_649 : memref<1x1024xi32, #tpu.memory_space<vmem>> -> memref<1024xi32, #tpu.memory_space<vmem>>
          %dma_start3A_651 = arith.constant 0 : i32
          %dma_start3A_652 = tpu.memref_slice %dma_start3A_650[%dma_start3A_651] : memref<1024xi32, #tpu.memory_space<vmem>> -> memref<128xi32, #tpu.memory_space<vmem>>
          %dma_start3A_653 = arith.constant 0 : i32
          %dma_start3A_654 = arith.constant 0 : i32
          %dma_start3A_655 = tpu.memref_slice %arg4[%dma_start3A_653, %dma_start3A_654] : memref<2600000x16xf32, #tpu.memory_space<hbm>> -> memref<2600000x16xf32, #tpu.memory_space<hbm>>
          tpu.enqueue_indirect_dma source(%dma_start3A_655 : memref<2600000x16xf32, #tpu.memory_space<hbm>>) target(%dma_start3A_647 : memref<128x16xf32, #tpu.memory_space<vmem>>) offsets(%dma_start3A_652 : memref<128xi32, #tpu.memory_space<vmem>>) semaphore(%arg13 : memref<!tpu.dma_semaphore, #tpu.memory_space<semaphore_mem>>)
          %dma_start3A_656 = arith.constant 1 : i32
          %dma_start3A_657 = arith.constant 1152 : i32
          %dma_start3A_658 = arith.constant 0 : i32
          %dma_start3A_659 = tpu.memref_slice %arg8[%dma_start3A_657, %dma_start3A_658] : memref<2048x16xf32, #tpu.memory_space<vmem>> -> memref<128x16xf32, #tpu.memory_space<vmem>>
          %dma_start3A_660 = arith.constant 0 : i32
          %dma_start3A_661 = tpu.memref_slice %arg6[%dma_start3A_656, %dma_start3A_660] : memref<2x1024xi32, #tpu.memory_space<vmem>> -> memref<1x1024xi32, #tpu.memory_space<vmem>>
          %dma_start3A_662 = tpu.memref_squeeze %dma_start3A_661 : memref<1x1024xi32, #tpu.memory_space<vmem>> -> memref<1024xi32, #tpu.memory_space<vmem>>
          %dma_start3A_663 = arith.constant 128 : i32
          %dma_start3A_664 = tpu.memref_slice %dma_start3A_662[%dma_start3A_663] : memref<1024xi32, #tpu.memory_space<vmem>> -> memref<128xi32, #tpu.memory_space<vmem>>
          %dma_start3A_665 = arith.constant 0 : i32
          %dma_start3A_666 = arith.constant 0 : i32
          %dma_start3A_667 = tpu.memref_slice %arg4[%dma_start3A_665, %dma_start3A_666] : memref<2600000x16xf32, #tpu.memory_space<hbm>> -> memref<2600000x16xf32, #tpu.memory_space<hbm>>
          tpu.enqueue_indirect_dma source(%dma_start3A_667 : memref<2600000x16xf32, #tpu.memory_space<hbm>>) target(%dma_start3A_659 : memref<128x16xf32, #tpu.memory_space<vmem>>) offsets(%dma_start3A_664 : memref<128xi32, #tpu.memory_space<vmem>>) semaphore(%arg13 : memref<!tpu.dma_semaphore, #tpu.memory_space<semaphore_mem>>)
          %dma_start3A_668 = arith.constant 1 : i32
          %dma_start3A_669 = arith.constant 1152 : i32
          %dma_start3A_670 = arith.constant 0 : i32
          %dma_start3A_671 = tpu.memref_slice %arg9[%dma_start3A_669, %dma_start3A_670] : memref<2048x16xf32, #tpu.memory_space<vmem>> -> memref<128x16xf32, #tpu.memory_space<vmem>>
          %dma_start3A_672 = arith.constant 0 : i32
          %dma_start3A_673 = tpu.memref_slice %arg7[%dma_start3A_668, %dma_start3A_672] : memref<2x1024xi32, #tpu.memory_space<vmem>> -> memref<1x1024xi32, #tpu.memory_space<vmem>>
          %dma_start3A_674 = tpu.memref_squeeze %dma_start3A_673 : memref<1x1024xi32, #tpu.memory_space<vmem>> -> memref<1024xi32, #tpu.memory_space<vmem>>
          %dma_start3A_675 = arith.constant 128 : i32
          %dma_start3A_676 = tpu.memref_slice %dma_start3A_674[%dma_start3A_675] : memref<1024xi32, #tpu.memory_space<vmem>> -> memref<128xi32, #tpu.memory_space<vmem>>
          %dma_start3A_677 = arith.constant 0 : i32
          %dma_start3A_678 = arith.constant 0 : i32
          %dma_start3A_679 = tpu.memref_slice %arg4[%dma_start3A_677, %dma_start3A_678] : memref<2600000x16xf32, #tpu.memory_space<hbm>> -> memref<2600000x16xf32, #tpu.memory_space<hbm>>
          tpu.enqueue_indirect_dma source(%dma_start3A_679 : memref<2600000x16xf32, #tpu.memory_space<hbm>>) target(%dma_start3A_671 : memref<128x16xf32, #tpu.memory_space<vmem>>) offsets(%dma_start3A_676 : memref<128xi32, #tpu.memory_space<vmem>>) semaphore(%arg13 : memref<!tpu.dma_semaphore, #tpu.memory_space<semaphore_mem>>)
          %dma_start3A_680 = arith.constant 1 : i32
          %dma_start3A_681 = arith.constant 1280 : i32
          %dma_start3A_682 = arith.constant 0 : i32
          %dma_start3A_683 = tpu.memref_slice %arg8[%dma_start3A_681, %dma_start3A_682] : memref<2048x16xf32, #tpu.memory_space<vmem>> -> memref<128x16xf32, #tpu.memory_space<vmem>>
          %dma_start3A_684 = arith.constant 0 : i32
          %dma_start3A_685 = tpu.memref_slice %arg6[%dma_start3A_680, %dma_start3A_684] : memref<2x1024xi32, #tpu.memory_space<vmem>> -> memref<1x1024xi32, #tpu.memory_space<vmem>>
          %dma_start3A_686 = tpu.memref_squeeze %dma_start3A_685 : memref<1x1024xi32, #tpu.memory_space<vmem>> -> memref<1024xi32, #tpu.memory_space<vmem>>
          %dma_start3A_687 = arith.constant 256 : i32
          %dma_start3A_688 = tpu.memref_slice %dma_start3A_686[%dma_start3A_687] : memref<1024xi32, #tpu.memory_space<vmem>> -> memref<128xi32, #tpu.memory_space<vmem>>
          %dma_start3A_689 = arith.constant 0 : i32
          %dma_start3A_690 = arith.constant 0 : i32
          %dma_start3A_691 = tpu.memref_slice %arg4[%dma_start3A_689, %dma_start3A_690] : memref<2600000x16xf32, #tpu.memory_space<hbm>> -> memref<2600000x16xf32, #tpu.memory_space<hbm>>
          tpu.enqueue_indirect_dma source(%dma_start3A_691 : memref<2600000x16xf32, #tpu.memory_space<hbm>>) target(%dma_start3A_683 : memref<128x16xf32, #tpu.memory_space<vmem>>) offsets(%dma_start3A_688 : memref<128xi32, #tpu.memory_space<vmem>>) semaphore(%arg13 : memref<!tpu.dma_semaphore, #tpu.memory_space<semaphore_mem>>)
          %dma_start3A_692 = arith.constant 1 : i32
          %dma_start3A_693 = arith.constant 1280 : i32
          %dma_start3A_694 = arith.constant 0 : i32
          %dma_start3A_695 = tpu.memref_slice %arg9[%dma_start3A_693, %dma_start3A_694] : memref<2048x16xf32, #tpu.memory_space<vmem>> -> memref<128x16xf32, #tpu.memory_space<vmem>>
          %dma_start3A_696 = arith.constant 0 : i32
          %dma_start3A_697 = tpu.memref_slice %arg7[%dma_start3A_692, %dma_start3A_696] : memref<2x1024xi32, #tpu.memory_space<vmem>> -> memref<1x1024xi32, #tpu.memory_space<vmem>>
          %dma_start3A_698 = tpu.memref_squeeze %dma_start3A_697 : memref<1x1024xi32, #tpu.memory_space<vmem>> -> memref<1024xi32, #tpu.memory_space<vmem>>
          %dma_start3A_699 = arith.constant 256 : i32
          %dma_start3A_700 = tpu.memref_slice %dma_start3A_698[%dma_start3A_699] : memref<1024xi32, #tpu.memory_space<vmem>> -> memref<128xi32, #tpu.memory_space<vmem>>
          %dma_start3A_701 = arith.constant 0 : i32
          %dma_start3A_702 = arith.constant 0 : i32
          %dma_start3A_703 = tpu.memref_slice %arg4[%dma_start3A_701, %dma_start3A_702] : memref<2600000x16xf32, #tpu.memory_space<hbm>> -> memref<2600000x16xf32, #tpu.memory_space<hbm>>
          tpu.enqueue_indirect_dma source(%dma_start3A_703 : memref<2600000x16xf32, #tpu.memory_space<hbm>>) target(%dma_start3A_695 : memref<128x16xf32, #tpu.memory_space<vmem>>) offsets(%dma_start3A_700 : memref<128xi32, #tpu.memory_space<vmem>>) semaphore(%arg13 : memref<!tpu.dma_semaphore, #tpu.memory_space<semaphore_mem>>)
          %dma_start3A_704 = arith.constant 1 : i32
          %dma_start3A_705 = arith.constant 1408 : i32
          %dma_start3A_706 = arith.constant 0 : i32
          %dma_start3A_707 = tpu.memref_slice %arg8[%dma_start3A_705, %dma_start3A_706] : memref<2048x16xf32, #tpu.memory_space<vmem>> -> memref<128x16xf32, #tpu.memory_space<vmem>>
          %dma_start3A_708 = arith.constant 0 : i32
          %dma_start3A_709 = tpu.memref_slice %arg6[%dma_start3A_704, %dma_start3A_708] : memref<2x1024xi32, #tpu.memory_space<vmem>> -> memref<1x1024xi32, #tpu.memory_space<vmem>>
          %dma_start3A_710 = tpu.memref_squeeze %dma_start3A_709 : memref<1x1024xi32, #tpu.memory_space<vmem>> -> memref<1024xi32, #tpu.memory_space<vmem>>
          %dma_start3A_711 = arith.constant 384 : i32
          %dma_start3A_712 = tpu.memref_slice %dma_start3A_710[%dma_start3A_711] : memref<1024xi32, #tpu.memory_space<vmem>> -> memref<128xi32, #tpu.memory_space<vmem>>
          %dma_start3A_713 = arith.constant 0 : i32
          %dma_start3A_714 = arith.constant 0 : i32
          %dma_start3A_715 = tpu.memref_slice %arg4[%dma_start3A_713, %dma_start3A_714] : memref<2600000x16xf32, #tpu.memory_space<hbm>> -> memref<2600000x16xf32, #tpu.memory_space<hbm>>
          tpu.enqueue_indirect_dma source(%dma_start3A_715 : memref<2600000x16xf32, #tpu.memory_space<hbm>>) target(%dma_start3A_707 : memref<128x16xf32, #tpu.memory_space<vmem>>) offsets(%dma_start3A_712 : memref<128xi32, #tpu.memory_space<vmem>>) semaphore(%arg13 : memref<!tpu.dma_semaphore, #tpu.memory_space<semaphore_mem>>)
          %dma_start3A_716 = arith.constant 1 : i32
          %dma_start3A_717 = arith.constant 1408 : i32
          %dma_start3A_718 = arith.constant 0 : i32
          %dma_start3A_719 = tpu.memref_slice %arg9[%dma_start3A_717, %dma_start3A_718] : memref<2048x16xf32, #tpu.memory_space<vmem>> -> memref<128x16xf32, #tpu.memory_space<vmem>>
          %dma_start3A_720 = arith.constant 0 : i32
          %dma_start3A_721 = tpu.memref_slice %arg7[%dma_start3A_716, %dma_start3A_720] : memref<2x1024xi32, #tpu.memory_space<vmem>> -> memref<1x1024xi32, #tpu.memory_space<vmem>>
          %dma_start3A_722 = tpu.memref_squeeze %dma_start3A_721 : memref<1x1024xi32, #tpu.memory_space<vmem>> -> memref<1024xi32, #tpu.memory_space<vmem>>
          %dma_start3A_723 = arith.constant 384 : i32
          %dma_start3A_724 = tpu.memref_slice %dma_start3A_722[%dma_start3A_723] : memref<1024xi32, #tpu.memory_space<vmem>> -> memref<128xi32, #tpu.memory_space<vmem>>
          %dma_start3A_725 = arith.constant 0 : i32
          %dma_start3A_726 = arith.constant 0 : i32
          %dma_start3A_727 = tpu.memref_slice %arg4[%dma_start3A_725, %dma_start3A_726] : memref<2600000x16xf32, #tpu.memory_space<hbm>> -> memref<2600000x16xf32, #tpu.memory_space<hbm>>
          tpu.enqueue_indirect_dma source(%dma_start3A_727 : memref<2600000x16xf32, #tpu.memory_space<hbm>>) target(%dma_start3A_719 : memref<128x16xf32, #tpu.memory_space<vmem>>) offsets(%dma_start3A_724 : memref<128xi32, #tpu.memory_space<vmem>>) semaphore(%arg13 : memref<!tpu.dma_semaphore, #tpu.memory_space<semaphore_mem>>)
          %dma_start3A_728 = arith.constant 1 : i32
          %dma_start3A_729 = arith.constant 1536 : i32
          %dma_start3A_730 = arith.constant 0 : i32
          %dma_start3A_731 = tpu.memref_slice %arg8[%dma_start3A_729, %dma_start3A_730] : memref<2048x16xf32, #tpu.memory_space<vmem>> -> memref<128x16xf32, #tpu.memory_space<vmem>>
          %dma_start3A_732 = arith.constant 0 : i32
          %dma_start3A_733 = tpu.memref_slice %arg6[%dma_start3A_728, %dma_start3A_732] : memref<2x1024xi32, #tpu.memory_space<vmem>> -> memref<1x1024xi32, #tpu.memory_space<vmem>>
          %dma_start3A_734 = tpu.memref_squeeze %dma_start3A_733 : memref<1x1024xi32, #tpu.memory_space<vmem>> -> memref<1024xi32, #tpu.memory_space<vmem>>
          %dma_start3A_735 = arith.constant 512 : i32
          %dma_start3A_736 = tpu.memref_slice %dma_start3A_734[%dma_start3A_735] : memref<1024xi32, #tpu.memory_space<vmem>> -> memref<128xi32, #tpu.memory_space<vmem>>
          %dma_start3A_737 = arith.constant 0 : i32
          %dma_start3A_738 = arith.constant 0 : i32
          %dma_start3A_739 = tpu.memref_slice %arg4[%dma_start3A_737, %dma_start3A_738] : memref<2600000x16xf32, #tpu.memory_space<hbm>> -> memref<2600000x16xf32, #tpu.memory_space<hbm>>
          tpu.enqueue_indirect_dma source(%dma_start3A_739 : memref<2600000x16xf32, #tpu.memory_space<hbm>>) target(%dma_start3A_731 : memref<128x16xf32, #tpu.memory_space<vmem>>) offsets(%dma_start3A_736 : memref<128xi32, #tpu.memory_space<vmem>>) semaphore(%arg13 : memref<!tpu.dma_semaphore, #tpu.memory_space<semaphore_mem>>)
          %dma_start3A_740 = arith.constant 1 : i32
          %dma_start3A_741 = arith.constant 1536 : i32
          %dma_start3A_742 = arith.constant 0 : i32
          %dma_start3A_743 = tpu.memref_slice %arg9[%dma_start3A_741, %dma_start3A_742] : memref<2048x16xf32, #tpu.memory_space<vmem>> -> memref<128x16xf32, #tpu.memory_space<vmem>>
          %dma_start3A_744 = arith.constant 0 : i32
          %dma_start3A_745 = tpu.memref_slice %arg7[%dma_start3A_740, %dma_start3A_744] : memref<2x1024xi32, #tpu.memory_space<vmem>> -> memref<1x1024xi32, #tpu.memory_space<vmem>>
          %dma_start3A_746 = tpu.memref_squeeze %dma_start3A_745 : memref<1x1024xi32, #tpu.memory_space<vmem>> -> memref<1024xi32, #tpu.memory_space<vmem>>
          %dma_start3A_747 = arith.constant 512 : i32
          %dma_start3A_748 = tpu.memref_slice %dma_start3A_746[%dma_start3A_747] : memref<1024xi32, #tpu.memory_space<vmem>> -> memref<128xi32, #tpu.memory_space<vmem>>
          %dma_start3A_749 = arith.constant 0 : i32
          %dma_start3A_750 = arith.constant 0 : i32
          %dma_start3A_751 = tpu.memref_slice %arg4[%dma_start3A_749, %dma_start3A_750] : memref<2600000x16xf32, #tpu.memory_space<hbm>> -> memref<2600000x16xf32, #tpu.memory_space<hbm>>
          tpu.enqueue_indirect_dma source(%dma_start3A_751 : memref<2600000x16xf32, #tpu.memory_space<hbm>>) target(%dma_start3A_743 : memref<128x16xf32, #tpu.memory_space<vmem>>) offsets(%dma_start3A_748 : memref<128xi32, #tpu.memory_space<vmem>>) semaphore(%arg13 : memref<!tpu.dma_semaphore, #tpu.memory_space<semaphore_mem>>)
          %dma_start3A_752 = arith.constant 1 : i32
          %dma_start3A_753 = arith.constant 1664 : i32
          %dma_start3A_754 = arith.constant 0 : i32
          %dma_start3A_755 = tpu.memref_slice %arg8[%dma_start3A_753, %dma_start3A_754] : memref<2048x16xf32, #tpu.memory_space<vmem>> -> memref<128x16xf32, #tpu.memory_space<vmem>>
          %dma_start3A_756 = arith.constant 0 : i32
          %dma_start3A_757 = tpu.memref_slice %arg6[%dma_start3A_752, %dma_start3A_756] : memref<2x1024xi32, #tpu.memory_space<vmem>> -> memref<1x1024xi32, #tpu.memory_space<vmem>>
          %dma_start3A_758 = tpu.memref_squeeze %dma_start3A_757 : memref<1x1024xi32, #tpu.memory_space<vmem>> -> memref<1024xi32, #tpu.memory_space<vmem>>
          %dma_start3A_759 = arith.constant 640 : i32
          %dma_start3A_760 = tpu.memref_slice %dma_start3A_758[%dma_start3A_759] : memref<1024xi32, #tpu.memory_space<vmem>> -> memref<128xi32, #tpu.memory_space<vmem>>
          %dma_start3A_761 = arith.constant 0 : i32
          %dma_start3A_762 = arith.constant 0 : i32
          %dma_start3A_763 = tpu.memref_slice %arg4[%dma_start3A_761, %dma_start3A_762] : memref<2600000x16xf32, #tpu.memory_space<hbm>> -> memref<2600000x16xf32, #tpu.memory_space<hbm>>
          tpu.enqueue_indirect_dma source(%dma_start3A_763 : memref<2600000x16xf32, #tpu.memory_space<hbm>>) target(%dma_start3A_755 : memref<128x16xf32, #tpu.memory_space<vmem>>) offsets(%dma_start3A_760 : memref<128xi32, #tpu.memory_space<vmem>>) semaphore(%arg13 : memref<!tpu.dma_semaphore, #tpu.memory_space<semaphore_mem>>)
          %dma_start3A_764 = arith.constant 1 : i32
          %dma_start3A_765 = arith.constant 1664 : i32
          %dma_start3A_766 = arith.constant 0 : i32
          %dma_start3A_767 = tpu.memref_slice %arg9[%dma_start3A_765, %dma_start3A_766] : memref<2048x16xf32, #tpu.memory_space<vmem>> -> memref<128x16xf32, #tpu.memory_space<vmem>>
          %dma_start3A_768 = arith.constant 0 : i32
          %dma_start3A_769 = tpu.memref_slice %arg7[%dma_start3A_764, %dma_start3A_768] : memref<2x1024xi32, #tpu.memory_space<vmem>> -> memref<1x1024xi32, #tpu.memory_space<vmem>>
          %dma_start3A_770 = tpu.memref_squeeze %dma_start3A_769 : memref<1x1024xi32, #tpu.memory_space<vmem>> -> memref<1024xi32, #tpu.memory_space<vmem>>
          %dma_start3A_771 = arith.constant 640 : i32
          %dma_start3A_772 = tpu.memref_slice %dma_start3A_770[%dma_start3A_771] : memref<1024xi32, #tpu.memory_space<vmem>> -> memref<128xi32, #tpu.memory_space<vmem>>
          %dma_start3A_773 = arith.constant 0 : i32
          %dma_start3A_774 = arith.constant 0 : i32
          %dma_start3A_775 = tpu.memref_slice %arg4[%dma_start3A_773, %dma_start3A_774] : memref<2600000x16xf32, #tpu.memory_space<hbm>> -> memref<2600000x16xf32, #tpu.memory_space<hbm>>
          tpu.enqueue_indirect_dma source(%dma_start3A_775 : memref<2600000x16xf32, #tpu.memory_space<hbm>>) target(%dma_start3A_767 : memref<128x16xf32, #tpu.memory_space<vmem>>) offsets(%dma_start3A_772 : memref<128xi32, #tpu.memory_space<vmem>>) semaphore(%arg13 : memref<!tpu.dma_semaphore, #tpu.memory_space<semaphore_mem>>)
          %dma_start3A_776 = arith.constant 1 : i32
          %dma_start3A_777 = arith.constant 1792 : i32
          %dma_start3A_778 = arith.constant 0 : i32
          %dma_start3A_779 = tpu.memref_slice %arg8[%dma_start3A_777, %dma_start3A_778] : memref<2048x16xf32, #tpu.memory_space<vmem>> -> memref<128x16xf32, #tpu.memory_space<vmem>>
          %dma_start3A_780 = arith.constant 0 : i32
          %dma_start3A_781 = tpu.memref_slice %arg6[%dma_start3A_776, %dma_start3A_780] : memref<2x1024xi32, #tpu.memory_space<vmem>> -> memref<1x1024xi32, #tpu.memory_space<vmem>>
          %dma_start3A_782 = tpu.memref_squeeze %dma_start3A_781 : memref<1x1024xi32, #tpu.memory_space<vmem>> -> memref<1024xi32, #tpu.memory_space<vmem>>
          %dma_start3A_783 = arith.constant 768 : i32
          %dma_start3A_784 = tpu.memref_slice %dma_start3A_782[%dma_start3A_783] : memref<1024xi32, #tpu.memory_space<vmem>> -> memref<128xi32, #tpu.memory_space<vmem>>
          %dma_start3A_785 = arith.constant 0 : i32
          %dma_start3A_786 = arith.constant 0 : i32
          %dma_start3A_787 = tpu.memref_slice %arg4[%dma_start3A_785, %dma_start3A_786] : memref<2600000x16xf32, #tpu.memory_space<hbm>> -> memref<2600000x16xf32, #tpu.memory_space<hbm>>
          tpu.enqueue_indirect_dma source(%dma_start3A_787 : memref<2600000x16xf32, #tpu.memory_space<hbm>>) target(%dma_start3A_779 : memref<128x16xf32, #tpu.memory_space<vmem>>) offsets(%dma_start3A_784 : memref<128xi32, #tpu.memory_space<vmem>>) semaphore(%arg13 : memref<!tpu.dma_semaphore, #tpu.memory_space<semaphore_mem>>)
          %dma_start3A_788 = arith.constant 1 : i32
          %dma_start3A_789 = arith.constant 1792 : i32
          %dma_start3A_790 = arith.constant 0 : i32
          %dma_start3A_791 = tpu.memref_slice %arg9[%dma_start3A_789, %dma_start3A_790] : memref<2048x16xf32, #tpu.memory_space<vmem>> -> memref<128x16xf32, #tpu.memory_space<vmem>>
          %dma_start3A_792 = arith.constant 0 : i32
          %dma_start3A_793 = tpu.memref_slice %arg7[%dma_start3A_788, %dma_start3A_792] : memref<2x1024xi32, #tpu.memory_space<vmem>> -> memref<1x1024xi32, #tpu.memory_space<vmem>>
          %dma_start3A_794 = tpu.memref_squeeze %dma_start3A_793 : memref<1x1024xi32, #tpu.memory_space<vmem>> -> memref<1024xi32, #tpu.memory_space<vmem>>
          %dma_start3A_795 = arith.constant 768 : i32
          %dma_start3A_796 = tpu.memref_slice %dma_start3A_794[%dma_start3A_795] : memref<1024xi32, #tpu.memory_space<vmem>> -> memref<128xi32, #tpu.memory_space<vmem>>
          %dma_start3A_797 = arith.constant 0 : i32
          %dma_start3A_798 = arith.constant 0 : i32
          %dma_start3A_799 = tpu.memref_slice %arg4[%dma_start3A_797, %dma_start3A_798] : memref<2600000x16xf32, #tpu.memory_space<hbm>> -> memref<2600000x16xf32, #tpu.memory_space<hbm>>
          tpu.enqueue_indirect_dma source(%dma_start3A_799 : memref<2600000x16xf32, #tpu.memory_space<hbm>>) target(%dma_start3A_791 : memref<128x16xf32, #tpu.memory_space<vmem>>) offsets(%dma_start3A_796 : memref<128xi32, #tpu.memory_space<vmem>>) semaphore(%arg13 : memref<!tpu.dma_semaphore, #tpu.memory_space<semaphore_mem>>)
          %dma_start3A_800 = arith.constant 1 : i32
          %dma_start3A_801 = arith.constant 1920 : i32
          %dma_start3A_802 = arith.constant 0 : i32
          %dma_start3A_803 = tpu.memref_slice %arg8[%dma_start3A_801, %dma_start3A_802] : memref<2048x16xf32, #tpu.memory_space<vmem>> -> memref<128x16xf32, #tpu.memory_space<vmem>>
          %dma_start3A_804 = arith.constant 0 : i32
          %dma_start3A_805 = tpu.memref_slice %arg6[%dma_start3A_800, %dma_start3A_804] : memref<2x1024xi32, #tpu.memory_space<vmem>> -> memref<1x1024xi32, #tpu.memory_space<vmem>>
          %dma_start3A_806 = tpu.memref_squeeze %dma_start3A_805 : memref<1x1024xi32, #tpu.memory_space<vmem>> -> memref<1024xi32, #tpu.memory_space<vmem>>
          %dma_start3A_807 = arith.constant 896 : i32
          %dma_start3A_808 = tpu.memref_slice %dma_start3A_806[%dma_start3A_807] : memref<1024xi32, #tpu.memory_space<vmem>> -> memref<128xi32, #tpu.memory_space<vmem>>
          %dma_start3A_809 = arith.constant 0 : i32
          %dma_start3A_810 = arith.constant 0 : i32
          %dma_start3A_811 = tpu.memref_slice %arg4[%dma_start3A_809, %dma_start3A_810] : memref<2600000x16xf32, #tpu.memory_space<hbm>> -> memref<2600000x16xf32, #tpu.memory_space<hbm>>
          tpu.enqueue_indirect_dma source(%dma_start3A_811 : memref<2600000x16xf32, #tpu.memory_space<hbm>>) target(%dma_start3A_803 : memref<128x16xf32, #tpu.memory_space<vmem>>) offsets(%dma_start3A_808 : memref<128xi32, #tpu.memory_space<vmem>>) semaphore(%arg13 : memref<!tpu.dma_semaphore, #tpu.memory_space<semaphore_mem>>)
          %dma_start3A_812 = arith.constant 1 : i32
          %dma_start3A_813 = arith.constant 1920 : i32
          %dma_start3A_814 = arith.constant 0 : i32
          %dma_start3A_815 = tpu.memref_slice %arg9[%dma_start3A_813, %dma_start3A_814] : memref<2048x16xf32, #tpu.memory_space<vmem>> -> memref<128x16xf32, #tpu.memory_space<vmem>>
          %dma_start3A_816 = arith.constant 0 : i32
          %dma_start3A_817 = tpu.memref_slice %arg7[%dma_start3A_812, %dma_start3A_816] : memref<2x1024xi32, #tpu.memory_space<vmem>> -> memref<1x1024xi32, #tpu.memory_space<vmem>>
          %dma_start3A_818 = tpu.memref_squeeze %dma_start3A_817 : memref<1x1024xi32, #tpu.memory_space<vmem>> -> memref<1024xi32, #tpu.memory_space<vmem>>
          %dma_start3A_819 = arith.constant 896 : i32
          %dma_start3A_820 = tpu.memref_slice %dma_start3A_818[%dma_start3A_819] : memref<1024xi32, #tpu.memory_space<vmem>> -> memref<128xi32, #tpu.memory_space<vmem>>
          %dma_start3A_821 = arith.constant 0 : i32
          %dma_start3A_822 = arith.constant 0 : i32
          %dma_start3A_823 = tpu.memref_slice %arg4[%dma_start3A_821, %dma_start3A_822] : memref<2600000x16xf32, #tpu.memory_space<hbm>> -> memref<2600000x16xf32, #tpu.memory_space<hbm>>
          tpu.enqueue_indirect_dma source(%dma_start3A_823 : memref<2600000x16xf32, #tpu.memory_space<hbm>>) target(%dma_start3A_815 : memref<128x16xf32, #tpu.memory_space<vmem>>) offsets(%dma_start3A_820 : memref<128xi32, #tpu.memory_space<vmem>>) semaphore(%arg13 : memref<!tpu.dma_semaphore, #tpu.memory_space<semaphore_mem>>)
        } else {
        }
        %dma_wait3A_343 = arith.constant 0 : i32
        %dma_wait3A_344 = arith.constant 0 : i32
        %dma_wait3A_345 = arith.constant 0 : i32
        %dma_wait3A_346 = tpu.memref_slice %arg8[%dma_wait3A_344, %dma_wait3A_345] : memref<2048x16xf32, #tpu.memory_space<vmem>> -> memref<128x16xf32, #tpu.memory_space<vmem>>
        %dma_wait3A_347 = arith.constant 0 : i32
        %dma_wait3A_348 = tpu.memref_slice %arg6[%dma_wait3A_343, %dma_wait3A_347] : memref<2x1024xi32, #tpu.memory_space<vmem>> -> memref<1x1024xi32, #tpu.memory_space<vmem>>
        %dma_wait3A_349 = tpu.memref_squeeze %dma_wait3A_348 : memref<1x1024xi32, #tpu.memory_space<vmem>> -> memref<1024xi32, #tpu.memory_space<vmem>>
        %dma_wait3A_350 = arith.constant 0 : i32
        %dma_wait3A_351 = tpu.memref_slice %dma_wait3A_349[%dma_wait3A_350] : memref<1024xi32, #tpu.memory_space<vmem>> -> memref<128xi32, #tpu.memory_space<vmem>>
        %dma_wait3A_352 = arith.constant 0 : i32
        %dma_wait3A_353 = arith.constant 0 : i32
        %dma_wait3A_354 = tpu.memref_slice %arg4[%dma_wait3A_352, %dma_wait3A_353] : memref<2600000x16xf32, #tpu.memory_space<hbm>> -> memref<2600000x16xf32, #tpu.memory_space<hbm>>
        tpu.wait_indirect_dma semaphore(%arg12 : memref<!tpu.dma_semaphore, #tpu.memory_space<semaphore_mem>>) src(%dma_wait3A_354 : memref<2600000x16xf32, #tpu.memory_space<hbm>>) dst(%dma_wait3A_346 : memref<128x16xf32, #tpu.memory_space<vmem>>)
        %dma_wait3A_355 = arith.constant 0 : i32
        %dma_wait3A_356 = arith.constant 0 : i32
        %dma_wait3A_357 = arith.constant 0 : i32
        %dma_wait3A_358 = tpu.memref_slice %arg9[%dma_wait3A_356, %dma_wait3A_357] : memref<2048x16xf32, #tpu.memory_space<vmem>> -> memref<128x16xf32, #tpu.memory_space<vmem>>
        %dma_wait3A_359 = arith.constant 0 : i32
        %dma_wait3A_360 = tpu.memref_slice %arg7[%dma_wait3A_355, %dma_wait3A_359] : memref<2x1024xi32, #tpu.memory_space<vmem>> -> memref<1x1024xi32, #tpu.memory_space<vmem>>
        %dma_wait3A_361 = tpu.memref_squeeze %dma_wait3A_360 : memref<1x1024xi32, #tpu.memory_space<vmem>> -> memref<1024xi32, #tpu.memory_space<vmem>>
        %dma_wait3A_362 = arith.constant 0 : i32
        %dma_wait3A_363 = tpu.memref_slice %dma_wait3A_361[%dma_wait3A_362] : memref<1024xi32, #tpu.memory_space<vmem>> -> memref<128xi32, #tpu.memory_space<vmem>>
        %dma_wait3A_364 = arith.constant 0 : i32
        %dma_wait3A_365 = arith.constant 0 : i32
        %dma_wait3A_366 = tpu.memref_slice %arg4[%dma_wait3A_364, %dma_wait3A_365] : memref<2600000x16xf32, #tpu.memory_space<hbm>> -> memref<2600000x16xf32, #tpu.memory_space<hbm>>
        tpu.wait_indirect_dma semaphore(%arg12 : memref<!tpu.dma_semaphore, #tpu.memory_space<semaphore_mem>>) src(%dma_wait3A_366 : memref<2600000x16xf32, #tpu.memory_space<hbm>>) dst(%dma_wait3A_358 : memref<128x16xf32, #tpu.memory_space<vmem>>)
        %dma_wait3A_367 = arith.constant 0 : i32
        %dma_wait3A_368 = arith.constant 128 : i32
        %dma_wait3A_369 = arith.constant 0 : i32
        %dma_wait3A_370 = tpu.memref_slice %arg8[%dma_wait3A_368, %dma_wait3A_369] : memref<2048x16xf32, #tpu.memory_space<vmem>> -> memref<128x16xf32, #tpu.memory_space<vmem>>
        %dma_wait3A_371 = arith.constant 0 : i32
        %dma_wait3A_372 = tpu.memref_slice %arg6[%dma_wait3A_367, %dma_wait3A_371] : memref<2x1024xi32, #tpu.memory_space<vmem>> -> memref<1x1024xi32, #tpu.memory_space<vmem>>
        %dma_wait3A_373 = tpu.memref_squeeze %dma_wait3A_372 : memref<1x1024xi32, #tpu.memory_space<vmem>> -> memref<1024xi32, #tpu.memory_space<vmem>>
        %dma_wait3A_374 = arith.constant 128 : i32
        %dma_wait3A_375 = tpu.memref_slice %dma_wait3A_373[%dma_wait3A_374] : memref<1024xi32, #tpu.memory_space<vmem>> -> memref<128xi32, #tpu.memory_space<vmem>>
        %dma_wait3A_376 = arith.constant 0 : i32
        %dma_wait3A_377 = arith.constant 0 : i32
        %dma_wait3A_378 = tpu.memref_slice %arg4[%dma_wait3A_376, %dma_wait3A_377] : memref<2600000x16xf32, #tpu.memory_space<hbm>> -> memref<2600000x16xf32, #tpu.memory_space<hbm>>
        tpu.wait_indirect_dma semaphore(%arg12 : memref<!tpu.dma_semaphore, #tpu.memory_space<semaphore_mem>>) src(%dma_wait3A_378 : memref<2600000x16xf32, #tpu.memory_space<hbm>>) dst(%dma_wait3A_370 : memref<128x16xf32, #tpu.memory_space<vmem>>)
        %dma_wait3A_379 = arith.constant 0 : i32
        %dma_wait3A_380 = arith.constant 128 : i32
        %dma_wait3A_381 = arith.constant 0 : i32
        %dma_wait3A_382 = tpu.memref_slice %arg9[%dma_wait3A_380, %dma_wait3A_381] : memref<2048x16xf32, #tpu.memory_space<vmem>> -> memref<128x16xf32, #tpu.memory_space<vmem>>
        %dma_wait3A_383 = arith.constant 0 : i32
        %dma_wait3A_384 = tpu.memref_slice %arg7[%dma_wait3A_379, %dma_wait3A_383] : memref<2x1024xi32, #tpu.memory_space<vmem>> -> memref<1x1024xi32, #tpu.memory_space<vmem>>
        %dma_wait3A_385 = tpu.memref_squeeze %dma_wait3A_384 : memref<1x1024xi32, #tpu.memory_space<vmem>> -> memref<1024xi32, #tpu.memory_space<vmem>>
        %dma_wait3A_386 = arith.constant 128 : i32
        %dma_wait3A_387 = tpu.memref_slice %dma_wait3A_385[%dma_wait3A_386] : memref<1024xi32, #tpu.memory_space<vmem>> -> memref<128xi32, #tpu.memory_space<vmem>>
        %dma_wait3A_388 = arith.constant 0 : i32
        %dma_wait3A_389 = arith.constant 0 : i32
        %dma_wait3A_390 = tpu.memref_slice %arg4[%dma_wait3A_388, %dma_wait3A_389] : memref<2600000x16xf32, #tpu.memory_space<hbm>> -> memref<2600000x16xf32, #tpu.memory_space<hbm>>
        tpu.wait_indirect_dma semaphore(%arg12 : memref<!tpu.dma_semaphore, #tpu.memory_space<semaphore_mem>>) src(%dma_wait3A_390 : memref<2600000x16xf32, #tpu.memory_space<hbm>>) dst(%dma_wait3A_382 : memref<128x16xf32, #tpu.memory_space<vmem>>)
        %dma_wait3A_391 = arith.constant 0 : i32
        %dma_wait3A_392 = arith.constant 256 : i32
        %dma_wait3A_393 = arith.constant 0 : i32
        %dma_wait3A_394 = tpu.memref_slice %arg8[%dma_wait3A_392, %dma_wait3A_393] : memref<2048x16xf32, #tpu.memory_space<vmem>> -> memref<128x16xf32, #tpu.memory_space<vmem>>
        %dma_wait3A_395 = arith.constant 0 : i32
        %dma_wait3A_396 = tpu.memref_slice %arg6[%dma_wait3A_391, %dma_wait3A_395] : memref<2x1024xi32, #tpu.memory_space<vmem>> -> memref<1x1024xi32, #tpu.memory_space<vmem>>
        %dma_wait3A_397 = tpu.memref_squeeze %dma_wait3A_396 : memref<1x1024xi32, #tpu.memory_space<vmem>> -> memref<1024xi32, #tpu.memory_space<vmem>>
        %dma_wait3A_398 = arith.constant 256 : i32
        %dma_wait3A_399 = tpu.memref_slice %dma_wait3A_397[%dma_wait3A_398] : memref<1024xi32, #tpu.memory_space<vmem>> -> memref<128xi32, #tpu.memory_space<vmem>>
        %dma_wait3A_400 = arith.constant 0 : i32
        %dma_wait3A_401 = arith.constant 0 : i32
        %dma_wait3A_402 = tpu.memref_slice %arg4[%dma_wait3A_400, %dma_wait3A_401] : memref<2600000x16xf32, #tpu.memory_space<hbm>> -> memref<2600000x16xf32, #tpu.memory_space<hbm>>
        tpu.wait_indirect_dma semaphore(%arg12 : memref<!tpu.dma_semaphore, #tpu.memory_space<semaphore_mem>>) src(%dma_wait3A_402 : memref<2600000x16xf32, #tpu.memory_space<hbm>>) dst(%dma_wait3A_394 : memref<128x16xf32, #tpu.memory_space<vmem>>)
        %dma_wait3A_403 = arith.constant 0 : i32
        %dma_wait3A_404 = arith.constant 256 : i32
        %dma_wait3A_405 = arith.constant 0 : i32
        %dma_wait3A_406 = tpu.memref_slice %arg9[%dma_wait3A_404, %dma_wait3A_405] : memref<2048x16xf32, #tpu.memory_space<vmem>> -> memref<128x16xf32, #tpu.memory_space<vmem>>
        %dma_wait3A_407 = arith.constant 0 : i32
        %dma_wait3A_408 = tpu.memref_slice %arg7[%dma_wait3A_403, %dma_wait3A_407] : memref<2x1024xi32, #tpu.memory_space<vmem>> -> memref<1x1024xi32, #tpu.memory_space<vmem>>
        %dma_wait3A_409 = tpu.memref_squeeze %dma_wait3A_408 : memref<1x1024xi32, #tpu.memory_space<vmem>> -> memref<1024xi32, #tpu.memory_space<vmem>>
        %dma_wait3A_410 = arith.constant 256 : i32
        %dma_wait3A_411 = tpu.memref_slice %dma_wait3A_409[%dma_wait3A_410] : memref<1024xi32, #tpu.memory_space<vmem>> -> memref<128xi32, #tpu.memory_space<vmem>>
        %dma_wait3A_412 = arith.constant 0 : i32
        %dma_wait3A_413 = arith.constant 0 : i32
        %dma_wait3A_414 = tpu.memref_slice %arg4[%dma_wait3A_412, %dma_wait3A_413] : memref<2600000x16xf32, #tpu.memory_space<hbm>> -> memref<2600000x16xf32, #tpu.memory_space<hbm>>
        tpu.wait_indirect_dma semaphore(%arg12 : memref<!tpu.dma_semaphore, #tpu.memory_space<semaphore_mem>>) src(%dma_wait3A_414 : memref<2600000x16xf32, #tpu.memory_space<hbm>>) dst(%dma_wait3A_406 : memref<128x16xf32, #tpu.memory_space<vmem>>)
        %dma_wait3A_415 = arith.constant 0 : i32
        %dma_wait3A_416 = arith.constant 384 : i32
        %dma_wait3A_417 = arith.constant 0 : i32
        %dma_wait3A_418 = tpu.memref_slice %arg8[%dma_wait3A_416, %dma_wait3A_417] : memref<2048x16xf32, #tpu.memory_space<vmem>> -> memref<128x16xf32, #tpu.memory_space<vmem>>
        %dma_wait3A_419 = arith.constant 0 : i32
        %dma_wait3A_420 = tpu.memref_slice %arg6[%dma_wait3A_415, %dma_wait3A_419] : memref<2x1024xi32, #tpu.memory_space<vmem>> -> memref<1x1024xi32, #tpu.memory_space<vmem>>
        %dma_wait3A_421 = tpu.memref_squeeze %dma_wait3A_420 : memref<1x1024xi32, #tpu.memory_space<vmem>> -> memref<1024xi32, #tpu.memory_space<vmem>>
        %dma_wait3A_422 = arith.constant 384 : i32
        %dma_wait3A_423 = tpu.memref_slice %dma_wait3A_421[%dma_wait3A_422] : memref<1024xi32, #tpu.memory_space<vmem>> -> memref<128xi32, #tpu.memory_space<vmem>>
        %dma_wait3A_424 = arith.constant 0 : i32
        %dma_wait3A_425 = arith.constant 0 : i32
        %dma_wait3A_426 = tpu.memref_slice %arg4[%dma_wait3A_424, %dma_wait3A_425] : memref<2600000x16xf32, #tpu.memory_space<hbm>> -> memref<2600000x16xf32, #tpu.memory_space<hbm>>
        tpu.wait_indirect_dma semaphore(%arg12 : memref<!tpu.dma_semaphore, #tpu.memory_space<semaphore_mem>>) src(%dma_wait3A_426 : memref<2600000x16xf32, #tpu.memory_space<hbm>>) dst(%dma_wait3A_418 : memref<128x16xf32, #tpu.memory_space<vmem>>)
        %dma_wait3A_427 = arith.constant 0 : i32
        %dma_wait3A_428 = arith.constant 384 : i32
        %dma_wait3A_429 = arith.constant 0 : i32
        %dma_wait3A_430 = tpu.memref_slice %arg9[%dma_wait3A_428, %dma_wait3A_429] : memref<2048x16xf32, #tpu.memory_space<vmem>> -> memref<128x16xf32, #tpu.memory_space<vmem>>
        %dma_wait3A_431 = arith.constant 0 : i32
        %dma_wait3A_432 = tpu.memref_slice %arg7[%dma_wait3A_427, %dma_wait3A_431] : memref<2x1024xi32, #tpu.memory_space<vmem>> -> memref<1x1024xi32, #tpu.memory_space<vmem>>
        %dma_wait3A_433 = tpu.memref_squeeze %dma_wait3A_432 : memref<1x1024xi32, #tpu.memory_space<vmem>> -> memref<1024xi32, #tpu.memory_space<vmem>>
        %dma_wait3A_434 = arith.constant 384 : i32
        %dma_wait3A_435 = tpu.memref_slice %dma_wait3A_433[%dma_wait3A_434] : memref<1024xi32, #tpu.memory_space<vmem>> -> memref<128xi32, #tpu.memory_space<vmem>>
        %dma_wait3A_436 = arith.constant 0 : i32
        %dma_wait3A_437 = arith.constant 0 : i32
        %dma_wait3A_438 = tpu.memref_slice %arg4[%dma_wait3A_436, %dma_wait3A_437] : memref<2600000x16xf32, #tpu.memory_space<hbm>> -> memref<2600000x16xf32, #tpu.memory_space<hbm>>
        tpu.wait_indirect_dma semaphore(%arg12 : memref<!tpu.dma_semaphore, #tpu.memory_space<semaphore_mem>>) src(%dma_wait3A_438 : memref<2600000x16xf32, #tpu.memory_space<hbm>>) dst(%dma_wait3A_430 : memref<128x16xf32, #tpu.memory_space<vmem>>)
        %dma_wait3A_439 = arith.constant 0 : i32
        %dma_wait3A_440 = arith.constant 512 : i32
        %dma_wait3A_441 = arith.constant 0 : i32
        %dma_wait3A_442 = tpu.memref_slice %arg8[%dma_wait3A_440, %dma_wait3A_441] : memref<2048x16xf32, #tpu.memory_space<vmem>> -> memref<128x16xf32, #tpu.memory_space<vmem>>
        %dma_wait3A_443 = arith.constant 0 : i32
        %dma_wait3A_444 = tpu.memref_slice %arg6[%dma_wait3A_439, %dma_wait3A_443] : memref<2x1024xi32, #tpu.memory_space<vmem>> -> memref<1x1024xi32, #tpu.memory_space<vmem>>
        %dma_wait3A_445 = tpu.memref_squeeze %dma_wait3A_444 : memref<1x1024xi32, #tpu.memory_space<vmem>> -> memref<1024xi32, #tpu.memory_space<vmem>>
        %dma_wait3A_446 = arith.constant 512 : i32
        %dma_wait3A_447 = tpu.memref_slice %dma_wait3A_445[%dma_wait3A_446] : memref<1024xi32, #tpu.memory_space<vmem>> -> memref<128xi32, #tpu.memory_space<vmem>>
        %dma_wait3A_448 = arith.constant 0 : i32
        %dma_wait3A_449 = arith.constant 0 : i32
        %dma_wait3A_450 = tpu.memref_slice %arg4[%dma_wait3A_448, %dma_wait3A_449] : memref<2600000x16xf32, #tpu.memory_space<hbm>> -> memref<2600000x16xf32, #tpu.memory_space<hbm>>
        tpu.wait_indirect_dma semaphore(%arg12 : memref<!tpu.dma_semaphore, #tpu.memory_space<semaphore_mem>>) src(%dma_wait3A_450 : memref<2600000x16xf32, #tpu.memory_space<hbm>>) dst(%dma_wait3A_442 : memref<128x16xf32, #tpu.memory_space<vmem>>)
        %dma_wait3A_451 = arith.constant 0 : i32
        %dma_wait3A_452 = arith.constant 512 : i32
        %dma_wait3A_453 = arith.constant 0 : i32
        %dma_wait3A_454 = tpu.memref_slice %arg9[%dma_wait3A_452, %dma_wait3A_453] : memref<2048x16xf32, #tpu.memory_space<vmem>> -> memref<128x16xf32, #tpu.memory_space<vmem>>
        %dma_wait3A_455 = arith.constant 0 : i32
        %dma_wait3A_456 = tpu.memref_slice %arg7[%dma_wait3A_451, %dma_wait3A_455] : memref<2x1024xi32, #tpu.memory_space<vmem>> -> memref<1x1024xi32, #tpu.memory_space<vmem>>
        %dma_wait3A_457 = tpu.memref_squeeze %dma_wait3A_456 : memref<1x1024xi32, #tpu.memory_space<vmem>> -> memref<1024xi32, #tpu.memory_space<vmem>>
        %dma_wait3A_458 = arith.constant 512 : i32
        %dma_wait3A_459 = tpu.memref_slice %dma_wait3A_457[%dma_wait3A_458] : memref<1024xi32, #tpu.memory_space<vmem>> -> memref<128xi32, #tpu.memory_space<vmem>>
        %dma_wait3A_460 = arith.constant 0 : i32
        %dma_wait3A_461 = arith.constant 0 : i32
        %dma_wait3A_462 = tpu.memref_slice %arg4[%dma_wait3A_460, %dma_wait3A_461] : memref<2600000x16xf32, #tpu.memory_space<hbm>> -> memref<2600000x16xf32, #tpu.memory_space<hbm>>
        tpu.wait_indirect_dma semaphore(%arg12 : memref<!tpu.dma_semaphore, #tpu.memory_space<semaphore_mem>>) src(%dma_wait3A_462 : memref<2600000x16xf32, #tpu.memory_space<hbm>>) dst(%dma_wait3A_454 : memref<128x16xf32, #tpu.memory_space<vmem>>)
        %dma_wait3A_463 = arith.constant 0 : i32
        %dma_wait3A_464 = arith.constant 640 : i32
        %dma_wait3A_465 = arith.constant 0 : i32
        %dma_wait3A_466 = tpu.memref_slice %arg8[%dma_wait3A_464, %dma_wait3A_465] : memref<2048x16xf32, #tpu.memory_space<vmem>> -> memref<128x16xf32, #tpu.memory_space<vmem>>
        %dma_wait3A_467 = arith.constant 0 : i32
        %dma_wait3A_468 = tpu.memref_slice %arg6[%dma_wait3A_463, %dma_wait3A_467] : memref<2x1024xi32, #tpu.memory_space<vmem>> -> memref<1x1024xi32, #tpu.memory_space<vmem>>
        %dma_wait3A_469 = tpu.memref_squeeze %dma_wait3A_468 : memref<1x1024xi32, #tpu.memory_space<vmem>> -> memref<1024xi32, #tpu.memory_space<vmem>>
        %dma_wait3A_470 = arith.constant 640 : i32
        %dma_wait3A_471 = tpu.memref_slice %dma_wait3A_469[%dma_wait3A_470] : memref<1024xi32, #tpu.memory_space<vmem>> -> memref<128xi32, #tpu.memory_space<vmem>>
        %dma_wait3A_472 = arith.constant 0 : i32
        %dma_wait3A_473 = arith.constant 0 : i32
        %dma_wait3A_474 = tpu.memref_slice %arg4[%dma_wait3A_472, %dma_wait3A_473] : memref<2600000x16xf32, #tpu.memory_space<hbm>> -> memref<2600000x16xf32, #tpu.memory_space<hbm>>
        tpu.wait_indirect_dma semaphore(%arg12 : memref<!tpu.dma_semaphore, #tpu.memory_space<semaphore_mem>>) src(%dma_wait3A_474 : memref<2600000x16xf32, #tpu.memory_space<hbm>>) dst(%dma_wait3A_466 : memref<128x16xf32, #tpu.memory_space<vmem>>)
        %dma_wait3A_475 = arith.constant 0 : i32
        %dma_wait3A_476 = arith.constant 640 : i32
        %dma_wait3A_477 = arith.constant 0 : i32
        %dma_wait3A_478 = tpu.memref_slice %arg9[%dma_wait3A_476, %dma_wait3A_477] : memref<2048x16xf32, #tpu.memory_space<vmem>> -> memref<128x16xf32, #tpu.memory_space<vmem>>
        %dma_wait3A_479 = arith.constant 0 : i32
        %dma_wait3A_480 = tpu.memref_slice %arg7[%dma_wait3A_475, %dma_wait3A_479] : memref<2x1024xi32, #tpu.memory_space<vmem>> -> memref<1x1024xi32, #tpu.memory_space<vmem>>
        %dma_wait3A_481 = tpu.memref_squeeze %dma_wait3A_480 : memref<1x1024xi32, #tpu.memory_space<vmem>> -> memref<1024xi32, #tpu.memory_space<vmem>>
        %dma_wait3A_482 = arith.constant 640 : i32
        %dma_wait3A_483 = tpu.memref_slice %dma_wait3A_481[%dma_wait3A_482] : memref<1024xi32, #tpu.memory_space<vmem>> -> memref<128xi32, #tpu.memory_space<vmem>>
        %dma_wait3A_484 = arith.constant 0 : i32
        %dma_wait3A_485 = arith.constant 0 : i32
        %dma_wait3A_486 = tpu.memref_slice %arg4[%dma_wait3A_484, %dma_wait3A_485] : memref<2600000x16xf32, #tpu.memory_space<hbm>> -> memref<2600000x16xf32, #tpu.memory_space<hbm>>
        tpu.wait_indirect_dma semaphore(%arg12 : memref<!tpu.dma_semaphore, #tpu.memory_space<semaphore_mem>>) src(%dma_wait3A_486 : memref<2600000x16xf32, #tpu.memory_space<hbm>>) dst(%dma_wait3A_478 : memref<128x16xf32, #tpu.memory_space<vmem>>)
        %dma_wait3A_487 = arith.constant 0 : i32
        %dma_wait3A_488 = arith.constant 768 : i32
        %dma_wait3A_489 = arith.constant 0 : i32
        %dma_wait3A_490 = tpu.memref_slice %arg8[%dma_wait3A_488, %dma_wait3A_489] : memref<2048x16xf32, #tpu.memory_space<vmem>> -> memref<128x16xf32, #tpu.memory_space<vmem>>
        %dma_wait3A_491 = arith.constant 0 : i32
        %dma_wait3A_492 = tpu.memref_slice %arg6[%dma_wait3A_487, %dma_wait3A_491] : memref<2x1024xi32, #tpu.memory_space<vmem>> -> memref<1x1024xi32, #tpu.memory_space<vmem>>
        %dma_wait3A_493 = tpu.memref_squeeze %dma_wait3A_492 : memref<1x1024xi32, #tpu.memory_space<vmem>> -> memref<1024xi32, #tpu.memory_space<vmem>>
        %dma_wait3A_494 = arith.constant 768 : i32
        %dma_wait3A_495 = tpu.memref_slice %dma_wait3A_493[%dma_wait3A_494] : memref<1024xi32, #tpu.memory_space<vmem>> -> memref<128xi32, #tpu.memory_space<vmem>>
        %dma_wait3A_496 = arith.constant 0 : i32
        %dma_wait3A_497 = arith.constant 0 : i32
        %dma_wait3A_498 = tpu.memref_slice %arg4[%dma_wait3A_496, %dma_wait3A_497] : memref<2600000x16xf32, #tpu.memory_space<hbm>> -> memref<2600000x16xf32, #tpu.memory_space<hbm>>
        tpu.wait_indirect_dma semaphore(%arg12 : memref<!tpu.dma_semaphore, #tpu.memory_space<semaphore_mem>>) src(%dma_wait3A_498 : memref<2600000x16xf32, #tpu.memory_space<hbm>>) dst(%dma_wait3A_490 : memref<128x16xf32, #tpu.memory_space<vmem>>)
        %dma_wait3A_499 = arith.constant 0 : i32
        %dma_wait3A_500 = arith.constant 768 : i32
        %dma_wait3A_501 = arith.constant 0 : i32
        %dma_wait3A_502 = tpu.memref_slice %arg9[%dma_wait3A_500, %dma_wait3A_501] : memref<2048x16xf32, #tpu.memory_space<vmem>> -> memref<128x16xf32, #tpu.memory_space<vmem>>
        %dma_wait3A_503 = arith.constant 0 : i32
        %dma_wait3A_504 = tpu.memref_slice %arg7[%dma_wait3A_499, %dma_wait3A_503] : memref<2x1024xi32, #tpu.memory_space<vmem>> -> memref<1x1024xi32, #tpu.memory_space<vmem>>
        %dma_wait3A_505 = tpu.memref_squeeze %dma_wait3A_504 : memref<1x1024xi32, #tpu.memory_space<vmem>> -> memref<1024xi32, #tpu.memory_space<vmem>>
        %dma_wait3A_506 = arith.constant 768 : i32
        %dma_wait3A_507 = tpu.memref_slice %dma_wait3A_505[%dma_wait3A_506] : memref<1024xi32, #tpu.memory_space<vmem>> -> memref<128xi32, #tpu.memory_space<vmem>>
        %dma_wait3A_508 = arith.constant 0 : i32
        %dma_wait3A_509 = arith.constant 0 : i32
        %dma_wait3A_510 = tpu.memref_slice %arg4[%dma_wait3A_508, %dma_wait3A_509] : memref<2600000x16xf32, #tpu.memory_space<hbm>> -> memref<2600000x16xf32, #tpu.memory_space<hbm>>
        tpu.wait_indirect_dma semaphore(%arg12 : memref<!tpu.dma_semaphore, #tpu.memory_space<semaphore_mem>>) src(%dma_wait3A_510 : memref<2600000x16xf32, #tpu.memory_space<hbm>>) dst(%dma_wait3A_502 : memref<128x16xf32, #tpu.memory_space<vmem>>)
        %dma_wait3A_511 = arith.constant 0 : i32
        %dma_wait3A_512 = arith.constant 896 : i32
        %dma_wait3A_513 = arith.constant 0 : i32
        %dma_wait3A_514 = tpu.memref_slice %arg8[%dma_wait3A_512, %dma_wait3A_513] : memref<2048x16xf32, #tpu.memory_space<vmem>> -> memref<128x16xf32, #tpu.memory_space<vmem>>
        %dma_wait3A_515 = arith.constant 0 : i32
        %dma_wait3A_516 = tpu.memref_slice %arg6[%dma_wait3A_511, %dma_wait3A_515] : memref<2x1024xi32, #tpu.memory_space<vmem>> -> memref<1x1024xi32, #tpu.memory_space<vmem>>
        %dma_wait3A_517 = tpu.memref_squeeze %dma_wait3A_516 : memref<1x1024xi32, #tpu.memory_space<vmem>> -> memref<1024xi32, #tpu.memory_space<vmem>>
        %dma_wait3A_518 = arith.constant 896 : i32
        %dma_wait3A_519 = tpu.memref_slice %dma_wait3A_517[%dma_wait3A_518] : memref<1024xi32, #tpu.memory_space<vmem>> -> memref<128xi32, #tpu.memory_space<vmem>>
        %dma_wait3A_520 = arith.constant 0 : i32
        %dma_wait3A_521 = arith.constant 0 : i32
        %dma_wait3A_522 = tpu.memref_slice %arg4[%dma_wait3A_520, %dma_wait3A_521] : memref<2600000x16xf32, #tpu.memory_space<hbm>> -> memref<2600000x16xf32, #tpu.memory_space<hbm>>
        tpu.wait_indirect_dma semaphore(%arg12 : memref<!tpu.dma_semaphore, #tpu.memory_space<semaphore_mem>>) src(%dma_wait3A_522 : memref<2600000x16xf32, #tpu.memory_space<hbm>>) dst(%dma_wait3A_514 : memref<128x16xf32, #tpu.memory_space<vmem>>)
        %dma_wait3A_523 = arith.constant 0 : i32
        %dma_wait3A_524 = arith.constant 896 : i32
        %dma_wait3A_525 = arith.constant 0 : i32
        %dma_wait3A_526 = tpu.memref_slice %arg9[%dma_wait3A_524, %dma_wait3A_525] : memref<2048x16xf32, #tpu.memory_space<vmem>> -> memref<128x16xf32, #tpu.memory_space<vmem>>
        %dma_wait3A_527 = arith.constant 0 : i32
        %dma_wait3A_528 = tpu.memref_slice %arg7[%dma_wait3A_523, %dma_wait3A_527] : memref<2x1024xi32, #tpu.memory_space<vmem>> -> memref<1x1024xi32, #tpu.memory_space<vmem>>
        %dma_wait3A_529 = tpu.memref_squeeze %dma_wait3A_528 : memref<1x1024xi32, #tpu.memory_space<vmem>> -> memref<1024xi32, #tpu.memory_space<vmem>>
        %dma_wait3A_530 = arith.constant 896 : i32
        %dma_wait3A_531 = tpu.memref_slice %dma_wait3A_529[%dma_wait3A_530] : memref<1024xi32, #tpu.memory_space<vmem>> -> memref<128xi32, #tpu.memory_space<vmem>>
        %dma_wait3A_532 = arith.constant 0 : i32
        %dma_wait3A_533 = arith.constant 0 : i32
        %dma_wait3A_534 = tpu.memref_slice %arg4[%dma_wait3A_532, %dma_wait3A_533] : memref<2600000x16xf32, #tpu.memory_space<hbm>> -> memref<2600000x16xf32, #tpu.memory_space<hbm>>
        tpu.wait_indirect_dma semaphore(%arg12 : memref<!tpu.dma_semaphore, #tpu.memory_space<semaphore_mem>>) src(%dma_wait3A_534 : memref<2600000x16xf32, #tpu.memory_space<hbm>>) dst(%dma_wait3A_526 : memref<128x16xf32, #tpu.memory_space<vmem>>)
        %add3A_535 = arith.constant 2 : i32
        %add3A_536 = arith.addi %while3A_300, %add3A_535 : i32
        %lt3A_537 = arith.cmpi slt, %add3A_536, %add3A_4 : i32
        %convert_element_type3A_538 = arith.extui %lt3A_537 : i1 to i32
        %cond3A_539 = arith.constant 0 : i32
        %cond3A_540 = arith.cmpi ne, %convert_element_type3A_538, %cond3A_539 : i32
        scf.if %cond3A_540 {
          %add3A_607 = arith.constant 2 : i32
          %add3A_608 = arith.addi %while3A_300, %add3A_607 : i32
          %mul3A_609 = arith.constant 32 : i32
          %mul3A_610 = arith.muli %add3A_608, %mul3A_609 : i32
          %add3A_611 = arith.addi %add3A, %mul3A_610 : i32
          %mul3A_612 = arith.constant 1024 : i32
          %mul3A_613 = arith.muli %add3A_611, %mul3A_612 : i32
          %dma_start3A_614 = arith.constant 0 : i32
          %dma_start3A_615 = arith.constant 0 : i32
          %dma_start3A_616 = tpu.memref_slice %arg6[%dma_start3A_614, %dma_start3A_615] : memref<2x1024xi32, #tpu.memory_space<vmem>> -> memref<1x1024xi32, #tpu.memory_space<vmem>>
          %dma_start3A_617 = tpu.memref_squeeze %dma_start3A_616 : memref<1x1024xi32, #tpu.memory_space<vmem>> -> memref<1024xi32, #tpu.memory_space<vmem>>
          %dma_start3A_618 = tpu.memref_slice %arg2[%mul3A_613] : memref<1331200xi32, #tpu.memory_space<hbm>> -> memref<1024xi32, #tpu.memory_space<hbm>>
          %dma_start3A_619 = arith.constant 0 : i32
          %dma_start3A_620 = tpu.memref_slice %arg6[%dma_start3A_614, %dma_start3A_619] : memref<2x1024xi32, #tpu.memory_space<vmem>> -> memref<1x1024xi32, #tpu.memory_space<vmem>>
          %dma_start3A_621 = tpu.memref_squeeze %dma_start3A_620 : memref<1x1024xi32, #tpu.memory_space<vmem>> -> memref<1024xi32, #tpu.memory_space<vmem>>
          %dma_start3A_622 = tpu.memref_slice %arg2[%mul3A_613] : memref<1331200xi32, #tpu.memory_space<hbm>> -> memref<1024xi32, #tpu.memory_space<hbm>>
          tpu.enqueue_dma source(%dma_start3A_622 : memref<1024xi32, #tpu.memory_space<hbm>>) target(%dma_start3A_621 : memref<1024xi32, #tpu.memory_space<vmem>>) target_semaphore(%arg11 : memref<!tpu.dma_semaphore, #tpu.memory_space<semaphore_mem>>)
          %dma_start3A_623 = arith.constant 0 : i32
          %dma_start3A_624 = arith.constant 0 : i32
          %dma_start3A_625 = tpu.memref_slice %arg7[%dma_start3A_623, %dma_start3A_624] : memref<2x1024xi32, #tpu.memory_space<vmem>> -> memref<1x1024xi32, #tpu.memory_space<vmem>>
          %dma_start3A_626 = tpu.memref_squeeze %dma_start3A_625 : memref<1x1024xi32, #tpu.memory_space<vmem>> -> memref<1024xi32, #tpu.memory_space<vmem>>
          %dma_start3A_627 = tpu.memref_slice %arg3[%mul3A_613] : memref<1331200xi32, #tpu.memory_space<hbm>> -> memref<1024xi32, #tpu.memory_space<hbm>>
          %dma_start3A_628 = arith.constant 0 : i32
          %dma_start3A_629 = tpu.memref_slice %arg7[%dma_start3A_623, %dma_start3A_628] : memref<2x1024xi32, #tpu.memory_space<vmem>> -> memref<1x1024xi32, #tpu.memory_space<vmem>>
          %dma_start3A_630 = tpu.memref_squeeze %dma_start3A_629 : memref<1x1024xi32, #tpu.memory_space<vmem>> -> memref<1024xi32, #tpu.memory_space<vmem>>
          %dma_start3A_631 = tpu.memref_slice %arg3[%mul3A_613] : memref<1331200xi32, #tpu.memory_space<hbm>> -> memref<1024xi32, #tpu.memory_space<hbm>>
          tpu.enqueue_dma source(%dma_start3A_631 : memref<1024xi32, #tpu.memory_space<hbm>>) target(%dma_start3A_630 : memref<1024xi32, #tpu.memory_space<vmem>>) target_semaphore(%arg11 : memref<!tpu.dma_semaphore, #tpu.memory_space<semaphore_mem>>)
        } else {
        }
        %ge3A = arith.constant 2 : i32
        %ge3A_541 = arith.cmpi sge, %while3A_300, %ge3A : i32
        %convert_element_type3A_542 = arith.extui %ge3A_541 : i1 to i32
        %cond3A_543 = arith.constant 0 : i32
        %cond3A_544 = arith.cmpi ne, %convert_element_type3A_542, %cond3A_543 : i32
        scf.if %cond3A_544 {
          %dma_wait3A_607 = arith.constant 0 : i32
          %dma_wait3A_608 = arith.constant 0 : i32
          %dma_wait3A_609 = arith.constant 0 : i32
          %dma_wait3A_610 = tpu.memref_slice %arg10[%dma_wait3A_608, %dma_wait3A_609] : memref<32x1025xf32, #tpu.memory_space<vmem>> -> memref<16x1024xf32, #tpu.memory_space<vmem>>
          %dma_wait3A_611 = arith.constant 0 : i32
          %dma_wait3A_612 = arith.constant 0 : i32
          %dma_wait3A_613 = tpu.memref_slice %arg5[%dma_wait3A_607, %dma_wait3A_611, %dma_wait3A_612] : memref<325x16x4096xf32, #tpu.memory_space<hbm>> -> memref<1x16x1024xf32, #tpu.memory_space<hbm>>
          %dma_wait3A_614 = tpu.memref_squeeze %dma_wait3A_613 : memref<1x16x1024xf32, #tpu.memory_space<hbm>> -> memref<16x1024xf32, #tpu.memory_space<hbm>>
          %dma_wait3A_615 = arith.constant 0 : i32
          %dma_wait3A_616 = arith.constant 0 : i32
          %dma_wait3A_617 = tpu.memref_slice %arg5[%dma_wait3A_607, %dma_wait3A_615, %dma_wait3A_616] : memref<325x16x4096xf32, #tpu.memory_space<hbm>> -> memref<1x16x1024xf32, #tpu.memory_space<hbm>>
          %dma_wait3A_618 = tpu.memref_squeeze %dma_wait3A_617 : memref<1x16x1024xf32, #tpu.memory_space<hbm>> -> memref<16x1024xf32, #tpu.memory_space<hbm>>
          %dma_wait3A_619 = arith.constant 0 : i32
          %dma_wait3A_620 = arith.constant 0 : i32
          %dma_wait3A_621 = tpu.memref_slice %arg10[%dma_wait3A_619, %dma_wait3A_620] : memref<32x1025xf32, #tpu.memory_space<vmem>> -> memref<16x1024xf32, #tpu.memory_space<vmem>>
          tpu.wait_dma2 semaphore(%arg14 : memref<!tpu.dma_semaphore, #tpu.memory_space<semaphore_mem>>) src(%dma_wait3A_621 : memref<16x1024xf32, #tpu.memory_space<vmem>>) dst(%dma_wait3A_618 : memref<16x1024xf32, #tpu.memory_space<hbm>>)
        } else {
        }
        %add3A_545 = arith.constant 0 : i32
        %add3A_546 = vector.broadcast %add3A_545 : i32 to vector<16xi32>
        %add3A_547 = arith.addi %iota3A, %add3A_546 : vector<16xi32>
        %scan3A = arith.constant 0 : i32
        %scan3A_548 = arith.constant 0 : i32
        %scan3A_549 = arith.constant 128 : i32
        %scan3A_550 = arith.addi %scan3A_548, %scan3A_549 : i32
        %scan3A_551 = arith.constant 1 : i32
        scf.for %scan3A_607 = %scan3A_548 to %scan3A_550 step %scan3A_551  : i32 {
          %mul3A_608 = arith.constant 8 : i32
          %mul3A_609 = arith.muli %scan3A_607, %mul3A_608 : i32
          %mul3A_610 = arith.constant 0 : i32
          %mul3A_611 = vector.broadcast %mul3A_610 : i32 to vector<16xi32>
          %mul3A_612 = arith.muli %iota3A, %mul3A_611 : vector<16xi32>
          %add3A_613 = arith.constant 0 : i32
          %add3A_614 = arith.addi %mul3A_609, %add3A_613 : i32
          %add3A_615 = vector.broadcast %add3A_614 : i32 to vector<16xi32>
          %add3A_616 = arith.addi %mul3A_612, %add3A_615 : vector<16xi32>
          %add3A_617 = arith.constant 0 : i32
          %add3A_618 = vector.broadcast %add3A_617 : i32 to vector<16xi32>
          %add3A_619 = arith.addi %add3A_616, %add3A_618 : vector<16xi32>
          %gather3A = tpu.vector_load_idx %arg8[%add3A_619, %iota3A] : memref<2048x16xf32, #tpu.memory_space<vmem>>[vector<16xi32>, vector<16xi32>], vector<16xf32>,
          %add3A_620 = arith.constant 0 : i32
          %add3A_621 = vector.broadcast %add3A_620 : i32 to vector<16xi32>
          %add3A_622 = arith.addi %add3A_616, %add3A_621 : vector<16xi32>
          %gather3A_623 = tpu.vector_load_idx %arg9[%add3A_622, %iota3A] : memref<2048x16xf32, #tpu.memory_space<vmem>>[vector<16xi32>, vector<16xi32>], vector<16xf32>,
          %mul3A_624 = arith.mulf %gather3A, %gather3A_623 : vector<16xf32>
          tpu.vector_store_idx %arg10[%add3A_547, %add3A_616], %mul3A_624 : memref<32x1025xf32, #tpu.memory_space<vmem>>[vector<16xi32>, vector<16xi32>], vector<16xf32>,
          %mul3A_625 = arith.constant 0 : i32
          %mul3A_626 = vector.broadcast %mul3A_625 : i32 to vector<16xi32>
          %mul3A_627 = arith.muli %iota3A, %mul3A_626 : vector<16xi32>
          %add3A_628 = arith.constant 1 : i32
          %add3A_629 = arith.addi %mul3A_609, %add3A_628 : i32
          %add3A_630 = vector.broadcast %add3A_629 : i32 to vector<16xi32>
          %add3A_631 = arith.addi %mul3A_627, %add3A_630 : vector<16xi32>
          %add3A_632 = arith.constant 0 : i32
          %add3A_633 = vector.broadcast %add3A_632 : i32 to vector<16xi32>
          %add3A_634 = arith.addi %add3A_631, %add3A_633 : vector<16xi32>
          %gather3A_635 = tpu.vector_load_idx %arg8[%add3A_634, %iota3A] : memref<2048x16xf32, #tpu.memory_space<vmem>>[vector<16xi32>, vector<16xi32>], vector<16xf32>,
          %add3A_636 = arith.constant 0 : i32
          %add3A_637 = vector.broadcast %add3A_636 : i32 to vector<16xi32>
          %add3A_638 = arith.addi %add3A_631, %add3A_637 : vector<16xi32>
          %gather3A_639 = tpu.vector_load_idx %arg9[%add3A_638, %iota3A] : memref<2048x16xf32, #tpu.memory_space<vmem>>[vector<16xi32>, vector<16xi32>], vector<16xf32>,
          %mul3A_640 = arith.mulf %gather3A_635, %gather3A_639 : vector<16xf32>
          tpu.vector_store_idx %arg10[%add3A_547, %add3A_631], %mul3A_640 : memref<32x1025xf32, #tpu.memory_space<vmem>>[vector<16xi32>, vector<16xi32>], vector<16xf32>,
          %mul3A_641 = arith.constant 0 : i32
          %mul3A_642 = vector.broadcast %mul3A_641 : i32 to vector<16xi32>
          %mul3A_643 = arith.muli %iota3A, %mul3A_642 : vector<16xi32>
          %add3A_644 = arith.constant 2 : i32
          %add3A_645 = arith.addi %mul3A_609, %add3A_644 : i32
          %add3A_646 = vector.broadcast %add3A_645 : i32 to vector<16xi32>
          %add3A_647 = arith.addi %mul3A_643, %add3A_646 : vector<16xi32>
          %add3A_648 = arith.constant 0 : i32
          %add3A_649 = vector.broadcast %add3A_648 : i32 to vector<16xi32>
          %add3A_650 = arith.addi %add3A_647, %add3A_649 : vector<16xi32>
          %gather3A_651 = tpu.vector_load_idx %arg8[%add3A_650, %iota3A] : memref<2048x16xf32, #tpu.memory_space<vmem>>[vector<16xi32>, vector<16xi32>], vector<16xf32>,
          %add3A_652 = arith.constant 0 : i32
          %add3A_653 = vector.broadcast %add3A_652 : i32 to vector<16xi32>
          %add3A_654 = arith.addi %add3A_647, %add3A_653 : vector<16xi32>
          %gather3A_655 = tpu.vector_load_idx %arg9[%add3A_654, %iota3A] : memref<2048x16xf32, #tpu.memory_space<vmem>>[vector<16xi32>, vector<16xi32>], vector<16xf32>,
          %mul3A_656 = arith.mulf %gather3A_651, %gather3A_655 : vector<16xf32>
          tpu.vector_store_idx %arg10[%add3A_547, %add3A_647], %mul3A_656 : memref<32x1025xf32, #tpu.memory_space<vmem>>[vector<16xi32>, vector<16xi32>], vector<16xf32>,
          %mul3A_657 = arith.constant 0 : i32
          %mul3A_658 = vector.broadcast %mul3A_657 : i32 to vector<16xi32>
          %mul3A_659 = arith.muli %iota3A, %mul3A_658 : vector<16xi32>
          %add3A_660 = arith.constant 3 : i32
          %add3A_661 = arith.addi %mul3A_609, %add3A_660 : i32
          %add3A_662 = vector.broadcast %add3A_661 : i32 to vector<16xi32>
          %add3A_663 = arith.addi %mul3A_659, %add3A_662 : vector<16xi32>
          %add3A_664 = arith.constant 0 : i32
          %add3A_665 = vector.broadcast %add3A_664 : i32 to vector<16xi32>
          %add3A_666 = arith.addi %add3A_663, %add3A_665 : vector<16xi32>
          %gather3A_667 = tpu.vector_load_idx %arg8[%add3A_666, %iota3A] : memref<2048x16xf32, #tpu.memory_space<vmem>>[vector<16xi32>, vector<16xi32>], vector<16xf32>,
          %add3A_668 = arith.constant 0 : i32
          %add3A_669 = vector.broadcast %add3A_668 : i32 to vector<16xi32>
          %add3A_670 = arith.addi %add3A_663, %add3A_669 : vector<16xi32>
          %gather3A_671 = tpu.vector_load_idx %arg9[%add3A_670, %iota3A] : memref<2048x16xf32, #tpu.memory_space<vmem>>[vector<16xi32>, vector<16xi32>], vector<16xf32>,
          %mul3A_672 = arith.mulf %gather3A_667, %gather3A_671 : vector<16xf32>
          tpu.vector_store_idx %arg10[%add3A_547, %add3A_663], %mul3A_672 : memref<32x1025xf32, #tpu.memory_space<vmem>>[vector<16xi32>, vector<16xi32>], vector<16xf32>,
          %mul3A_673 = arith.constant 0 : i32
          %mul3A_674 = vector.broadcast %mul3A_673 : i32 to vector<16xi32>
          %mul3A_675 = arith.muli %iota3A, %mul3A_674 : vector<16xi32>
          %add3A_676 = arith.constant 4 : i32
          %add3A_677 = arith.addi %mul3A_609, %add3A_676 : i32
          %add3A_678 = vector.broadcast %add3A_677 : i32 to vector<16xi32>
          %add3A_679 = arith.addi %mul3A_675, %add3A_678 : vector<16xi32>
          %add3A_680 = arith.constant 0 : i32
          %add3A_681 = vector.broadcast %add3A_680 : i32 to vector<16xi32>
          %add3A_682 = arith.addi %add3A_679, %add3A_681 : vector<16xi32>
          %gather3A_683 = tpu.vector_load_idx %arg8[%add3A_682, %iota3A] : memref<2048x16xf32, #tpu.memory_space<vmem>>[vector<16xi32>, vector<16xi32>], vector<16xf32>,
          %add3A_684 = arith.constant 0 : i32
          %add3A_685 = vector.broadcast %add3A_684 : i32 to vector<16xi32>
          %add3A_686 = arith.addi %add3A_679, %add3A_685 : vector<16xi32>
          %gather3A_687 = tpu.vector_load_idx %arg9[%add3A_686, %iota3A] : memref<2048x16xf32, #tpu.memory_space<vmem>>[vector<16xi32>, vector<16xi32>], vector<16xf32>,
          %mul3A_688 = arith.mulf %gather3A_683, %gather3A_687 : vector<16xf32>
          tpu.vector_store_idx %arg10[%add3A_547, %add3A_679], %mul3A_688 : memref<32x1025xf32, #tpu.memory_space<vmem>>[vector<16xi32>, vector<16xi32>], vector<16xf32>,
          %mul3A_689 = arith.constant 0 : i32
          %mul3A_690 = vector.broadcast %mul3A_689 : i32 to vector<16xi32>
          %mul3A_691 = arith.muli %iota3A, %mul3A_690 : vector<16xi32>
          %add3A_692 = arith.constant 5 : i32
          %add3A_693 = arith.addi %mul3A_609, %add3A_692 : i32
          %add3A_694 = vector.broadcast %add3A_693 : i32 to vector<16xi32>
          %add3A_695 = arith.addi %mul3A_691, %add3A_694 : vector<16xi32>
          %add3A_696 = arith.constant 0 : i32
          %add3A_697 = vector.broadcast %add3A_696 : i32 to vector<16xi32>
          %add3A_698 = arith.addi %add3A_695, %add3A_697 : vector<16xi32>
          %gather3A_699 = tpu.vector_load_idx %arg8[%add3A_698, %iota3A] : memref<2048x16xf32, #tpu.memory_space<vmem>>[vector<16xi32>, vector<16xi32>], vector<16xf32>,
          %add3A_700 = arith.constant 0 : i32
          %add3A_701 = vector.broadcast %add3A_700 : i32 to vector<16xi32>
          %add3A_702 = arith.addi %add3A_695, %add3A_701 : vector<16xi32>
          %gather3A_703 = tpu.vector_load_idx %arg9[%add3A_702, %iota3A] : memref<2048x16xf32, #tpu.memory_space<vmem>>[vector<16xi32>, vector<16xi32>], vector<16xf32>,
          %mul3A_704 = arith.mulf %gather3A_699, %gather3A_703 : vector<16xf32>
          tpu.vector_store_idx %arg10[%add3A_547, %add3A_695], %mul3A_704 : memref<32x1025xf32, #tpu.memory_space<vmem>>[vector<16xi32>, vector<16xi32>], vector<16xf32>,
          %mul3A_705 = arith.constant 0 : i32
          %mul3A_706 = vector.broadcast %mul3A_705 : i32 to vector<16xi32>
          %mul3A_707 = arith.muli %iota3A, %mul3A_706 : vector<16xi32>
          %add3A_708 = arith.constant 6 : i32
          %add3A_709 = arith.addi %mul3A_609, %add3A_708 : i32
          %add3A_710 = vector.broadcast %add3A_709 : i32 to vector<16xi32>
          %add3A_711 = arith.addi %mul3A_707, %add3A_710 : vector<16xi32>
          %add3A_712 = arith.constant 0 : i32
          %add3A_713 = vector.broadcast %add3A_712 : i32 to vector<16xi32>
          %add3A_714 = arith.addi %add3A_711, %add3A_713 : vector<16xi32>
          %gather3A_715 = tpu.vector_load_idx %arg8[%add3A_714, %iota3A] : memref<2048x16xf32, #tpu.memory_space<vmem>>[vector<16xi32>, vector<16xi32>], vector<16xf32>,
          %add3A_716 = arith.constant 0 : i32
          %add3A_717 = vector.broadcast %add3A_716 : i32 to vector<16xi32>
          %add3A_718 = arith.addi %add3A_711, %add3A_717 : vector<16xi32>
          %gather3A_719 = tpu.vector_load_idx %arg9[%add3A_718, %iota3A] : memref<2048x16xf32, #tpu.memory_space<vmem>>[vector<16xi32>, vector<16xi32>], vector<16xf32>,
          %mul3A_720 = arith.mulf %gather3A_715, %gather3A_719 : vector<16xf32>
          tpu.vector_store_idx %arg10[%add3A_547, %add3A_711], %mul3A_720 : memref<32x1025xf32, #tpu.memory_space<vmem>>[vector<16xi32>, vector<16xi32>], vector<16xf32>,
          %mul3A_721 = arith.constant 0 : i32
          %mul3A_722 = vector.broadcast %mul3A_721 : i32 to vector<16xi32>
          %mul3A_723 = arith.muli %iota3A, %mul3A_722 : vector<16xi32>
          %add3A_724 = arith.constant 7 : i32
          %add3A_725 = arith.addi %mul3A_609, %add3A_724 : i32
          %add3A_726 = vector.broadcast %add3A_725 : i32 to vector<16xi32>
          %add3A_727 = arith.addi %mul3A_723, %add3A_726 : vector<16xi32>
          %add3A_728 = arith.constant 0 : i32
          %add3A_729 = vector.broadcast %add3A_728 : i32 to vector<16xi32>
          %add3A_730 = arith.addi %add3A_727, %add3A_729 : vector<16xi32>
          %gather3A_731 = tpu.vector_load_idx %arg8[%add3A_730, %iota3A] : memref<2048x16xf32, #tpu.memory_space<vmem>>[vector<16xi32>, vector<16xi32>], vector<16xf32>,
          %add3A_732 = arith.constant 0 : i32
          %add3A_733 = vector.broadcast %add3A_732 : i32 to vector<16xi32>
          %add3A_734 = arith.addi %add3A_727, %add3A_733 : vector<16xi32>
          %gather3A_735 = tpu.vector_load_idx %arg9[%add3A_734, %iota3A] : memref<2048x16xf32, #tpu.memory_space<vmem>>[vector<16xi32>, vector<16xi32>], vector<16xf32>,
          %mul3A_736 = arith.mulf %gather3A_731, %gather3A_735 : vector<16xf32>
          tpu.vector_store_idx %arg10[%add3A_547, %add3A_727], %mul3A_736 : memref<32x1025xf32, #tpu.memory_space<vmem>>[vector<16xi32>, vector<16xi32>], vector<16xf32>,
        }
        %scan3A_552 = arith.constant 128 : i32
        %mul3A_553 = arith.constant 32 : i32
        %mul3A_554 = arith.muli %while3A_300, %mul3A_553 : i32
        %add3A_555 = arith.addi %add3A, %mul3A_554 : i32
        %jit3A_556 = arith.constant 4 : i32
        %div3A = arith.divsi %add3A_555, %jit3A_556 : i32
        %sign3A = arith.constant 0 : i32
        %sign3A_557 = arith.cmpi sgt, %add3A_555, %sign3A : i32
        %sign3A_558 = arith.extui %sign3A_557 : i1 to i32
        %sign3A_559 = arith.constant 0 : i32
        %sign3A_560 = arith.cmpi slt, %add3A_555, %sign3A_559 : i32
        %sign3A_561 = arith.extui %sign3A_560 : i1 to i32
        %sign3A_562 = arith.subi %sign3A_558, %sign3A_561 : i32
        %sign3A_563 = arith.constant 0 : i32
        %sign3A_564 = arith.cmpi sgt, %jit3A_556, %sign3A_563 : i32
        %sign3A_565 = arith.extui %sign3A_564 : i1 to i32
        %sign3A_566 = arith.constant 0 : i32
        %sign3A_567 = arith.cmpi slt, %jit3A_556, %sign3A_566 : i32
        %sign3A_568 = arith.extui %sign3A_567 : i1 to i32
        %sign3A_569 = arith.subi %sign3A_565, %sign3A_568 : i32
        %ne3A_570 = arith.cmpi ne, %sign3A_562, %sign3A_569 : i32
        %rem3A_571 = arith.remsi %add3A_555, %jit3A_556 : i32
        %ne3A_572 = arith.constant 0 : i32
        %ne3A_573 = arith.cmpi ne, %rem3A_571, %ne3A_572 : i32
        %and3A_574 = arith.andi %ne3A_570, %ne3A_573 : i1
        %sub3A = arith.constant 1 : i32
        %sub3A_575 = arith.subi %div3A, %sub3A : i32
        %select_n3A_576 = arith.select %and3A_574, %sub3A_575, %div3A : i32
        %jit3A_577 = arith.constant 4 : i32
        %eq3A_578 = arith.constant 0 : i32
        %eq3A_579 = arith.cmpi eq, %jit3A_577, %eq3A_578 : i32
        %jit3A_580 = arith.constant 1 : i32
        %select_n3A_581 = arith.select %eq3A_579, %jit3A_580, %jit3A_577 : i32
        %rem3A_582 = arith.remsi %add3A_555, %select_n3A_581 : i32
        %ne3A_583 = arith.constant 0 : i32
        %ne3A_584 = arith.cmpi ne, %rem3A_582, %ne3A_583 : i32
        %lt3A_585 = arith.constant 0 : i32
        %lt3A_586 = arith.cmpi slt, %rem3A_582, %lt3A_585 : i32
        %lt3A_587 = arith.constant 0 : i32
        %lt3A_588 = arith.cmpi slt, %select_n3A_581, %lt3A_587 : i32
        %ne3A_589 = arith.xori %lt3A_586, %lt3A_588 : i1
        %and3A_590 = arith.andi %ne3A_589, %ne3A_584 : i1
        %add3A_591 = arith.addi %rem3A_582, %select_n3A_581 : i32
        %select_n3A_592 = arith.select %and3A_590, %add3A_591, %rem3A_582 : i32
        %mul3A_593 = arith.constant 1024 : i32
        %mul3A_594 = arith.muli %select_n3A_592, %mul3A_593 : i32
        %dma_start3A_595 = arith.constant 0 : i32
        %dma_start3A_596 = arith.constant 0 : i32
        %dma_start3A_597 = tpu.memref_slice %arg10[%dma_start3A_595, %dma_start3A_596] : memref<32x1025xf32, #tpu.memory_space<vmem>> -> memref<16x1024xf32, #tpu.memory_space<vmem>>
        %dma_start3A_598 = arith.constant 0 : i32
        %dma_start3A_599 = tpu.memref_slice %arg5[%select_n3A_576, %dma_start3A_598, %mul3A_594] : memref<325x16x4096xf32, #tpu.memory_space<hbm>> -> memref<1x16x1024xf32, #tpu.memory_space<hbm>>
        %dma_start3A_600 = tpu.memref_squeeze %dma_start3A_599 : memref<1x16x1024xf32, #tpu.memory_space<hbm>> -> memref<16x1024xf32, #tpu.memory_space<hbm>>
        %dma_start3A_601 = arith.constant 0 : i32
        %dma_start3A_602 = tpu.memref_slice %arg5[%select_n3A_576, %dma_start3A_601, %mul3A_594] : memref<325x16x4096xf32, #tpu.memory_space<hbm>> -> memref<1x16x1024xf32, #tpu.memory_space<hbm>>
        %dma_start3A_603 = tpu.memref_squeeze %dma_start3A_602 : memref<1x16x1024xf32, #tpu.memory_space<hbm>> -> memref<16x1024xf32, #tpu.memory_space<hbm>>
        %dma_start3A_604 = arith.constant 0 : i32
        %dma_start3A_605 = arith.constant 0 : i32
        %dma_start3A_606 = tpu.memref_slice %arg10[%dma_start3A_604, %dma_start3A_605] : memref<32x1025xf32, #tpu.memory_space<vmem>> -> memref<16x1024xf32, #tpu.memory_space<vmem>>
        tpu.enqueue_dma source(%dma_start3A_606 : memref<16x1024xf32, #tpu.memory_space<vmem>>) target(%dma_start3A_603 : memref<16x1024xf32, #tpu.memory_space<hbm>>) target_semaphore(%arg14 : memref<!tpu.dma_semaphore, #tpu.memory_space<semaphore_mem>>)
      } else {
      }
      %jit3A_316 = arith.constant 2 : i32
      %eq3A_317 = arith.constant 0 : i32
      %eq3A_318 = arith.cmpi eq, %jit3A_316, %eq3A_317 : i32
      %jit3A_319 = arith.constant 1 : i32
      %select_n3A_320 = arith.select %eq3A_318, %jit3A_319, %jit3A_316 : i32
      %rem3A_321 = arith.remsi %while3A_300, %select_n3A_320 : i32
      %ne3A_322 = arith.constant 0 : i32
      %ne3A_323 = arith.cmpi ne, %rem3A_321, %ne3A_322 : i32
      %lt3A_324 = arith.constant 0 : i32
      %lt3A_325 = arith.cmpi slt, %rem3A_321, %lt3A_324 : i32
      %lt3A_326 = arith.constant 0 : i32
      %lt3A_327 = arith.cmpi slt, %select_n3A_320, %lt3A_326 : i32
      %ne3A_328 = arith.xori %lt3A_325, %lt3A_327 : i1
      %and3A_329 = arith.andi %ne3A_328, %ne3A_323 : i1
      %add3A_330 = arith.addi %rem3A_321, %select_n3A_320 : i32
      %select_n3A_331 = arith.select %and3A_329, %add3A_330, %rem3A_321 : i32
      %eq3A_332 = arith.constant 1 : i32
      %eq3A_333 = arith.cmpi eq, %select_n3A_331, %eq3A_332 : i32
      %convert_element_type3A_334 = arith.extui %eq3A_333 : i1 to i32
      %cond3A_335 = arith.constant 0 : i32
      %cond3A_336 = arith.cmpi ne, %convert_element_type3A_334, %cond3A_335 : i32
      scf.if %cond3A_336 {
        %add3A_337 = arith.constant 1 : i32
        %add3A_338 = arith.addi %while3A_300, %add3A_337 : i32
        %lt3A_339 = arith.cmpi slt, %add3A_338, %add3A_4 : i32
        %convert_element_type3A_340 = arith.extui %lt3A_339 : i1 to i32
        %cond3A_341 = arith.constant 0 : i32
        %cond3A_342 = arith.cmpi ne, %convert_element_type3A_340, %cond3A_341 : i32
        scf.if %cond3A_342 {
          %add3A_607 = arith.constant 1 : i32
          %add3A_608 = arith.addi %while3A_300, %add3A_607 : i32
          %mul3A_609 = arith.constant 32 : i32
          %mul3A_610 = arith.muli %add3A_608, %mul3A_609 : i32
          %add3A_611 = arith.addi %add3A, %mul3A_610 : i32
          %mul3A_612 = arith.constant 1024 : i32
          %mul3A_613 = arith.muli %add3A_611, %mul3A_612 : i32
          %dma_wait3A_614 = arith.constant 0 : i32
          %dma_wait3A_615 = arith.constant 0 : i32
          %dma_wait3A_616 = tpu.memref_slice %arg6[%dma_wait3A_614, %dma_wait3A_615] : memref<2x1024xi32, #tpu.memory_space<vmem>> -> memref<1x1024xi32, #tpu.memory_space<vmem>>
          %dma_wait3A_617 = tpu.memref_squeeze %dma_wait3A_616 : memref<1x1024xi32, #tpu.memory_space<vmem>> -> memref<1024xi32, #tpu.memory_space<vmem>>
          %dma_wait3A_618 = tpu.memref_slice %arg2[%mul3A_613] : memref<1331200xi32, #tpu.memory_space<hbm>> -> memref<1024xi32, #tpu.memory_space<hbm>>
          %dma_wait3A_619 = arith.constant 0 : i32
          %dma_wait3A_620 = tpu.memref_slice %arg6[%dma_wait3A_614, %dma_wait3A_619] : memref<2x1024xi32, #tpu.memory_space<vmem>> -> memref<1x1024xi32, #tpu.memory_space<vmem>>
          %dma_wait3A_621 = tpu.memref_squeeze %dma_wait3A_620 : memref<1x1024xi32, #tpu.memory_space<vmem>> -> memref<1024xi32, #tpu.memory_space<vmem>>
          %dma_wait3A_622 = tpu.memref_slice %arg2[%mul3A_613] : memref<1331200xi32, #tpu.memory_space<hbm>> -> memref<1024xi32, #tpu.memory_space<hbm>>
          tpu.wait_dma2 semaphore(%arg11 : memref<!tpu.dma_semaphore, #tpu.memory_space<semaphore_mem>>) src(%dma_wait3A_622 : memref<1024xi32, #tpu.memory_space<hbm>>) dst(%dma_wait3A_621 : memref<1024xi32, #tpu.memory_space<vmem>>)
          %dma_wait3A_623 = arith.constant 0 : i32
          %dma_wait3A_624 = arith.constant 0 : i32
          %dma_wait3A_625 = tpu.memref_slice %arg7[%dma_wait3A_623, %dma_wait3A_624] : memref<2x1024xi32, #tpu.memory_space<vmem>> -> memref<1x1024xi32, #tpu.memory_space<vmem>>
          %dma_wait3A_626 = tpu.memref_squeeze %dma_wait3A_625 : memref<1x1024xi32, #tpu.memory_space<vmem>> -> memref<1024xi32, #tpu.memory_space<vmem>>
          %dma_wait3A_627 = tpu.memref_slice %arg3[%mul3A_613] : memref<1331200xi32, #tpu.memory_space<hbm>> -> memref<1024xi32, #tpu.memory_space<hbm>>
          %dma_wait3A_628 = arith.constant 0 : i32
          %dma_wait3A_629 = tpu.memref_slice %arg7[%dma_wait3A_623, %dma_wait3A_628] : memref<2x1024xi32, #tpu.memory_space<vmem>> -> memref<1x1024xi32, #tpu.memory_space<vmem>>
          %dma_wait3A_630 = tpu.memref_squeeze %dma_wait3A_629 : memref<1x1024xi32, #tpu.memory_space<vmem>> -> memref<1024xi32, #tpu.memory_space<vmem>>
          %dma_wait3A_631 = tpu.memref_slice %arg3[%mul3A_613] : memref<1331200xi32, #tpu.memory_space<hbm>> -> memref<1024xi32, #tpu.memory_space<hbm>>
          tpu.wait_dma2 semaphore(%arg11 : memref<!tpu.dma_semaphore, #tpu.memory_space<semaphore_mem>>) src(%dma_wait3A_631 : memref<1024xi32, #tpu.memory_space<hbm>>) dst(%dma_wait3A_630 : memref<1024xi32, #tpu.memory_space<vmem>>)
          %dma_start3A_632 = arith.constant 0 : i32
          %dma_start3A_633 = arith.constant 0 : i32
          %dma_start3A_634 = arith.constant 0 : i32
          %dma_start3A_635 = tpu.memref_slice %arg8[%dma_start3A_633, %dma_start3A_634] : memref<2048x16xf32, #tpu.memory_space<vmem>> -> memref<128x16xf32, #tpu.memory_space<vmem>>
          %dma_start3A_636 = arith.constant 0 : i32
          %dma_start3A_637 = tpu.memref_slice %arg6[%dma_start3A_632, %dma_start3A_636] : memref<2x1024xi32, #tpu.memory_space<vmem>> -> memref<1x1024xi32, #tpu.memory_space<vmem>>
          %dma_start3A_638 = tpu.memref_squeeze %dma_start3A_637 : memref<1x1024xi32, #tpu.memory_space<vmem>> -> memref<1024xi32, #tpu.memory_space<vmem>>
          %dma_start3A_639 = arith.constant 0 : i32
          %dma_start3A_640 = tpu.memref_slice %dma_start3A_638[%dma_start3A_639] : memref<1024xi32, #tpu.memory_space<vmem>> -> memref<128xi32, #tpu.memory_space<vmem>>
          %dma_start3A_641 = arith.constant 0 : i32
          %dma_start3A_642 = arith.constant 0 : i32
          %dma_start3A_643 = tpu.memref_slice %arg4[%dma_start3A_641, %dma_start3A_642] : memref<2600000x16xf32, #tpu.memory_space<hbm>> -> memref<2600000x16xf32, #tpu.memory_space<hbm>>
          tpu.enqueue_indirect_dma source(%dma_start3A_643 : memref<2600000x16xf32, #tpu.memory_space<hbm>>) target(%dma_start3A_635 : memref<128x16xf32, #tpu.memory_space<vmem>>) offsets(%dma_start3A_640 : memref<128xi32, #tpu.memory_space<vmem>>) semaphore(%arg12 : memref<!tpu.dma_semaphore, #tpu.memory_space<semaphore_mem>>)
          %dma_start3A_644 = arith.constant 0 : i32
          %dma_start3A_645 = arith.constant 0 : i32
          %dma_start3A_646 = arith.constant 0 : i32
          %dma_start3A_647 = tpu.memref_slice %arg9[%dma_start3A_645, %dma_start3A_646] : memref<2048x16xf32, #tpu.memory_space<vmem>> -> memref<128x16xf32, #tpu.memory_space<vmem>>
          %dma_start3A_648 = arith.constant 0 : i32
          %dma_start3A_649 = tpu.memref_slice %arg7[%dma_start3A_644, %dma_start3A_648] : memref<2x1024xi32, #tpu.memory_space<vmem>> -> memref<1x1024xi32, #tpu.memory_space<vmem>>
          %dma_start3A_650 = tpu.memref_squeeze %dma_start3A_649 : memref<1x1024xi32, #tpu.memory_space<vmem>> -> memref<1024xi32, #tpu.memory_space<vmem>>
          %dma_start3A_651 = arith.constant 0 : i32
          %dma_start3A_652 = tpu.memref_slice %dma_start3A_650[%dma_start3A_651] : memref<1024xi32, #tpu.memory_space<vmem>> -> memref<128xi32, #tpu.memory_space<vmem>>
          %dma_start3A_653 = arith.constant 0 : i32
          %dma_start3A_654 = arith.constant 0 : i32
          %dma_start3A_655 = tpu.memref_slice %arg4[%dma_start3A_653, %dma_start3A_654] : memref<2600000x16xf32, #tpu.memory_space<hbm>> -> memref<2600000x16xf32, #tpu.memory_space<hbm>>
          tpu.enqueue_indirect_dma source(%dma_start3A_655 : memref<2600000x16xf32, #tpu.memory_space<hbm>>) target(%dma_start3A_647 : memref<128x16xf32, #tpu.memory_space<vmem>>) offsets(%dma_start3A_652 : memref<128xi32, #tpu.memory_space<vmem>>) semaphore(%arg12 : memref<!tpu.dma_semaphore, #tpu.memory_space<semaphore_mem>>)
          %dma_start3A_656 = arith.constant 0 : i32
          %dma_start3A_657 = arith.constant 128 : i32
          %dma_start3A_658 = arith.constant 0 : i32
          %dma_start3A_659 = tpu.memref_slice %arg8[%dma_start3A_657, %dma_start3A_658] : memref<2048x16xf32, #tpu.memory_space<vmem>> -> memref<128x16xf32, #tpu.memory_space<vmem>>
          %dma_start3A_660 = arith.constant 0 : i32
          %dma_start3A_661 = tpu.memref_slice %arg6[%dma_start3A_656, %dma_start3A_660] : memref<2x1024xi32, #tpu.memory_space<vmem>> -> memref<1x1024xi32, #tpu.memory_space<vmem>>
          %dma_start3A_662 = tpu.memref_squeeze %dma_start3A_661 : memref<1x1024xi32, #tpu.memory_space<vmem>> -> memref<1024xi32, #tpu.memory_space<vmem>>
          %dma_start3A_663 = arith.constant 128 : i32
          %dma_start3A_664 = tpu.memref_slice %dma_start3A_662[%dma_start3A_663] : memref<1024xi32, #tpu.memory_space<vmem>> -> memref<128xi32, #tpu.memory_space<vmem>>
          %dma_start3A_665 = arith.constant 0 : i32
          %dma_start3A_666 = arith.constant 0 : i32
          %dma_start3A_667 = tpu.memref_slice %arg4[%dma_start3A_665, %dma_start3A_666] : memref<2600000x16xf32, #tpu.memory_space<hbm>> -> memref<2600000x16xf32, #tpu.memory_space<hbm>>
          tpu.enqueue_indirect_dma source(%dma_start3A_667 : memref<2600000x16xf32, #tpu.memory_space<hbm>>) target(%dma_start3A_659 : memref<128x16xf32, #tpu.memory_space<vmem>>) offsets(%dma_start3A_664 : memref<128xi32, #tpu.memory_space<vmem>>) semaphore(%arg12 : memref<!tpu.dma_semaphore, #tpu.memory_space<semaphore_mem>>)
          %dma_start3A_668 = arith.constant 0 : i32
          %dma_start3A_669 = arith.constant 128 : i32
          %dma_start3A_670 = arith.constant 0 : i32
          %dma_start3A_671 = tpu.memref_slice %arg9[%dma_start3A_669, %dma_start3A_670] : memref<2048x16xf32, #tpu.memory_space<vmem>> -> memref<128x16xf32, #tpu.memory_space<vmem>>
          %dma_start3A_672 = arith.constant 0 : i32
          %dma_start3A_673 = tpu.memref_slice %arg7[%dma_start3A_668, %dma_start3A_672] : memref<2x1024xi32, #tpu.memory_space<vmem>> -> memref<1x1024xi32, #tpu.memory_space<vmem>>
          %dma_start3A_674 = tpu.memref_squeeze %dma_start3A_673 : memref<1x1024xi32, #tpu.memory_space<vmem>> -> memref<1024xi32, #tpu.memory_space<vmem>>
          %dma_start3A_675 = arith.constant 128 : i32
          %dma_start3A_676 = tpu.memref_slice %dma_start3A_674[%dma_start3A_675] : memref<1024xi32, #tpu.memory_space<vmem>> -> memref<128xi32, #tpu.memory_space<vmem>>
          %dma_start3A_677 = arith.constant 0 : i32
          %dma_start3A_678 = arith.constant 0 : i32
          %dma_start3A_679 = tpu.memref_slice %arg4[%dma_start3A_677, %dma_start3A_678] : memref<2600000x16xf32, #tpu.memory_space<hbm>> -> memref<2600000x16xf32, #tpu.memory_space<hbm>>
          tpu.enqueue_indirect_dma source(%dma_start3A_679 : memref<2600000x16xf32, #tpu.memory_space<hbm>>) target(%dma_start3A_671 : memref<128x16xf32, #tpu.memory_space<vmem>>) offsets(%dma_start3A_676 : memref<128xi32, #tpu.memory_space<vmem>>) semaphore(%arg12 : memref<!tpu.dma_semaphore, #tpu.memory_space<semaphore_mem>>)
          %dma_start3A_680 = arith.constant 0 : i32
          %dma_start3A_681 = arith.constant 256 : i32
          %dma_start3A_682 = arith.constant 0 : i32
          %dma_start3A_683 = tpu.memref_slice %arg8[%dma_start3A_681, %dma_start3A_682] : memref<2048x16xf32, #tpu.memory_space<vmem>> -> memref<128x16xf32, #tpu.memory_space<vmem>>
          %dma_start3A_684 = arith.constant 0 : i32
          %dma_start3A_685 = tpu.memref_slice %arg6[%dma_start3A_680, %dma_start3A_684] : memref<2x1024xi32, #tpu.memory_space<vmem>> -> memref<1x1024xi32, #tpu.memory_space<vmem>>
          %dma_start3A_686 = tpu.memref_squeeze %dma_start3A_685 : memref<1x1024xi32, #tpu.memory_space<vmem>> -> memref<1024xi32, #tpu.memory_space<vmem>>
          %dma_start3A_687 = arith.constant 256 : i32
          %dma_start3A_688 = tpu.memref_slice %dma_start3A_686[%dma_start3A_687] : memref<1024xi32, #tpu.memory_space<vmem>> -> memref<128xi32, #tpu.memory_space<vmem>>
          %dma_start3A_689 = arith.constant 0 : i32
          %dma_start3A_690 = arith.constant 0 : i32
          %dma_start3A_691 = tpu.memref_slice %arg4[%dma_start3A_689, %dma_start3A_690] : memref<2600000x16xf32, #tpu.memory_space<hbm>> -> memref<2600000x16xf32, #tpu.memory_space<hbm>>
          tpu.enqueue_indirect_dma source(%dma_start3A_691 : memref<2600000x16xf32, #tpu.memory_space<hbm>>) target(%dma_start3A_683 : memref<128x16xf32, #tpu.memory_space<vmem>>) offsets(%dma_start3A_688 : memref<128xi32, #tpu.memory_space<vmem>>) semaphore(%arg12 : memref<!tpu.dma_semaphore, #tpu.memory_space<semaphore_mem>>)
          %dma_start3A_692 = arith.constant 0 : i32
          %dma_start3A_693 = arith.constant 256 : i32
          %dma_start3A_694 = arith.constant 0 : i32
          %dma_start3A_695 = tpu.memref_slice %arg9[%dma_start3A_693, %dma_start3A_694] : memref<2048x16xf32, #tpu.memory_space<vmem>> -> memref<128x16xf32, #tpu.memory_space<vmem>>
          %dma_start3A_696 = arith.constant 0 : i32
          %dma_start3A_697 = tpu.memref_slice %arg7[%dma_start3A_692, %dma_start3A_696] : memref<2x1024xi32, #tpu.memory_space<vmem>> -> memref<1x1024xi32, #tpu.memory_space<vmem>>
          %dma_start3A_698 = tpu.memref_squeeze %dma_start3A_697 : memref<1x1024xi32, #tpu.memory_space<vmem>> -> memref<1024xi32, #tpu.memory_space<vmem>>
          %dma_start3A_699 = arith.constant 256 : i32
          %dma_start3A_700 = tpu.memref_slice %dma_start3A_698[%dma_start3A_699] : memref<1024xi32, #tpu.memory_space<vmem>> -> memref<128xi32, #tpu.memory_space<vmem>>
          %dma_start3A_701 = arith.constant 0 : i32
          %dma_start3A_702 = arith.constant 0 : i32
          %dma_start3A_703 = tpu.memref_slice %arg4[%dma_start3A_701, %dma_start3A_702] : memref<2600000x16xf32, #tpu.memory_space<hbm>> -> memref<2600000x16xf32, #tpu.memory_space<hbm>>
          tpu.enqueue_indirect_dma source(%dma_start3A_703 : memref<2600000x16xf32, #tpu.memory_space<hbm>>) target(%dma_start3A_695 : memref<128x16xf32, #tpu.memory_space<vmem>>) offsets(%dma_start3A_700 : memref<128xi32, #tpu.memory_space<vmem>>) semaphore(%arg12 : memref<!tpu.dma_semaphore, #tpu.memory_space<semaphore_mem>>)
          %dma_start3A_704 = arith.constant 0 : i32
          %dma_start3A_705 = arith.constant 384 : i32
          %dma_start3A_706 = arith.constant 0 : i32
          %dma_start3A_707 = tpu.memref_slice %arg8[%dma_start3A_705, %dma_start3A_706] : memref<2048x16xf32, #tpu.memory_space<vmem>> -> memref<128x16xf32, #tpu.memory_space<vmem>>
          %dma_start3A_708 = arith.constant 0 : i32
          %dma_start3A_709 = tpu.memref_slice %arg6[%dma_start3A_704, %dma_start3A_708] : memref<2x1024xi32, #tpu.memory_space<vmem>> -> memref<1x1024xi32, #tpu.memory_space<vmem>>
          %dma_start3A_710 = tpu.memref_squeeze %dma_start3A_709 : memref<1x1024xi32, #tpu.memory_space<vmem>> -> memref<1024xi32, #tpu.memory_space<vmem>>
          %dma_start3A_711 = arith.constant 384 : i32
          %dma_start3A_712 = tpu.memref_slice %dma_start3A_710[%dma_start3A_711] : memref<1024xi32, #tpu.memory_space<vmem>> -> memref<128xi32, #tpu.memory_space<vmem>>
          %dma_start3A_713 = arith.constant 0 : i32
          %dma_start3A_714 = arith.constant 0 : i32
          %dma_start3A_715 = tpu.memref_slice %arg4[%dma_start3A_713, %dma_start3A_714] : memref<2600000x16xf32, #tpu.memory_space<hbm>> -> memref<2600000x16xf32, #tpu.memory_space<hbm>>
          tpu.enqueue_indirect_dma source(%dma_start3A_715 : memref<2600000x16xf32, #tpu.memory_space<hbm>>) target(%dma_start3A_707 : memref<128x16xf32, #tpu.memory_space<vmem>>) offsets(%dma_start3A_712 : memref<128xi32, #tpu.memory_space<vmem>>) semaphore(%arg12 : memref<!tpu.dma_semaphore, #tpu.memory_space<semaphore_mem>>)
          %dma_start3A_716 = arith.constant 0 : i32
          %dma_start3A_717 = arith.constant 384 : i32
          %dma_start3A_718 = arith.constant 0 : i32
          %dma_start3A_719 = tpu.memref_slice %arg9[%dma_start3A_717, %dma_start3A_718] : memref<2048x16xf32, #tpu.memory_space<vmem>> -> memref<128x16xf32, #tpu.memory_space<vmem>>
          %dma_start3A_720 = arith.constant 0 : i32
          %dma_start3A_721 = tpu.memref_slice %arg7[%dma_start3A_716, %dma_start3A_720] : memref<2x1024xi32, #tpu.memory_space<vmem>> -> memref<1x1024xi32, #tpu.memory_space<vmem>>
          %dma_start3A_722 = tpu.memref_squeeze %dma_start3A_721 : memref<1x1024xi32, #tpu.memory_space<vmem>> -> memref<1024xi32, #tpu.memory_space<vmem>>
          %dma_start3A_723 = arith.constant 384 : i32
          %dma_start3A_724 = tpu.memref_slice %dma_start3A_722[%dma_start3A_723] : memref<1024xi32, #tpu.memory_space<vmem>> -> memref<128xi32, #tpu.memory_space<vmem>>
          %dma_start3A_725 = arith.constant 0 : i32
          %dma_start3A_726 = arith.constant 0 : i32
          %dma_start3A_727 = tpu.memref_slice %arg4[%dma_start3A_725, %dma_start3A_726] : memref<2600000x16xf32, #tpu.memory_space<hbm>> -> memref<2600000x16xf32, #tpu.memory_space<hbm>>
          tpu.enqueue_indirect_dma source(%dma_start3A_727 : memref<2600000x16xf32, #tpu.memory_space<hbm>>) target(%dma_start3A_719 : memref<128x16xf32, #tpu.memory_space<vmem>>) offsets(%dma_start3A_724 : memref<128xi32, #tpu.memory_space<vmem>>) semaphore(%arg12 : memref<!tpu.dma_semaphore, #tpu.memory_space<semaphore_mem>>)
          %dma_start3A_728 = arith.constant 0 : i32
          %dma_start3A_729 = arith.constant 512 : i32
          %dma_start3A_730 = arith.constant 0 : i32
          %dma_start3A_731 = tpu.memref_slice %arg8[%dma_start3A_729, %dma_start3A_730] : memref<2048x16xf32, #tpu.memory_space<vmem>> -> memref<128x16xf32, #tpu.memory_space<vmem>>
          %dma_start3A_732 = arith.constant 0 : i32
          %dma_start3A_733 = tpu.memref_slice %arg6[%dma_start3A_728, %dma_start3A_732] : memref<2x1024xi32, #tpu.memory_space<vmem>> -> memref<1x1024xi32, #tpu.memory_space<vmem>>
          %dma_start3A_734 = tpu.memref_squeeze %dma_start3A_733 : memref<1x1024xi32, #tpu.memory_space<vmem>> -> memref<1024xi32, #tpu.memory_space<vmem>>
          %dma_start3A_735 = arith.constant 512 : i32
          %dma_start3A_736 = tpu.memref_slice %dma_start3A_734[%dma_start3A_735] : memref<1024xi32, #tpu.memory_space<vmem>> -> memref<128xi32, #tpu.memory_space<vmem>>
          %dma_start3A_737 = arith.constant 0 : i32
          %dma_start3A_738 = arith.constant 0 : i32
          %dma_start3A_739 = tpu.memref_slice %arg4[%dma_start3A_737, %dma_start3A_738] : memref<2600000x16xf32, #tpu.memory_space<hbm>> -> memref<2600000x16xf32, #tpu.memory_space<hbm>>
          tpu.enqueue_indirect_dma source(%dma_start3A_739 : memref<2600000x16xf32, #tpu.memory_space<hbm>>) target(%dma_start3A_731 : memref<128x16xf32, #tpu.memory_space<vmem>>) offsets(%dma_start3A_736 : memref<128xi32, #tpu.memory_space<vmem>>) semaphore(%arg12 : memref<!tpu.dma_semaphore, #tpu.memory_space<semaphore_mem>>)
          %dma_start3A_740 = arith.constant 0 : i32
          %dma_start3A_741 = arith.constant 512 : i32
          %dma_start3A_742 = arith.constant 0 : i32
          %dma_start3A_743 = tpu.memref_slice %arg9[%dma_start3A_741, %dma_start3A_742] : memref<2048x16xf32, #tpu.memory_space<vmem>> -> memref<128x16xf32, #tpu.memory_space<vmem>>
          %dma_start3A_744 = arith.constant 0 : i32
          %dma_start3A_745 = tpu.memref_slice %arg7[%dma_start3A_740, %dma_start3A_744] : memref<2x1024xi32, #tpu.memory_space<vmem>> -> memref<1x1024xi32, #tpu.memory_space<vmem>>
          %dma_start3A_746 = tpu.memref_squeeze %dma_start3A_745 : memref<1x1024xi32, #tpu.memory_space<vmem>> -> memref<1024xi32, #tpu.memory_space<vmem>>
          %dma_start3A_747 = arith.constant 512 : i32
          %dma_start3A_748 = tpu.memref_slice %dma_start3A_746[%dma_start3A_747] : memref<1024xi32, #tpu.memory_space<vmem>> -> memref<128xi32, #tpu.memory_space<vmem>>
          %dma_start3A_749 = arith.constant 0 : i32
          %dma_start3A_750 = arith.constant 0 : i32
          %dma_start3A_751 = tpu.memref_slice %arg4[%dma_start3A_749, %dma_start3A_750] : memref<2600000x16xf32, #tpu.memory_space<hbm>> -> memref<2600000x16xf32, #tpu.memory_space<hbm>>
          tpu.enqueue_indirect_dma source(%dma_start3A_751 : memref<2600000x16xf32, #tpu.memory_space<hbm>>) target(%dma_start3A_743 : memref<128x16xf32, #tpu.memory_space<vmem>>) offsets(%dma_start3A_748 : memref<128xi32, #tpu.memory_space<vmem>>) semaphore(%arg12 : memref<!tpu.dma_semaphore, #tpu.memory_space<semaphore_mem>>)
          %dma_start3A_752 = arith.constant 0 : i32
          %dma_start3A_753 = arith.constant 640 : i32
          %dma_start3A_754 = arith.constant 0 : i32
          %dma_start3A_755 = tpu.memref_slice %arg8[%dma_start3A_753, %dma_start3A_754] : memref<2048x16xf32, #tpu.memory_space<vmem>> -> memref<128x16xf32, #tpu.memory_space<vmem>>
          %dma_start3A_756 = arith.constant 0 : i32
          %dma_start3A_757 = tpu.memref_slice %arg6[%dma_start3A_752, %dma_start3A_756] : memref<2x1024xi32, #tpu.memory_space<vmem>> -> memref<1x1024xi32, #tpu.memory_space<vmem>>
          %dma_start3A_758 = tpu.memref_squeeze %dma_start3A_757 : memref<1x1024xi32, #tpu.memory_space<vmem>> -> memref<1024xi32, #tpu.memory_space<vmem>>
          %dma_start3A_759 = arith.constant 640 : i32
          %dma_start3A_760 = tpu.memref_slice %dma_start3A_758[%dma_start3A_759] : memref<1024xi32, #tpu.memory_space<vmem>> -> memref<128xi32, #tpu.memory_space<vmem>>
          %dma_start3A_761 = arith.constant 0 : i32
          %dma_start3A_762 = arith.constant 0 : i32
          %dma_start3A_763 = tpu.memref_slice %arg4[%dma_start3A_761, %dma_start3A_762] : memref<2600000x16xf32, #tpu.memory_space<hbm>> -> memref<2600000x16xf32, #tpu.memory_space<hbm>>
          tpu.enqueue_indirect_dma source(%dma_start3A_763 : memref<2600000x16xf32, #tpu.memory_space<hbm>>) target(%dma_start3A_755 : memref<128x16xf32, #tpu.memory_space<vmem>>) offsets(%dma_start3A_760 : memref<128xi32, #tpu.memory_space<vmem>>) semaphore(%arg12 : memref<!tpu.dma_semaphore, #tpu.memory_space<semaphore_mem>>)
          %dma_start3A_764 = arith.constant 0 : i32
          %dma_start3A_765 = arith.constant 640 : i32
          %dma_start3A_766 = arith.constant 0 : i32
          %dma_start3A_767 = tpu.memref_slice %arg9[%dma_start3A_765, %dma_start3A_766] : memref<2048x16xf32, #tpu.memory_space<vmem>> -> memref<128x16xf32, #tpu.memory_space<vmem>>
          %dma_start3A_768 = arith.constant 0 : i32
          %dma_start3A_769 = tpu.memref_slice %arg7[%dma_start3A_764, %dma_start3A_768] : memref<2x1024xi32, #tpu.memory_space<vmem>> -> memref<1x1024xi32, #tpu.memory_space<vmem>>
          %dma_start3A_770 = tpu.memref_squeeze %dma_start3A_769 : memref<1x1024xi32, #tpu.memory_space<vmem>> -> memref<1024xi32, #tpu.memory_space<vmem>>
          %dma_start3A_771 = arith.constant 640 : i32
          %dma_start3A_772 = tpu.memref_slice %dma_start3A_770[%dma_start3A_771] : memref<1024xi32, #tpu.memory_space<vmem>> -> memref<128xi32, #tpu.memory_space<vmem>>
          %dma_start3A_773 = arith.constant 0 : i32
          %dma_start3A_774 = arith.constant 0 : i32
          %dma_start3A_775 = tpu.memref_slice %arg4[%dma_start3A_773, %dma_start3A_774] : memref<2600000x16xf32, #tpu.memory_space<hbm>> -> memref<2600000x16xf32, #tpu.memory_space<hbm>>
          tpu.enqueue_indirect_dma source(%dma_start3A_775 : memref<2600000x16xf32, #tpu.memory_space<hbm>>) target(%dma_start3A_767 : memref<128x16xf32, #tpu.memory_space<vmem>>) offsets(%dma_start3A_772 : memref<128xi32, #tpu.memory_space<vmem>>) semaphore(%arg12 : memref<!tpu.dma_semaphore, #tpu.memory_space<semaphore_mem>>)
          %dma_start3A_776 = arith.constant 0 : i32
          %dma_start3A_777 = arith.constant 768 : i32
          %dma_start3A_778 = arith.constant 0 : i32
          %dma_start3A_779 = tpu.memref_slice %arg8[%dma_start3A_777, %dma_start3A_778] : memref<2048x16xf32, #tpu.memory_space<vmem>> -> memref<128x16xf32, #tpu.memory_space<vmem>>
          %dma_start3A_780 = arith.constant 0 : i32
          %dma_start3A_781 = tpu.memref_slice %arg6[%dma_start3A_776, %dma_start3A_780] : memref<2x1024xi32, #tpu.memory_space<vmem>> -> memref<1x1024xi32, #tpu.memory_space<vmem>>
          %dma_start3A_782 = tpu.memref_squeeze %dma_start3A_781 : memref<1x1024xi32, #tpu.memory_space<vmem>> -> memref<1024xi32, #tpu.memory_space<vmem>>
          %dma_start3A_783 = arith.constant 768 : i32
          %dma_start3A_784 = tpu.memref_slice %dma_start3A_782[%dma_start3A_783] : memref<1024xi32, #tpu.memory_space<vmem>> -> memref<128xi32, #tpu.memory_space<vmem>>
          %dma_start3A_785 = arith.constant 0 : i32
          %dma_start3A_786 = arith.constant 0 : i32
          %dma_start3A_787 = tpu.memref_slice %arg4[%dma_start3A_785, %dma_start3A_786] : memref<2600000x16xf32, #tpu.memory_space<hbm>> -> memref<2600000x16xf32, #tpu.memory_space<hbm>>
          tpu.enqueue_indirect_dma source(%dma_start3A_787 : memref<2600000x16xf32, #tpu.memory_space<hbm>>) target(%dma_start3A_779 : memref<128x16xf32, #tpu.memory_space<vmem>>) offsets(%dma_start3A_784 : memref<128xi32, #tpu.memory_space<vmem>>) semaphore(%arg12 : memref<!tpu.dma_semaphore, #tpu.memory_space<semaphore_mem>>)
          %dma_start3A_788 = arith.constant 0 : i32
          %dma_start3A_789 = arith.constant 768 : i32
          %dma_start3A_790 = arith.constant 0 : i32
          %dma_start3A_791 = tpu.memref_slice %arg9[%dma_start3A_789, %dma_start3A_790] : memref<2048x16xf32, #tpu.memory_space<vmem>> -> memref<128x16xf32, #tpu.memory_space<vmem>>
          %dma_start3A_792 = arith.constant 0 : i32
          %dma_start3A_793 = tpu.memref_slice %arg7[%dma_start3A_788, %dma_start3A_792] : memref<2x1024xi32, #tpu.memory_space<vmem>> -> memref<1x1024xi32, #tpu.memory_space<vmem>>
          %dma_start3A_794 = tpu.memref_squeeze %dma_start3A_793 : memref<1x1024xi32, #tpu.memory_space<vmem>> -> memref<1024xi32, #tpu.memory_space<vmem>>
          %dma_start3A_795 = arith.constant 768 : i32
          %dma_start3A_796 = tpu.memref_slice %dma_start3A_794[%dma_start3A_795] : memref<1024xi32, #tpu.memory_space<vmem>> -> memref<128xi32, #tpu.memory_space<vmem>>
          %dma_start3A_797 = arith.constant 0 : i32
          %dma_start3A_798 = arith.constant 0 : i32
          %dma_start3A_799 = tpu.memref_slice %arg4[%dma_start3A_797, %dma_start3A_798] : memref<2600000x16xf32, #tpu.memory_space<hbm>> -> memref<2600000x16xf32, #tpu.memory_space<hbm>>
          tpu.enqueue_indirect_dma source(%dma_start3A_799 : memref<2600000x16xf32, #tpu.memory_space<hbm>>) target(%dma_start3A_791 : memref<128x16xf32, #tpu.memory_space<vmem>>) offsets(%dma_start3A_796 : memref<128xi32, #tpu.memory_space<vmem>>) semaphore(%arg12 : memref<!tpu.dma_semaphore, #tpu.memory_space<semaphore_mem>>)
          %dma_start3A_800 = arith.constant 0 : i32
          %dma_start3A_801 = arith.constant 896 : i32
          %dma_start3A_802 = arith.constant 0 : i32
          %dma_start3A_803 = tpu.memref_slice %arg8[%dma_start3A_801, %dma_start3A_802] : memref<2048x16xf32, #tpu.memory_space<vmem>> -> memref<128x16xf32, #tpu.memory_space<vmem>>
          %dma_start3A_804 = arith.constant 0 : i32
          %dma_start3A_805 = tpu.memref_slice %arg6[%dma_start3A_800, %dma_start3A_804] : memref<2x1024xi32, #tpu.memory_space<vmem>> -> memref<1x1024xi32, #tpu.memory_space<vmem>>
          %dma_start3A_806 = tpu.memref_squeeze %dma_start3A_805 : memref<1x1024xi32, #tpu.memory_space<vmem>> -> memref<1024xi32, #tpu.memory_space<vmem>>
          %dma_start3A_807 = arith.constant 896 : i32
          %dma_start3A_808 = tpu.memref_slice %dma_start3A_806[%dma_start3A_807] : memref<1024xi32, #tpu.memory_space<vmem>> -> memref<128xi32, #tpu.memory_space<vmem>>
          %dma_start3A_809 = arith.constant 0 : i32
          %dma_start3A_810 = arith.constant 0 : i32
          %dma_start3A_811 = tpu.memref_slice %arg4[%dma_start3A_809, %dma_start3A_810] : memref<2600000x16xf32, #tpu.memory_space<hbm>> -> memref<2600000x16xf32, #tpu.memory_space<hbm>>
          tpu.enqueue_indirect_dma source(%dma_start3A_811 : memref<2600000x16xf32, #tpu.memory_space<hbm>>) target(%dma_start3A_803 : memref<128x16xf32, #tpu.memory_space<vmem>>) offsets(%dma_start3A_808 : memref<128xi32, #tpu.memory_space<vmem>>) semaphore(%arg12 : memref<!tpu.dma_semaphore, #tpu.memory_space<semaphore_mem>>)
          %dma_start3A_812 = arith.constant 0 : i32
          %dma_start3A_813 = arith.constant 896 : i32
          %dma_start3A_814 = arith.constant 0 : i32
          %dma_start3A_815 = tpu.memref_slice %arg9[%dma_start3A_813, %dma_start3A_814] : memref<2048x16xf32, #tpu.memory_space<vmem>> -> memref<128x16xf32, #tpu.memory_space<vmem>>
          %dma_start3A_816 = arith.constant 0 : i32
          %dma_start3A_817 = tpu.memref_slice %arg7[%dma_start3A_812, %dma_start3A_816] : memref<2x1024xi32, #tpu.memory_space<vmem>> -> memref<1x1024xi32, #tpu.memory_space<vmem>>
          %dma_start3A_818 = tpu.memref_squeeze %dma_start3A_817 : memref<1x1024xi32, #tpu.memory_space<vmem>> -> memref<1024xi32, #tpu.memory_space<vmem>>
          %dma_start3A_819 = arith.constant 896 : i32
          %dma_start3A_820 = tpu.memref_slice %dma_start3A_818[%dma_start3A_819] : memref<1024xi32, #tpu.memory_space<vmem>> -> memref<128xi32, #tpu.memory_space<vmem>>
          %dma_start3A_821 = arith.constant 0 : i32
          %dma_start3A_822 = arith.constant 0 : i32
          %dma_start3A_823 = tpu.memref_slice %arg4[%dma_start3A_821, %dma_start3A_822] : memref<2600000x16xf32, #tpu.memory_space<hbm>> -> memref<2600000x16xf32, #tpu.memory_space<hbm>>
          tpu.enqueue_indirect_dma source(%dma_start3A_823 : memref<2600000x16xf32, #tpu.memory_space<hbm>>) target(%dma_start3A_815 : memref<128x16xf32, #tpu.memory_space<vmem>>) offsets(%dma_start3A_820 : memref<128xi32, #tpu.memory_space<vmem>>) semaphore(%arg12 : memref<!tpu.dma_semaphore, #tpu.memory_space<semaphore_mem>>)
        } else {
        }
        %dma_wait3A_343 = arith.constant 1 : i32
        %dma_wait3A_344 = arith.constant 1024 : i32
        %dma_wait3A_345 = arith.constant 0 : i32
        %dma_wait3A_346 = tpu.memref_slice %arg8[%dma_wait3A_344, %dma_wait3A_345] : memref<2048x16xf32, #tpu.memory_space<vmem>> -> memref<128x16xf32, #tpu.memory_space<vmem>>
        %dma_wait3A_347 = arith.constant 0 : i32
        %dma_wait3A_348 = tpu.memref_slice %arg6[%dma_wait3A_343, %dma_wait3A_347] : memref<2x1024xi32, #tpu.memory_space<vmem>> -> memref<1x1024xi32, #tpu.memory_space<vmem>>
        %dma_wait3A_349 = tpu.memref_squeeze %dma_wait3A_348 : memref<1x1024xi32, #tpu.memory_space<vmem>> -> memref<1024xi32, #tpu.memory_space<vmem>>
        %dma_wait3A_350 = arith.constant 0 : i32
        %dma_wait3A_351 = tpu.memref_slice %dma_wait3A_349[%dma_wait3A_350] : memref<1024xi32, #tpu.memory_space<vmem>> -> memref<128xi32, #tpu.memory_space<vmem>>
        %dma_wait3A_352 = arith.constant 0 : i32
        %dma_wait3A_353 = arith.constant 0 : i32
        %dma_wait3A_354 = tpu.memref_slice %arg4[%dma_wait3A_352, %dma_wait3A_353] : memref<2600000x16xf32, #tpu.memory_space<hbm>> -> memref<2600000x16xf32, #tpu.memory_space<hbm>>
        tpu.wait_indirect_dma semaphore(%arg13 : memref<!tpu.dma_semaphore, #tpu.memory_space<semaphore_mem>>) src(%dma_wait3A_354 : memref<2600000x16xf32, #tpu.memory_space<hbm>>) dst(%dma_wait3A_346 : memref<128x16xf32, #tpu.memory_space<vmem>>)
        %dma_wait3A_355 = arith.constant 1 : i32
        %dma_wait3A_356 = arith.constant 1024 : i32
        %dma_wait3A_357 = arith.constant 0 : i32
        %dma_wait3A_358 = tpu.memref_slice %arg9[%dma_wait3A_356, %dma_wait3A_357] : memref<2048x16xf32, #tpu.memory_space<vmem>> -> memref<128x16xf32, #tpu.memory_space<vmem>>
        %dma_wait3A_359 = arith.constant 0 : i32
        %dma_wait3A_360 = tpu.memref_slice %arg7[%dma_wait3A_355, %dma_wait3A_359] : memref<2x1024xi32, #tpu.memory_space<vmem>> -> memref<1x1024xi32, #tpu.memory_space<vmem>>
        %dma_wait3A_361 = tpu.memref_squeeze %dma_wait3A_360 : memref<1x1024xi32, #tpu.memory_space<vmem>> -> memref<1024xi32, #tpu.memory_space<vmem>>
        %dma_wait3A_362 = arith.constant 0 : i32
        %dma_wait3A_363 = tpu.memref_slice %dma_wait3A_361[%dma_wait3A_362] : memref<1024xi32, #tpu.memory_space<vmem>> -> memref<128xi32, #tpu.memory_space<vmem>>
        %dma_wait3A_364 = arith.constant 0 : i32
        %dma_wait3A_365 = arith.constant 0 : i32
        %dma_wait3A_366 = tpu.memref_slice %arg4[%dma_wait3A_364, %dma_wait3A_365] : memref<2600000x16xf32, #tpu.memory_space<hbm>> -> memref<2600000x16xf32, #tpu.memory_space<hbm>>
        tpu.wait_indirect_dma semaphore(%arg13 : memref<!tpu.dma_semaphore, #tpu.memory_space<semaphore_mem>>) src(%dma_wait3A_366 : memref<2600000x16xf32, #tpu.memory_space<hbm>>) dst(%dma_wait3A_358 : memref<128x16xf32, #tpu.memory_space<vmem>>)
        %dma_wait3A_367 = arith.constant 1 : i32
        %dma_wait3A_368 = arith.constant 1152 : i32
        %dma_wait3A_369 = arith.constant 0 : i32
        %dma_wait3A_370 = tpu.memref_slice %arg8[%dma_wait3A_368, %dma_wait3A_369] : memref<2048x16xf32, #tpu.memory_space<vmem>> -> memref<128x16xf32, #tpu.memory_space<vmem>>
        %dma_wait3A_371 = arith.constant 0 : i32
        %dma_wait3A_372 = tpu.memref_slice %arg6[%dma_wait3A_367, %dma_wait3A_371] : memref<2x1024xi32, #tpu.memory_space<vmem>> -> memref<1x1024xi32, #tpu.memory_space<vmem>>
        %dma_wait3A_373 = tpu.memref_squeeze %dma_wait3A_372 : memref<1x1024xi32, #tpu.memory_space<vmem>> -> memref<1024xi32, #tpu.memory_space<vmem>>
        %dma_wait3A_374 = arith.constant 128 : i32
        %dma_wait3A_375 = tpu.memref_slice %dma_wait3A_373[%dma_wait3A_374] : memref<1024xi32, #tpu.memory_space<vmem>> -> memref<128xi32, #tpu.memory_space<vmem>>
        %dma_wait3A_376 = arith.constant 0 : i32
        %dma_wait3A_377 = arith.constant 0 : i32
        %dma_wait3A_378 = tpu.memref_slice %arg4[%dma_wait3A_376, %dma_wait3A_377] : memref<2600000x16xf32, #tpu.memory_space<hbm>> -> memref<2600000x16xf32, #tpu.memory_space<hbm>>
        tpu.wait_indirect_dma semaphore(%arg13 : memref<!tpu.dma_semaphore, #tpu.memory_space<semaphore_mem>>) src(%dma_wait3A_378 : memref<2600000x16xf32, #tpu.memory_space<hbm>>) dst(%dma_wait3A_370 : memref<128x16xf32, #tpu.memory_space<vmem>>)
        %dma_wait3A_379 = arith.constant 1 : i32
        %dma_wait3A_380 = arith.constant 1152 : i32
        %dma_wait3A_381 = arith.constant 0 : i32
        %dma_wait3A_382 = tpu.memref_slice %arg9[%dma_wait3A_380, %dma_wait3A_381] : memref<2048x16xf32, #tpu.memory_space<vmem>> -> memref<128x16xf32, #tpu.memory_space<vmem>>
        %dma_wait3A_383 = arith.constant 0 : i32
        %dma_wait3A_384 = tpu.memref_slice %arg7[%dma_wait3A_379, %dma_wait3A_383] : memref<2x1024xi32, #tpu.memory_space<vmem>> -> memref<1x1024xi32, #tpu.memory_space<vmem>>
        %dma_wait3A_385 = tpu.memref_squeeze %dma_wait3A_384 : memref<1x1024xi32, #tpu.memory_space<vmem>> -> memref<1024xi32, #tpu.memory_space<vmem>>
        %dma_wait3A_386 = arith.constant 128 : i32
        %dma_wait3A_387 = tpu.memref_slice %dma_wait3A_385[%dma_wait3A_386] : memref<1024xi32, #tpu.memory_space<vmem>> -> memref<128xi32, #tpu.memory_space<vmem>>
        %dma_wait3A_388 = arith.constant 0 : i32
        %dma_wait3A_389 = arith.constant 0 : i32
        %dma_wait3A_390 = tpu.memref_slice %arg4[%dma_wait3A_388, %dma_wait3A_389] : memref<2600000x16xf32, #tpu.memory_space<hbm>> -> memref<2600000x16xf32, #tpu.memory_space<hbm>>
        tpu.wait_indirect_dma semaphore(%arg13 : memref<!tpu.dma_semaphore, #tpu.memory_space<semaphore_mem>>) src(%dma_wait3A_390 : memref<2600000x16xf32, #tpu.memory_space<hbm>>) dst(%dma_wait3A_382 : memref<128x16xf32, #tpu.memory_space<vmem>>)
        %dma_wait3A_391 = arith.constant 1 : i32
        %dma_wait3A_392 = arith.constant 1280 : i32
        %dma_wait3A_393 = arith.constant 0 : i32
        %dma_wait3A_394 = tpu.memref_slice %arg8[%dma_wait3A_392, %dma_wait3A_393] : memref<2048x16xf32, #tpu.memory_space<vmem>> -> memref<128x16xf32, #tpu.memory_space<vmem>>
        %dma_wait3A_395 = arith.constant 0 : i32
        %dma_wait3A_396 = tpu.memref_slice %arg6[%dma_wait3A_391, %dma_wait3A_395] : memref<2x1024xi32, #tpu.memory_space<vmem>> -> memref<1x1024xi32, #tpu.memory_space<vmem>>
        %dma_wait3A_397 = tpu.memref_squeeze %dma_wait3A_396 : memref<1x1024xi32, #tpu.memory_space<vmem>> -> memref<1024xi32, #tpu.memory_space<vmem>>
        %dma_wait3A_398 = arith.constant 256 : i32
        %dma_wait3A_399 = tpu.memref_slice %dma_wait3A_397[%dma_wait3A_398] : memref<1024xi32, #tpu.memory_space<vmem>> -> memref<128xi32, #tpu.memory_space<vmem>>
        %dma_wait3A_400 = arith.constant 0 : i32
        %dma_wait3A_401 = arith.constant 0 : i32
        %dma_wait3A_402 = tpu.memref_slice %arg4[%dma_wait3A_400, %dma_wait3A_401] : memref<2600000x16xf32, #tpu.memory_space<hbm>> -> memref<2600000x16xf32, #tpu.memory_space<hbm>>
        tpu.wait_indirect_dma semaphore(%arg13 : memref<!tpu.dma_semaphore, #tpu.memory_space<semaphore_mem>>) src(%dma_wait3A_402 : memref<2600000x16xf32, #tpu.memory_space<hbm>>) dst(%dma_wait3A_394 : memref<128x16xf32, #tpu.memory_space<vmem>>)
        %dma_wait3A_403 = arith.constant 1 : i32
        %dma_wait3A_404 = arith.constant 1280 : i32
        %dma_wait3A_405 = arith.constant 0 : i32
        %dma_wait3A_406 = tpu.memref_slice %arg9[%dma_wait3A_404, %dma_wait3A_405] : memref<2048x16xf32, #tpu.memory_space<vmem>> -> memref<128x16xf32, #tpu.memory_space<vmem>>
        %dma_wait3A_407 = arith.constant 0 : i32
        %dma_wait3A_408 = tpu.memref_slice %arg7[%dma_wait3A_403, %dma_wait3A_407] : memref<2x1024xi32, #tpu.memory_space<vmem>> -> memref<1x1024xi32, #tpu.memory_space<vmem>>
        %dma_wait3A_409 = tpu.memref_squeeze %dma_wait3A_408 : memref<1x1024xi32, #tpu.memory_space<vmem>> -> memref<1024xi32, #tpu.memory_space<vmem>>
        %dma_wait3A_410 = arith.constant 256 : i32
        %dma_wait3A_411 = tpu.memref_slice %dma_wait3A_409[%dma_wait3A_410] : memref<1024xi32, #tpu.memory_space<vmem>> -> memref<128xi32, #tpu.memory_space<vmem>>
        %dma_wait3A_412 = arith.constant 0 : i32
        %dma_wait3A_413 = arith.constant 0 : i32
        %dma_wait3A_414 = tpu.memref_slice %arg4[%dma_wait3A_412, %dma_wait3A_413] : memref<2600000x16xf32, #tpu.memory_space<hbm>> -> memref<2600000x16xf32, #tpu.memory_space<hbm>>
        tpu.wait_indirect_dma semaphore(%arg13 : memref<!tpu.dma_semaphore, #tpu.memory_space<semaphore_mem>>) src(%dma_wait3A_414 : memref<2600000x16xf32, #tpu.memory_space<hbm>>) dst(%dma_wait3A_406 : memref<128x16xf32, #tpu.memory_space<vmem>>)
        %dma_wait3A_415 = arith.constant 1 : i32
        %dma_wait3A_416 = arith.constant 1408 : i32
        %dma_wait3A_417 = arith.constant 0 : i32
        %dma_wait3A_418 = tpu.memref_slice %arg8[%dma_wait3A_416, %dma_wait3A_417] : memref<2048x16xf32, #tpu.memory_space<vmem>> -> memref<128x16xf32, #tpu.memory_space<vmem>>
        %dma_wait3A_419 = arith.constant 0 : i32
        %dma_wait3A_420 = tpu.memref_slice %arg6[%dma_wait3A_415, %dma_wait3A_419] : memref<2x1024xi32, #tpu.memory_space<vmem>> -> memref<1x1024xi32, #tpu.memory_space<vmem>>
        %dma_wait3A_421 = tpu.memref_squeeze %dma_wait3A_420 : memref<1x1024xi32, #tpu.memory_space<vmem>> -> memref<1024xi32, #tpu.memory_space<vmem>>
        %dma_wait3A_422 = arith.constant 384 : i32
        %dma_wait3A_423 = tpu.memref_slice %dma_wait3A_421[%dma_wait3A_422] : memref<1024xi32, #tpu.memory_space<vmem>> -> memref<128xi32, #tpu.memory_space<vmem>>
        %dma_wait3A_424 = arith.constant 0 : i32
        %dma_wait3A_425 = arith.constant 0 : i32
        %dma_wait3A_426 = tpu.memref_slice %arg4[%dma_wait3A_424, %dma_wait3A_425] : memref<2600000x16xf32, #tpu.memory_space<hbm>> -> memref<2600000x16xf32, #tpu.memory_space<hbm>>
        tpu.wait_indirect_dma semaphore(%arg13 : memref<!tpu.dma_semaphore, #tpu.memory_space<semaphore_mem>>) src(%dma_wait3A_426 : memref<2600000x16xf32, #tpu.memory_space<hbm>>) dst(%dma_wait3A_418 : memref<128x16xf32, #tpu.memory_space<vmem>>)
        %dma_wait3A_427 = arith.constant 1 : i32
        %dma_wait3A_428 = arith.constant 1408 : i32
        %dma_wait3A_429 = arith.constant 0 : i32
        %dma_wait3A_430 = tpu.memref_slice %arg9[%dma_wait3A_428, %dma_wait3A_429] : memref<2048x16xf32, #tpu.memory_space<vmem>> -> memref<128x16xf32, #tpu.memory_space<vmem>>
        %dma_wait3A_431 = arith.constant 0 : i32
        %dma_wait3A_432 = tpu.memref_slice %arg7[%dma_wait3A_427, %dma_wait3A_431] : memref<2x1024xi32, #tpu.memory_space<vmem>> -> memref<1x1024xi32, #tpu.memory_space<vmem>>
        %dma_wait3A_433 = tpu.memref_squeeze %dma_wait3A_432 : memref<1x1024xi32, #tpu.memory_space<vmem>> -> memref<1024xi32, #tpu.memory_space<vmem>>
        %dma_wait3A_434 = arith.constant 384 : i32
        %dma_wait3A_435 = tpu.memref_slice %dma_wait3A_433[%dma_wait3A_434] : memref<1024xi32, #tpu.memory_space<vmem>> -> memref<128xi32, #tpu.memory_space<vmem>>
        %dma_wait3A_436 = arith.constant 0 : i32
        %dma_wait3A_437 = arith.constant 0 : i32
        %dma_wait3A_438 = tpu.memref_slice %arg4[%dma_wait3A_436, %dma_wait3A_437] : memref<2600000x16xf32, #tpu.memory_space<hbm>> -> memref<2600000x16xf32, #tpu.memory_space<hbm>>
        tpu.wait_indirect_dma semaphore(%arg13 : memref<!tpu.dma_semaphore, #tpu.memory_space<semaphore_mem>>) src(%dma_wait3A_438 : memref<2600000x16xf32, #tpu.memory_space<hbm>>) dst(%dma_wait3A_430 : memref<128x16xf32, #tpu.memory_space<vmem>>)
        %dma_wait3A_439 = arith.constant 1 : i32
        %dma_wait3A_440 = arith.constant 1536 : i32
        %dma_wait3A_441 = arith.constant 0 : i32
        %dma_wait3A_442 = tpu.memref_slice %arg8[%dma_wait3A_440, %dma_wait3A_441] : memref<2048x16xf32, #tpu.memory_space<vmem>> -> memref<128x16xf32, #tpu.memory_space<vmem>>
        %dma_wait3A_443 = arith.constant 0 : i32
        %dma_wait3A_444 = tpu.memref_slice %arg6[%dma_wait3A_439, %dma_wait3A_443] : memref<2x1024xi32, #tpu.memory_space<vmem>> -> memref<1x1024xi32, #tpu.memory_space<vmem>>
        %dma_wait3A_445 = tpu.memref_squeeze %dma_wait3A_444 : memref<1x1024xi32, #tpu.memory_space<vmem>> -> memref<1024xi32, #tpu.memory_space<vmem>>
        %dma_wait3A_446 = arith.constant 512 : i32
        %dma_wait3A_447 = tpu.memref_slice %dma_wait3A_445[%dma_wait3A_446] : memref<1024xi32, #tpu.memory_space<vmem>> -> memref<128xi32, #tpu.memory_space<vmem>>
        %dma_wait3A_448 = arith.constant 0 : i32
        %dma_wait3A_449 = arith.constant 0 : i32
        %dma_wait3A_450 = tpu.memref_slice %arg4[%dma_wait3A_448, %dma_wait3A_449] : memref<2600000x16xf32, #tpu.memory_space<hbm>> -> memref<2600000x16xf32, #tpu.memory_space<hbm>>
        tpu.wait_indirect_dma semaphore(%arg13 : memref<!tpu.dma_semaphore, #tpu.memory_space<semaphore_mem>>) src(%dma_wait3A_450 : memref<2600000x16xf32, #tpu.memory_space<hbm>>) dst(%dma_wait3A_442 : memref<128x16xf32, #tpu.memory_space<vmem>>)
        %dma_wait3A_451 = arith.constant 1 : i32
        %dma_wait3A_452 = arith.constant 1536 : i32
        %dma_wait3A_453 = arith.constant 0 : i32
        %dma_wait3A_454 = tpu.memref_slice %arg9[%dma_wait3A_452, %dma_wait3A_453] : memref<2048x16xf32, #tpu.memory_space<vmem>> -> memref<128x16xf32, #tpu.memory_space<vmem>>
        %dma_wait3A_455 = arith.constant 0 : i32
        %dma_wait3A_456 = tpu.memref_slice %arg7[%dma_wait3A_451, %dma_wait3A_455] : memref<2x1024xi32, #tpu.memory_space<vmem>> -> memref<1x1024xi32, #tpu.memory_space<vmem>>
        %dma_wait3A_457 = tpu.memref_squeeze %dma_wait3A_456 : memref<1x1024xi32, #tpu.memory_space<vmem>> -> memref<1024xi32, #tpu.memory_space<vmem>>
        %dma_wait3A_458 = arith.constant 512 : i32
        %dma_wait3A_459 = tpu.memref_slice %dma_wait3A_457[%dma_wait3A_458] : memref<1024xi32, #tpu.memory_space<vmem>> -> memref<128xi32, #tpu.memory_space<vmem>>
        %dma_wait3A_460 = arith.constant 0 : i32
        %dma_wait3A_461 = arith.constant 0 : i32
        %dma_wait3A_462 = tpu.memref_slice %arg4[%dma_wait3A_460, %dma_wait3A_461] : memref<2600000x16xf32, #tpu.memory_space<hbm>> -> memref<2600000x16xf32, #tpu.memory_space<hbm>>
        tpu.wait_indirect_dma semaphore(%arg13 : memref<!tpu.dma_semaphore, #tpu.memory_space<semaphore_mem>>) src(%dma_wait3A_462 : memref<2600000x16xf32, #tpu.memory_space<hbm>>) dst(%dma_wait3A_454 : memref<128x16xf32, #tpu.memory_space<vmem>>)
        %dma_wait3A_463 = arith.constant 1 : i32
        %dma_wait3A_464 = arith.constant 1664 : i32
        %dma_wait3A_465 = arith.constant 0 : i32
        %dma_wait3A_466 = tpu.memref_slice %arg8[%dma_wait3A_464, %dma_wait3A_465] : memref<2048x16xf32, #tpu.memory_space<vmem>> -> memref<128x16xf32, #tpu.memory_space<vmem>>
        %dma_wait3A_467 = arith.constant 0 : i32
        %dma_wait3A_468 = tpu.memref_slice %arg6[%dma_wait3A_463, %dma_wait3A_467] : memref<2x1024xi32, #tpu.memory_space<vmem>> -> memref<1x1024xi32, #tpu.memory_space<vmem>>
        %dma_wait3A_469 = tpu.memref_squeeze %dma_wait3A_468 : memref<1x1024xi32, #tpu.memory_space<vmem>> -> memref<1024xi32, #tpu.memory_space<vmem>>
        %dma_wait3A_470 = arith.constant 640 : i32
        %dma_wait3A_471 = tpu.memref_slice %dma_wait3A_469[%dma_wait3A_470] : memref<1024xi32, #tpu.memory_space<vmem>> -> memref<128xi32, #tpu.memory_space<vmem>>
        %dma_wait3A_472 = arith.constant 0 : i32
        %dma_wait3A_473 = arith.constant 0 : i32
        %dma_wait3A_474 = tpu.memref_slice %arg4[%dma_wait3A_472, %dma_wait3A_473] : memref<2600000x16xf32, #tpu.memory_space<hbm>> -> memref<2600000x16xf32, #tpu.memory_space<hbm>>
        tpu.wait_indirect_dma semaphore(%arg13 : memref<!tpu.dma_semaphore, #tpu.memory_space<semaphore_mem>>) src(%dma_wait3A_474 : memref<2600000x16xf32, #tpu.memory_space<hbm>>) dst(%dma_wait3A_466 : memref<128x16xf32, #tpu.memory_space<vmem>>)
        %dma_wait3A_475 = arith.constant 1 : i32
        %dma_wait3A_476 = arith.constant 1664 : i32
        %dma_wait3A_477 = arith.constant 0 : i32
        %dma_wait3A_478 = tpu.memref_slice %arg9[%dma_wait3A_476, %dma_wait3A_477] : memref<2048x16xf32, #tpu.memory_space<vmem>> -> memref<128x16xf32, #tpu.memory_space<vmem>>
        %dma_wait3A_479 = arith.constant 0 : i32
        %dma_wait3A_480 = tpu.memref_slice %arg7[%dma_wait3A_475, %dma_wait3A_479] : memref<2x1024xi32, #tpu.memory_space<vmem>> -> memref<1x1024xi32, #tpu.memory_space<vmem>>
        %dma_wait3A_481 = tpu.memref_squeeze %dma_wait3A_480 : memref<1x1024xi32, #tpu.memory_space<vmem>> -> memref<1024xi32, #tpu.memory_space<vmem>>
        %dma_wait3A_482 = arith.constant 640 : i32
        %dma_wait3A_483 = tpu.memref_slice %dma_wait3A_481[%dma_wait3A_482] : memref<1024xi32, #tpu.memory_space<vmem>> -> memref<128xi32, #tpu.memory_space<vmem>>
        %dma_wait3A_484 = arith.constant 0 : i32
        %dma_wait3A_485 = arith.constant 0 : i32
        %dma_wait3A_486 = tpu.memref_slice %arg4[%dma_wait3A_484, %dma_wait3A_485] : memref<2600000x16xf32, #tpu.memory_space<hbm>> -> memref<2600000x16xf32, #tpu.memory_space<hbm>>
        tpu.wait_indirect_dma semaphore(%arg13 : memref<!tpu.dma_semaphore, #tpu.memory_space<semaphore_mem>>) src(%dma_wait3A_486 : memref<2600000x16xf32, #tpu.memory_space<hbm>>) dst(%dma_wait3A_478 : memref<128x16xf32, #tpu.memory_space<vmem>>)
        %dma_wait3A_487 = arith.constant 1 : i32
        %dma_wait3A_488 = arith.constant 1792 : i32
        %dma_wait3A_489 = arith.constant 0 : i32
        %dma_wait3A_490 = tpu.memref_slice %arg8[%dma_wait3A_488, %dma_wait3A_489] : memref<2048x16xf32, #tpu.memory_space<vmem>> -> memref<128x16xf32, #tpu.memory_space<vmem>>
        %dma_wait3A_491 = arith.constant 0 : i32
        %dma_wait3A_492 = tpu.memref_slice %arg6[%dma_wait3A_487, %dma_wait3A_491] : memref<2x1024xi32, #tpu.memory_space<vmem>> -> memref<1x1024xi32, #tpu.memory_space<vmem>>
        %dma_wait3A_493 = tpu.memref_squeeze %dma_wait3A_492 : memref<1x1024xi32, #tpu.memory_space<vmem>> -> memref<1024xi32, #tpu.memory_space<vmem>>
        %dma_wait3A_494 = arith.constant 768 : i32
        %dma_wait3A_495 = tpu.memref_slice %dma_wait3A_493[%dma_wait3A_494] : memref<1024xi32, #tpu.memory_space<vmem>> -> memref<128xi32, #tpu.memory_space<vmem>>
        %dma_wait3A_496 = arith.constant 0 : i32
        %dma_wait3A_497 = arith.constant 0 : i32
        %dma_wait3A_498 = tpu.memref_slice %arg4[%dma_wait3A_496, %dma_wait3A_497] : memref<2600000x16xf32, #tpu.memory_space<hbm>> -> memref<2600000x16xf32, #tpu.memory_space<hbm>>
        tpu.wait_indirect_dma semaphore(%arg13 : memref<!tpu.dma_semaphore, #tpu.memory_space<semaphore_mem>>) src(%dma_wait3A_498 : memref<2600000x16xf32, #tpu.memory_space<hbm>>) dst(%dma_wait3A_490 : memref<128x16xf32, #tpu.memory_space<vmem>>)
        %dma_wait3A_499 = arith.constant 1 : i32
        %dma_wait3A_500 = arith.constant 1792 : i32
        %dma_wait3A_501 = arith.constant 0 : i32
        %dma_wait3A_502 = tpu.memref_slice %arg9[%dma_wait3A_500, %dma_wait3A_501] : memref<2048x16xf32, #tpu.memory_space<vmem>> -> memref<128x16xf32, #tpu.memory_space<vmem>>
        %dma_wait3A_503 = arith.constant 0 : i32
        %dma_wait3A_504 = tpu.memref_slice %arg7[%dma_wait3A_499, %dma_wait3A_503] : memref<2x1024xi32, #tpu.memory_space<vmem>> -> memref<1x1024xi32, #tpu.memory_space<vmem>>
        %dma_wait3A_505 = tpu.memref_squeeze %dma_wait3A_504 : memref<1x1024xi32, #tpu.memory_space<vmem>> -> memref<1024xi32, #tpu.memory_space<vmem>>
        %dma_wait3A_506 = arith.constant 768 : i32
        %dma_wait3A_507 = tpu.memref_slice %dma_wait3A_505[%dma_wait3A_506] : memref<1024xi32, #tpu.memory_space<vmem>> -> memref<128xi32, #tpu.memory_space<vmem>>
        %dma_wait3A_508 = arith.constant 0 : i32
        %dma_wait3A_509 = arith.constant 0 : i32
        %dma_wait3A_510 = tpu.memref_slice %arg4[%dma_wait3A_508, %dma_wait3A_509] : memref<2600000x16xf32, #tpu.memory_space<hbm>> -> memref<2600000x16xf32, #tpu.memory_space<hbm>>
        tpu.wait_indirect_dma semaphore(%arg13 : memref<!tpu.dma_semaphore, #tpu.memory_space<semaphore_mem>>) src(%dma_wait3A_510 : memref<2600000x16xf32, #tpu.memory_space<hbm>>) dst(%dma_wait3A_502 : memref<128x16xf32, #tpu.memory_space<vmem>>)
        %dma_wait3A_511 = arith.constant 1 : i32
        %dma_wait3A_512 = arith.constant 1920 : i32
        %dma_wait3A_513 = arith.constant 0 : i32
        %dma_wait3A_514 = tpu.memref_slice %arg8[%dma_wait3A_512, %dma_wait3A_513] : memref<2048x16xf32, #tpu.memory_space<vmem>> -> memref<128x16xf32, #tpu.memory_space<vmem>>
        %dma_wait3A_515 = arith.constant 0 : i32
        %dma_wait3A_516 = tpu.memref_slice %arg6[%dma_wait3A_511, %dma_wait3A_515] : memref<2x1024xi32, #tpu.memory_space<vmem>> -> memref<1x1024xi32, #tpu.memory_space<vmem>>
        %dma_wait3A_517 = tpu.memref_squeeze %dma_wait3A_516 : memref<1x1024xi32, #tpu.memory_space<vmem>> -> memref<1024xi32, #tpu.memory_space<vmem>>
        %dma_wait3A_518 = arith.constant 896 : i32
        %dma_wait3A_519 = tpu.memref_slice %dma_wait3A_517[%dma_wait3A_518] : memref<1024xi32, #tpu.memory_space<vmem>> -> memref<128xi32, #tpu.memory_space<vmem>>
        %dma_wait3A_520 = arith.constant 0 : i32
        %dma_wait3A_521 = arith.constant 0 : i32
        %dma_wait3A_522 = tpu.memref_slice %arg4[%dma_wait3A_520, %dma_wait3A_521] : memref<2600000x16xf32, #tpu.memory_space<hbm>> -> memref<2600000x16xf32, #tpu.memory_space<hbm>>
        tpu.wait_indirect_dma semaphore(%arg13 : memref<!tpu.dma_semaphore, #tpu.memory_space<semaphore_mem>>) src(%dma_wait3A_522 : memref<2600000x16xf32, #tpu.memory_space<hbm>>) dst(%dma_wait3A_514 : memref<128x16xf32, #tpu.memory_space<vmem>>)
        %dma_wait3A_523 = arith.constant 1 : i32
        %dma_wait3A_524 = arith.constant 1920 : i32
        %dma_wait3A_525 = arith.constant 0 : i32
        %dma_wait3A_526 = tpu.memref_slice %arg9[%dma_wait3A_524, %dma_wait3A_525] : memref<2048x16xf32, #tpu.memory_space<vmem>> -> memref<128x16xf32, #tpu.memory_space<vmem>>
        %dma_wait3A_527 = arith.constant 0 : i32
        %dma_wait3A_528 = tpu.memref_slice %arg7[%dma_wait3A_523, %dma_wait3A_527] : memref<2x1024xi32, #tpu.memory_space<vmem>> -> memref<1x1024xi32, #tpu.memory_space<vmem>>
        %dma_wait3A_529 = tpu.memref_squeeze %dma_wait3A_528 : memref<1x1024xi32, #tpu.memory_space<vmem>> -> memref<1024xi32, #tpu.memory_space<vmem>>
        %dma_wait3A_530 = arith.constant 896 : i32
        %dma_wait3A_531 = tpu.memref_slice %dma_wait3A_529[%dma_wait3A_530] : memref<1024xi32, #tpu.memory_space<vmem>> -> memref<128xi32, #tpu.memory_space<vmem>>
        %dma_wait3A_532 = arith.constant 0 : i32
        %dma_wait3A_533 = arith.constant 0 : i32
        %dma_wait3A_534 = tpu.memref_slice %arg4[%dma_wait3A_532, %dma_wait3A_533] : memref<2600000x16xf32, #tpu.memory_space<hbm>> -> memref<2600000x16xf32, #tpu.memory_space<hbm>>
        tpu.wait_indirect_dma semaphore(%arg13 : memref<!tpu.dma_semaphore, #tpu.memory_space<semaphore_mem>>) src(%dma_wait3A_534 : memref<2600000x16xf32, #tpu.memory_space<hbm>>) dst(%dma_wait3A_526 : memref<128x16xf32, #tpu.memory_space<vmem>>)
        %add3A_535 = arith.constant 2 : i32
        %add3A_536 = arith.addi %while3A_300, %add3A_535 : i32
        %lt3A_537 = arith.cmpi slt, %add3A_536, %add3A_4 : i32
        %convert_element_type3A_538 = arith.extui %lt3A_537 : i1 to i32
        %cond3A_539 = arith.constant 0 : i32
        %cond3A_540 = arith.cmpi ne, %convert_element_type3A_538, %cond3A_539 : i32
        scf.if %cond3A_540 {
          %add3A_607 = arith.constant 2 : i32
          %add3A_608 = arith.addi %while3A_300, %add3A_607 : i32
          %mul3A_609 = arith.constant 32 : i32
          %mul3A_610 = arith.muli %add3A_608, %mul3A_609 : i32
          %add3A_611 = arith.addi %add3A, %mul3A_610 : i32
          %mul3A_612 = arith.constant 1024 : i32
          %mul3A_613 = arith.muli %add3A_611, %mul3A_612 : i32
          %dma_start3A_614 = arith.constant 1 : i32
          %dma_start3A_615 = arith.constant 0 : i32
          %dma_start3A_616 = tpu.memref_slice %arg6[%dma_start3A_614, %dma_start3A_615] : memref<2x1024xi32, #tpu.memory_space<vmem>> -> memref<1x1024xi32, #tpu.memory_space<vmem>>
          %dma_start3A_617 = tpu.memref_squeeze %dma_start3A_616 : memref<1x1024xi32, #tpu.memory_space<vmem>> -> memref<1024xi32, #tpu.memory_space<vmem>>
          %dma_start3A_618 = tpu.memref_slice %arg2[%mul3A_613] : memref<1331200xi32, #tpu.memory_space<hbm>> -> memref<1024xi32, #tpu.memory_space<hbm>>
          %dma_start3A_619 = arith.constant 0 : i32
          %dma_start3A_620 = tpu.memref_slice %arg6[%dma_start3A_614, %dma_start3A_619] : memref<2x1024xi32, #tpu.memory_space<vmem>> -> memref<1x1024xi32, #tpu.memory_space<vmem>>
          %dma_start3A_621 = tpu.memref_squeeze %dma_start3A_620 : memref<1x1024xi32, #tpu.memory_space<vmem>> -> memref<1024xi32, #tpu.memory_space<vmem>>
          %dma_start3A_622 = tpu.memref_slice %arg2[%mul3A_613] : memref<1331200xi32, #tpu.memory_space<hbm>> -> memref<1024xi32, #tpu.memory_space<hbm>>
          tpu.enqueue_dma source(%dma_start3A_622 : memref<1024xi32, #tpu.memory_space<hbm>>) target(%dma_start3A_621 : memref<1024xi32, #tpu.memory_space<vmem>>) target_semaphore(%arg11 : memref<!tpu.dma_semaphore, #tpu.memory_space<semaphore_mem>>)
          %dma_start3A_623 = arith.constant 1 : i32
          %dma_start3A_624 = arith.constant 0 : i32
          %dma_start3A_625 = tpu.memref_slice %arg7[%dma_start3A_623, %dma_start3A_624] : memref<2x1024xi32, #tpu.memory_space<vmem>> -> memref<1x1024xi32, #tpu.memory_space<vmem>>
          %dma_start3A_626 = tpu.memref_squeeze %dma_start3A_625 : memref<1x1024xi32, #tpu.memory_space<vmem>> -> memref<1024xi32, #tpu.memory_space<vmem>>
          %dma_start3A_627 = tpu.memref_slice %arg3[%mul3A_613] : memref<1331200xi32, #tpu.memory_space<hbm>> -> memref<1024xi32, #tpu.memory_space<hbm>>
          %dma_start3A_628 = arith.constant 0 : i32
          %dma_start3A_629 = tpu.memref_slice %arg7[%dma_start3A_623, %dma_start3A_628] : memref<2x1024xi32, #tpu.memory_space<vmem>> -> memref<1x1024xi32, #tpu.memory_space<vmem>>
          %dma_start3A_630 = tpu.memref_squeeze %dma_start3A_629 : memref<1x1024xi32, #tpu.memory_space<vmem>> -> memref<1024xi32, #tpu.memory_space<vmem>>
          %dma_start3A_631 = tpu.memref_slice %arg3[%mul3A_613] : memref<1331200xi32, #tpu.memory_space<hbm>> -> memref<1024xi32, #tpu.memory_space<hbm>>
          tpu.enqueue_dma source(%dma_start3A_631 : memref<1024xi32, #tpu.memory_space<hbm>>) target(%dma_start3A_630 : memref<1024xi32, #tpu.memory_space<vmem>>) target_semaphore(%arg11 : memref<!tpu.dma_semaphore, #tpu.memory_space<semaphore_mem>>)
        } else {
        }
        %ge3A = arith.constant 2 : i32
        %ge3A_541 = arith.cmpi sge, %while3A_300, %ge3A : i32
        %convert_element_type3A_542 = arith.extui %ge3A_541 : i1 to i32
        %cond3A_543 = arith.constant 0 : i32
        %cond3A_544 = arith.cmpi ne, %convert_element_type3A_542, %cond3A_543 : i32
        scf.if %cond3A_544 {
          %dma_wait3A_607 = arith.constant 0 : i32
          %dma_wait3A_608 = arith.constant 16 : i32
          %dma_wait3A_609 = arith.constant 0 : i32
          %dma_wait3A_610 = tpu.memref_slice %arg10[%dma_wait3A_608, %dma_wait3A_609] : memref<32x1025xf32, #tpu.memory_space<vmem>> -> memref<16x1024xf32, #tpu.memory_space<vmem>>
          %dma_wait3A_611 = arith.constant 0 : i32
          %dma_wait3A_612 = arith.constant 0 : i32
          %dma_wait3A_613 = tpu.memref_slice %arg5[%dma_wait3A_607, %dma_wait3A_611, %dma_wait3A_612] : memref<325x16x4096xf32, #tpu.memory_space<hbm>> -> memref<1x16x1024xf32, #tpu.memory_space<hbm>>
          %dma_wait3A_614 = tpu.memref_squeeze %dma_wait3A_613 : memref<1x16x1024xf32, #tpu.memory_space<hbm>> -> memref<16x1024xf32, #tpu.memory_space<hbm>>
          %dma_wait3A_615 = arith.constant 0 : i32
          %dma_wait3A_616 = arith.constant 0 : i32
          %dma_wait3A_617 = tpu.memref_slice %arg5[%dma_wait3A_607, %dma_wait3A_615, %dma_wait3A_616] : memref<325x16x4096xf32, #tpu.memory_space<hbm>> -> memref<1x16x1024xf32, #tpu.memory_space<hbm>>
          %dma_wait3A_618 = tpu.memref_squeeze %dma_wait3A_617 : memref<1x16x1024xf32, #tpu.memory_space<hbm>> -> memref<16x1024xf32, #tpu.memory_space<hbm>>
          %dma_wait3A_619 = arith.constant 16 : i32
          %dma_wait3A_620 = arith.constant 0 : i32
          %dma_wait3A_621 = tpu.memref_slice %arg10[%dma_wait3A_619, %dma_wait3A_620] : memref<32x1025xf32, #tpu.memory_space<vmem>> -> memref<16x1024xf32, #tpu.memory_space<vmem>>
          tpu.wait_dma2 semaphore(%arg15 : memref<!tpu.dma_semaphore, #tpu.memory_space<semaphore_mem>>) src(%dma_wait3A_621 : memref<16x1024xf32, #tpu.memory_space<vmem>>) dst(%dma_wait3A_618 : memref<16x1024xf32, #tpu.memory_space<hbm>>)
        } else {
        }
        %add3A_545 = arith.constant 16 : i32
        %add3A_546 = vector.broadcast %add3A_545 : i32 to vector<16xi32>
        %add3A_547 = arith.addi %iota3A, %add3A_546 : vector<16xi32>
        %scan3A = arith.constant 0 : i32
        %scan3A_548 = arith.constant 0 : i32
        %scan3A_549 = arith.constant 128 : i32
        %scan3A_550 = arith.addi %scan3A_548, %scan3A_549 : i32
        %scan3A_551 = arith.constant 1 : i32
        scf.for %scan3A_607 = %scan3A_548 to %scan3A_550 step %scan3A_551  : i32 {
          %mul3A_608 = arith.constant 8 : i32
          %mul3A_609 = arith.muli %scan3A_607, %mul3A_608 : i32
          %mul3A_610 = arith.constant 0 : i32
          %mul3A_611 = vector.broadcast %mul3A_610 : i32 to vector<16xi32>
          %mul3A_612 = arith.muli %iota3A, %mul3A_611 : vector<16xi32>
          %add3A_613 = arith.constant 0 : i32
          %add3A_614 = arith.addi %mul3A_609, %add3A_613 : i32
          %add3A_615 = vector.broadcast %add3A_614 : i32 to vector<16xi32>
          %add3A_616 = arith.addi %mul3A_612, %add3A_615 : vector<16xi32>
          %add3A_617 = arith.constant 1024 : i32
          %add3A_618 = vector.broadcast %add3A_617 : i32 to vector<16xi32>
          %add3A_619 = arith.addi %add3A_616, %add3A_618 : vector<16xi32>
          %gather3A = tpu.vector_load_idx %arg8[%add3A_619, %iota3A] : memref<2048x16xf32, #tpu.memory_space<vmem>>[vector<16xi32>, vector<16xi32>], vector<16xf32>,
          %add3A_620 = arith.constant 1024 : i32
          %add3A_621 = vector.broadcast %add3A_620 : i32 to vector<16xi32>
          %add3A_622 = arith.addi %add3A_616, %add3A_621 : vector<16xi32>
          %gather3A_623 = tpu.vector_load_idx %arg9[%add3A_622, %iota3A] : memref<2048x16xf32, #tpu.memory_space<vmem>>[vector<16xi32>, vector<16xi32>], vector<16xf32>,
          %mul3A_624 = arith.mulf %gather3A, %gather3A_623 : vector<16xf32>
          tpu.vector_store_idx %arg10[%add3A_547, %add3A_616], %mul3A_624 : memref<32x1025xf32, #tpu.memory_space<vmem>>[vector<16xi32>, vector<16xi32>], vector<16xf32>,
          %mul3A_625 = arith.constant 0 : i32
          %mul3A_626 = vector.broadcast %mul3A_625 : i32 to vector<16xi32>
          %mul3A_627 = arith.muli %iota3A, %mul3A_626 : vector<16xi32>
          %add3A_628 = arith.constant 1 : i32
          %add3A_629 = arith.addi %mul3A_609, %add3A_628 : i32
          %add3A_630 = vector.broadcast %add3A_629 : i32 to vector<16xi32>
          %add3A_631 = arith.addi %mul3A_627, %add3A_630 : vector<16xi32>
          %add3A_632 = arith.constant 1024 : i32
          %add3A_633 = vector.broadcast %add3A_632 : i32 to vector<16xi32>
          %add3A_634 = arith.addi %add3A_631, %add3A_633 : vector<16xi32>
          %gather3A_635 = tpu.vector_load_idx %arg8[%add3A_634, %iota3A] : memref<2048x16xf32, #tpu.memory_space<vmem>>[vector<16xi32>, vector<16xi32>], vector<16xf32>,
          %add3A_636 = arith.constant 1024 : i32
          %add3A_637 = vector.broadcast %add3A_636 : i32 to vector<16xi32>
          %add3A_638 = arith.addi %add3A_631, %add3A_637 : vector<16xi32>
          %gather3A_639 = tpu.vector_load_idx %arg9[%add3A_638, %iota3A] : memref<2048x16xf32, #tpu.memory_space<vmem>>[vector<16xi32>, vector<16xi32>], vector<16xf32>,
          %mul3A_640 = arith.mulf %gather3A_635, %gather3A_639 : vector<16xf32>
          tpu.vector_store_idx %arg10[%add3A_547, %add3A_631], %mul3A_640 : memref<32x1025xf32, #tpu.memory_space<vmem>>[vector<16xi32>, vector<16xi32>], vector<16xf32>,
          %mul3A_641 = arith.constant 0 : i32
          %mul3A_642 = vector.broadcast %mul3A_641 : i32 to vector<16xi32>
          %mul3A_643 = arith.muli %iota3A, %mul3A_642 : vector<16xi32>
          %add3A_644 = arith.constant 2 : i32
          %add3A_645 = arith.addi %mul3A_609, %add3A_644 : i32
          %add3A_646 = vector.broadcast %add3A_645 : i32 to vector<16xi32>
          %add3A_647 = arith.addi %mul3A_643, %add3A_646 : vector<16xi32>
          %add3A_648 = arith.constant 1024 : i32
          %add3A_649 = vector.broadcast %add3A_648 : i32 to vector<16xi32>
          %add3A_650 = arith.addi %add3A_647, %add3A_649 : vector<16xi32>
          %gather3A_651 = tpu.vector_load_idx %arg8[%add3A_650, %iota3A] : memref<2048x16xf32, #tpu.memory_space<vmem>>[vector<16xi32>, vector<16xi32>], vector<16xf32>,
          %add3A_652 = arith.constant 1024 : i32
          %add3A_653 = vector.broadcast %add3A_652 : i32 to vector<16xi32>
          %add3A_654 = arith.addi %add3A_647, %add3A_653 : vector<16xi32>
          %gather3A_655 = tpu.vector_load_idx %arg9[%add3A_654, %iota3A] : memref<2048x16xf32, #tpu.memory_space<vmem>>[vector<16xi32>, vector<16xi32>], vector<16xf32>,
          %mul3A_656 = arith.mulf %gather3A_651, %gather3A_655 : vector<16xf32>
          tpu.vector_store_idx %arg10[%add3A_547, %add3A_647], %mul3A_656 : memref<32x1025xf32, #tpu.memory_space<vmem>>[vector<16xi32>, vector<16xi32>], vector<16xf32>,
          %mul3A_657 = arith.constant 0 : i32
          %mul3A_658 = vector.broadcast %mul3A_657 : i32 to vector<16xi32>
          %mul3A_659 = arith.muli %iota3A, %mul3A_658 : vector<16xi32>
          %add3A_660 = arith.constant 3 : i32
          %add3A_661 = arith.addi %mul3A_609, %add3A_660 : i32
          %add3A_662 = vector.broadcast %add3A_661 : i32 to vector<16xi32>
          %add3A_663 = arith.addi %mul3A_659, %add3A_662 : vector<16xi32>
          %add3A_664 = arith.constant 1024 : i32
          %add3A_665 = vector.broadcast %add3A_664 : i32 to vector<16xi32>
          %add3A_666 = arith.addi %add3A_663, %add3A_665 : vector<16xi32>
          %gather3A_667 = tpu.vector_load_idx %arg8[%add3A_666, %iota3A] : memref<2048x16xf32, #tpu.memory_space<vmem>>[vector<16xi32>, vector<16xi32>], vector<16xf32>,
          %add3A_668 = arith.constant 1024 : i32
          %add3A_669 = vector.broadcast %add3A_668 : i32 to vector<16xi32>
          %add3A_670 = arith.addi %add3A_663, %add3A_669 : vector<16xi32>
          %gather3A_671 = tpu.vector_load_idx %arg9[%add3A_670, %iota3A] : memref<2048x16xf32, #tpu.memory_space<vmem>>[vector<16xi32>, vector<16xi32>], vector<16xf32>,
          %mul3A_672 = arith.mulf %gather3A_667, %gather3A_671 : vector<16xf32>
          tpu.vector_store_idx %arg10[%add3A_547, %add3A_663], %mul3A_672 : memref<32x1025xf32, #tpu.memory_space<vmem>>[vector<16xi32>, vector<16xi32>], vector<16xf32>,
          %mul3A_673 = arith.constant 0 : i32
          %mul3A_674 = vector.broadcast %mul3A_673 : i32 to vector<16xi32>
          %mul3A_675 = arith.muli %iota3A, %mul3A_674 : vector<16xi32>
          %add3A_676 = arith.constant 4 : i32
          %add3A_677 = arith.addi %mul3A_609, %add3A_676 : i32
          %add3A_678 = vector.broadcast %add3A_677 : i32 to vector<16xi32>
          %add3A_679 = arith.addi %mul3A_675, %add3A_678 : vector<16xi32>
          %add3A_680 = arith.constant 1024 : i32
          %add3A_681 = vector.broadcast %add3A_680 : i32 to vector<16xi32>
          %add3A_682 = arith.addi %add3A_679, %add3A_681 : vector<16xi32>
          %gather3A_683 = tpu.vector_load_idx %arg8[%add3A_682, %iota3A] : memref<2048x16xf32, #tpu.memory_space<vmem>>[vector<16xi32>, vector<16xi32>], vector<16xf32>,
          %add3A_684 = arith.constant 1024 : i32
          %add3A_685 = vector.broadcast %add3A_684 : i32 to vector<16xi32>
          %add3A_686 = arith.addi %add3A_679, %add3A_685 : vector<16xi32>
          %gather3A_687 = tpu.vector_load_idx %arg9[%add3A_686, %iota3A] : memref<2048x16xf32, #tpu.memory_space<vmem>>[vector<16xi32>, vector<16xi32>], vector<16xf32>,
          %mul3A_688 = arith.mulf %gather3A_683, %gather3A_687 : vector<16xf32>
          tpu.vector_store_idx %arg10[%add3A_547, %add3A_679], %mul3A_688 : memref<32x1025xf32, #tpu.memory_space<vmem>>[vector<16xi32>, vector<16xi32>], vector<16xf32>,
          %mul3A_689 = arith.constant 0 : i32
          %mul3A_690 = vector.broadcast %mul3A_689 : i32 to vector<16xi32>
          %mul3A_691 = arith.muli %iota3A, %mul3A_690 : vector<16xi32>
          %add3A_692 = arith.constant 5 : i32
          %add3A_693 = arith.addi %mul3A_609, %add3A_692 : i32
          %add3A_694 = vector.broadcast %add3A_693 : i32 to vector<16xi32>
          %add3A_695 = arith.addi %mul3A_691, %add3A_694 : vector<16xi32>
          %add3A_696 = arith.constant 1024 : i32
          %add3A_697 = vector.broadcast %add3A_696 : i32 to vector<16xi32>
          %add3A_698 = arith.addi %add3A_695, %add3A_697 : vector<16xi32>
          %gather3A_699 = tpu.vector_load_idx %arg8[%add3A_698, %iota3A] : memref<2048x16xf32, #tpu.memory_space<vmem>>[vector<16xi32>, vector<16xi32>], vector<16xf32>,
          %add3A_700 = arith.constant 1024 : i32
          %add3A_701 = vector.broadcast %add3A_700 : i32 to vector<16xi32>
          %add3A_702 = arith.addi %add3A_695, %add3A_701 : vector<16xi32>
          %gather3A_703 = tpu.vector_load_idx %arg9[%add3A_702, %iota3A] : memref<2048x16xf32, #tpu.memory_space<vmem>>[vector<16xi32>, vector<16xi32>], vector<16xf32>,
          %mul3A_704 = arith.mulf %gather3A_699, %gather3A_703 : vector<16xf32>
          tpu.vector_store_idx %arg10[%add3A_547, %add3A_695], %mul3A_704 : memref<32x1025xf32, #tpu.memory_space<vmem>>[vector<16xi32>, vector<16xi32>], vector<16xf32>,
          %mul3A_705 = arith.constant 0 : i32
          %mul3A_706 = vector.broadcast %mul3A_705 : i32 to vector<16xi32>
          %mul3A_707 = arith.muli %iota3A, %mul3A_706 : vector<16xi32>
          %add3A_708 = arith.constant 6 : i32
          %add3A_709 = arith.addi %mul3A_609, %add3A_708 : i32
          %add3A_710 = vector.broadcast %add3A_709 : i32 to vector<16xi32>
          %add3A_711 = arith.addi %mul3A_707, %add3A_710 : vector<16xi32>
          %add3A_712 = arith.constant 1024 : i32
          %add3A_713 = vector.broadcast %add3A_712 : i32 to vector<16xi32>
          %add3A_714 = arith.addi %add3A_711, %add3A_713 : vector<16xi32>
          %gather3A_715 = tpu.vector_load_idx %arg8[%add3A_714, %iota3A] : memref<2048x16xf32, #tpu.memory_space<vmem>>[vector<16xi32>, vector<16xi32>], vector<16xf32>,
          %add3A_716 = arith.constant 1024 : i32
          %add3A_717 = vector.broadcast %add3A_716 : i32 to vector<16xi32>
          %add3A_718 = arith.addi %add3A_711, %add3A_717 : vector<16xi32>
          %gather3A_719 = tpu.vector_load_idx %arg9[%add3A_718, %iota3A] : memref<2048x16xf32, #tpu.memory_space<vmem>>[vector<16xi32>, vector<16xi32>], vector<16xf32>,
          %mul3A_720 = arith.mulf %gather3A_715, %gather3A_719 : vector<16xf32>
          tpu.vector_store_idx %arg10[%add3A_547, %add3A_711], %mul3A_720 : memref<32x1025xf32, #tpu.memory_space<vmem>>[vector<16xi32>, vector<16xi32>], vector<16xf32>,
          %mul3A_721 = arith.constant 0 : i32
          %mul3A_722 = vector.broadcast %mul3A_721 : i32 to vector<16xi32>
          %mul3A_723 = arith.muli %iota3A, %mul3A_722 : vector<16xi32>
          %add3A_724 = arith.constant 7 : i32
          %add3A_725 = arith.addi %mul3A_609, %add3A_724 : i32
          %add3A_726 = vector.broadcast %add3A_725 : i32 to vector<16xi32>
          %add3A_727 = arith.addi %mul3A_723, %add3A_726 : vector<16xi32>
          %add3A_728 = arith.constant 1024 : i32
          %add3A_729 = vector.broadcast %add3A_728 : i32 to vector<16xi32>
          %add3A_730 = arith.addi %add3A_727, %add3A_729 : vector<16xi32>
          %gather3A_731 = tpu.vector_load_idx %arg8[%add3A_730, %iota3A] : memref<2048x16xf32, #tpu.memory_space<vmem>>[vector<16xi32>, vector<16xi32>], vector<16xf32>,
          %add3A_732 = arith.constant 1024 : i32
          %add3A_733 = vector.broadcast %add3A_732 : i32 to vector<16xi32>
          %add3A_734 = arith.addi %add3A_727, %add3A_733 : vector<16xi32>
          %gather3A_735 = tpu.vector_load_idx %arg9[%add3A_734, %iota3A] : memref<2048x16xf32, #tpu.memory_space<vmem>>[vector<16xi32>, vector<16xi32>], vector<16xf32>,
          %mul3A_736 = arith.mulf %gather3A_731, %gather3A_735 : vector<16xf32>
          tpu.vector_store_idx %arg10[%add3A_547, %add3A_727], %mul3A_736 : memref<32x1025xf32, #tpu.memory_space<vmem>>[vector<16xi32>, vector<16xi32>], vector<16xf32>,
        }
        %scan3A_552 = arith.constant 128 : i32
        %mul3A_553 = arith.constant 32 : i32
        %mul3A_554 = arith.muli %while3A_300, %mul3A_553 : i32
        %add3A_555 = arith.addi %add3A, %mul3A_554 : i32
        %jit3A_556 = arith.constant 4 : i32
        %div3A = arith.divsi %add3A_555, %jit3A_556 : i32
        %sign3A = arith.constant 0 : i32
        %sign3A_557 = arith.cmpi sgt, %add3A_555, %sign3A : i32
        %sign3A_558 = arith.extui %sign3A_557 : i1 to i32
        %sign3A_559 = arith.constant 0 : i32
        %sign3A_560 = arith.cmpi slt, %add3A_555, %sign3A_559 : i32
        %sign3A_561 = arith.extui %sign3A_560 : i1 to i32
        %sign3A_562 = arith.subi %sign3A_558, %sign3A_561 : i32
        %sign3A_563 = arith.constant 0 : i32
        %sign3A_564 = arith.cmpi sgt, %jit3A_556, %sign3A_563 : i32
        %sign3A_565 = arith.extui %sign3A_564 : i1 to i32
        %sign3A_566 = arith.constant 0 : i32
        %sign3A_567 = arith.cmpi slt, %jit3A_556, %sign3A_566 : i32
        %sign3A_568 = arith.extui %sign3A_567 : i1 to i32
        %sign3A_569 = arith.subi %sign3A_565, %sign3A_568 : i32
        %ne3A_570 = arith.cmpi ne, %sign3A_562, %sign3A_569 : i32
        %rem3A_571 = arith.remsi %add3A_555, %jit3A_556 : i32
        %ne3A_572 = arith.constant 0 : i32
        %ne3A_573 = arith.cmpi ne, %rem3A_571, %ne3A_572 : i32
        %and3A_574 = arith.andi %ne3A_570, %ne3A_573 : i1
        %sub3A = arith.constant 1 : i32
        %sub3A_575 = arith.subi %div3A, %sub3A : i32
        %select_n3A_576 = arith.select %and3A_574, %sub3A_575, %div3A : i32
        %jit3A_577 = arith.constant 4 : i32
        %eq3A_578 = arith.constant 0 : i32
        %eq3A_579 = arith.cmpi eq, %jit3A_577, %eq3A_578 : i32
        %jit3A_580 = arith.constant 1 : i32
        %select_n3A_581 = arith.select %eq3A_579, %jit3A_580, %jit3A_577 : i32
        %rem3A_582 = arith.remsi %add3A_555, %select_n3A_581 : i32
        %ne3A_583 = arith.constant 0 : i32
        %ne3A_584 = arith.cmpi ne, %rem3A_582, %ne3A_583 : i32
        %lt3A_585 = arith.constant 0 : i32
        %lt3A_586 = arith.cmpi slt, %rem3A_582, %lt3A_585 : i32
        %lt3A_587 = arith.constant 0 : i32
        %lt3A_588 = arith.cmpi slt, %select_n3A_581, %lt3A_587 : i32
        %ne3A_589 = arith.xori %lt3A_586, %lt3A_588 : i1
        %and3A_590 = arith.andi %ne3A_589, %ne3A_584 : i1
        %add3A_591 = arith.addi %rem3A_582, %select_n3A_581 : i32
        %select_n3A_592 = arith.select %and3A_590, %add3A_591, %rem3A_582 : i32
        %mul3A_593 = arith.constant 1024 : i32
        %mul3A_594 = arith.muli %select_n3A_592, %mul3A_593 : i32
        %dma_start3A_595 = arith.constant 16 : i32
        %dma_start3A_596 = arith.constant 0 : i32
        %dma_start3A_597 = tpu.memref_slice %arg10[%dma_start3A_595, %dma_start3A_596] : memref<32x1025xf32, #tpu.memory_space<vmem>> -> memref<16x1024xf32, #tpu.memory_space<vmem>>
        %dma_start3A_598 = arith.constant 0 : i32
        %dma_start3A_599 = tpu.memref_slice %arg5[%select_n3A_576, %dma_start3A_598, %mul3A_594] : memref<325x16x4096xf32, #tpu.memory_space<hbm>> -> memref<1x16x1024xf32, #tpu.memory_space<hbm>>
        %dma_start3A_600 = tpu.memref_squeeze %dma_start3A_599 : memref<1x16x1024xf32, #tpu.memory_space<hbm>> -> memref<16x1024xf32, #tpu.memory_space<hbm>>
        %dma_start3A_601 = arith.constant 0 : i32
        %dma_start3A_602 = tpu.memref_slice %arg5[%select_n3A_576, %dma_start3A_601, %mul3A_594] : memref<325x16x4096xf32, #tpu.memory_space<hbm>> -> memref<1x16x1024xf32, #tpu.memory_space<hbm>>
        %dma_start3A_603 = tpu.memref_squeeze %dma_start3A_602 : memref<1x16x1024xf32, #tpu.memory_space<hbm>> -> memref<16x1024xf32, #tpu.memory_space<hbm>>
        %dma_start3A_604 = arith.constant 16 : i32
        %dma_start3A_605 = arith.constant 0 : i32
        %dma_start3A_606 = tpu.memref_slice %arg10[%dma_start3A_604, %dma_start3A_605] : memref<32x1025xf32, #tpu.memory_space<vmem>> -> memref<16x1024xf32, #tpu.memory_space<vmem>>
        tpu.enqueue_dma source(%dma_start3A_606 : memref<16x1024xf32, #tpu.memory_space<vmem>>) target(%dma_start3A_603 : memref<16x1024xf32, #tpu.memory_space<hbm>>) target_semaphore(%arg15 : memref<!tpu.dma_semaphore, #tpu.memory_space<semaphore_mem>>)
      } else {
      }
    }
    %while3A_269 = arith.constant 1 : i32
    scf.for %while3A_300 = %while3A_267 to %while3A_263 step %while3A_269  : i32 {
      %jit3A_301 = arith.constant 2 : i32
      %eq3A = arith.constant 0 : i32
      %eq3A_302 = arith.cmpi eq, %jit3A_301, %eq3A : i32
      %jit3A_303 = arith.constant 1 : i32
      %select_n3A_304 = arith.select %eq3A_302, %jit3A_303, %jit3A_301 : i32
      %rem3A = arith.remsi %while3A_300, %select_n3A_304 : i32
      %ne3A = arith.constant 0 : i32
      %ne3A_305 = arith.cmpi ne, %rem3A, %ne3A : i32
      %lt3A_306 = arith.constant 0 : i32
      %lt3A_307 = arith.cmpi slt, %rem3A, %lt3A_306 : i32
      %lt3A_308 = arith.constant 0 : i32
      %lt3A_309 = arith.cmpi slt, %select_n3A_304, %lt3A_308 : i32
      %ne3A_310 = arith.xori %lt3A_307, %lt3A_309 : i1
      %and3A = arith.andi %ne3A_310, %ne3A_305 : i1
      %add3A_311 = arith.addi %rem3A, %select_n3A_304 : i32
      %select_n3A_312 = arith.select %and3A, %add3A_311, %rem3A : i32
      %eq3A_313 = arith.constant 0 : i32
      %eq3A_314 = arith.cmpi eq, %select_n3A_312, %eq3A_313 : i32
      %convert_element_type3A = arith.extui %eq3A_314 : i1 to i32
      %cond3A = arith.constant 0 : i32
      %cond3A_315 = arith.cmpi ne, %convert_element_type3A, %cond3A : i32
      scf.if %cond3A_315 {
        %add3A_337 = arith.constant 1 : i32
        %add3A_338 = arith.addi %while3A_300, %add3A_337 : i32
        %lt3A_339 = arith.cmpi slt, %add3A_338, %add3A_4 : i32
        %convert_element_type3A_340 = arith.extui %lt3A_339 : i1 to i32
        %cond3A_341 = arith.constant 0 : i32
        %cond3A_342 = arith.cmpi ne, %convert_element_type3A_340, %cond3A_341 : i32
        scf.if %cond3A_342 {
          %add3A_607 = arith.constant 1 : i32
          %add3A_608 = arith.addi %while3A_300, %add3A_607 : i32
          %mul3A_609 = arith.constant 32 : i32
          %mul3A_610 = arith.muli %add3A_608, %mul3A_609 : i32
          %add3A_611 = arith.addi %add3A, %mul3A_610 : i32
          %mul3A_612 = arith.constant 1024 : i32
          %mul3A_613 = arith.muli %add3A_611, %mul3A_612 : i32
          %dma_wait3A_614 = arith.constant 1 : i32
          %dma_wait3A_615 = arith.constant 0 : i32
          %dma_wait3A_616 = tpu.memref_slice %arg6[%dma_wait3A_614, %dma_wait3A_615] : memref<2x1024xi32, #tpu.memory_space<vmem>> -> memref<1x1024xi32, #tpu.memory_space<vmem>>
          %dma_wait3A_617 = tpu.memref_squeeze %dma_wait3A_616 : memref<1x1024xi32, #tpu.memory_space<vmem>> -> memref<1024xi32, #tpu.memory_space<vmem>>
          %dma_wait3A_618 = tpu.memref_slice %arg2[%mul3A_613] : memref<1331200xi32, #tpu.memory_space<hbm>> -> memref<1024xi32, #tpu.memory_space<hbm>>
          %dma_wait3A_619 = arith.constant 0 : i32
          %dma_wait3A_620 = tpu.memref_slice %arg6[%dma_wait3A_614, %dma_wait3A_619] : memref<2x1024xi32, #tpu.memory_space<vmem>> -> memref<1x1024xi32, #tpu.memory_space<vmem>>
          %dma_wait3A_621 = tpu.memref_squeeze %dma_wait3A_620 : memref<1x1024xi32, #tpu.memory_space<vmem>> -> memref<1024xi32, #tpu.memory_space<vmem>>
          %dma_wait3A_622 = tpu.memref_slice %arg2[%mul3A_613] : memref<1331200xi32, #tpu.memory_space<hbm>> -> memref<1024xi32, #tpu.memory_space<hbm>>
          tpu.wait_dma2 semaphore(%arg11 : memref<!tpu.dma_semaphore, #tpu.memory_space<semaphore_mem>>) src(%dma_wait3A_622 : memref<1024xi32, #tpu.memory_space<hbm>>) dst(%dma_wait3A_621 : memref<1024xi32, #tpu.memory_space<vmem>>)
          %dma_wait3A_623 = arith.constant 1 : i32
          %dma_wait3A_624 = arith.constant 0 : i32
          %dma_wait3A_625 = tpu.memref_slice %arg7[%dma_wait3A_623, %dma_wait3A_624] : memref<2x1024xi32, #tpu.memory_space<vmem>> -> memref<1x1024xi32, #tpu.memory_space<vmem>>
          %dma_wait3A_626 = tpu.memref_squeeze %dma_wait3A_625 : memref<1x1024xi32, #tpu.memory_space<vmem>> -> memref<1024xi32, #tpu.memory_space<vmem>>
          %dma_wait3A_627 = tpu.memref_slice %arg3[%mul3A_613] : memref<1331200xi32, #tpu.memory_space<hbm>> -> memref<1024xi32, #tpu.memory_space<hbm>>
          %dma_wait3A_628 = arith.constant 0 : i32
          %dma_wait3A_629 = tpu.memref_slice %arg7[%dma_wait3A_623, %dma_wait3A_628] : memref<2x1024xi32, #tpu.memory_space<vmem>> -> memref<1x1024xi32, #tpu.memory_space<vmem>>
          %dma_wait3A_630 = tpu.memref_squeeze %dma_wait3A_629 : memref<1x1024xi32, #tpu.memory_space<vmem>> -> memref<1024xi32, #tpu.memory_space<vmem>>
          %dma_wait3A_631 = tpu.memref_slice %arg3[%mul3A_613] : memref<1331200xi32, #tpu.memory_space<hbm>> -> memref<1024xi32, #tpu.memory_space<hbm>>
          tpu.wait_dma2 semaphore(%arg11 : memref<!tpu.dma_semaphore, #tpu.memory_space<semaphore_mem>>) src(%dma_wait3A_631 : memref<1024xi32, #tpu.memory_space<hbm>>) dst(%dma_wait3A_630 : memref<1024xi32, #tpu.memory_space<vmem>>)
          %dma_start3A_632 = arith.constant 1 : i32
          %dma_start3A_633 = arith.constant 1024 : i32
          %dma_start3A_634 = arith.constant 0 : i32
          %dma_start3A_635 = tpu.memref_slice %arg8[%dma_start3A_633, %dma_start3A_634] : memref<2048x16xf32, #tpu.memory_space<vmem>> -> memref<128x16xf32, #tpu.memory_space<vmem>>
          %dma_start3A_636 = arith.constant 0 : i32
          %dma_start3A_637 = tpu.memref_slice %arg6[%dma_start3A_632, %dma_start3A_636] : memref<2x1024xi32, #tpu.memory_space<vmem>> -> memref<1x1024xi32, #tpu.memory_space<vmem>>
          %dma_start3A_638 = tpu.memref_squeeze %dma_start3A_637 : memref<1x1024xi32, #tpu.memory_space<vmem>> -> memref<1024xi32, #tpu.memory_space<vmem>>
          %dma_start3A_639 = arith.constant 0 : i32
          %dma_start3A_640 = tpu.memref_slice %dma_start3A_638[%dma_start3A_639] : memref<1024xi32, #tpu.memory_space<vmem>> -> memref<128xi32, #tpu.memory_space<vmem>>
          %dma_start3A_641 = arith.constant 0 : i32
          %dma_start3A_642 = arith.constant 0 : i32
          %dma_start3A_643 = tpu.memref_slice %arg4[%dma_start3A_641, %dma_start3A_642] : memref<2600000x16xf32, #tpu.memory_space<hbm>> -> memref<2600000x16xf32, #tpu.memory_space<hbm>>
          tpu.enqueue_indirect_dma source(%dma_start3A_643 : memref<2600000x16xf32, #tpu.memory_space<hbm>>) target(%dma_start3A_635 : memref<128x16xf32, #tpu.memory_space<vmem>>) offsets(%dma_start3A_640 : memref<128xi32, #tpu.memory_space<vmem>>) semaphore(%arg13 : memref<!tpu.dma_semaphore, #tpu.memory_space<semaphore_mem>>)
          %dma_start3A_644 = arith.constant 1 : i32
          %dma_start3A_645 = arith.constant 1024 : i32
          %dma_start3A_646 = arith.constant 0 : i32
          %dma_start3A_647 = tpu.memref_slice %arg9[%dma_start3A_645, %dma_start3A_646] : memref<2048x16xf32, #tpu.memory_space<vmem>> -> memref<128x16xf32, #tpu.memory_space<vmem>>
          %dma_start3A_648 = arith.constant 0 : i32
          %dma_start3A_649 = tpu.memref_slice %arg7[%dma_start3A_644, %dma_start3A_648] : memref<2x1024xi32, #tpu.memory_space<vmem>> -> memref<1x1024xi32, #tpu.memory_space<vmem>>
          %dma_start3A_650 = tpu.memref_squeeze %dma_start3A_649 : memref<1x1024xi32, #tpu.memory_space<vmem>> -> memref<1024xi32, #tpu.memory_space<vmem>>
          %dma_start3A_651 = arith.constant 0 : i32
          %dma_start3A_652 = tpu.memref_slice %dma_start3A_650[%dma_start3A_651] : memref<1024xi32, #tpu.memory_space<vmem>> -> memref<128xi32, #tpu.memory_space<vmem>>
          %dma_start3A_653 = arith.constant 0 : i32
          %dma_start3A_654 = arith.constant 0 : i32
          %dma_start3A_655 = tpu.memref_slice %arg4[%dma_start3A_653, %dma_start3A_654] : memref<2600000x16xf32, #tpu.memory_space<hbm>> -> memref<2600000x16xf32, #tpu.memory_space<hbm>>
          tpu.enqueue_indirect_dma source(%dma_start3A_655 : memref<2600000x16xf32, #tpu.memory_space<hbm>>) target(%dma_start3A_647 : memref<128x16xf32, #tpu.memory_space<vmem>>) offsets(%dma_start3A_652 : memref<128xi32, #tpu.memory_space<vmem>>) semaphore(%arg13 : memref<!tpu.dma_semaphore, #tpu.memory_space<semaphore_mem>>)
          %dma_start3A_656 = arith.constant 1 : i32
          %dma_start3A_657 = arith.constant 1152 : i32
          %dma_start3A_658 = arith.constant 0 : i32
          %dma_start3A_659 = tpu.memref_slice %arg8[%dma_start3A_657, %dma_start3A_658] : memref<2048x16xf32, #tpu.memory_space<vmem>> -> memref<128x16xf32, #tpu.memory_space<vmem>>
          %dma_start3A_660 = arith.constant 0 : i32
          %dma_start3A_661 = tpu.memref_slice %arg6[%dma_start3A_656, %dma_start3A_660] : memref<2x1024xi32, #tpu.memory_space<vmem>> -> memref<1x1024xi32, #tpu.memory_space<vmem>>
          %dma_start3A_662 = tpu.memref_squeeze %dma_start3A_661 : memref<1x1024xi32, #tpu.memory_space<vmem>> -> memref<1024xi32, #tpu.memory_space<vmem>>
          %dma_start3A_663 = arith.constant 128 : i32
          %dma_start3A_664 = tpu.memref_slice %dma_start3A_662[%dma_start3A_663] : memref<1024xi32, #tpu.memory_space<vmem>> -> memref<128xi32, #tpu.memory_space<vmem>>
          %dma_start3A_665 = arith.constant 0 : i32
          %dma_start3A_666 = arith.constant 0 : i32
          %dma_start3A_667 = tpu.memref_slice %arg4[%dma_start3A_665, %dma_start3A_666] : memref<2600000x16xf32, #tpu.memory_space<hbm>> -> memref<2600000x16xf32, #tpu.memory_space<hbm>>
          tpu.enqueue_indirect_dma source(%dma_start3A_667 : memref<2600000x16xf32, #tpu.memory_space<hbm>>) target(%dma_start3A_659 : memref<128x16xf32, #tpu.memory_space<vmem>>) offsets(%dma_start3A_664 : memref<128xi32, #tpu.memory_space<vmem>>) semaphore(%arg13 : memref<!tpu.dma_semaphore, #tpu.memory_space<semaphore_mem>>)
          %dma_start3A_668 = arith.constant 1 : i32
          %dma_start3A_669 = arith.constant 1152 : i32
          %dma_start3A_670 = arith.constant 0 : i32
          %dma_start3A_671 = tpu.memref_slice %arg9[%dma_start3A_669, %dma_start3A_670] : memref<2048x16xf32, #tpu.memory_space<vmem>> -> memref<128x16xf32, #tpu.memory_space<vmem>>
          %dma_start3A_672 = arith.constant 0 : i32
          %dma_start3A_673 = tpu.memref_slice %arg7[%dma_start3A_668, %dma_start3A_672] : memref<2x1024xi32, #tpu.memory_space<vmem>> -> memref<1x1024xi32, #tpu.memory_space<vmem>>
          %dma_start3A_674 = tpu.memref_squeeze %dma_start3A_673 : memref<1x1024xi32, #tpu.memory_space<vmem>> -> memref<1024xi32, #tpu.memory_space<vmem>>
          %dma_start3A_675 = arith.constant 128 : i32
          %dma_start3A_676 = tpu.memref_slice %dma_start3A_674[%dma_start3A_675] : memref<1024xi32, #tpu.memory_space<vmem>> -> memref<128xi32, #tpu.memory_space<vmem>>
          %dma_start3A_677 = arith.constant 0 : i32
          %dma_start3A_678 = arith.constant 0 : i32
          %dma_start3A_679 = tpu.memref_slice %arg4[%dma_start3A_677, %dma_start3A_678] : memref<2600000x16xf32, #tpu.memory_space<hbm>> -> memref<2600000x16xf32, #tpu.memory_space<hbm>>
          tpu.enqueue_indirect_dma source(%dma_start3A_679 : memref<2600000x16xf32, #tpu.memory_space<hbm>>) target(%dma_start3A_671 : memref<128x16xf32, #tpu.memory_space<vmem>>) offsets(%dma_start3A_676 : memref<128xi32, #tpu.memory_space<vmem>>) semaphore(%arg13 : memref<!tpu.dma_semaphore, #tpu.memory_space<semaphore_mem>>)
          %dma_start3A_680 = arith.constant 1 : i32
          %dma_start3A_681 = arith.constant 1280 : i32
          %dma_start3A_682 = arith.constant 0 : i32
          %dma_start3A_683 = tpu.memref_slice %arg8[%dma_start3A_681, %dma_start3A_682] : memref<2048x16xf32, #tpu.memory_space<vmem>> -> memref<128x16xf32, #tpu.memory_space<vmem>>
          %dma_start3A_684 = arith.constant 0 : i32
          %dma_start3A_685 = tpu.memref_slice %arg6[%dma_start3A_680, %dma_start3A_684] : memref<2x1024xi32, #tpu.memory_space<vmem>> -> memref<1x1024xi32, #tpu.memory_space<vmem>>
          %dma_start3A_686 = tpu.memref_squeeze %dma_start3A_685 : memref<1x1024xi32, #tpu.memory_space<vmem>> -> memref<1024xi32, #tpu.memory_space<vmem>>
          %dma_start3A_687 = arith.constant 256 : i32
          %dma_start3A_688 = tpu.memref_slice %dma_start3A_686[%dma_start3A_687] : memref<1024xi32, #tpu.memory_space<vmem>> -> memref<128xi32, #tpu.memory_space<vmem>>
          %dma_start3A_689 = arith.constant 0 : i32
          %dma_start3A_690 = arith.constant 0 : i32
          %dma_start3A_691 = tpu.memref_slice %arg4[%dma_start3A_689, %dma_start3A_690] : memref<2600000x16xf32, #tpu.memory_space<hbm>> -> memref<2600000x16xf32, #tpu.memory_space<hbm>>
          tpu.enqueue_indirect_dma source(%dma_start3A_691 : memref<2600000x16xf32, #tpu.memory_space<hbm>>) target(%dma_start3A_683 : memref<128x16xf32, #tpu.memory_space<vmem>>) offsets(%dma_start3A_688 : memref<128xi32, #tpu.memory_space<vmem>>) semaphore(%arg13 : memref<!tpu.dma_semaphore, #tpu.memory_space<semaphore_mem>>)
          %dma_start3A_692 = arith.constant 1 : i32
          %dma_start3A_693 = arith.constant 1280 : i32
          %dma_start3A_694 = arith.constant 0 : i32
          %dma_start3A_695 = tpu.memref_slice %arg9[%dma_start3A_693, %dma_start3A_694] : memref<2048x16xf32, #tpu.memory_space<vmem>> -> memref<128x16xf32, #tpu.memory_space<vmem>>
          %dma_start3A_696 = arith.constant 0 : i32
          %dma_start3A_697 = tpu.memref_slice %arg7[%dma_start3A_692, %dma_start3A_696] : memref<2x1024xi32, #tpu.memory_space<vmem>> -> memref<1x1024xi32, #tpu.memory_space<vmem>>
          %dma_start3A_698 = tpu.memref_squeeze %dma_start3A_697 : memref<1x1024xi32, #tpu.memory_space<vmem>> -> memref<1024xi32, #tpu.memory_space<vmem>>
          %dma_start3A_699 = arith.constant 256 : i32
          %dma_start3A_700 = tpu.memref_slice %dma_start3A_698[%dma_start3A_699] : memref<1024xi32, #tpu.memory_space<vmem>> -> memref<128xi32, #tpu.memory_space<vmem>>
          %dma_start3A_701 = arith.constant 0 : i32
          %dma_start3A_702 = arith.constant 0 : i32
          %dma_start3A_703 = tpu.memref_slice %arg4[%dma_start3A_701, %dma_start3A_702] : memref<2600000x16xf32, #tpu.memory_space<hbm>> -> memref<2600000x16xf32, #tpu.memory_space<hbm>>
          tpu.enqueue_indirect_dma source(%dma_start3A_703 : memref<2600000x16xf32, #tpu.memory_space<hbm>>) target(%dma_start3A_695 : memref<128x16xf32, #tpu.memory_space<vmem>>) offsets(%dma_start3A_700 : memref<128xi32, #tpu.memory_space<vmem>>) semaphore(%arg13 : memref<!tpu.dma_semaphore, #tpu.memory_space<semaphore_mem>>)
          %dma_start3A_704 = arith.constant 1 : i32
          %dma_start3A_705 = arith.constant 1408 : i32
          %dma_start3A_706 = arith.constant 0 : i32
          %dma_start3A_707 = tpu.memref_slice %arg8[%dma_start3A_705, %dma_start3A_706] : memref<2048x16xf32, #tpu.memory_space<vmem>> -> memref<128x16xf32, #tpu.memory_space<vmem>>
          %dma_start3A_708 = arith.constant 0 : i32
          %dma_start3A_709 = tpu.memref_slice %arg6[%dma_start3A_704, %dma_start3A_708] : memref<2x1024xi32, #tpu.memory_space<vmem>> -> memref<1x1024xi32, #tpu.memory_space<vmem>>
          %dma_start3A_710 = tpu.memref_squeeze %dma_start3A_709 : memref<1x1024xi32, #tpu.memory_space<vmem>> -> memref<1024xi32, #tpu.memory_space<vmem>>
          %dma_start3A_711 = arith.constant 384 : i32
          %dma_start3A_712 = tpu.memref_slice %dma_start3A_710[%dma_start3A_711] : memref<1024xi32, #tpu.memory_space<vmem>> -> memref<128xi32, #tpu.memory_space<vmem>>
          %dma_start3A_713 = arith.constant 0 : i32
          %dma_start3A_714 = arith.constant 0 : i32
          %dma_start3A_715 = tpu.memref_slice %arg4[%dma_start3A_713, %dma_start3A_714] : memref<2600000x16xf32, #tpu.memory_space<hbm>> -> memref<2600000x16xf32, #tpu.memory_space<hbm>>
          tpu.enqueue_indirect_dma source(%dma_start3A_715 : memref<2600000x16xf32, #tpu.memory_space<hbm>>) target(%dma_start3A_707 : memref<128x16xf32, #tpu.memory_space<vmem>>) offsets(%dma_start3A_712 : memref<128xi32, #tpu.memory_space<vmem>>) semaphore(%arg13 : memref<!tpu.dma_semaphore, #tpu.memory_space<semaphore_mem>>)
          %dma_start3A_716 = arith.constant 1 : i32
          %dma_start3A_717 = arith.constant 1408 : i32
          %dma_start3A_718 = arith.constant 0 : i32
          %dma_start3A_719 = tpu.memref_slice %arg9[%dma_start3A_717, %dma_start3A_718] : memref<2048x16xf32, #tpu.memory_space<vmem>> -> memref<128x16xf32, #tpu.memory_space<vmem>>
          %dma_start3A_720 = arith.constant 0 : i32
          %dma_start3A_721 = tpu.memref_slice %arg7[%dma_start3A_716, %dma_start3A_720] : memref<2x1024xi32, #tpu.memory_space<vmem>> -> memref<1x1024xi32, #tpu.memory_space<vmem>>
          %dma_start3A_722 = tpu.memref_squeeze %dma_start3A_721 : memref<1x1024xi32, #tpu.memory_space<vmem>> -> memref<1024xi32, #tpu.memory_space<vmem>>
          %dma_start3A_723 = arith.constant 384 : i32
          %dma_start3A_724 = tpu.memref_slice %dma_start3A_722[%dma_start3A_723] : memref<1024xi32, #tpu.memory_space<vmem>> -> memref<128xi32, #tpu.memory_space<vmem>>
          %dma_start3A_725 = arith.constant 0 : i32
          %dma_start3A_726 = arith.constant 0 : i32
          %dma_start3A_727 = tpu.memref_slice %arg4[%dma_start3A_725, %dma_start3A_726] : memref<2600000x16xf32, #tpu.memory_space<hbm>> -> memref<2600000x16xf32, #tpu.memory_space<hbm>>
          tpu.enqueue_indirect_dma source(%dma_start3A_727 : memref<2600000x16xf32, #tpu.memory_space<hbm>>) target(%dma_start3A_719 : memref<128x16xf32, #tpu.memory_space<vmem>>) offsets(%dma_start3A_724 : memref<128xi32, #tpu.memory_space<vmem>>) semaphore(%arg13 : memref<!tpu.dma_semaphore, #tpu.memory_space<semaphore_mem>>)
          %dma_start3A_728 = arith.constant 1 : i32
          %dma_start3A_729 = arith.constant 1536 : i32
          %dma_start3A_730 = arith.constant 0 : i32
          %dma_start3A_731 = tpu.memref_slice %arg8[%dma_start3A_729, %dma_start3A_730] : memref<2048x16xf32, #tpu.memory_space<vmem>> -> memref<128x16xf32, #tpu.memory_space<vmem>>
          %dma_start3A_732 = arith.constant 0 : i32
          %dma_start3A_733 = tpu.memref_slice %arg6[%dma_start3A_728, %dma_start3A_732] : memref<2x1024xi32, #tpu.memory_space<vmem>> -> memref<1x1024xi32, #tpu.memory_space<vmem>>
          %dma_start3A_734 = tpu.memref_squeeze %dma_start3A_733 : memref<1x1024xi32, #tpu.memory_space<vmem>> -> memref<1024xi32, #tpu.memory_space<vmem>>
          %dma_start3A_735 = arith.constant 512 : i32
          %dma_start3A_736 = tpu.memref_slice %dma_start3A_734[%dma_start3A_735] : memref<1024xi32, #tpu.memory_space<vmem>> -> memref<128xi32, #tpu.memory_space<vmem>>
          %dma_start3A_737 = arith.constant 0 : i32
          %dma_start3A_738 = arith.constant 0 : i32
          %dma_start3A_739 = tpu.memref_slice %arg4[%dma_start3A_737, %dma_start3A_738] : memref<2600000x16xf32, #tpu.memory_space<hbm>> -> memref<2600000x16xf32, #tpu.memory_space<hbm>>
          tpu.enqueue_indirect_dma source(%dma_start3A_739 : memref<2600000x16xf32, #tpu.memory_space<hbm>>) target(%dma_start3A_731 : memref<128x16xf32, #tpu.memory_space<vmem>>) offsets(%dma_start3A_736 : memref<128xi32, #tpu.memory_space<vmem>>) semaphore(%arg13 : memref<!tpu.dma_semaphore, #tpu.memory_space<semaphore_mem>>)
          %dma_start3A_740 = arith.constant 1 : i32
          %dma_start3A_741 = arith.constant 1536 : i32
          %dma_start3A_742 = arith.constant 0 : i32
          %dma_start3A_743 = tpu.memref_slice %arg9[%dma_start3A_741, %dma_start3A_742] : memref<2048x16xf32, #tpu.memory_space<vmem>> -> memref<128x16xf32, #tpu.memory_space<vmem>>
          %dma_start3A_744 = arith.constant 0 : i32
          %dma_start3A_745 = tpu.memref_slice %arg7[%dma_start3A_740, %dma_start3A_744] : memref<2x1024xi32, #tpu.memory_space<vmem>> -> memref<1x1024xi32, #tpu.memory_space<vmem>>
          %dma_start3A_746 = tpu.memref_squeeze %dma_start3A_745 : memref<1x1024xi32, #tpu.memory_space<vmem>> -> memref<1024xi32, #tpu.memory_space<vmem>>
          %dma_start3A_747 = arith.constant 512 : i32
          %dma_start3A_748 = tpu.memref_slice %dma_start3A_746[%dma_start3A_747] : memref<1024xi32, #tpu.memory_space<vmem>> -> memref<128xi32, #tpu.memory_space<vmem>>
          %dma_start3A_749 = arith.constant 0 : i32
          %dma_start3A_750 = arith.constant 0 : i32
          %dma_start3A_751 = tpu.memref_slice %arg4[%dma_start3A_749, %dma_start3A_750] : memref<2600000x16xf32, #tpu.memory_space<hbm>> -> memref<2600000x16xf32, #tpu.memory_space<hbm>>
          tpu.enqueue_indirect_dma source(%dma_start3A_751 : memref<2600000x16xf32, #tpu.memory_space<hbm>>) target(%dma_start3A_743 : memref<128x16xf32, #tpu.memory_space<vmem>>) offsets(%dma_start3A_748 : memref<128xi32, #tpu.memory_space<vmem>>) semaphore(%arg13 : memref<!tpu.dma_semaphore, #tpu.memory_space<semaphore_mem>>)
          %dma_start3A_752 = arith.constant 1 : i32
          %dma_start3A_753 = arith.constant 1664 : i32
          %dma_start3A_754 = arith.constant 0 : i32
          %dma_start3A_755 = tpu.memref_slice %arg8[%dma_start3A_753, %dma_start3A_754] : memref<2048x16xf32, #tpu.memory_space<vmem>> -> memref<128x16xf32, #tpu.memory_space<vmem>>
          %dma_start3A_756 = arith.constant 0 : i32
          %dma_start3A_757 = tpu.memref_slice %arg6[%dma_start3A_752, %dma_start3A_756] : memref<2x1024xi32, #tpu.memory_space<vmem>> -> memref<1x1024xi32, #tpu.memory_space<vmem>>
          %dma_start3A_758 = tpu.memref_squeeze %dma_start3A_757 : memref<1x1024xi32, #tpu.memory_space<vmem>> -> memref<1024xi32, #tpu.memory_space<vmem>>
          %dma_start3A_759 = arith.constant 640 : i32
          %dma_start3A_760 = tpu.memref_slice %dma_start3A_758[%dma_start3A_759] : memref<1024xi32, #tpu.memory_space<vmem>> -> memref<128xi32, #tpu.memory_space<vmem>>
          %dma_start3A_761 = arith.constant 0 : i32
          %dma_start3A_762 = arith.constant 0 : i32
          %dma_start3A_763 = tpu.memref_slice %arg4[%dma_start3A_761, %dma_start3A_762] : memref<2600000x16xf32, #tpu.memory_space<hbm>> -> memref<2600000x16xf32, #tpu.memory_space<hbm>>
          tpu.enqueue_indirect_dma source(%dma_start3A_763 : memref<2600000x16xf32, #tpu.memory_space<hbm>>) target(%dma_start3A_755 : memref<128x16xf32, #tpu.memory_space<vmem>>) offsets(%dma_start3A_760 : memref<128xi32, #tpu.memory_space<vmem>>) semaphore(%arg13 : memref<!tpu.dma_semaphore, #tpu.memory_space<semaphore_mem>>)
          %dma_start3A_764 = arith.constant 1 : i32
          %dma_start3A_765 = arith.constant 1664 : i32
          %dma_start3A_766 = arith.constant 0 : i32
          %dma_start3A_767 = tpu.memref_slice %arg9[%dma_start3A_765, %dma_start3A_766] : memref<2048x16xf32, #tpu.memory_space<vmem>> -> memref<128x16xf32, #tpu.memory_space<vmem>>
          %dma_start3A_768 = arith.constant 0 : i32
          %dma_start3A_769 = tpu.memref_slice %arg7[%dma_start3A_764, %dma_start3A_768] : memref<2x1024xi32, #tpu.memory_space<vmem>> -> memref<1x1024xi32, #tpu.memory_space<vmem>>
          %dma_start3A_770 = tpu.memref_squeeze %dma_start3A_769 : memref<1x1024xi32, #tpu.memory_space<vmem>> -> memref<1024xi32, #tpu.memory_space<vmem>>
          %dma_start3A_771 = arith.constant 640 : i32
          %dma_start3A_772 = tpu.memref_slice %dma_start3A_770[%dma_start3A_771] : memref<1024xi32, #tpu.memory_space<vmem>> -> memref<128xi32, #tpu.memory_space<vmem>>
          %dma_start3A_773 = arith.constant 0 : i32
          %dma_start3A_774 = arith.constant 0 : i32
          %dma_start3A_775 = tpu.memref_slice %arg4[%dma_start3A_773, %dma_start3A_774] : memref<2600000x16xf32, #tpu.memory_space<hbm>> -> memref<2600000x16xf32, #tpu.memory_space<hbm>>
          tpu.enqueue_indirect_dma source(%dma_start3A_775 : memref<2600000x16xf32, #tpu.memory_space<hbm>>) target(%dma_start3A_767 : memref<128x16xf32, #tpu.memory_space<vmem>>) offsets(%dma_start3A_772 : memref<128xi32, #tpu.memory_space<vmem>>) semaphore(%arg13 : memref<!tpu.dma_semaphore, #tpu.memory_space<semaphore_mem>>)
          %dma_start3A_776 = arith.constant 1 : i32
          %dma_start3A_777 = arith.constant 1792 : i32
          %dma_start3A_778 = arith.constant 0 : i32
          %dma_start3A_779 = tpu.memref_slice %arg8[%dma_start3A_777, %dma_start3A_778] : memref<2048x16xf32, #tpu.memory_space<vmem>> -> memref<128x16xf32, #tpu.memory_space<vmem>>
          %dma_start3A_780 = arith.constant 0 : i32
          %dma_start3A_781 = tpu.memref_slice %arg6[%dma_start3A_776, %dma_start3A_780] : memref<2x1024xi32, #tpu.memory_space<vmem>> -> memref<1x1024xi32, #tpu.memory_space<vmem>>
          %dma_start3A_782 = tpu.memref_squeeze %dma_start3A_781 : memref<1x1024xi32, #tpu.memory_space<vmem>> -> memref<1024xi32, #tpu.memory_space<vmem>>
          %dma_start3A_783 = arith.constant 768 : i32
          %dma_start3A_784 = tpu.memref_slice %dma_start3A_782[%dma_start3A_783] : memref<1024xi32, #tpu.memory_space<vmem>> -> memref<128xi32, #tpu.memory_space<vmem>>
          %dma_start3A_785 = arith.constant 0 : i32
          %dma_start3A_786 = arith.constant 0 : i32
          %dma_start3A_787 = tpu.memref_slice %arg4[%dma_start3A_785, %dma_start3A_786] : memref<2600000x16xf32, #tpu.memory_space<hbm>> -> memref<2600000x16xf32, #tpu.memory_space<hbm>>
          tpu.enqueue_indirect_dma source(%dma_start3A_787 : memref<2600000x16xf32, #tpu.memory_space<hbm>>) target(%dma_start3A_779 : memref<128x16xf32, #tpu.memory_space<vmem>>) offsets(%dma_start3A_784 : memref<128xi32, #tpu.memory_space<vmem>>) semaphore(%arg13 : memref<!tpu.dma_semaphore, #tpu.memory_space<semaphore_mem>>)
          %dma_start3A_788 = arith.constant 1 : i32
          %dma_start3A_789 = arith.constant 1792 : i32
          %dma_start3A_790 = arith.constant 0 : i32
          %dma_start3A_791 = tpu.memref_slice %arg9[%dma_start3A_789, %dma_start3A_790] : memref<2048x16xf32, #tpu.memory_space<vmem>> -> memref<128x16xf32, #tpu.memory_space<vmem>>
          %dma_start3A_792 = arith.constant 0 : i32
          %dma_start3A_793 = tpu.memref_slice %arg7[%dma_start3A_788, %dma_start3A_792] : memref<2x1024xi32, #tpu.memory_space<vmem>> -> memref<1x1024xi32, #tpu.memory_space<vmem>>
          %dma_start3A_794 = tpu.memref_squeeze %dma_start3A_793 : memref<1x1024xi32, #tpu.memory_space<vmem>> -> memref<1024xi32, #tpu.memory_space<vmem>>
          %dma_start3A_795 = arith.constant 768 : i32
          %dma_start3A_796 = tpu.memref_slice %dma_start3A_794[%dma_start3A_795] : memref<1024xi32, #tpu.memory_space<vmem>> -> memref<128xi32, #tpu.memory_space<vmem>>
          %dma_start3A_797 = arith.constant 0 : i32
          %dma_start3A_798 = arith.constant 0 : i32
          %dma_start3A_799 = tpu.memref_slice %arg4[%dma_start3A_797, %dma_start3A_798] : memref<2600000x16xf32, #tpu.memory_space<hbm>> -> memref<2600000x16xf32, #tpu.memory_space<hbm>>
          tpu.enqueue_indirect_dma source(%dma_start3A_799 : memref<2600000x16xf32, #tpu.memory_space<hbm>>) target(%dma_start3A_791 : memref<128x16xf32, #tpu.memory_space<vmem>>) offsets(%dma_start3A_796 : memref<128xi32, #tpu.memory_space<vmem>>) semaphore(%arg13 : memref<!tpu.dma_semaphore, #tpu.memory_space<semaphore_mem>>)
          %dma_start3A_800 = arith.constant 1 : i32
          %dma_start3A_801 = arith.constant 1920 : i32
          %dma_start3A_802 = arith.constant 0 : i32
          %dma_start3A_803 = tpu.memref_slice %arg8[%dma_start3A_801, %dma_start3A_802] : memref<2048x16xf32, #tpu.memory_space<vmem>> -> memref<128x16xf32, #tpu.memory_space<vmem>>
          %dma_start3A_804 = arith.constant 0 : i32
          %dma_start3A_805 = tpu.memref_slice %arg6[%dma_start3A_800, %dma_start3A_804] : memref<2x1024xi32, #tpu.memory_space<vmem>> -> memref<1x1024xi32, #tpu.memory_space<vmem>>
          %dma_start3A_806 = tpu.memref_squeeze %dma_start3A_805 : memref<1x1024xi32, #tpu.memory_space<vmem>> -> memref<1024xi32, #tpu.memory_space<vmem>>
          %dma_start3A_807 = arith.constant 896 : i32
          %dma_start3A_808 = tpu.memref_slice %dma_start3A_806[%dma_start3A_807] : memref<1024xi32, #tpu.memory_space<vmem>> -> memref<128xi32, #tpu.memory_space<vmem>>
          %dma_start3A_809 = arith.constant 0 : i32
          %dma_start3A_810 = arith.constant 0 : i32
          %dma_start3A_811 = tpu.memref_slice %arg4[%dma_start3A_809, %dma_start3A_810] : memref<2600000x16xf32, #tpu.memory_space<hbm>> -> memref<2600000x16xf32, #tpu.memory_space<hbm>>
          tpu.enqueue_indirect_dma source(%dma_start3A_811 : memref<2600000x16xf32, #tpu.memory_space<hbm>>) target(%dma_start3A_803 : memref<128x16xf32, #tpu.memory_space<vmem>>) offsets(%dma_start3A_808 : memref<128xi32, #tpu.memory_space<vmem>>) semaphore(%arg13 : memref<!tpu.dma_semaphore, #tpu.memory_space<semaphore_mem>>)
          %dma_start3A_812 = arith.constant 1 : i32
          %dma_start3A_813 = arith.constant 1920 : i32
          %dma_start3A_814 = arith.constant 0 : i32
          %dma_start3A_815 = tpu.memref_slice %arg9[%dma_start3A_813, %dma_start3A_814] : memref<2048x16xf32, #tpu.memory_space<vmem>> -> memref<128x16xf32, #tpu.memory_space<vmem>>
          %dma_start3A_816 = arith.constant 0 : i32
          %dma_start3A_817 = tpu.memref_slice %arg7[%dma_start3A_812, %dma_start3A_816] : memref<2x1024xi32, #tpu.memory_space<vmem>> -> memref<1x1024xi32, #tpu.memory_space<vmem>>
          %dma_start3A_818 = tpu.memref_squeeze %dma_start3A_817 : memref<1x1024xi32, #tpu.memory_space<vmem>> -> memref<1024xi32, #tpu.memory_space<vmem>>
          %dma_start3A_819 = arith.constant 896 : i32
          %dma_start3A_820 = tpu.memref_slice %dma_start3A_818[%dma_start3A_819] : memref<1024xi32, #tpu.memory_space<vmem>> -> memref<128xi32, #tpu.memory_space<vmem>>
          %dma_start3A_821 = arith.constant 0 : i32
          %dma_start3A_822 = arith.constant 0 : i32
          %dma_start3A_823 = tpu.memref_slice %arg4[%dma_start3A_821, %dma_start3A_822] : memref<2600000x16xf32, #tpu.memory_space<hbm>> -> memref<2600000x16xf32, #tpu.memory_space<hbm>>
          tpu.enqueue_indirect_dma source(%dma_start3A_823 : memref<2600000x16xf32, #tpu.memory_space<hbm>>) target(%dma_start3A_815 : memref<128x16xf32, #tpu.memory_space<vmem>>) offsets(%dma_start3A_820 : memref<128xi32, #tpu.memory_space<vmem>>) semaphore(%arg13 : memref<!tpu.dma_semaphore, #tpu.memory_space<semaphore_mem>>)
        } else {
        }
        %dma_wait3A_343 = arith.constant 0 : i32
        %dma_wait3A_344 = arith.constant 0 : i32
        %dma_wait3A_345 = arith.constant 0 : i32
        %dma_wait3A_346 = tpu.memref_slice %arg8[%dma_wait3A_344, %dma_wait3A_345] : memref<2048x16xf32, #tpu.memory_space<vmem>> -> memref<128x16xf32, #tpu.memory_space<vmem>>
        %dma_wait3A_347 = arith.constant 0 : i32
        %dma_wait3A_348 = tpu.memref_slice %arg6[%dma_wait3A_343, %dma_wait3A_347] : memref<2x1024xi32, #tpu.memory_space<vmem>> -> memref<1x1024xi32, #tpu.memory_space<vmem>>
        %dma_wait3A_349 = tpu.memref_squeeze %dma_wait3A_348 : memref<1x1024xi32, #tpu.memory_space<vmem>> -> memref<1024xi32, #tpu.memory_space<vmem>>
        %dma_wait3A_350 = arith.constant 0 : i32
        %dma_wait3A_351 = tpu.memref_slice %dma_wait3A_349[%dma_wait3A_350] : memref<1024xi32, #tpu.memory_space<vmem>> -> memref<128xi32, #tpu.memory_space<vmem>>
        %dma_wait3A_352 = arith.constant 0 : i32
        %dma_wait3A_353 = arith.constant 0 : i32
        %dma_wait3A_354 = tpu.memref_slice %arg4[%dma_wait3A_352, %dma_wait3A_353] : memref<2600000x16xf32, #tpu.memory_space<hbm>> -> memref<2600000x16xf32, #tpu.memory_space<hbm>>
        tpu.wait_indirect_dma semaphore(%arg12 : memref<!tpu.dma_semaphore, #tpu.memory_space<semaphore_mem>>) src(%dma_wait3A_354 : memref<2600000x16xf32, #tpu.memory_space<hbm>>) dst(%dma_wait3A_346 : memref<128x16xf32, #tpu.memory_space<vmem>>)
        %dma_wait3A_355 = arith.constant 0 : i32
        %dma_wait3A_356 = arith.constant 0 : i32
        %dma_wait3A_357 = arith.constant 0 : i32
        %dma_wait3A_358 = tpu.memref_slice %arg9[%dma_wait3A_356, %dma_wait3A_357] : memref<2048x16xf32, #tpu.memory_space<vmem>> -> memref<128x16xf32, #tpu.memory_space<vmem>>
        %dma_wait3A_359 = arith.constant 0 : i32
        %dma_wait3A_360 = tpu.memref_slice %arg7[%dma_wait3A_355, %dma_wait3A_359] : memref<2x1024xi32, #tpu.memory_space<vmem>> -> memref<1x1024xi32, #tpu.memory_space<vmem>>
        %dma_wait3A_361 = tpu.memref_squeeze %dma_wait3A_360 : memref<1x1024xi32, #tpu.memory_space<vmem>> -> memref<1024xi32, #tpu.memory_space<vmem>>
        %dma_wait3A_362 = arith.constant 0 : i32
        %dma_wait3A_363 = tpu.memref_slice %dma_wait3A_361[%dma_wait3A_362] : memref<1024xi32, #tpu.memory_space<vmem>> -> memref<128xi32, #tpu.memory_space<vmem>>
        %dma_wait3A_364 = arith.constant 0 : i32
        %dma_wait3A_365 = arith.constant 0 : i32
        %dma_wait3A_366 = tpu.memref_slice %arg4[%dma_wait3A_364, %dma_wait3A_365] : memref<2600000x16xf32, #tpu.memory_space<hbm>> -> memref<2600000x16xf32, #tpu.memory_space<hbm>>
        tpu.wait_indirect_dma semaphore(%arg12 : memref<!tpu.dma_semaphore, #tpu.memory_space<semaphore_mem>>) src(%dma_wait3A_366 : memref<2600000x16xf32, #tpu.memory_space<hbm>>) dst(%dma_wait3A_358 : memref<128x16xf32, #tpu.memory_space<vmem>>)
        %dma_wait3A_367 = arith.constant 0 : i32
        %dma_wait3A_368 = arith.constant 128 : i32
        %dma_wait3A_369 = arith.constant 0 : i32
        %dma_wait3A_370 = tpu.memref_slice %arg8[%dma_wait3A_368, %dma_wait3A_369] : memref<2048x16xf32, #tpu.memory_space<vmem>> -> memref<128x16xf32, #tpu.memory_space<vmem>>
        %dma_wait3A_371 = arith.constant 0 : i32
        %dma_wait3A_372 = tpu.memref_slice %arg6[%dma_wait3A_367, %dma_wait3A_371] : memref<2x1024xi32, #tpu.memory_space<vmem>> -> memref<1x1024xi32, #tpu.memory_space<vmem>>
        %dma_wait3A_373 = tpu.memref_squeeze %dma_wait3A_372 : memref<1x1024xi32, #tpu.memory_space<vmem>> -> memref<1024xi32, #tpu.memory_space<vmem>>
        %dma_wait3A_374 = arith.constant 128 : i32
        %dma_wait3A_375 = tpu.memref_slice %dma_wait3A_373[%dma_wait3A_374] : memref<1024xi32, #tpu.memory_space<vmem>> -> memref<128xi32, #tpu.memory_space<vmem>>
        %dma_wait3A_376 = arith.constant 0 : i32
        %dma_wait3A_377 = arith.constant 0 : i32
        %dma_wait3A_378 = tpu.memref_slice %arg4[%dma_wait3A_376, %dma_wait3A_377] : memref<2600000x16xf32, #tpu.memory_space<hbm>> -> memref<2600000x16xf32, #tpu.memory_space<hbm>>
        tpu.wait_indirect_dma semaphore(%arg12 : memref<!tpu.dma_semaphore, #tpu.memory_space<semaphore_mem>>) src(%dma_wait3A_378 : memref<2600000x16xf32, #tpu.memory_space<hbm>>) dst(%dma_wait3A_370 : memref<128x16xf32, #tpu.memory_space<vmem>>)
        %dma_wait3A_379 = arith.constant 0 : i32
        %dma_wait3A_380 = arith.constant 128 : i32
        %dma_wait3A_381 = arith.constant 0 : i32
        %dma_wait3A_382 = tpu.memref_slice %arg9[%dma_wait3A_380, %dma_wait3A_381] : memref<2048x16xf32, #tpu.memory_space<vmem>> -> memref<128x16xf32, #tpu.memory_space<vmem>>
        %dma_wait3A_383 = arith.constant 0 : i32
        %dma_wait3A_384 = tpu.memref_slice %arg7[%dma_wait3A_379, %dma_wait3A_383] : memref<2x1024xi32, #tpu.memory_space<vmem>> -> memref<1x1024xi32, #tpu.memory_space<vmem>>
        %dma_wait3A_385 = tpu.memref_squeeze %dma_wait3A_384 : memref<1x1024xi32, #tpu.memory_space<vmem>> -> memref<1024xi32, #tpu.memory_space<vmem>>
        %dma_wait3A_386 = arith.constant 128 : i32
        %dma_wait3A_387 = tpu.memref_slice %dma_wait3A_385[%dma_wait3A_386] : memref<1024xi32, #tpu.memory_space<vmem>> -> memref<128xi32, #tpu.memory_space<vmem>>
        %dma_wait3A_388 = arith.constant 0 : i32
        %dma_wait3A_389 = arith.constant 0 : i32
        %dma_wait3A_390 = tpu.memref_slice %arg4[%dma_wait3A_388, %dma_wait3A_389] : memref<2600000x16xf32, #tpu.memory_space<hbm>> -> memref<2600000x16xf32, #tpu.memory_space<hbm>>
        tpu.wait_indirect_dma semaphore(%arg12 : memref<!tpu.dma_semaphore, #tpu.memory_space<semaphore_mem>>) src(%dma_wait3A_390 : memref<2600000x16xf32, #tpu.memory_space<hbm>>) dst(%dma_wait3A_382 : memref<128x16xf32, #tpu.memory_space<vmem>>)
        %dma_wait3A_391 = arith.constant 0 : i32
        %dma_wait3A_392 = arith.constant 256 : i32
        %dma_wait3A_393 = arith.constant 0 : i32
        %dma_wait3A_394 = tpu.memref_slice %arg8[%dma_wait3A_392, %dma_wait3A_393] : memref<2048x16xf32, #tpu.memory_space<vmem>> -> memref<128x16xf32, #tpu.memory_space<vmem>>
        %dma_wait3A_395 = arith.constant 0 : i32
        %dma_wait3A_396 = tpu.memref_slice %arg6[%dma_wait3A_391, %dma_wait3A_395] : memref<2x1024xi32, #tpu.memory_space<vmem>> -> memref<1x1024xi32, #tpu.memory_space<vmem>>
        %dma_wait3A_397 = tpu.memref_squeeze %dma_wait3A_396 : memref<1x1024xi32, #tpu.memory_space<vmem>> -> memref<1024xi32, #tpu.memory_space<vmem>>
        %dma_wait3A_398 = arith.constant 256 : i32
        %dma_wait3A_399 = tpu.memref_slice %dma_wait3A_397[%dma_wait3A_398] : memref<1024xi32, #tpu.memory_space<vmem>> -> memref<128xi32, #tpu.memory_space<vmem>>
        %dma_wait3A_400 = arith.constant 0 : i32
        %dma_wait3A_401 = arith.constant 0 : i32
        %dma_wait3A_402 = tpu.memref_slice %arg4[%dma_wait3A_400, %dma_wait3A_401] : memref<2600000x16xf32, #tpu.memory_space<hbm>> -> memref<2600000x16xf32, #tpu.memory_space<hbm>>
        tpu.wait_indirect_dma semaphore(%arg12 : memref<!tpu.dma_semaphore, #tpu.memory_space<semaphore_mem>>) src(%dma_wait3A_402 : memref<2600000x16xf32, #tpu.memory_space<hbm>>) dst(%dma_wait3A_394 : memref<128x16xf32, #tpu.memory_space<vmem>>)
        %dma_wait3A_403 = arith.constant 0 : i32
        %dma_wait3A_404 = arith.constant 256 : i32
        %dma_wait3A_405 = arith.constant 0 : i32
        %dma_wait3A_406 = tpu.memref_slice %arg9[%dma_wait3A_404, %dma_wait3A_405] : memref<2048x16xf32, #tpu.memory_space<vmem>> -> memref<128x16xf32, #tpu.memory_space<vmem>>
        %dma_wait3A_407 = arith.constant 0 : i32
        %dma_wait3A_408 = tpu.memref_slice %arg7[%dma_wait3A_403, %dma_wait3A_407] : memref<2x1024xi32, #tpu.memory_space<vmem>> -> memref<1x1024xi32, #tpu.memory_space<vmem>>
        %dma_wait3A_409 = tpu.memref_squeeze %dma_wait3A_408 : memref<1x1024xi32, #tpu.memory_space<vmem>> -> memref<1024xi32, #tpu.memory_space<vmem>>
        %dma_wait3A_410 = arith.constant 256 : i32
        %dma_wait3A_411 = tpu.memref_slice %dma_wait3A_409[%dma_wait3A_410] : memref<1024xi32, #tpu.memory_space<vmem>> -> memref<128xi32, #tpu.memory_space<vmem>>
        %dma_wait3A_412 = arith.constant 0 : i32
        %dma_wait3A_413 = arith.constant 0 : i32
        %dma_wait3A_414 = tpu.memref_slice %arg4[%dma_wait3A_412, %dma_wait3A_413] : memref<2600000x16xf32, #tpu.memory_space<hbm>> -> memref<2600000x16xf32, #tpu.memory_space<hbm>>
        tpu.wait_indirect_dma semaphore(%arg12 : memref<!tpu.dma_semaphore, #tpu.memory_space<semaphore_mem>>) src(%dma_wait3A_414 : memref<2600000x16xf32, #tpu.memory_space<hbm>>) dst(%dma_wait3A_406 : memref<128x16xf32, #tpu.memory_space<vmem>>)
        %dma_wait3A_415 = arith.constant 0 : i32
        %dma_wait3A_416 = arith.constant 384 : i32
        %dma_wait3A_417 = arith.constant 0 : i32
        %dma_wait3A_418 = tpu.memref_slice %arg8[%dma_wait3A_416, %dma_wait3A_417] : memref<2048x16xf32, #tpu.memory_space<vmem>> -> memref<128x16xf32, #tpu.memory_space<vmem>>
        %dma_wait3A_419 = arith.constant 0 : i32
        %dma_wait3A_420 = tpu.memref_slice %arg6[%dma_wait3A_415, %dma_wait3A_419] : memref<2x1024xi32, #tpu.memory_space<vmem>> -> memref<1x1024xi32, #tpu.memory_space<vmem>>
        %dma_wait3A_421 = tpu.memref_squeeze %dma_wait3A_420 : memref<1x1024xi32, #tpu.memory_space<vmem>> -> memref<1024xi32, #tpu.memory_space<vmem>>
        %dma_wait3A_422 = arith.constant 384 : i32
        %dma_wait3A_423 = tpu.memref_slice %dma_wait3A_421[%dma_wait3A_422] : memref<1024xi32, #tpu.memory_space<vmem>> -> memref<128xi32, #tpu.memory_space<vmem>>
        %dma_wait3A_424 = arith.constant 0 : i32
        %dma_wait3A_425 = arith.constant 0 : i32
        %dma_wait3A_426 = tpu.memref_slice %arg4[%dma_wait3A_424, %dma_wait3A_425] : memref<2600000x16xf32, #tpu.memory_space<hbm>> -> memref<2600000x16xf32, #tpu.memory_space<hbm>>
        tpu.wait_indirect_dma semaphore(%arg12 : memref<!tpu.dma_semaphore, #tpu.memory_space<semaphore_mem>>) src(%dma_wait3A_426 : memref<2600000x16xf32, #tpu.memory_space<hbm>>) dst(%dma_wait3A_418 : memref<128x16xf32, #tpu.memory_space<vmem>>)
        %dma_wait3A_427 = arith.constant 0 : i32
        %dma_wait3A_428 = arith.constant 384 : i32
        %dma_wait3A_429 = arith.constant 0 : i32
        %dma_wait3A_430 = tpu.memref_slice %arg9[%dma_wait3A_428, %dma_wait3A_429] : memref<2048x16xf32, #tpu.memory_space<vmem>> -> memref<128x16xf32, #tpu.memory_space<vmem>>
        %dma_wait3A_431 = arith.constant 0 : i32
        %dma_wait3A_432 = tpu.memref_slice %arg7[%dma_wait3A_427, %dma_wait3A_431] : memref<2x1024xi32, #tpu.memory_space<vmem>> -> memref<1x1024xi32, #tpu.memory_space<vmem>>
        %dma_wait3A_433 = tpu.memref_squeeze %dma_wait3A_432 : memref<1x1024xi32, #tpu.memory_space<vmem>> -> memref<1024xi32, #tpu.memory_space<vmem>>
        %dma_wait3A_434 = arith.constant 384 : i32
        %dma_wait3A_435 = tpu.memref_slice %dma_wait3A_433[%dma_wait3A_434] : memref<1024xi32, #tpu.memory_space<vmem>> -> memref<128xi32, #tpu.memory_space<vmem>>
        %dma_wait3A_436 = arith.constant 0 : i32
        %dma_wait3A_437 = arith.constant 0 : i32
        %dma_wait3A_438 = tpu.memref_slice %arg4[%dma_wait3A_436, %dma_wait3A_437] : memref<2600000x16xf32, #tpu.memory_space<hbm>> -> memref<2600000x16xf32, #tpu.memory_space<hbm>>
        tpu.wait_indirect_dma semaphore(%arg12 : memref<!tpu.dma_semaphore, #tpu.memory_space<semaphore_mem>>) src(%dma_wait3A_438 : memref<2600000x16xf32, #tpu.memory_space<hbm>>) dst(%dma_wait3A_430 : memref<128x16xf32, #tpu.memory_space<vmem>>)
        %dma_wait3A_439 = arith.constant 0 : i32
        %dma_wait3A_440 = arith.constant 512 : i32
        %dma_wait3A_441 = arith.constant 0 : i32
        %dma_wait3A_442 = tpu.memref_slice %arg8[%dma_wait3A_440, %dma_wait3A_441] : memref<2048x16xf32, #tpu.memory_space<vmem>> -> memref<128x16xf32, #tpu.memory_space<vmem>>
        %dma_wait3A_443 = arith.constant 0 : i32
        %dma_wait3A_444 = tpu.memref_slice %arg6[%dma_wait3A_439, %dma_wait3A_443] : memref<2x1024xi32, #tpu.memory_space<vmem>> -> memref<1x1024xi32, #tpu.memory_space<vmem>>
        %dma_wait3A_445 = tpu.memref_squeeze %dma_wait3A_444 : memref<1x1024xi32, #tpu.memory_space<vmem>> -> memref<1024xi32, #tpu.memory_space<vmem>>
        %dma_wait3A_446 = arith.constant 512 : i32
        %dma_wait3A_447 = tpu.memref_slice %dma_wait3A_445[%dma_wait3A_446] : memref<1024xi32, #tpu.memory_space<vmem>> -> memref<128xi32, #tpu.memory_space<vmem>>
        %dma_wait3A_448 = arith.constant 0 : i32
        %dma_wait3A_449 = arith.constant 0 : i32
        %dma_wait3A_450 = tpu.memref_slice %arg4[%dma_wait3A_448, %dma_wait3A_449] : memref<2600000x16xf32, #tpu.memory_space<hbm>> -> memref<2600000x16xf32, #tpu.memory_space<hbm>>
        tpu.wait_indirect_dma semaphore(%arg12 : memref<!tpu.dma_semaphore, #tpu.memory_space<semaphore_mem>>) src(%dma_wait3A_450 : memref<2600000x16xf32, #tpu.memory_space<hbm>>) dst(%dma_wait3A_442 : memref<128x16xf32, #tpu.memory_space<vmem>>)
        %dma_wait3A_451 = arith.constant 0 : i32
        %dma_wait3A_452 = arith.constant 512 : i32
        %dma_wait3A_453 = arith.constant 0 : i32
        %dma_wait3A_454 = tpu.memref_slice %arg9[%dma_wait3A_452, %dma_wait3A_453] : memref<2048x16xf32, #tpu.memory_space<vmem>> -> memref<128x16xf32, #tpu.memory_space<vmem>>
        %dma_wait3A_455 = arith.constant 0 : i32
        %dma_wait3A_456 = tpu.memref_slice %arg7[%dma_wait3A_451, %dma_wait3A_455] : memref<2x1024xi32, #tpu.memory_space<vmem>> -> memref<1x1024xi32, #tpu.memory_space<vmem>>
        %dma_wait3A_457 = tpu.memref_squeeze %dma_wait3A_456 : memref<1x1024xi32, #tpu.memory_space<vmem>> -> memref<1024xi32, #tpu.memory_space<vmem>>
        %dma_wait3A_458 = arith.constant 512 : i32
        %dma_wait3A_459 = tpu.memref_slice %dma_wait3A_457[%dma_wait3A_458] : memref<1024xi32, #tpu.memory_space<vmem>> -> memref<128xi32, #tpu.memory_space<vmem>>
        %dma_wait3A_460 = arith.constant 0 : i32
        %dma_wait3A_461 = arith.constant 0 : i32
        %dma_wait3A_462 = tpu.memref_slice %arg4[%dma_wait3A_460, %dma_wait3A_461] : memref<2600000x16xf32, #tpu.memory_space<hbm>> -> memref<2600000x16xf32, #tpu.memory_space<hbm>>
        tpu.wait_indirect_dma semaphore(%arg12 : memref<!tpu.dma_semaphore, #tpu.memory_space<semaphore_mem>>) src(%dma_wait3A_462 : memref<2600000x16xf32, #tpu.memory_space<hbm>>) dst(%dma_wait3A_454 : memref<128x16xf32, #tpu.memory_space<vmem>>)
        %dma_wait3A_463 = arith.constant 0 : i32
        %dma_wait3A_464 = arith.constant 640 : i32
        %dma_wait3A_465 = arith.constant 0 : i32
        %dma_wait3A_466 = tpu.memref_slice %arg8[%dma_wait3A_464, %dma_wait3A_465] : memref<2048x16xf32, #tpu.memory_space<vmem>> -> memref<128x16xf32, #tpu.memory_space<vmem>>
        %dma_wait3A_467 = arith.constant 0 : i32
        %dma_wait3A_468 = tpu.memref_slice %arg6[%dma_wait3A_463, %dma_wait3A_467] : memref<2x1024xi32, #tpu.memory_space<vmem>> -> memref<1x1024xi32, #tpu.memory_space<vmem>>
        %dma_wait3A_469 = tpu.memref_squeeze %dma_wait3A_468 : memref<1x1024xi32, #tpu.memory_space<vmem>> -> memref<1024xi32, #tpu.memory_space<vmem>>
        %dma_wait3A_470 = arith.constant 640 : i32
        %dma_wait3A_471 = tpu.memref_slice %dma_wait3A_469[%dma_wait3A_470] : memref<1024xi32, #tpu.memory_space<vmem>> -> memref<128xi32, #tpu.memory_space<vmem>>
        %dma_wait3A_472 = arith.constant 0 : i32
        %dma_wait3A_473 = arith.constant 0 : i32
        %dma_wait3A_474 = tpu.memref_slice %arg4[%dma_wait3A_472, %dma_wait3A_473] : memref<2600000x16xf32, #tpu.memory_space<hbm>> -> memref<2600000x16xf32, #tpu.memory_space<hbm>>
        tpu.wait_indirect_dma semaphore(%arg12 : memref<!tpu.dma_semaphore, #tpu.memory_space<semaphore_mem>>) src(%dma_wait3A_474 : memref<2600000x16xf32, #tpu.memory_space<hbm>>) dst(%dma_wait3A_466 : memref<128x16xf32, #tpu.memory_space<vmem>>)
        %dma_wait3A_475 = arith.constant 0 : i32
        %dma_wait3A_476 = arith.constant 640 : i32
        %dma_wait3A_477 = arith.constant 0 : i32
        %dma_wait3A_478 = tpu.memref_slice %arg9[%dma_wait3A_476, %dma_wait3A_477] : memref<2048x16xf32, #tpu.memory_space<vmem>> -> memref<128x16xf32, #tpu.memory_space<vmem>>
        %dma_wait3A_479 = arith.constant 0 : i32
        %dma_wait3A_480 = tpu.memref_slice %arg7[%dma_wait3A_475, %dma_wait3A_479] : memref<2x1024xi32, #tpu.memory_space<vmem>> -> memref<1x1024xi32, #tpu.memory_space<vmem>>
        %dma_wait3A_481 = tpu.memref_squeeze %dma_wait3A_480 : memref<1x1024xi32, #tpu.memory_space<vmem>> -> memref<1024xi32, #tpu.memory_space<vmem>>
        %dma_wait3A_482 = arith.constant 640 : i32
        %dma_wait3A_483 = tpu.memref_slice %dma_wait3A_481[%dma_wait3A_482] : memref<1024xi32, #tpu.memory_space<vmem>> -> memref<128xi32, #tpu.memory_space<vmem>>
        %dma_wait3A_484 = arith.constant 0 : i32
        %dma_wait3A_485 = arith.constant 0 : i32
        %dma_wait3A_486 = tpu.memref_slice %arg4[%dma_wait3A_484, %dma_wait3A_485] : memref<2600000x16xf32, #tpu.memory_space<hbm>> -> memref<2600000x16xf32, #tpu.memory_space<hbm>>
        tpu.wait_indirect_dma semaphore(%arg12 : memref<!tpu.dma_semaphore, #tpu.memory_space<semaphore_mem>>) src(%dma_wait3A_486 : memref<2600000x16xf32, #tpu.memory_space<hbm>>) dst(%dma_wait3A_478 : memref<128x16xf32, #tpu.memory_space<vmem>>)
        %dma_wait3A_487 = arith.constant 0 : i32
        %dma_wait3A_488 = arith.constant 768 : i32
        %dma_wait3A_489 = arith.constant 0 : i32
        %dma_wait3A_490 = tpu.memref_slice %arg8[%dma_wait3A_488, %dma_wait3A_489] : memref<2048x16xf32, #tpu.memory_space<vmem>> -> memref<128x16xf32, #tpu.memory_space<vmem>>
        %dma_wait3A_491 = arith.constant 0 : i32
        %dma_wait3A_492 = tpu.memref_slice %arg6[%dma_wait3A_487, %dma_wait3A_491] : memref<2x1024xi32, #tpu.memory_space<vmem>> -> memref<1x1024xi32, #tpu.memory_space<vmem>>
        %dma_wait3A_493 = tpu.memref_squeeze %dma_wait3A_492 : memref<1x1024xi32, #tpu.memory_space<vmem>> -> memref<1024xi32, #tpu.memory_space<vmem>>
        %dma_wait3A_494 = arith.constant 768 : i32
        %dma_wait3A_495 = tpu.memref_slice %dma_wait3A_493[%dma_wait3A_494] : memref<1024xi32, #tpu.memory_space<vmem>> -> memref<128xi32, #tpu.memory_space<vmem>>
        %dma_wait3A_496 = arith.constant 0 : i32
        %dma_wait3A_497 = arith.constant 0 : i32
        %dma_wait3A_498 = tpu.memref_slice %arg4[%dma_wait3A_496, %dma_wait3A_497] : memref<2600000x16xf32, #tpu.memory_space<hbm>> -> memref<2600000x16xf32, #tpu.memory_space<hbm>>
        tpu.wait_indirect_dma semaphore(%arg12 : memref<!tpu.dma_semaphore, #tpu.memory_space<semaphore_mem>>) src(%dma_wait3A_498 : memref<2600000x16xf32, #tpu.memory_space<hbm>>) dst(%dma_wait3A_490 : memref<128x16xf32, #tpu.memory_space<vmem>>)
        %dma_wait3A_499 = arith.constant 0 : i32
        %dma_wait3A_500 = arith.constant 768 : i32
        %dma_wait3A_501 = arith.constant 0 : i32
        %dma_wait3A_502 = tpu.memref_slice %arg9[%dma_wait3A_500, %dma_wait3A_501] : memref<2048x16xf32, #tpu.memory_space<vmem>> -> memref<128x16xf32, #tpu.memory_space<vmem>>
        %dma_wait3A_503 = arith.constant 0 : i32
        %dma_wait3A_504 = tpu.memref_slice %arg7[%dma_wait3A_499, %dma_wait3A_503] : memref<2x1024xi32, #tpu.memory_space<vmem>> -> memref<1x1024xi32, #tpu.memory_space<vmem>>
        %dma_wait3A_505 = tpu.memref_squeeze %dma_wait3A_504 : memref<1x1024xi32, #tpu.memory_space<vmem>> -> memref<1024xi32, #tpu.memory_space<vmem>>
        %dma_wait3A_506 = arith.constant 768 : i32
        %dma_wait3A_507 = tpu.memref_slice %dma_wait3A_505[%dma_wait3A_506] : memref<1024xi32, #tpu.memory_space<vmem>> -> memref<128xi32, #tpu.memory_space<vmem>>
        %dma_wait3A_508 = arith.constant 0 : i32
        %dma_wait3A_509 = arith.constant 0 : i32
        %dma_wait3A_510 = tpu.memref_slice %arg4[%dma_wait3A_508, %dma_wait3A_509] : memref<2600000x16xf32, #tpu.memory_space<hbm>> -> memref<2600000x16xf32, #tpu.memory_space<hbm>>
        tpu.wait_indirect_dma semaphore(%arg12 : memref<!tpu.dma_semaphore, #tpu.memory_space<semaphore_mem>>) src(%dma_wait3A_510 : memref<2600000x16xf32, #tpu.memory_space<hbm>>) dst(%dma_wait3A_502 : memref<128x16xf32, #tpu.memory_space<vmem>>)
        %dma_wait3A_511 = arith.constant 0 : i32
        %dma_wait3A_512 = arith.constant 896 : i32
        %dma_wait3A_513 = arith.constant 0 : i32
        %dma_wait3A_514 = tpu.memref_slice %arg8[%dma_wait3A_512, %dma_wait3A_513] : memref<2048x16xf32, #tpu.memory_space<vmem>> -> memref<128x16xf32, #tpu.memory_space<vmem>>
        %dma_wait3A_515 = arith.constant 0 : i32
        %dma_wait3A_516 = tpu.memref_slice %arg6[%dma_wait3A_511, %dma_wait3A_515] : memref<2x1024xi32, #tpu.memory_space<vmem>> -> memref<1x1024xi32, #tpu.memory_space<vmem>>
        %dma_wait3A_517 = tpu.memref_squeeze %dma_wait3A_516 : memref<1x1024xi32, #tpu.memory_space<vmem>> -> memref<1024xi32, #tpu.memory_space<vmem>>
        %dma_wait3A_518 = arith.constant 896 : i32
        %dma_wait3A_519 = tpu.memref_slice %dma_wait3A_517[%dma_wait3A_518] : memref<1024xi32, #tpu.memory_space<vmem>> -> memref<128xi32, #tpu.memory_space<vmem>>
        %dma_wait3A_520 = arith.constant 0 : i32
        %dma_wait3A_521 = arith.constant 0 : i32
        %dma_wait3A_522 = tpu.memref_slice %arg4[%dma_wait3A_520, %dma_wait3A_521] : memref<2600000x16xf32, #tpu.memory_space<hbm>> -> memref<2600000x16xf32, #tpu.memory_space<hbm>>
        tpu.wait_indirect_dma semaphore(%arg12 : memref<!tpu.dma_semaphore, #tpu.memory_space<semaphore_mem>>) src(%dma_wait3A_522 : memref<2600000x16xf32, #tpu.memory_space<hbm>>) dst(%dma_wait3A_514 : memref<128x16xf32, #tpu.memory_space<vmem>>)
        %dma_wait3A_523 = arith.constant 0 : i32
        %dma_wait3A_524 = arith.constant 896 : i32
        %dma_wait3A_525 = arith.constant 0 : i32
        %dma_wait3A_526 = tpu.memref_slice %arg9[%dma_wait3A_524, %dma_wait3A_525] : memref<2048x16xf32, #tpu.memory_space<vmem>> -> memref<128x16xf32, #tpu.memory_space<vmem>>
        %dma_wait3A_527 = arith.constant 0 : i32
        %dma_wait3A_528 = tpu.memref_slice %arg7[%dma_wait3A_523, %dma_wait3A_527] : memref<2x1024xi32, #tpu.memory_space<vmem>> -> memref<1x1024xi32, #tpu.memory_space<vmem>>
        %dma_wait3A_529 = tpu.memref_squeeze %dma_wait3A_528 : memref<1x1024xi32, #tpu.memory_space<vmem>> -> memref<1024xi32, #tpu.memory_space<vmem>>
        %dma_wait3A_530 = arith.constant 896 : i32
        %dma_wait3A_531 = tpu.memref_slice %dma_wait3A_529[%dma_wait3A_530] : memref<1024xi32, #tpu.memory_space<vmem>> -> memref<128xi32, #tpu.memory_space<vmem>>
        %dma_wait3A_532 = arith.constant 0 : i32
        %dma_wait3A_533 = arith.constant 0 : i32
        %dma_wait3A_534 = tpu.memref_slice %arg4[%dma_wait3A_532, %dma_wait3A_533] : memref<2600000x16xf32, #tpu.memory_space<hbm>> -> memref<2600000x16xf32, #tpu.memory_space<hbm>>
        tpu.wait_indirect_dma semaphore(%arg12 : memref<!tpu.dma_semaphore, #tpu.memory_space<semaphore_mem>>) src(%dma_wait3A_534 : memref<2600000x16xf32, #tpu.memory_space<hbm>>) dst(%dma_wait3A_526 : memref<128x16xf32, #tpu.memory_space<vmem>>)
        %add3A_535 = arith.constant 2 : i32
        %add3A_536 = arith.addi %while3A_300, %add3A_535 : i32
        %lt3A_537 = arith.cmpi slt, %add3A_536, %add3A_4 : i32
        %convert_element_type3A_538 = arith.extui %lt3A_537 : i1 to i32
        %cond3A_539 = arith.constant 0 : i32
        %cond3A_540 = arith.cmpi ne, %convert_element_type3A_538, %cond3A_539 : i32
        scf.if %cond3A_540 {
          %add3A_607 = arith.constant 2 : i32
          %add3A_608 = arith.addi %while3A_300, %add3A_607 : i32
          %mul3A_609 = arith.constant 32 : i32
          %mul3A_610 = arith.muli %add3A_608, %mul3A_609 : i32
          %add3A_611 = arith.addi %add3A, %mul3A_610 : i32
          %mul3A_612 = arith.constant 1024 : i32
          %mul3A_613 = arith.muli %add3A_611, %mul3A_612 : i32
          %dma_start3A_614 = arith.constant 0 : i32
          %dma_start3A_615 = arith.constant 0 : i32
          %dma_start3A_616 = tpu.memref_slice %arg6[%dma_start3A_614, %dma_start3A_615] : memref<2x1024xi32, #tpu.memory_space<vmem>> -> memref<1x1024xi32, #tpu.memory_space<vmem>>
          %dma_start3A_617 = tpu.memref_squeeze %dma_start3A_616 : memref<1x1024xi32, #tpu.memory_space<vmem>> -> memref<1024xi32, #tpu.memory_space<vmem>>
          %dma_start3A_618 = tpu.memref_slice %arg2[%mul3A_613] : memref<1331200xi32, #tpu.memory_space<hbm>> -> memref<1024xi32, #tpu.memory_space<hbm>>
          %dma_start3A_619 = arith.constant 0 : i32
          %dma_start3A_620 = tpu.memref_slice %arg6[%dma_start3A_614, %dma_start3A_619] : memref<2x1024xi32, #tpu.memory_space<vmem>> -> memref<1x1024xi32, #tpu.memory_space<vmem>>
          %dma_start3A_621 = tpu.memref_squeeze %dma_start3A_620 : memref<1x1024xi32, #tpu.memory_space<vmem>> -> memref<1024xi32, #tpu.memory_space<vmem>>
          %dma_start3A_622 = tpu.memref_slice %arg2[%mul3A_613] : memref<1331200xi32, #tpu.memory_space<hbm>> -> memref<1024xi32, #tpu.memory_space<hbm>>
          tpu.enqueue_dma source(%dma_start3A_622 : memref<1024xi32, #tpu.memory_space<hbm>>) target(%dma_start3A_621 : memref<1024xi32, #tpu.memory_space<vmem>>) target_semaphore(%arg11 : memref<!tpu.dma_semaphore, #tpu.memory_space<semaphore_mem>>)
          %dma_start3A_623 = arith.constant 0 : i32
          %dma_start3A_624 = arith.constant 0 : i32
          %dma_start3A_625 = tpu.memref_slice %arg7[%dma_start3A_623, %dma_start3A_624] : memref<2x1024xi32, #tpu.memory_space<vmem>> -> memref<1x1024xi32, #tpu.memory_space<vmem>>
          %dma_start3A_626 = tpu.memref_squeeze %dma_start3A_625 : memref<1x1024xi32, #tpu.memory_space<vmem>> -> memref<1024xi32, #tpu.memory_space<vmem>>
          %dma_start3A_627 = tpu.memref_slice %arg3[%mul3A_613] : memref<1331200xi32, #tpu.memory_space<hbm>> -> memref<1024xi32, #tpu.memory_space<hbm>>
          %dma_start3A_628 = arith.constant 0 : i32
          %dma_start3A_629 = tpu.memref_slice %arg7[%dma_start3A_623, %dma_start3A_628] : memref<2x1024xi32, #tpu.memory_space<vmem>> -> memref<1x1024xi32, #tpu.memory_space<vmem>>
          %dma_start3A_630 = tpu.memref_squeeze %dma_start3A_629 : memref<1x1024xi32, #tpu.memory_space<vmem>> -> memref<1024xi32, #tpu.memory_space<vmem>>
          %dma_start3A_631 = tpu.memref_slice %arg3[%mul3A_613] : memref<1331200xi32, #tpu.memory_space<hbm>> -> memref<1024xi32, #tpu.memory_space<hbm>>
          tpu.enqueue_dma source(%dma_start3A_631 : memref<1024xi32, #tpu.memory_space<hbm>>) target(%dma_start3A_630 : memref<1024xi32, #tpu.memory_space<vmem>>) target_semaphore(%arg11 : memref<!tpu.dma_semaphore, #tpu.memory_space<semaphore_mem>>)
        } else {
        }
        %ge3A = arith.constant 2 : i32
        %ge3A_541 = arith.cmpi sge, %while3A_300, %ge3A : i32
        %convert_element_type3A_542 = arith.extui %ge3A_541 : i1 to i32
        %cond3A_543 = arith.constant 0 : i32
        %cond3A_544 = arith.cmpi ne, %convert_element_type3A_542, %cond3A_543 : i32
        scf.if %cond3A_544 {
          %dma_wait3A_607 = arith.constant 0 : i32
          %dma_wait3A_608 = arith.constant 0 : i32
          %dma_wait3A_609 = arith.constant 0 : i32
          %dma_wait3A_610 = tpu.memref_slice %arg10[%dma_wait3A_608, %dma_wait3A_609] : memref<32x1025xf32, #tpu.memory_space<vmem>> -> memref<16x1024xf32, #tpu.memory_space<vmem>>
          %dma_wait3A_611 = arith.constant 0 : i32
          %dma_wait3A_612 = arith.constant 0 : i32
          %dma_wait3A_613 = tpu.memref_slice %arg5[%dma_wait3A_607, %dma_wait3A_611, %dma_wait3A_612] : memref<325x16x4096xf32, #tpu.memory_space<hbm>> -> memref<1x16x1024xf32, #tpu.memory_space<hbm>>
          %dma_wait3A_614 = tpu.memref_squeeze %dma_wait3A_613 : memref<1x16x1024xf32, #tpu.memory_space<hbm>> -> memref<16x1024xf32, #tpu.memory_space<hbm>>
          %dma_wait3A_615 = arith.constant 0 : i32
          %dma_wait3A_616 = arith.constant 0 : i32
          %dma_wait3A_617 = tpu.memref_slice %arg5[%dma_wait3A_607, %dma_wait3A_615, %dma_wait3A_616] : memref<325x16x4096xf32, #tpu.memory_space<hbm>> -> memref<1x16x1024xf32, #tpu.memory_space<hbm>>
          %dma_wait3A_618 = tpu.memref_squeeze %dma_wait3A_617 : memref<1x16x1024xf32, #tpu.memory_space<hbm>> -> memref<16x1024xf32, #tpu.memory_space<hbm>>
          %dma_wait3A_619 = arith.constant 0 : i32
          %dma_wait3A_620 = arith.constant 0 : i32
          %dma_wait3A_621 = tpu.memref_slice %arg10[%dma_wait3A_619, %dma_wait3A_620] : memref<32x1025xf32, #tpu.memory_space<vmem>> -> memref<16x1024xf32, #tpu.memory_space<vmem>>
          tpu.wait_dma2 semaphore(%arg14 : memref<!tpu.dma_semaphore, #tpu.memory_space<semaphore_mem>>) src(%dma_wait3A_621 : memref<16x1024xf32, #tpu.memory_space<vmem>>) dst(%dma_wait3A_618 : memref<16x1024xf32, #tpu.memory_space<hbm>>)
        } else {
        }
        %add3A_545 = arith.constant 0 : i32
        %add3A_546 = vector.broadcast %add3A_545 : i32 to vector<16xi32>
        %add3A_547 = arith.addi %iota3A, %add3A_546 : vector<16xi32>
        %scan3A = arith.constant 0 : i32
        %scan3A_548 = arith.constant 0 : i32
        %scan3A_549 = arith.constant 128 : i32
        %scan3A_550 = arith.addi %scan3A_548, %scan3A_549 : i32
        %scan3A_551 = arith.constant 1 : i32
        scf.for %scan3A_607 = %scan3A_548 to %scan3A_550 step %scan3A_551  : i32 {
          %mul3A_608 = arith.constant 8 : i32
          %mul3A_609 = arith.muli %scan3A_607, %mul3A_608 : i32
          %mul3A_610 = arith.constant 0 : i32
          %mul3A_611 = vector.broadcast %mul3A_610 : i32 to vector<16xi32>
          %mul3A_612 = arith.muli %iota3A, %mul3A_611 : vector<16xi32>
          %add3A_613 = arith.constant 0 : i32
          %add3A_614 = arith.addi %mul3A_609, %add3A_613 : i32
          %add3A_615 = vector.broadcast %add3A_614 : i32 to vector<16xi32>
          %add3A_616 = arith.addi %mul3A_612, %add3A_615 : vector<16xi32>
          %add3A_617 = arith.constant 0 : i32
          %add3A_618 = vector.broadcast %add3A_617 : i32 to vector<16xi32>
          %add3A_619 = arith.addi %add3A_616, %add3A_618 : vector<16xi32>
          %gather3A = tpu.vector_load_idx %arg8[%add3A_619, %iota3A] : memref<2048x16xf32, #tpu.memory_space<vmem>>[vector<16xi32>, vector<16xi32>], vector<16xf32>,
          %add3A_620 = arith.constant 0 : i32
          %add3A_621 = vector.broadcast %add3A_620 : i32 to vector<16xi32>
          %add3A_622 = arith.addi %add3A_616, %add3A_621 : vector<16xi32>
          %gather3A_623 = tpu.vector_load_idx %arg9[%add3A_622, %iota3A] : memref<2048x16xf32, #tpu.memory_space<vmem>>[vector<16xi32>, vector<16xi32>], vector<16xf32>,
          %mul3A_624 = arith.mulf %gather3A, %gather3A_623 : vector<16xf32>
          tpu.vector_store_idx %arg10[%add3A_547, %add3A_616], %mul3A_624 : memref<32x1025xf32, #tpu.memory_space<vmem>>[vector<16xi32>, vector<16xi32>], vector<16xf32>,
          %mul3A_625 = arith.constant 0 : i32
          %mul3A_626 = vector.broadcast %mul3A_625 : i32 to vector<16xi32>
          %mul3A_627 = arith.muli %iota3A, %mul3A_626 : vector<16xi32>
          %add3A_628 = arith.constant 1 : i32
          %add3A_629 = arith.addi %mul3A_609, %add3A_628 : i32
          %add3A_630 = vector.broadcast %add3A_629 : i32 to vector<16xi32>
          %add3A_631 = arith.addi %mul3A_627, %add3A_630 : vector<16xi32>
          %add3A_632 = arith.constant 0 : i32
          %add3A_633 = vector.broadcast %add3A_632 : i32 to vector<16xi32>
          %add3A_634 = arith.addi %add3A_631, %add3A_633 : vector<16xi32>
          %gather3A_635 = tpu.vector_load_idx %arg8[%add3A_634, %iota3A] : memref<2048x16xf32, #tpu.memory_space<vmem>>[vector<16xi32>, vector<16xi32>], vector<16xf32>,
          %add3A_636 = arith.constant 0 : i32
          %add3A_637 = vector.broadcast %add3A_636 : i32 to vector<16xi32>
          %add3A_638 = arith.addi %add3A_631, %add3A_637 : vector<16xi32>
          %gather3A_639 = tpu.vector_load_idx %arg9[%add3A_638, %iota3A] : memref<2048x16xf32, #tpu.memory_space<vmem>>[vector<16xi32>, vector<16xi32>], vector<16xf32>,
          %mul3A_640 = arith.mulf %gather3A_635, %gather3A_639 : vector<16xf32>
          tpu.vector_store_idx %arg10[%add3A_547, %add3A_631], %mul3A_640 : memref<32x1025xf32, #tpu.memory_space<vmem>>[vector<16xi32>, vector<16xi32>], vector<16xf32>,
          %mul3A_641 = arith.constant 0 : i32
          %mul3A_642 = vector.broadcast %mul3A_641 : i32 to vector<16xi32>
          %mul3A_643 = arith.muli %iota3A, %mul3A_642 : vector<16xi32>
          %add3A_644 = arith.constant 2 : i32
          %add3A_645 = arith.addi %mul3A_609, %add3A_644 : i32
          %add3A_646 = vector.broadcast %add3A_645 : i32 to vector<16xi32>
          %add3A_647 = arith.addi %mul3A_643, %add3A_646 : vector<16xi32>
          %add3A_648 = arith.constant 0 : i32
          %add3A_649 = vector.broadcast %add3A_648 : i32 to vector<16xi32>
          %add3A_650 = arith.addi %add3A_647, %add3A_649 : vector<16xi32>
          %gather3A_651 = tpu.vector_load_idx %arg8[%add3A_650, %iota3A] : memref<2048x16xf32, #tpu.memory_space<vmem>>[vector<16xi32>, vector<16xi32>], vector<16xf32>,
          %add3A_652 = arith.constant 0 : i32
          %add3A_653 = vector.broadcast %add3A_652 : i32 to vector<16xi32>
          %add3A_654 = arith.addi %add3A_647, %add3A_653 : vector<16xi32>
          %gather3A_655 = tpu.vector_load_idx %arg9[%add3A_654, %iota3A] : memref<2048x16xf32, #tpu.memory_space<vmem>>[vector<16xi32>, vector<16xi32>], vector<16xf32>,
          %mul3A_656 = arith.mulf %gather3A_651, %gather3A_655 : vector<16xf32>
          tpu.vector_store_idx %arg10[%add3A_547, %add3A_647], %mul3A_656 : memref<32x1025xf32, #tpu.memory_space<vmem>>[vector<16xi32>, vector<16xi32>], vector<16xf32>,
          %mul3A_657 = arith.constant 0 : i32
          %mul3A_658 = vector.broadcast %mul3A_657 : i32 to vector<16xi32>
          %mul3A_659 = arith.muli %iota3A, %mul3A_658 : vector<16xi32>
          %add3A_660 = arith.constant 3 : i32
          %add3A_661 = arith.addi %mul3A_609, %add3A_660 : i32
          %add3A_662 = vector.broadcast %add3A_661 : i32 to vector<16xi32>
          %add3A_663 = arith.addi %mul3A_659, %add3A_662 : vector<16xi32>
          %add3A_664 = arith.constant 0 : i32
          %add3A_665 = vector.broadcast %add3A_664 : i32 to vector<16xi32>
          %add3A_666 = arith.addi %add3A_663, %add3A_665 : vector<16xi32>
          %gather3A_667 = tpu.vector_load_idx %arg8[%add3A_666, %iota3A] : memref<2048x16xf32, #tpu.memory_space<vmem>>[vector<16xi32>, vector<16xi32>], vector<16xf32>,
          %add3A_668 = arith.constant 0 : i32
          %add3A_669 = vector.broadcast %add3A_668 : i32 to vector<16xi32>
          %add3A_670 = arith.addi %add3A_663, %add3A_669 : vector<16xi32>
          %gather3A_671 = tpu.vector_load_idx %arg9[%add3A_670, %iota3A] : memref<2048x16xf32, #tpu.memory_space<vmem>>[vector<16xi32>, vector<16xi32>], vector<16xf32>,
          %mul3A_672 = arith.mulf %gather3A_667, %gather3A_671 : vector<16xf32>
          tpu.vector_store_idx %arg10[%add3A_547, %add3A_663], %mul3A_672 : memref<32x1025xf32, #tpu.memory_space<vmem>>[vector<16xi32>, vector<16xi32>], vector<16xf32>,
          %mul3A_673 = arith.constant 0 : i32
          %mul3A_674 = vector.broadcast %mul3A_673 : i32 to vector<16xi32>
          %mul3A_675 = arith.muli %iota3A, %mul3A_674 : vector<16xi32>
          %add3A_676 = arith.constant 4 : i32
          %add3A_677 = arith.addi %mul3A_609, %add3A_676 : i32
          %add3A_678 = vector.broadcast %add3A_677 : i32 to vector<16xi32>
          %add3A_679 = arith.addi %mul3A_675, %add3A_678 : vector<16xi32>
          %add3A_680 = arith.constant 0 : i32
          %add3A_681 = vector.broadcast %add3A_680 : i32 to vector<16xi32>
          %add3A_682 = arith.addi %add3A_679, %add3A_681 : vector<16xi32>
          %gather3A_683 = tpu.vector_load_idx %arg8[%add3A_682, %iota3A] : memref<2048x16xf32, #tpu.memory_space<vmem>>[vector<16xi32>, vector<16xi32>], vector<16xf32>,
          %add3A_684 = arith.constant 0 : i32
          %add3A_685 = vector.broadcast %add3A_684 : i32 to vector<16xi32>
          %add3A_686 = arith.addi %add3A_679, %add3A_685 : vector<16xi32>
          %gather3A_687 = tpu.vector_load_idx %arg9[%add3A_686, %iota3A] : memref<2048x16xf32, #tpu.memory_space<vmem>>[vector<16xi32>, vector<16xi32>], vector<16xf32>,
          %mul3A_688 = arith.mulf %gather3A_683, %gather3A_687 : vector<16xf32>
          tpu.vector_store_idx %arg10[%add3A_547, %add3A_679], %mul3A_688 : memref<32x1025xf32, #tpu.memory_space<vmem>>[vector<16xi32>, vector<16xi32>], vector<16xf32>,
          %mul3A_689 = arith.constant 0 : i32
          %mul3A_690 = vector.broadcast %mul3A_689 : i32 to vector<16xi32>
          %mul3A_691 = arith.muli %iota3A, %mul3A_690 : vector<16xi32>
          %add3A_692 = arith.constant 5 : i32
          %add3A_693 = arith.addi %mul3A_609, %add3A_692 : i32
          %add3A_694 = vector.broadcast %add3A_693 : i32 to vector<16xi32>
          %add3A_695 = arith.addi %mul3A_691, %add3A_694 : vector<16xi32>
          %add3A_696 = arith.constant 0 : i32
          %add3A_697 = vector.broadcast %add3A_696 : i32 to vector<16xi32>
          %add3A_698 = arith.addi %add3A_695, %add3A_697 : vector<16xi32>
          %gather3A_699 = tpu.vector_load_idx %arg8[%add3A_698, %iota3A] : memref<2048x16xf32, #tpu.memory_space<vmem>>[vector<16xi32>, vector<16xi32>], vector<16xf32>,
          %add3A_700 = arith.constant 0 : i32
          %add3A_701 = vector.broadcast %add3A_700 : i32 to vector<16xi32>
          %add3A_702 = arith.addi %add3A_695, %add3A_701 : vector<16xi32>
          %gather3A_703 = tpu.vector_load_idx %arg9[%add3A_702, %iota3A] : memref<2048x16xf32, #tpu.memory_space<vmem>>[vector<16xi32>, vector<16xi32>], vector<16xf32>,
          %mul3A_704 = arith.mulf %gather3A_699, %gather3A_703 : vector<16xf32>
          tpu.vector_store_idx %arg10[%add3A_547, %add3A_695], %mul3A_704 : memref<32x1025xf32, #tpu.memory_space<vmem>>[vector<16xi32>, vector<16xi32>], vector<16xf32>,
          %mul3A_705 = arith.constant 0 : i32
          %mul3A_706 = vector.broadcast %mul3A_705 : i32 to vector<16xi32>
          %mul3A_707 = arith.muli %iota3A, %mul3A_706 : vector<16xi32>
          %add3A_708 = arith.constant 6 : i32
          %add3A_709 = arith.addi %mul3A_609, %add3A_708 : i32
          %add3A_710 = vector.broadcast %add3A_709 : i32 to vector<16xi32>
          %add3A_711 = arith.addi %mul3A_707, %add3A_710 : vector<16xi32>
          %add3A_712 = arith.constant 0 : i32
          %add3A_713 = vector.broadcast %add3A_712 : i32 to vector<16xi32>
          %add3A_714 = arith.addi %add3A_711, %add3A_713 : vector<16xi32>
          %gather3A_715 = tpu.vector_load_idx %arg8[%add3A_714, %iota3A] : memref<2048x16xf32, #tpu.memory_space<vmem>>[vector<16xi32>, vector<16xi32>], vector<16xf32>,
          %add3A_716 = arith.constant 0 : i32
          %add3A_717 = vector.broadcast %add3A_716 : i32 to vector<16xi32>
          %add3A_718 = arith.addi %add3A_711, %add3A_717 : vector<16xi32>
          %gather3A_719 = tpu.vector_load_idx %arg9[%add3A_718, %iota3A] : memref<2048x16xf32, #tpu.memory_space<vmem>>[vector<16xi32>, vector<16xi32>], vector<16xf32>,
          %mul3A_720 = arith.mulf %gather3A_715, %gather3A_719 : vector<16xf32>
          tpu.vector_store_idx %arg10[%add3A_547, %add3A_711], %mul3A_720 : memref<32x1025xf32, #tpu.memory_space<vmem>>[vector<16xi32>, vector<16xi32>], vector<16xf32>,
          %mul3A_721 = arith.constant 0 : i32
          %mul3A_722 = vector.broadcast %mul3A_721 : i32 to vector<16xi32>
          %mul3A_723 = arith.muli %iota3A, %mul3A_722 : vector<16xi32>
          %add3A_724 = arith.constant 7 : i32
          %add3A_725 = arith.addi %mul3A_609, %add3A_724 : i32
          %add3A_726 = vector.broadcast %add3A_725 : i32 to vector<16xi32>
          %add3A_727 = arith.addi %mul3A_723, %add3A_726 : vector<16xi32>
          %add3A_728 = arith.constant 0 : i32
          %add3A_729 = vector.broadcast %add3A_728 : i32 to vector<16xi32>
          %add3A_730 = arith.addi %add3A_727, %add3A_729 : vector<16xi32>
          %gather3A_731 = tpu.vector_load_idx %arg8[%add3A_730, %iota3A] : memref<2048x16xf32, #tpu.memory_space<vmem>>[vector<16xi32>, vector<16xi32>], vector<16xf32>,
          %add3A_732 = arith.constant 0 : i32
          %add3A_733 = vector.broadcast %add3A_732 : i32 to vector<16xi32>
          %add3A_734 = arith.addi %add3A_727, %add3A_733 : vector<16xi32>
          %gather3A_735 = tpu.vector_load_idx %arg9[%add3A_734, %iota3A] : memref<2048x16xf32, #tpu.memory_space<vmem>>[vector<16xi32>, vector<16xi32>], vector<16xf32>,
          %mul3A_736 = arith.mulf %gather3A_731, %gather3A_735 : vector<16xf32>
          tpu.vector_store_idx %arg10[%add3A_547, %add3A_727], %mul3A_736 : memref<32x1025xf32, #tpu.memory_space<vmem>>[vector<16xi32>, vector<16xi32>], vector<16xf32>,
        }
        %scan3A_552 = arith.constant 128 : i32
        %mul3A_553 = arith.constant 32 : i32
        %mul3A_554 = arith.muli %while3A_300, %mul3A_553 : i32
        %add3A_555 = arith.addi %add3A, %mul3A_554 : i32
        %jit3A_556 = arith.constant 4 : i32
        %div3A = arith.divsi %add3A_555, %jit3A_556 : i32
        %sign3A = arith.constant 0 : i32
        %sign3A_557 = arith.cmpi sgt, %add3A_555, %sign3A : i32
        %sign3A_558 = arith.extui %sign3A_557 : i1 to i32
        %sign3A_559 = arith.constant 0 : i32
        %sign3A_560 = arith.cmpi slt, %add3A_555, %sign3A_559 : i32
        %sign3A_561 = arith.extui %sign3A_560 : i1 to i32
        %sign3A_562 = arith.subi %sign3A_558, %sign3A_561 : i32
        %sign3A_563 = arith.constant 0 : i32
        %sign3A_564 = arith.cmpi sgt, %jit3A_556, %sign3A_563 : i32
        %sign3A_565 = arith.extui %sign3A_564 : i1 to i32
        %sign3A_566 = arith.constant 0 : i32
        %sign3A_567 = arith.cmpi slt, %jit3A_556, %sign3A_566 : i32
        %sign3A_568 = arith.extui %sign3A_567 : i1 to i32
        %sign3A_569 = arith.subi %sign3A_565, %sign3A_568 : i32
        %ne3A_570 = arith.cmpi ne, %sign3A_562, %sign3A_569 : i32
        %rem3A_571 = arith.remsi %add3A_555, %jit3A_556 : i32
        %ne3A_572 = arith.constant 0 : i32
        %ne3A_573 = arith.cmpi ne, %rem3A_571, %ne3A_572 : i32
        %and3A_574 = arith.andi %ne3A_570, %ne3A_573 : i1
        %sub3A = arith.constant 1 : i32
        %sub3A_575 = arith.subi %div3A, %sub3A : i32
        %select_n3A_576 = arith.select %and3A_574, %sub3A_575, %div3A : i32
        %jit3A_577 = arith.constant 4 : i32
        %eq3A_578 = arith.constant 0 : i32
        %eq3A_579 = arith.cmpi eq, %jit3A_577, %eq3A_578 : i32
        %jit3A_580 = arith.constant 1 : i32
        %select_n3A_581 = arith.select %eq3A_579, %jit3A_580, %jit3A_577 : i32
        %rem3A_582 = arith.remsi %add3A_555, %select_n3A_581 : i32
        %ne3A_583 = arith.constant 0 : i32
        %ne3A_584 = arith.cmpi ne, %rem3A_582, %ne3A_583 : i32
        %lt3A_585 = arith.constant 0 : i32
        %lt3A_586 = arith.cmpi slt, %rem3A_582, %lt3A_585 : i32
        %lt3A_587 = arith.constant 0 : i32
        %lt3A_588 = arith.cmpi slt, %select_n3A_581, %lt3A_587 : i32
        %ne3A_589 = arith.xori %lt3A_586, %lt3A_588 : i1
        %and3A_590 = arith.andi %ne3A_589, %ne3A_584 : i1
        %add3A_591 = arith.addi %rem3A_582, %select_n3A_581 : i32
        %select_n3A_592 = arith.select %and3A_590, %add3A_591, %rem3A_582 : i32
        %mul3A_593 = arith.constant 1024 : i32
        %mul3A_594 = arith.muli %select_n3A_592, %mul3A_593 : i32
        %dma_start3A_595 = arith.constant 0 : i32
        %dma_start3A_596 = arith.constant 0 : i32
        %dma_start3A_597 = tpu.memref_slice %arg10[%dma_start3A_595, %dma_start3A_596] : memref<32x1025xf32, #tpu.memory_space<vmem>> -> memref<16x1024xf32, #tpu.memory_space<vmem>>
        %dma_start3A_598 = arith.constant 0 : i32
        %dma_start3A_599 = tpu.memref_slice %arg5[%select_n3A_576, %dma_start3A_598, %mul3A_594] : memref<325x16x4096xf32, #tpu.memory_space<hbm>> -> memref<1x16x1024xf32, #tpu.memory_space<hbm>>
        %dma_start3A_600 = tpu.memref_squeeze %dma_start3A_599 : memref<1x16x1024xf32, #tpu.memory_space<hbm>> -> memref<16x1024xf32, #tpu.memory_space<hbm>>
        %dma_start3A_601 = arith.constant 0 : i32
        %dma_start3A_602 = tpu.memref_slice %arg5[%select_n3A_576, %dma_start3A_601, %mul3A_594] : memref<325x16x4096xf32, #tpu.memory_space<hbm>> -> memref<1x16x1024xf32, #tpu.memory_space<hbm>>
        %dma_start3A_603 = tpu.memref_squeeze %dma_start3A_602 : memref<1x16x1024xf32, #tpu.memory_space<hbm>> -> memref<16x1024xf32, #tpu.memory_space<hbm>>
        %dma_start3A_604 = arith.constant 0 : i32
        %dma_start3A_605 = arith.constant 0 : i32
        %dma_start3A_606 = tpu.memref_slice %arg10[%dma_start3A_604, %dma_start3A_605] : memref<32x1025xf32, #tpu.memory_space<vmem>> -> memref<16x1024xf32, #tpu.memory_space<vmem>>
        tpu.enqueue_dma source(%dma_start3A_606 : memref<16x1024xf32, #tpu.memory_space<vmem>>) target(%dma_start3A_603 : memref<16x1024xf32, #tpu.memory_space<hbm>>) target_semaphore(%arg14 : memref<!tpu.dma_semaphore, #tpu.memory_space<semaphore_mem>>)
      } else {
      }
      %jit3A_316 = arith.constant 2 : i32
      %eq3A_317 = arith.constant 0 : i32
      %eq3A_318 = arith.cmpi eq, %jit3A_316, %eq3A_317 : i32
      %jit3A_319 = arith.constant 1 : i32
      %select_n3A_320 = arith.select %eq3A_318, %jit3A_319, %jit3A_316 : i32
      %rem3A_321 = arith.remsi %while3A_300, %select_n3A_320 : i32
      %ne3A_322 = arith.constant 0 : i32
      %ne3A_323 = arith.cmpi ne, %rem3A_321, %ne3A_322 : i32
      %lt3A_324 = arith.constant 0 : i32
      %lt3A_325 = arith.cmpi slt, %rem3A_321, %lt3A_324 : i32
      %lt3A_326 = arith.constant 0 : i32
      %lt3A_327 = arith.cmpi slt, %select_n3A_320, %lt3A_326 : i32
      %ne3A_328 = arith.xori %lt3A_325, %lt3A_327 : i1
      %and3A_329 = arith.andi %ne3A_328, %ne3A_323 : i1
      %add3A_330 = arith.addi %rem3A_321, %select_n3A_320 : i32
      %select_n3A_331 = arith.select %and3A_329, %add3A_330, %rem3A_321 : i32
      %eq3A_332 = arith.constant 1 : i32
      %eq3A_333 = arith.cmpi eq, %select_n3A_331, %eq3A_332 : i32
      %convert_element_type3A_334 = arith.extui %eq3A_333 : i1 to i32
      %cond3A_335 = arith.constant 0 : i32
      %cond3A_336 = arith.cmpi ne, %convert_element_type3A_334, %cond3A_335 : i32
      scf.if %cond3A_336 {
        %add3A_337 = arith.constant 1 : i32
        %add3A_338 = arith.addi %while3A_300, %add3A_337 : i32
        %lt3A_339 = arith.cmpi slt, %add3A_338, %add3A_4 : i32
        %convert_element_type3A_340 = arith.extui %lt3A_339 : i1 to i32
        %cond3A_341 = arith.constant 0 : i32
        %cond3A_342 = arith.cmpi ne, %convert_element_type3A_340, %cond3A_341 : i32
        scf.if %cond3A_342 {
          %add3A_607 = arith.constant 1 : i32
          %add3A_608 = arith.addi %while3A_300, %add3A_607 : i32
          %mul3A_609 = arith.constant 32 : i32
          %mul3A_610 = arith.muli %add3A_608, %mul3A_609 : i32
          %add3A_611 = arith.addi %add3A, %mul3A_610 : i32
          %mul3A_612 = arith.constant 1024 : i32
          %mul3A_613 = arith.muli %add3A_611, %mul3A_612 : i32
          %dma_wait3A_614 = arith.constant 0 : i32
          %dma_wait3A_615 = arith.constant 0 : i32
          %dma_wait3A_616 = tpu.memref_slice %arg6[%dma_wait3A_614, %dma_wait3A_615] : memref<2x1024xi32, #tpu.memory_space<vmem>> -> memref<1x1024xi32, #tpu.memory_space<vmem>>
          %dma_wait3A_617 = tpu.memref_squeeze %dma_wait3A_616 : memref<1x1024xi32, #tpu.memory_space<vmem>> -> memref<1024xi32, #tpu.memory_space<vmem>>
          %dma_wait3A_618 = tpu.memref_slice %arg2[%mul3A_613] : memref<1331200xi32, #tpu.memory_space<hbm>> -> memref<1024xi32, #tpu.memory_space<hbm>>
          %dma_wait3A_619 = arith.constant 0 : i32
          %dma_wait3A_620 = tpu.memref_slice %arg6[%dma_wait3A_614, %dma_wait3A_619] : memref<2x1024xi32, #tpu.memory_space<vmem>> -> memref<1x1024xi32, #tpu.memory_space<vmem>>
          %dma_wait3A_621 = tpu.memref_squeeze %dma_wait3A_620 : memref<1x1024xi32, #tpu.memory_space<vmem>> -> memref<1024xi32, #tpu.memory_space<vmem>>
          %dma_wait3A_622 = tpu.memref_slice %arg2[%mul3A_613] : memref<1331200xi32, #tpu.memory_space<hbm>> -> memref<1024xi32, #tpu.memory_space<hbm>>
          tpu.wait_dma2 semaphore(%arg11 : memref<!tpu.dma_semaphore, #tpu.memory_space<semaphore_mem>>) src(%dma_wait3A_622 : memref<1024xi32, #tpu.memory_space<hbm>>) dst(%dma_wait3A_621 : memref<1024xi32, #tpu.memory_space<vmem>>)
          %dma_wait3A_623 = arith.constant 0 : i32
          %dma_wait3A_624 = arith.constant 0 : i32
          %dma_wait3A_625 = tpu.memref_slice %arg7[%dma_wait3A_623, %dma_wait3A_624] : memref<2x1024xi32, #tpu.memory_space<vmem>> -> memref<1x1024xi32, #tpu.memory_space<vmem>>
          %dma_wait3A_626 = tpu.memref_squeeze %dma_wait3A_625 : memref<1x1024xi32, #tpu.memory_space<vmem>> -> memref<1024xi32, #tpu.memory_space<vmem>>
          %dma_wait3A_627 = tpu.memref_slice %arg3[%mul3A_613] : memref<1331200xi32, #tpu.memory_space<hbm>> -> memref<1024xi32, #tpu.memory_space<hbm>>
          %dma_wait3A_628 = arith.constant 0 : i32
          %dma_wait3A_629 = tpu.memref_slice %arg7[%dma_wait3A_623, %dma_wait3A_628] : memref<2x1024xi32, #tpu.memory_space<vmem>> -> memref<1x1024xi32, #tpu.memory_space<vmem>>
          %dma_wait3A_630 = tpu.memref_squeeze %dma_wait3A_629 : memref<1x1024xi32, #tpu.memory_space<vmem>> -> memref<1024xi32, #tpu.memory_space<vmem>>
          %dma_wait3A_631 = tpu.memref_slice %arg3[%mul3A_613] : memref<1331200xi32, #tpu.memory_space<hbm>> -> memref<1024xi32, #tpu.memory_space<hbm>>
          tpu.wait_dma2 semaphore(%arg11 : memref<!tpu.dma_semaphore, #tpu.memory_space<semaphore_mem>>) src(%dma_wait3A_631 : memref<1024xi32, #tpu.memory_space<hbm>>) dst(%dma_wait3A_630 : memref<1024xi32, #tpu.memory_space<vmem>>)
          %dma_start3A_632 = arith.constant 0 : i32
          %dma_start3A_633 = arith.constant 0 : i32
          %dma_start3A_634 = arith.constant 0 : i32
          %dma_start3A_635 = tpu.memref_slice %arg8[%dma_start3A_633, %dma_start3A_634] : memref<2048x16xf32, #tpu.memory_space<vmem>> -> memref<128x16xf32, #tpu.memory_space<vmem>>
          %dma_start3A_636 = arith.constant 0 : i32
          %dma_start3A_637 = tpu.memref_slice %arg6[%dma_start3A_632, %dma_start3A_636] : memref<2x1024xi32, #tpu.memory_space<vmem>> -> memref<1x1024xi32, #tpu.memory_space<vmem>>
          %dma_start3A_638 = tpu.memref_squeeze %dma_start3A_637 : memref<1x1024xi32, #tpu.memory_space<vmem>> -> memref<1024xi32, #tpu.memory_space<vmem>>
          %dma_start3A_639 = arith.constant 0 : i32
          %dma_start3A_640 = tpu.memref_slice %dma_start3A_638[%dma_start3A_639] : memref<1024xi32, #tpu.memory_space<vmem>> -> memref<128xi32, #tpu.memory_space<vmem>>
          %dma_start3A_641 = arith.constant 0 : i32
          %dma_start3A_642 = arith.constant 0 : i32
          %dma_start3A_643 = tpu.memref_slice %arg4[%dma_start3A_641, %dma_start3A_642] : memref<2600000x16xf32, #tpu.memory_space<hbm>> -> memref<2600000x16xf32, #tpu.memory_space<hbm>>
          tpu.enqueue_indirect_dma source(%dma_start3A_643 : memref<2600000x16xf32, #tpu.memory_space<hbm>>) target(%dma_start3A_635 : memref<128x16xf32, #tpu.memory_space<vmem>>) offsets(%dma_start3A_640 : memref<128xi32, #tpu.memory_space<vmem>>) semaphore(%arg12 : memref<!tpu.dma_semaphore, #tpu.memory_space<semaphore_mem>>)
          %dma_start3A_644 = arith.constant 0 : i32
          %dma_start3A_645 = arith.constant 0 : i32
          %dma_start3A_646 = arith.constant 0 : i32
          %dma_start3A_647 = tpu.memref_slice %arg9[%dma_start3A_645, %dma_start3A_646] : memref<2048x16xf32, #tpu.memory_space<vmem>> -> memref<128x16xf32, #tpu.memory_space<vmem>>
          %dma_start3A_648 = arith.constant 0 : i32
          %dma_start3A_649 = tpu.memref_slice %arg7[%dma_start3A_644, %dma_start3A_648] : memref<2x1024xi32, #tpu.memory_space<vmem>> -> memref<1x1024xi32, #tpu.memory_space<vmem>>
          %dma_start3A_650 = tpu.memref_squeeze %dma_start3A_649 : memref<1x1024xi32, #tpu.memory_space<vmem>> -> memref<1024xi32, #tpu.memory_space<vmem>>
          %dma_start3A_651 = arith.constant 0 : i32
          %dma_start3A_652 = tpu.memref_slice %dma_start3A_650[%dma_start3A_651] : memref<1024xi32, #tpu.memory_space<vmem>> -> memref<128xi32, #tpu.memory_space<vmem>>
          %dma_start3A_653 = arith.constant 0 : i32
          %dma_start3A_654 = arith.constant 0 : i32
          %dma_start3A_655 = tpu.memref_slice %arg4[%dma_start3A_653, %dma_start3A_654] : memref<2600000x16xf32, #tpu.memory_space<hbm>> -> memref<2600000x16xf32, #tpu.memory_space<hbm>>
          tpu.enqueue_indirect_dma source(%dma_start3A_655 : memref<2600000x16xf32, #tpu.memory_space<hbm>>) target(%dma_start3A_647 : memref<128x16xf32, #tpu.memory_space<vmem>>) offsets(%dma_start3A_652 : memref<128xi32, #tpu.memory_space<vmem>>) semaphore(%arg12 : memref<!tpu.dma_semaphore, #tpu.memory_space<semaphore_mem>>)
          %dma_start3A_656 = arith.constant 0 : i32
          %dma_start3A_657 = arith.constant 128 : i32
          %dma_start3A_658 = arith.constant 0 : i32
          %dma_start3A_659 = tpu.memref_slice %arg8[%dma_start3A_657, %dma_start3A_658] : memref<2048x16xf32, #tpu.memory_space<vmem>> -> memref<128x16xf32, #tpu.memory_space<vmem>>
          %dma_start3A_660 = arith.constant 0 : i32
          %dma_start3A_661 = tpu.memref_slice %arg6[%dma_start3A_656, %dma_start3A_660] : memref<2x1024xi32, #tpu.memory_space<vmem>> -> memref<1x1024xi32, #tpu.memory_space<vmem>>
          %dma_start3A_662 = tpu.memref_squeeze %dma_start3A_661 : memref<1x1024xi32, #tpu.memory_space<vmem>> -> memref<1024xi32, #tpu.memory_space<vmem>>
          %dma_start3A_663 = arith.constant 128 : i32
          %dma_start3A_664 = tpu.memref_slice %dma_start3A_662[%dma_start3A_663] : memref<1024xi32, #tpu.memory_space<vmem>> -> memref<128xi32, #tpu.memory_space<vmem>>
          %dma_start3A_665 = arith.constant 0 : i32
          %dma_start3A_666 = arith.constant 0 : i32
          %dma_start3A_667 = tpu.memref_slice %arg4[%dma_start3A_665, %dma_start3A_666] : memref<2600000x16xf32, #tpu.memory_space<hbm>> -> memref<2600000x16xf32, #tpu.memory_space<hbm>>
          tpu.enqueue_indirect_dma source(%dma_start3A_667 : memref<2600000x16xf32, #tpu.memory_space<hbm>>) target(%dma_start3A_659 : memref<128x16xf32, #tpu.memory_space<vmem>>) offsets(%dma_start3A_664 : memref<128xi32, #tpu.memory_space<vmem>>) semaphore(%arg12 : memref<!tpu.dma_semaphore, #tpu.memory_space<semaphore_mem>>)
          %dma_start3A_668 = arith.constant 0 : i32
          %dma_start3A_669 = arith.constant 128 : i32
          %dma_start3A_670 = arith.constant 0 : i32
          %dma_start3A_671 = tpu.memref_slice %arg9[%dma_start3A_669, %dma_start3A_670] : memref<2048x16xf32, #tpu.memory_space<vmem>> -> memref<128x16xf32, #tpu.memory_space<vmem>>
          %dma_start3A_672 = arith.constant 0 : i32
          %dma_start3A_673 = tpu.memref_slice %arg7[%dma_start3A_668, %dma_start3A_672] : memref<2x1024xi32, #tpu.memory_space<vmem>> -> memref<1x1024xi32, #tpu.memory_space<vmem>>
          %dma_start3A_674 = tpu.memref_squeeze %dma_start3A_673 : memref<1x1024xi32, #tpu.memory_space<vmem>> -> memref<1024xi32, #tpu.memory_space<vmem>>
          %dma_start3A_675 = arith.constant 128 : i32
          %dma_start3A_676 = tpu.memref_slice %dma_start3A_674[%dma_start3A_675] : memref<1024xi32, #tpu.memory_space<vmem>> -> memref<128xi32, #tpu.memory_space<vmem>>
          %dma_start3A_677 = arith.constant 0 : i32
          %dma_start3A_678 = arith.constant 0 : i32
          %dma_start3A_679 = tpu.memref_slice %arg4[%dma_start3A_677, %dma_start3A_678] : memref<2600000x16xf32, #tpu.memory_space<hbm>> -> memref<2600000x16xf32, #tpu.memory_space<hbm>>
          tpu.enqueue_indirect_dma source(%dma_start3A_679 : memref<2600000x16xf32, #tpu.memory_space<hbm>>) target(%dma_start3A_671 : memref<128x16xf32, #tpu.memory_space<vmem>>) offsets(%dma_start3A_676 : memref<128xi32, #tpu.memory_space<vmem>>) semaphore(%arg12 : memref<!tpu.dma_semaphore, #tpu.memory_space<semaphore_mem>>)
          %dma_start3A_680 = arith.constant 0 : i32
          %dma_start3A_681 = arith.constant 256 : i32
          %dma_start3A_682 = arith.constant 0 : i32
          %dma_start3A_683 = tpu.memref_slice %arg8[%dma_start3A_681, %dma_start3A_682] : memref<2048x16xf32, #tpu.memory_space<vmem>> -> memref<128x16xf32, #tpu.memory_space<vmem>>
          %dma_start3A_684 = arith.constant 0 : i32
          %dma_start3A_685 = tpu.memref_slice %arg6[%dma_start3A_680, %dma_start3A_684] : memref<2x1024xi32, #tpu.memory_space<vmem>> -> memref<1x1024xi32, #tpu.memory_space<vmem>>
          %dma_start3A_686 = tpu.memref_squeeze %dma_start3A_685 : memref<1x1024xi32, #tpu.memory_space<vmem>> -> memref<1024xi32, #tpu.memory_space<vmem>>
          %dma_start3A_687 = arith.constant 256 : i32
          %dma_start3A_688 = tpu.memref_slice %dma_start3A_686[%dma_start3A_687] : memref<1024xi32, #tpu.memory_space<vmem>> -> memref<128xi32, #tpu.memory_space<vmem>>
          %dma_start3A_689 = arith.constant 0 : i32
          %dma_start3A_690 = arith.constant 0 : i32
          %dma_start3A_691 = tpu.memref_slice %arg4[%dma_start3A_689, %dma_start3A_690] : memref<2600000x16xf32, #tpu.memory_space<hbm>> -> memref<2600000x16xf32, #tpu.memory_space<hbm>>
          tpu.enqueue_indirect_dma source(%dma_start3A_691 : memref<2600000x16xf32, #tpu.memory_space<hbm>>) target(%dma_start3A_683 : memref<128x16xf32, #tpu.memory_space<vmem>>) offsets(%dma_start3A_688 : memref<128xi32, #tpu.memory_space<vmem>>) semaphore(%arg12 : memref<!tpu.dma_semaphore, #tpu.memory_space<semaphore_mem>>)
          %dma_start3A_692 = arith.constant 0 : i32
          %dma_start3A_693 = arith.constant 256 : i32
          %dma_start3A_694 = arith.constant 0 : i32
          %dma_start3A_695 = tpu.memref_slice %arg9[%dma_start3A_693, %dma_start3A_694] : memref<2048x16xf32, #tpu.memory_space<vmem>> -> memref<128x16xf32, #tpu.memory_space<vmem>>
          %dma_start3A_696 = arith.constant 0 : i32
          %dma_start3A_697 = tpu.memref_slice %arg7[%dma_start3A_692, %dma_start3A_696] : memref<2x1024xi32, #tpu.memory_space<vmem>> -> memref<1x1024xi32, #tpu.memory_space<vmem>>
          %dma_start3A_698 = tpu.memref_squeeze %dma_start3A_697 : memref<1x1024xi32, #tpu.memory_space<vmem>> -> memref<1024xi32, #tpu.memory_space<vmem>>
          %dma_start3A_699 = arith.constant 256 : i32
          %dma_start3A_700 = tpu.memref_slice %dma_start3A_698[%dma_start3A_699] : memref<1024xi32, #tpu.memory_space<vmem>> -> memref<128xi32, #tpu.memory_space<vmem>>
          %dma_start3A_701 = arith.constant 0 : i32
          %dma_start3A_702 = arith.constant 0 : i32
          %dma_start3A_703 = tpu.memref_slice %arg4[%dma_start3A_701, %dma_start3A_702] : memref<2600000x16xf32, #tpu.memory_space<hbm>> -> memref<2600000x16xf32, #tpu.memory_space<hbm>>
          tpu.enqueue_indirect_dma source(%dma_start3A_703 : memref<2600000x16xf32, #tpu.memory_space<hbm>>) target(%dma_start3A_695 : memref<128x16xf32, #tpu.memory_space<vmem>>) offsets(%dma_start3A_700 : memref<128xi32, #tpu.memory_space<vmem>>) semaphore(%arg12 : memref<!tpu.dma_semaphore, #tpu.memory_space<semaphore_mem>>)
          %dma_start3A_704 = arith.constant 0 : i32
          %dma_start3A_705 = arith.constant 384 : i32
          %dma_start3A_706 = arith.constant 0 : i32
          %dma_start3A_707 = tpu.memref_slice %arg8[%dma_start3A_705, %dma_start3A_706] : memref<2048x16xf32, #tpu.memory_space<vmem>> -> memref<128x16xf32, #tpu.memory_space<vmem>>
          %dma_start3A_708 = arith.constant 0 : i32
          %dma_start3A_709 = tpu.memref_slice %arg6[%dma_start3A_704, %dma_start3A_708] : memref<2x1024xi32, #tpu.memory_space<vmem>> -> memref<1x1024xi32, #tpu.memory_space<vmem>>
          %dma_start3A_710 = tpu.memref_squeeze %dma_start3A_709 : memref<1x1024xi32, #tpu.memory_space<vmem>> -> memref<1024xi32, #tpu.memory_space<vmem>>
          %dma_start3A_711 = arith.constant 384 : i32
          %dma_start3A_712 = tpu.memref_slice %dma_start3A_710[%dma_start3A_711] : memref<1024xi32, #tpu.memory_space<vmem>> -> memref<128xi32, #tpu.memory_space<vmem>>
          %dma_start3A_713 = arith.constant 0 : i32
          %dma_start3A_714 = arith.constant 0 : i32
          %dma_start3A_715 = tpu.memref_slice %arg4[%dma_start3A_713, %dma_start3A_714] : memref<2600000x16xf32, #tpu.memory_space<hbm>> -> memref<2600000x16xf32, #tpu.memory_space<hbm>>
          tpu.enqueue_indirect_dma source(%dma_start3A_715 : memref<2600000x16xf32, #tpu.memory_space<hbm>>) target(%dma_start3A_707 : memref<128x16xf32, #tpu.memory_space<vmem>>) offsets(%dma_start3A_712 : memref<128xi32, #tpu.memory_space<vmem>>) semaphore(%arg12 : memref<!tpu.dma_semaphore, #tpu.memory_space<semaphore_mem>>)
          %dma_start3A_716 = arith.constant 0 : i32
          %dma_start3A_717 = arith.constant 384 : i32
          %dma_start3A_718 = arith.constant 0 : i32
          %dma_start3A_719 = tpu.memref_slice %arg9[%dma_start3A_717, %dma_start3A_718] : memref<2048x16xf32, #tpu.memory_space<vmem>> -> memref<128x16xf32, #tpu.memory_space<vmem>>
          %dma_start3A_720 = arith.constant 0 : i32
          %dma_start3A_721 = tpu.memref_slice %arg7[%dma_start3A_716, %dma_start3A_720] : memref<2x1024xi32, #tpu.memory_space<vmem>> -> memref<1x1024xi32, #tpu.memory_space<vmem>>
          %dma_start3A_722 = tpu.memref_squeeze %dma_start3A_721 : memref<1x1024xi32, #tpu.memory_space<vmem>> -> memref<1024xi32, #tpu.memory_space<vmem>>
          %dma_start3A_723 = arith.constant 384 : i32
          %dma_start3A_724 = tpu.memref_slice %dma_start3A_722[%dma_start3A_723] : memref<1024xi32, #tpu.memory_space<vmem>> -> memref<128xi32, #tpu.memory_space<vmem>>
          %dma_start3A_725 = arith.constant 0 : i32
          %dma_start3A_726 = arith.constant 0 : i32
          %dma_start3A_727 = tpu.memref_slice %arg4[%dma_start3A_725, %dma_start3A_726] : memref<2600000x16xf32, #tpu.memory_space<hbm>> -> memref<2600000x16xf32, #tpu.memory_space<hbm>>
          tpu.enqueue_indirect_dma source(%dma_start3A_727 : memref<2600000x16xf32, #tpu.memory_space<hbm>>) target(%dma_start3A_719 : memref<128x16xf32, #tpu.memory_space<vmem>>) offsets(%dma_start3A_724 : memref<128xi32, #tpu.memory_space<vmem>>) semaphore(%arg12 : memref<!tpu.dma_semaphore, #tpu.memory_space<semaphore_mem>>)
          %dma_start3A_728 = arith.constant 0 : i32
          %dma_start3A_729 = arith.constant 512 : i32
          %dma_start3A_730 = arith.constant 0 : i32
          %dma_start3A_731 = tpu.memref_slice %arg8[%dma_start3A_729, %dma_start3A_730] : memref<2048x16xf32, #tpu.memory_space<vmem>> -> memref<128x16xf32, #tpu.memory_space<vmem>>
          %dma_start3A_732 = arith.constant 0 : i32
          %dma_start3A_733 = tpu.memref_slice %arg6[%dma_start3A_728, %dma_start3A_732] : memref<2x1024xi32, #tpu.memory_space<vmem>> -> memref<1x1024xi32, #tpu.memory_space<vmem>>
          %dma_start3A_734 = tpu.memref_squeeze %dma_start3A_733 : memref<1x1024xi32, #tpu.memory_space<vmem>> -> memref<1024xi32, #tpu.memory_space<vmem>>
          %dma_start3A_735 = arith.constant 512 : i32
          %dma_start3A_736 = tpu.memref_slice %dma_start3A_734[%dma_start3A_735] : memref<1024xi32, #tpu.memory_space<vmem>> -> memref<128xi32, #tpu.memory_space<vmem>>
          %dma_start3A_737 = arith.constant 0 : i32
          %dma_start3A_738 = arith.constant 0 : i32
          %dma_start3A_739 = tpu.memref_slice %arg4[%dma_start3A_737, %dma_start3A_738] : memref<2600000x16xf32, #tpu.memory_space<hbm>> -> memref<2600000x16xf32, #tpu.memory_space<hbm>>
          tpu.enqueue_indirect_dma source(%dma_start3A_739 : memref<2600000x16xf32, #tpu.memory_space<hbm>>) target(%dma_start3A_731 : memref<128x16xf32, #tpu.memory_space<vmem>>) offsets(%dma_start3A_736 : memref<128xi32, #tpu.memory_space<vmem>>) semaphore(%arg12 : memref<!tpu.dma_semaphore, #tpu.memory_space<semaphore_mem>>)
          %dma_start3A_740 = arith.constant 0 : i32
          %dma_start3A_741 = arith.constant 512 : i32
          %dma_start3A_742 = arith.constant 0 : i32
          %dma_start3A_743 = tpu.memref_slice %arg9[%dma_start3A_741, %dma_start3A_742] : memref<2048x16xf32, #tpu.memory_space<vmem>> -> memref<128x16xf32, #tpu.memory_space<vmem>>
          %dma_start3A_744 = arith.constant 0 : i32
          %dma_start3A_745 = tpu.memref_slice %arg7[%dma_start3A_740, %dma_start3A_744] : memref<2x1024xi32, #tpu.memory_space<vmem>> -> memref<1x1024xi32, #tpu.memory_space<vmem>>
          %dma_start3A_746 = tpu.memref_squeeze %dma_start3A_745 : memref<1x1024xi32, #tpu.memory_space<vmem>> -> memref<1024xi32, #tpu.memory_space<vmem>>
          %dma_start3A_747 = arith.constant 512 : i32
          %dma_start3A_748 = tpu.memref_slice %dma_start3A_746[%dma_start3A_747] : memref<1024xi32, #tpu.memory_space<vmem>> -> memref<128xi32, #tpu.memory_space<vmem>>
          %dma_start3A_749 = arith.constant 0 : i32
          %dma_start3A_750 = arith.constant 0 : i32
          %dma_start3A_751 = tpu.memref_slice %arg4[%dma_start3A_749, %dma_start3A_750] : memref<2600000x16xf32, #tpu.memory_space<hbm>> -> memref<2600000x16xf32, #tpu.memory_space<hbm>>
          tpu.enqueue_indirect_dma source(%dma_start3A_751 : memref<2600000x16xf32, #tpu.memory_space<hbm>>) target(%dma_start3A_743 : memref<128x16xf32, #tpu.memory_space<vmem>>) offsets(%dma_start3A_748 : memref<128xi32, #tpu.memory_space<vmem>>) semaphore(%arg12 : memref<!tpu.dma_semaphore, #tpu.memory_space<semaphore_mem>>)
          %dma_start3A_752 = arith.constant 0 : i32
          %dma_start3A_753 = arith.constant 640 : i32
          %dma_start3A_754 = arith.constant 0 : i32
          %dma_start3A_755 = tpu.memref_slice %arg8[%dma_start3A_753, %dma_start3A_754] : memref<2048x16xf32, #tpu.memory_space<vmem>> -> memref<128x16xf32, #tpu.memory_space<vmem>>
          %dma_start3A_756 = arith.constant 0 : i32
          %dma_start3A_757 = tpu.memref_slice %arg6[%dma_start3A_752, %dma_start3A_756] : memref<2x1024xi32, #tpu.memory_space<vmem>> -> memref<1x1024xi32, #tpu.memory_space<vmem>>
          %dma_start3A_758 = tpu.memref_squeeze %dma_start3A_757 : memref<1x1024xi32, #tpu.memory_space<vmem>> -> memref<1024xi32, #tpu.memory_space<vmem>>
          %dma_start3A_759 = arith.constant 640 : i32
          %dma_start3A_760 = tpu.memref_slice %dma_start3A_758[%dma_start3A_759] : memref<1024xi32, #tpu.memory_space<vmem>> -> memref<128xi32, #tpu.memory_space<vmem>>
          %dma_start3A_761 = arith.constant 0 : i32
          %dma_start3A_762 = arith.constant 0 : i32
          %dma_start3A_763 = tpu.memref_slice %arg4[%dma_start3A_761, %dma_start3A_762] : memref<2600000x16xf32, #tpu.memory_space<hbm>> -> memref<2600000x16xf32, #tpu.memory_space<hbm>>
          tpu.enqueue_indirect_dma source(%dma_start3A_763 : memref<2600000x16xf32, #tpu.memory_space<hbm>>) target(%dma_start3A_755 : memref<128x16xf32, #tpu.memory_space<vmem>>) offsets(%dma_start3A_760 : memref<128xi32, #tpu.memory_space<vmem>>) semaphore(%arg12 : memref<!tpu.dma_semaphore, #tpu.memory_space<semaphore_mem>>)
          %dma_start3A_764 = arith.constant 0 : i32
          %dma_start3A_765 = arith.constant 640 : i32
          %dma_start3A_766 = arith.constant 0 : i32
          %dma_start3A_767 = tpu.memref_slice %arg9[%dma_start3A_765, %dma_start3A_766] : memref<2048x16xf32, #tpu.memory_space<vmem>> -> memref<128x16xf32, #tpu.memory_space<vmem>>
          %dma_start3A_768 = arith.constant 0 : i32
          %dma_start3A_769 = tpu.memref_slice %arg7[%dma_start3A_764, %dma_start3A_768] : memref<2x1024xi32, #tpu.memory_space<vmem>> -> memref<1x1024xi32, #tpu.memory_space<vmem>>
          %dma_start3A_770 = tpu.memref_squeeze %dma_start3A_769 : memref<1x1024xi32, #tpu.memory_space<vmem>> -> memref<1024xi32, #tpu.memory_space<vmem>>
          %dma_start3A_771 = arith.constant 640 : i32
          %dma_start3A_772 = tpu.memref_slice %dma_start3A_770[%dma_start3A_771] : memref<1024xi32, #tpu.memory_space<vmem>> -> memref<128xi32, #tpu.memory_space<vmem>>
          %dma_start3A_773 = arith.constant 0 : i32
          %dma_start3A_774 = arith.constant 0 : i32
          %dma_start3A_775 = tpu.memref_slice %arg4[%dma_start3A_773, %dma_start3A_774] : memref<2600000x16xf32, #tpu.memory_space<hbm>> -> memref<2600000x16xf32, #tpu.memory_space<hbm>>
          tpu.enqueue_indirect_dma source(%dma_start3A_775 : memref<2600000x16xf32, #tpu.memory_space<hbm>>) target(%dma_start3A_767 : memref<128x16xf32, #tpu.memory_space<vmem>>) offsets(%dma_start3A_772 : memref<128xi32, #tpu.memory_space<vmem>>) semaphore(%arg12 : memref<!tpu.dma_semaphore, #tpu.memory_space<semaphore_mem>>)
          %dma_start3A_776 = arith.constant 0 : i32
          %dma_start3A_777 = arith.constant 768 : i32
          %dma_start3A_778 = arith.constant 0 : i32
          %dma_start3A_779 = tpu.memref_slice %arg8[%dma_start3A_777, %dma_start3A_778] : memref<2048x16xf32, #tpu.memory_space<vmem>> -> memref<128x16xf32, #tpu.memory_space<vmem>>
          %dma_start3A_780 = arith.constant 0 : i32
          %dma_start3A_781 = tpu.memref_slice %arg6[%dma_start3A_776, %dma_start3A_780] : memref<2x1024xi32, #tpu.memory_space<vmem>> -> memref<1x1024xi32, #tpu.memory_space<vmem>>
          %dma_start3A_782 = tpu.memref_squeeze %dma_start3A_781 : memref<1x1024xi32, #tpu.memory_space<vmem>> -> memref<1024xi32, #tpu.memory_space<vmem>>
          %dma_start3A_783 = arith.constant 768 : i32
          %dma_start3A_784 = tpu.memref_slice %dma_start3A_782[%dma_start3A_783] : memref<1024xi32, #tpu.memory_space<vmem>> -> memref<128xi32, #tpu.memory_space<vmem>>
          %dma_start3A_785 = arith.constant 0 : i32
          %dma_start3A_786 = arith.constant 0 : i32
          %dma_start3A_787 = tpu.memref_slice %arg4[%dma_start3A_785, %dma_start3A_786] : memref<2600000x16xf32, #tpu.memory_space<hbm>> -> memref<2600000x16xf32, #tpu.memory_space<hbm>>
          tpu.enqueue_indirect_dma source(%dma_start3A_787 : memref<2600000x16xf32, #tpu.memory_space<hbm>>) target(%dma_start3A_779 : memref<128x16xf32, #tpu.memory_space<vmem>>) offsets(%dma_start3A_784 : memref<128xi32, #tpu.memory_space<vmem>>) semaphore(%arg12 : memref<!tpu.dma_semaphore, #tpu.memory_space<semaphore_mem>>)
          %dma_start3A_788 = arith.constant 0 : i32
          %dma_start3A_789 = arith.constant 768 : i32
          %dma_start3A_790 = arith.constant 0 : i32
          %dma_start3A_791 = tpu.memref_slice %arg9[%dma_start3A_789, %dma_start3A_790] : memref<2048x16xf32, #tpu.memory_space<vmem>> -> memref<128x16xf32, #tpu.memory_space<vmem>>
          %dma_start3A_792 = arith.constant 0 : i32
          %dma_start3A_793 = tpu.memref_slice %arg7[%dma_start3A_788, %dma_start3A_792] : memref<2x1024xi32, #tpu.memory_space<vmem>> -> memref<1x1024xi32, #tpu.memory_space<vmem>>
          %dma_start3A_794 = tpu.memref_squeeze %dma_start3A_793 : memref<1x1024xi32, #tpu.memory_space<vmem>> -> memref<1024xi32, #tpu.memory_space<vmem>>
          %dma_start3A_795 = arith.constant 768 : i32
          %dma_start3A_796 = tpu.memref_slice %dma_start3A_794[%dma_start3A_795] : memref<1024xi32, #tpu.memory_space<vmem>> -> memref<128xi32, #tpu.memory_space<vmem>>
          %dma_start3A_797 = arith.constant 0 : i32
          %dma_start3A_798 = arith.constant 0 : i32
          %dma_start3A_799 = tpu.memref_slice %arg4[%dma_start3A_797, %dma_start3A_798] : memref<2600000x16xf32, #tpu.memory_space<hbm>> -> memref<2600000x16xf32, #tpu.memory_space<hbm>>
          tpu.enqueue_indirect_dma source(%dma_start3A_799 : memref<2600000x16xf32, #tpu.memory_space<hbm>>) target(%dma_start3A_791 : memref<128x16xf32, #tpu.memory_space<vmem>>) offsets(%dma_start3A_796 : memref<128xi32, #tpu.memory_space<vmem>>) semaphore(%arg12 : memref<!tpu.dma_semaphore, #tpu.memory_space<semaphore_mem>>)
          %dma_start3A_800 = arith.constant 0 : i32
          %dma_start3A_801 = arith.constant 896 : i32
          %dma_start3A_802 = arith.constant 0 : i32
          %dma_start3A_803 = tpu.memref_slice %arg8[%dma_start3A_801, %dma_start3A_802] : memref<2048x16xf32, #tpu.memory_space<vmem>> -> memref<128x16xf32, #tpu.memory_space<vmem>>
          %dma_start3A_804 = arith.constant 0 : i32
          %dma_start3A_805 = tpu.memref_slice %arg6[%dma_start3A_800, %dma_start3A_804] : memref<2x1024xi32, #tpu.memory_space<vmem>> -> memref<1x1024xi32, #tpu.memory_space<vmem>>
          %dma_start3A_806 = tpu.memref_squeeze %dma_start3A_805 : memref<1x1024xi32, #tpu.memory_space<vmem>> -> memref<1024xi32, #tpu.memory_space<vmem>>
          %dma_start3A_807 = arith.constant 896 : i32
          %dma_start3A_808 = tpu.memref_slice %dma_start3A_806[%dma_start3A_807] : memref<1024xi32, #tpu.memory_space<vmem>> -> memref<128xi32, #tpu.memory_space<vmem>>
          %dma_start3A_809 = arith.constant 0 : i32
          %dma_start3A_810 = arith.constant 0 : i32
          %dma_start3A_811 = tpu.memref_slice %arg4[%dma_start3A_809, %dma_start3A_810] : memref<2600000x16xf32, #tpu.memory_space<hbm>> -> memref<2600000x16xf32, #tpu.memory_space<hbm>>
          tpu.enqueue_indirect_dma source(%dma_start3A_811 : memref<2600000x16xf32, #tpu.memory_space<hbm>>) target(%dma_start3A_803 : memref<128x16xf32, #tpu.memory_space<vmem>>) offsets(%dma_start3A_808 : memref<128xi32, #tpu.memory_space<vmem>>) semaphore(%arg12 : memref<!tpu.dma_semaphore, #tpu.memory_space<semaphore_mem>>)
          %dma_start3A_812 = arith.constant 0 : i32
          %dma_start3A_813 = arith.constant 896 : i32
          %dma_start3A_814 = arith.constant 0 : i32
          %dma_start3A_815 = tpu.memref_slice %arg9[%dma_start3A_813, %dma_start3A_814] : memref<2048x16xf32, #tpu.memory_space<vmem>> -> memref<128x16xf32, #tpu.memory_space<vmem>>
          %dma_start3A_816 = arith.constant 0 : i32
          %dma_start3A_817 = tpu.memref_slice %arg7[%dma_start3A_812, %dma_start3A_816] : memref<2x1024xi32, #tpu.memory_space<vmem>> -> memref<1x1024xi32, #tpu.memory_space<vmem>>
          %dma_start3A_818 = tpu.memref_squeeze %dma_start3A_817 : memref<1x1024xi32, #tpu.memory_space<vmem>> -> memref<1024xi32, #tpu.memory_space<vmem>>
          %dma_start3A_819 = arith.constant 896 : i32
          %dma_start3A_820 = tpu.memref_slice %dma_start3A_818[%dma_start3A_819] : memref<1024xi32, #tpu.memory_space<vmem>> -> memref<128xi32, #tpu.memory_space<vmem>>
          %dma_start3A_821 = arith.constant 0 : i32
          %dma_start3A_822 = arith.constant 0 : i32
          %dma_start3A_823 = tpu.memref_slice %arg4[%dma_start3A_821, %dma_start3A_822] : memref<2600000x16xf32, #tpu.memory_space<hbm>> -> memref<2600000x16xf32, #tpu.memory_space<hbm>>
          tpu.enqueue_indirect_dma source(%dma_start3A_823 : memref<2600000x16xf32, #tpu.memory_space<hbm>>) target(%dma_start3A_815 : memref<128x16xf32, #tpu.memory_space<vmem>>) offsets(%dma_start3A_820 : memref<128xi32, #tpu.memory_space<vmem>>) semaphore(%arg12 : memref<!tpu.dma_semaphore, #tpu.memory_space<semaphore_mem>>)
        } else {
        }
        %dma_wait3A_343 = arith.constant 1 : i32
        %dma_wait3A_344 = arith.constant 1024 : i32
        %dma_wait3A_345 = arith.constant 0 : i32
        %dma_wait3A_346 = tpu.memref_slice %arg8[%dma_wait3A_344, %dma_wait3A_345] : memref<2048x16xf32, #tpu.memory_space<vmem>> -> memref<128x16xf32, #tpu.memory_space<vmem>>
        %dma_wait3A_347 = arith.constant 0 : i32
        %dma_wait3A_348 = tpu.memref_slice %arg6[%dma_wait3A_343, %dma_wait3A_347] : memref<2x1024xi32, #tpu.memory_space<vmem>> -> memref<1x1024xi32, #tpu.memory_space<vmem>>
        %dma_wait3A_349 = tpu.memref_squeeze %dma_wait3A_348 : memref<1x1024xi32, #tpu.memory_space<vmem>> -> memref<1024xi32, #tpu.memory_space<vmem>>
        %dma_wait3A_350 = arith.constant 0 : i32
        %dma_wait3A_351 = tpu.memref_slice %dma_wait3A_349[%dma_wait3A_350] : memref<1024xi32, #tpu.memory_space<vmem>> -> memref<128xi32, #tpu.memory_space<vmem>>
        %dma_wait3A_352 = arith.constant 0 : i32
        %dma_wait3A_353 = arith.constant 0 : i32
        %dma_wait3A_354 = tpu.memref_slice %arg4[%dma_wait3A_352, %dma_wait3A_353] : memref<2600000x16xf32, #tpu.memory_space<hbm>> -> memref<2600000x16xf32, #tpu.memory_space<hbm>>
        tpu.wait_indirect_dma semaphore(%arg13 : memref<!tpu.dma_semaphore, #tpu.memory_space<semaphore_mem>>) src(%dma_wait3A_354 : memref<2600000x16xf32, #tpu.memory_space<hbm>>) dst(%dma_wait3A_346 : memref<128x16xf32, #tpu.memory_space<vmem>>)
        %dma_wait3A_355 = arith.constant 1 : i32
        %dma_wait3A_356 = arith.constant 1024 : i32
        %dma_wait3A_357 = arith.constant 0 : i32
        %dma_wait3A_358 = tpu.memref_slice %arg9[%dma_wait3A_356, %dma_wait3A_357] : memref<2048x16xf32, #tpu.memory_space<vmem>> -> memref<128x16xf32, #tpu.memory_space<vmem>>
        %dma_wait3A_359 = arith.constant 0 : i32
        %dma_wait3A_360 = tpu.memref_slice %arg7[%dma_wait3A_355, %dma_wait3A_359] : memref<2x1024xi32, #tpu.memory_space<vmem>> -> memref<1x1024xi32, #tpu.memory_space<vmem>>
        %dma_wait3A_361 = tpu.memref_squeeze %dma_wait3A_360 : memref<1x1024xi32, #tpu.memory_space<vmem>> -> memref<1024xi32, #tpu.memory_space<vmem>>
        %dma_wait3A_362 = arith.constant 0 : i32
        %dma_wait3A_363 = tpu.memref_slice %dma_wait3A_361[%dma_wait3A_362] : memref<1024xi32, #tpu.memory_space<vmem>> -> memref<128xi32, #tpu.memory_space<vmem>>
        %dma_wait3A_364 = arith.constant 0 : i32
        %dma_wait3A_365 = arith.constant 0 : i32
        %dma_wait3A_366 = tpu.memref_slice %arg4[%dma_wait3A_364, %dma_wait3A_365] : memref<2600000x16xf32, #tpu.memory_space<hbm>> -> memref<2600000x16xf32, #tpu.memory_space<hbm>>
        tpu.wait_indirect_dma semaphore(%arg13 : memref<!tpu.dma_semaphore, #tpu.memory_space<semaphore_mem>>) src(%dma_wait3A_366 : memref<2600000x16xf32, #tpu.memory_space<hbm>>) dst(%dma_wait3A_358 : memref<128x16xf32, #tpu.memory_space<vmem>>)
        %dma_wait3A_367 = arith.constant 1 : i32
        %dma_wait3A_368 = arith.constant 1152 : i32
        %dma_wait3A_369 = arith.constant 0 : i32
        %dma_wait3A_370 = tpu.memref_slice %arg8[%dma_wait3A_368, %dma_wait3A_369] : memref<2048x16xf32, #tpu.memory_space<vmem>> -> memref<128x16xf32, #tpu.memory_space<vmem>>
        %dma_wait3A_371 = arith.constant 0 : i32
        %dma_wait3A_372 = tpu.memref_slice %arg6[%dma_wait3A_367, %dma_wait3A_371] : memref<2x1024xi32, #tpu.memory_space<vmem>> -> memref<1x1024xi32, #tpu.memory_space<vmem>>
        %dma_wait3A_373 = tpu.memref_squeeze %dma_wait3A_372 : memref<1x1024xi32, #tpu.memory_space<vmem>> -> memref<1024xi32, #tpu.memory_space<vmem>>
        %dma_wait3A_374 = arith.constant 128 : i32
        %dma_wait3A_375 = tpu.memref_slice %dma_wait3A_373[%dma_wait3A_374] : memref<1024xi32, #tpu.memory_space<vmem>> -> memref<128xi32, #tpu.memory_space<vmem>>
        %dma_wait3A_376 = arith.constant 0 : i32
        %dma_wait3A_377 = arith.constant 0 : i32
        %dma_wait3A_378 = tpu.memref_slice %arg4[%dma_wait3A_376, %dma_wait3A_377] : memref<2600000x16xf32, #tpu.memory_space<hbm>> -> memref<2600000x16xf32, #tpu.memory_space<hbm>>
        tpu.wait_indirect_dma semaphore(%arg13 : memref<!tpu.dma_semaphore, #tpu.memory_space<semaphore_mem>>) src(%dma_wait3A_378 : memref<2600000x16xf32, #tpu.memory_space<hbm>>) dst(%dma_wait3A_370 : memref<128x16xf32, #tpu.memory_space<vmem>>)
        %dma_wait3A_379 = arith.constant 1 : i32
        %dma_wait3A_380 = arith.constant 1152 : i32
        %dma_wait3A_381 = arith.constant 0 : i32
        %dma_wait3A_382 = tpu.memref_slice %arg9[%dma_wait3A_380, %dma_wait3A_381] : memref<2048x16xf32, #tpu.memory_space<vmem>> -> memref<128x16xf32, #tpu.memory_space<vmem>>
        %dma_wait3A_383 = arith.constant 0 : i32
        %dma_wait3A_384 = tpu.memref_slice %arg7[%dma_wait3A_379, %dma_wait3A_383] : memref<2x1024xi32, #tpu.memory_space<vmem>> -> memref<1x1024xi32, #tpu.memory_space<vmem>>
        %dma_wait3A_385 = tpu.memref_squeeze %dma_wait3A_384 : memref<1x1024xi32, #tpu.memory_space<vmem>> -> memref<1024xi32, #tpu.memory_space<vmem>>
        %dma_wait3A_386 = arith.constant 128 : i32
        %dma_wait3A_387 = tpu.memref_slice %dma_wait3A_385[%dma_wait3A_386] : memref<1024xi32, #tpu.memory_space<vmem>> -> memref<128xi32, #tpu.memory_space<vmem>>
        %dma_wait3A_388 = arith.constant 0 : i32
        %dma_wait3A_389 = arith.constant 0 : i32
        %dma_wait3A_390 = tpu.memref_slice %arg4[%dma_wait3A_388, %dma_wait3A_389] : memref<2600000x16xf32, #tpu.memory_space<hbm>> -> memref<2600000x16xf32, #tpu.memory_space<hbm>>
        tpu.wait_indirect_dma semaphore(%arg13 : memref<!tpu.dma_semaphore, #tpu.memory_space<semaphore_mem>>) src(%dma_wait3A_390 : memref<2600000x16xf32, #tpu.memory_space<hbm>>) dst(%dma_wait3A_382 : memref<128x16xf32, #tpu.memory_space<vmem>>)
        %dma_wait3A_391 = arith.constant 1 : i32
        %dma_wait3A_392 = arith.constant 1280 : i32
        %dma_wait3A_393 = arith.constant 0 : i32
        %dma_wait3A_394 = tpu.memref_slice %arg8[%dma_wait3A_392, %dma_wait3A_393] : memref<2048x16xf32, #tpu.memory_space<vmem>> -> memref<128x16xf32, #tpu.memory_space<vmem>>
        %dma_wait3A_395 = arith.constant 0 : i32
        %dma_wait3A_396 = tpu.memref_slice %arg6[%dma_wait3A_391, %dma_wait3A_395] : memref<2x1024xi32, #tpu.memory_space<vmem>> -> memref<1x1024xi32, #tpu.memory_space<vmem>>
        %dma_wait3A_397 = tpu.memref_squeeze %dma_wait3A_396 : memref<1x1024xi32, #tpu.memory_space<vmem>> -> memref<1024xi32, #tpu.memory_space<vmem>>
        %dma_wait3A_398 = arith.constant 256 : i32
        %dma_wait3A_399 = tpu.memref_slice %dma_wait3A_397[%dma_wait3A_398] : memref<1024xi32, #tpu.memory_space<vmem>> -> memref<128xi32, #tpu.memory_space<vmem>>
        %dma_wait3A_400 = arith.constant 0 : i32
        %dma_wait3A_401 = arith.constant 0 : i32
        %dma_wait3A_402 = tpu.memref_slice %arg4[%dma_wait3A_400, %dma_wait3A_401] : memref<2600000x16xf32, #tpu.memory_space<hbm>> -> memref<2600000x16xf32, #tpu.memory_space<hbm>>
        tpu.wait_indirect_dma semaphore(%arg13 : memref<!tpu.dma_semaphore, #tpu.memory_space<semaphore_mem>>) src(%dma_wait3A_402 : memref<2600000x16xf32, #tpu.memory_space<hbm>>) dst(%dma_wait3A_394 : memref<128x16xf32, #tpu.memory_space<vmem>>)
        %dma_wait3A_403 = arith.constant 1 : i32
        %dma_wait3A_404 = arith.constant 1280 : i32
        %dma_wait3A_405 = arith.constant 0 : i32
        %dma_wait3A_406 = tpu.memref_slice %arg9[%dma_wait3A_404, %dma_wait3A_405] : memref<2048x16xf32, #tpu.memory_space<vmem>> -> memref<128x16xf32, #tpu.memory_space<vmem>>
        %dma_wait3A_407 = arith.constant 0 : i32
        %dma_wait3A_408 = tpu.memref_slice %arg7[%dma_wait3A_403, %dma_wait3A_407] : memref<2x1024xi32, #tpu.memory_space<vmem>> -> memref<1x1024xi32, #tpu.memory_space<vmem>>
        %dma_wait3A_409 = tpu.memref_squeeze %dma_wait3A_408 : memref<1x1024xi32, #tpu.memory_space<vmem>> -> memref<1024xi32, #tpu.memory_space<vmem>>
        %dma_wait3A_410 = arith.constant 256 : i32
        %dma_wait3A_411 = tpu.memref_slice %dma_wait3A_409[%dma_wait3A_410] : memref<1024xi32, #tpu.memory_space<vmem>> -> memref<128xi32, #tpu.memory_space<vmem>>
        %dma_wait3A_412 = arith.constant 0 : i32
        %dma_wait3A_413 = arith.constant 0 : i32
        %dma_wait3A_414 = tpu.memref_slice %arg4[%dma_wait3A_412, %dma_wait3A_413] : memref<2600000x16xf32, #tpu.memory_space<hbm>> -> memref<2600000x16xf32, #tpu.memory_space<hbm>>
        tpu.wait_indirect_dma semaphore(%arg13 : memref<!tpu.dma_semaphore, #tpu.memory_space<semaphore_mem>>) src(%dma_wait3A_414 : memref<2600000x16xf32, #tpu.memory_space<hbm>>) dst(%dma_wait3A_406 : memref<128x16xf32, #tpu.memory_space<vmem>>)
        %dma_wait3A_415 = arith.constant 1 : i32
        %dma_wait3A_416 = arith.constant 1408 : i32
        %dma_wait3A_417 = arith.constant 0 : i32
        %dma_wait3A_418 = tpu.memref_slice %arg8[%dma_wait3A_416, %dma_wait3A_417] : memref<2048x16xf32, #tpu.memory_space<vmem>> -> memref<128x16xf32, #tpu.memory_space<vmem>>
        %dma_wait3A_419 = arith.constant 0 : i32
        %dma_wait3A_420 = tpu.memref_slice %arg6[%dma_wait3A_415, %dma_wait3A_419] : memref<2x1024xi32, #tpu.memory_space<vmem>> -> memref<1x1024xi32, #tpu.memory_space<vmem>>
        %dma_wait3A_421 = tpu.memref_squeeze %dma_wait3A_420 : memref<1x1024xi32, #tpu.memory_space<vmem>> -> memref<1024xi32, #tpu.memory_space<vmem>>
        %dma_wait3A_422 = arith.constant 384 : i32
        %dma_wait3A_423 = tpu.memref_slice %dma_wait3A_421[%dma_wait3A_422] : memref<1024xi32, #tpu.memory_space<vmem>> -> memref<128xi32, #tpu.memory_space<vmem>>
        %dma_wait3A_424 = arith.constant 0 : i32
        %dma_wait3A_425 = arith.constant 0 : i32
        %dma_wait3A_426 = tpu.memref_slice %arg4[%dma_wait3A_424, %dma_wait3A_425] : memref<2600000x16xf32, #tpu.memory_space<hbm>> -> memref<2600000x16xf32, #tpu.memory_space<hbm>>
        tpu.wait_indirect_dma semaphore(%arg13 : memref<!tpu.dma_semaphore, #tpu.memory_space<semaphore_mem>>) src(%dma_wait3A_426 : memref<2600000x16xf32, #tpu.memory_space<hbm>>) dst(%dma_wait3A_418 : memref<128x16xf32, #tpu.memory_space<vmem>>)
        %dma_wait3A_427 = arith.constant 1 : i32
        %dma_wait3A_428 = arith.constant 1408 : i32
        %dma_wait3A_429 = arith.constant 0 : i32
        %dma_wait3A_430 = tpu.memref_slice %arg9[%dma_wait3A_428, %dma_wait3A_429] : memref<2048x16xf32, #tpu.memory_space<vmem>> -> memref<128x16xf32, #tpu.memory_space<vmem>>
        %dma_wait3A_431 = arith.constant 0 : i32
        %dma_wait3A_432 = tpu.memref_slice %arg7[%dma_wait3A_427, %dma_wait3A_431] : memref<2x1024xi32, #tpu.memory_space<vmem>> -> memref<1x1024xi32, #tpu.memory_space<vmem>>
        %dma_wait3A_433 = tpu.memref_squeeze %dma_wait3A_432 : memref<1x1024xi32, #tpu.memory_space<vmem>> -> memref<1024xi32, #tpu.memory_space<vmem>>
        %dma_wait3A_434 = arith.constant 384 : i32
        %dma_wait3A_435 = tpu.memref_slice %dma_wait3A_433[%dma_wait3A_434] : memref<1024xi32, #tpu.memory_space<vmem>> -> memref<128xi32, #tpu.memory_space<vmem>>
        %dma_wait3A_436 = arith.constant 0 : i32
        %dma_wait3A_437 = arith.constant 0 : i32
        %dma_wait3A_438 = tpu.memref_slice %arg4[%dma_wait3A_436, %dma_wait3A_437] : memref<2600000x16xf32, #tpu.memory_space<hbm>> -> memref<2600000x16xf32, #tpu.memory_space<hbm>>
        tpu.wait_indirect_dma semaphore(%arg13 : memref<!tpu.dma_semaphore, #tpu.memory_space<semaphore_mem>>) src(%dma_wait3A_438 : memref<2600000x16xf32, #tpu.memory_space<hbm>>) dst(%dma_wait3A_430 : memref<128x16xf32, #tpu.memory_space<vmem>>)
        %dma_wait3A_439 = arith.constant 1 : i32
        %dma_wait3A_440 = arith.constant 1536 : i32
        %dma_wait3A_441 = arith.constant 0 : i32
        %dma_wait3A_442 = tpu.memref_slice %arg8[%dma_wait3A_440, %dma_wait3A_441] : memref<2048x16xf32, #tpu.memory_space<vmem>> -> memref<128x16xf32, #tpu.memory_space<vmem>>
        %dma_wait3A_443 = arith.constant 0 : i32
        %dma_wait3A_444 = tpu.memref_slice %arg6[%dma_wait3A_439, %dma_wait3A_443] : memref<2x1024xi32, #tpu.memory_space<vmem>> -> memref<1x1024xi32, #tpu.memory_space<vmem>>
        %dma_wait3A_445 = tpu.memref_squeeze %dma_wait3A_444 : memref<1x1024xi32, #tpu.memory_space<vmem>> -> memref<1024xi32, #tpu.memory_space<vmem>>
        %dma_wait3A_446 = arith.constant 512 : i32
        %dma_wait3A_447 = tpu.memref_slice %dma_wait3A_445[%dma_wait3A_446] : memref<1024xi32, #tpu.memory_space<vmem>> -> memref<128xi32, #tpu.memory_space<vmem>>
        %dma_wait3A_448 = arith.constant 0 : i32
        %dma_wait3A_449 = arith.constant 0 : i32
        %dma_wait3A_450 = tpu.memref_slice %arg4[%dma_wait3A_448, %dma_wait3A_449] : memref<2600000x16xf32, #tpu.memory_space<hbm>> -> memref<2600000x16xf32, #tpu.memory_space<hbm>>
        tpu.wait_indirect_dma semaphore(%arg13 : memref<!tpu.dma_semaphore, #tpu.memory_space<semaphore_mem>>) src(%dma_wait3A_450 : memref<2600000x16xf32, #tpu.memory_space<hbm>>) dst(%dma_wait3A_442 : memref<128x16xf32, #tpu.memory_space<vmem>>)
        %dma_wait3A_451 = arith.constant 1 : i32
        %dma_wait3A_452 = arith.constant 1536 : i32
        %dma_wait3A_453 = arith.constant 0 : i32
        %dma_wait3A_454 = tpu.memref_slice %arg9[%dma_wait3A_452, %dma_wait3A_453] : memref<2048x16xf32, #tpu.memory_space<vmem>> -> memref<128x16xf32, #tpu.memory_space<vmem>>
        %dma_wait3A_455 = arith.constant 0 : i32
        %dma_wait3A_456 = tpu.memref_slice %arg7[%dma_wait3A_451, %dma_wait3A_455] : memref<2x1024xi32, #tpu.memory_space<vmem>> -> memref<1x1024xi32, #tpu.memory_space<vmem>>
        %dma_wait3A_457 = tpu.memref_squeeze %dma_wait3A_456 : memref<1x1024xi32, #tpu.memory_space<vmem>> -> memref<1024xi32, #tpu.memory_space<vmem>>
        %dma_wait3A_458 = arith.constant 512 : i32
        %dma_wait3A_459 = tpu.memref_slice %dma_wait3A_457[%dma_wait3A_458] : memref<1024xi32, #tpu.memory_space<vmem>> -> memref<128xi32, #tpu.memory_space<vmem>>
        %dma_wait3A_460 = arith.constant 0 : i32
        %dma_wait3A_461 = arith.constant 0 : i32
        %dma_wait3A_462 = tpu.memref_slice %arg4[%dma_wait3A_460, %dma_wait3A_461] : memref<2600000x16xf32, #tpu.memory_space<hbm>> -> memref<2600000x16xf32, #tpu.memory_space<hbm>>
        tpu.wait_indirect_dma semaphore(%arg13 : memref<!tpu.dma_semaphore, #tpu.memory_space<semaphore_mem>>) src(%dma_wait3A_462 : memref<2600000x16xf32, #tpu.memory_space<hbm>>) dst(%dma_wait3A_454 : memref<128x16xf32, #tpu.memory_space<vmem>>)
        %dma_wait3A_463 = arith.constant 1 : i32
        %dma_wait3A_464 = arith.constant 1664 : i32
        %dma_wait3A_465 = arith.constant 0 : i32
        %dma_wait3A_466 = tpu.memref_slice %arg8[%dma_wait3A_464, %dma_wait3A_465] : memref<2048x16xf32, #tpu.memory_space<vmem>> -> memref<128x16xf32, #tpu.memory_space<vmem>>
        %dma_wait3A_467 = arith.constant 0 : i32
        %dma_wait3A_468 = tpu.memref_slice %arg6[%dma_wait3A_463, %dma_wait3A_467] : memref<2x1024xi32, #tpu.memory_space<vmem>> -> memref<1x1024xi32, #tpu.memory_space<vmem>>
        %dma_wait3A_469 = tpu.memref_squeeze %dma_wait3A_468 : memref<1x1024xi32, #tpu.memory_space<vmem>> -> memref<1024xi32, #tpu.memory_space<vmem>>
        %dma_wait3A_470 = arith.constant 640 : i32
        %dma_wait3A_471 = tpu.memref_slice %dma_wait3A_469[%dma_wait3A_470] : memref<1024xi32, #tpu.memory_space<vmem>> -> memref<128xi32, #tpu.memory_space<vmem>>
        %dma_wait3A_472 = arith.constant 0 : i32
        %dma_wait3A_473 = arith.constant 0 : i32
        %dma_wait3A_474 = tpu.memref_slice %arg4[%dma_wait3A_472, %dma_wait3A_473] : memref<2600000x16xf32, #tpu.memory_space<hbm>> -> memref<2600000x16xf32, #tpu.memory_space<hbm>>
        tpu.wait_indirect_dma semaphore(%arg13 : memref<!tpu.dma_semaphore, #tpu.memory_space<semaphore_mem>>) src(%dma_wait3A_474 : memref<2600000x16xf32, #tpu.memory_space<hbm>>) dst(%dma_wait3A_466 : memref<128x16xf32, #tpu.memory_space<vmem>>)
        %dma_wait3A_475 = arith.constant 1 : i32
        %dma_wait3A_476 = arith.constant 1664 : i32
        %dma_wait3A_477 = arith.constant 0 : i32
        %dma_wait3A_478 = tpu.memref_slice %arg9[%dma_wait3A_476, %dma_wait3A_477] : memref<2048x16xf32, #tpu.memory_space<vmem>> -> memref<128x16xf32, #tpu.memory_space<vmem>>
        %dma_wait3A_479 = arith.constant 0 : i32
        %dma_wait3A_480 = tpu.memref_slice %arg7[%dma_wait3A_475, %dma_wait3A_479] : memref<2x1024xi32, #tpu.memory_space<vmem>> -> memref<1x1024xi32, #tpu.memory_space<vmem>>
        %dma_wait3A_481 = tpu.memref_squeeze %dma_wait3A_480 : memref<1x1024xi32, #tpu.memory_space<vmem>> -> memref<1024xi32, #tpu.memory_space<vmem>>
        %dma_wait3A_482 = arith.constant 640 : i32
        %dma_wait3A_483 = tpu.memref_slice %dma_wait3A_481[%dma_wait3A_482] : memref<1024xi32, #tpu.memory_space<vmem>> -> memref<128xi32, #tpu.memory_space<vmem>>
        %dma_wait3A_484 = arith.constant 0 : i32
        %dma_wait3A_485 = arith.constant 0 : i32
        %dma_wait3A_486 = tpu.memref_slice %arg4[%dma_wait3A_484, %dma_wait3A_485] : memref<2600000x16xf32, #tpu.memory_space<hbm>> -> memref<2600000x16xf32, #tpu.memory_space<hbm>>
        tpu.wait_indirect_dma semaphore(%arg13 : memref<!tpu.dma_semaphore, #tpu.memory_space<semaphore_mem>>) src(%dma_wait3A_486 : memref<2600000x16xf32, #tpu.memory_space<hbm>>) dst(%dma_wait3A_478 : memref<128x16xf32, #tpu.memory_space<vmem>>)
        %dma_wait3A_487 = arith.constant 1 : i32
        %dma_wait3A_488 = arith.constant 1792 : i32
        %dma_wait3A_489 = arith.constant 0 : i32
        %dma_wait3A_490 = tpu.memref_slice %arg8[%dma_wait3A_488, %dma_wait3A_489] : memref<2048x16xf32, #tpu.memory_space<vmem>> -> memref<128x16xf32, #tpu.memory_space<vmem>>
        %dma_wait3A_491 = arith.constant 0 : i32
        %dma_wait3A_492 = tpu.memref_slice %arg6[%dma_wait3A_487, %dma_wait3A_491] : memref<2x1024xi32, #tpu.memory_space<vmem>> -> memref<1x1024xi32, #tpu.memory_space<vmem>>
        %dma_wait3A_493 = tpu.memref_squeeze %dma_wait3A_492 : memref<1x1024xi32, #tpu.memory_space<vmem>> -> memref<1024xi32, #tpu.memory_space<vmem>>
        %dma_wait3A_494 = arith.constant 768 : i32
        %dma_wait3A_495 = tpu.memref_slice %dma_wait3A_493[%dma_wait3A_494] : memref<1024xi32, #tpu.memory_space<vmem>> -> memref<128xi32, #tpu.memory_space<vmem>>
        %dma_wait3A_496 = arith.constant 0 : i32
        %dma_wait3A_497 = arith.constant 0 : i32
        %dma_wait3A_498 = tpu.memref_slice %arg4[%dma_wait3A_496, %dma_wait3A_497] : memref<2600000x16xf32, #tpu.memory_space<hbm>> -> memref<2600000x16xf32, #tpu.memory_space<hbm>>
        tpu.wait_indirect_dma semaphore(%arg13 : memref<!tpu.dma_semaphore, #tpu.memory_space<semaphore_mem>>) src(%dma_wait3A_498 : memref<2600000x16xf32, #tpu.memory_space<hbm>>) dst(%dma_wait3A_490 : memref<128x16xf32, #tpu.memory_space<vmem>>)
        %dma_wait3A_499 = arith.constant 1 : i32
        %dma_wait3A_500 = arith.constant 1792 : i32
        %dma_wait3A_501 = arith.constant 0 : i32
        %dma_wait3A_502 = tpu.memref_slice %arg9[%dma_wait3A_500, %dma_wait3A_501] : memref<2048x16xf32, #tpu.memory_space<vmem>> -> memref<128x16xf32, #tpu.memory_space<vmem>>
        %dma_wait3A_503 = arith.constant 0 : i32
        %dma_wait3A_504 = tpu.memref_slice %arg7[%dma_wait3A_499, %dma_wait3A_503] : memref<2x1024xi32, #tpu.memory_space<vmem>> -> memref<1x1024xi32, #tpu.memory_space<vmem>>
        %dma_wait3A_505 = tpu.memref_squeeze %dma_wait3A_504 : memref<1x1024xi32, #tpu.memory_space<vmem>> -> memref<1024xi32, #tpu.memory_space<vmem>>
        %dma_wait3A_506 = arith.constant 768 : i32
        %dma_wait3A_507 = tpu.memref_slice %dma_wait3A_505[%dma_wait3A_506] : memref<1024xi32, #tpu.memory_space<vmem>> -> memref<128xi32, #tpu.memory_space<vmem>>
        %dma_wait3A_508 = arith.constant 0 : i32
        %dma_wait3A_509 = arith.constant 0 : i32
        %dma_wait3A_510 = tpu.memref_slice %arg4[%dma_wait3A_508, %dma_wait3A_509] : memref<2600000x16xf32, #tpu.memory_space<hbm>> -> memref<2600000x16xf32, #tpu.memory_space<hbm>>
        tpu.wait_indirect_dma semaphore(%arg13 : memref<!tpu.dma_semaphore, #tpu.memory_space<semaphore_mem>>) src(%dma_wait3A_510 : memref<2600000x16xf32, #tpu.memory_space<hbm>>) dst(%dma_wait3A_502 : memref<128x16xf32, #tpu.memory_space<vmem>>)
        %dma_wait3A_511 = arith.constant 1 : i32
        %dma_wait3A_512 = arith.constant 1920 : i32
        %dma_wait3A_513 = arith.constant 0 : i32
        %dma_wait3A_514 = tpu.memref_slice %arg8[%dma_wait3A_512, %dma_wait3A_513] : memref<2048x16xf32, #tpu.memory_space<vmem>> -> memref<128x16xf32, #tpu.memory_space<vmem>>
        %dma_wait3A_515 = arith.constant 0 : i32
        %dma_wait3A_516 = tpu.memref_slice %arg6[%dma_wait3A_511, %dma_wait3A_515] : memref<2x1024xi32, #tpu.memory_space<vmem>> -> memref<1x1024xi32, #tpu.memory_space<vmem>>
        %dma_wait3A_517 = tpu.memref_squeeze %dma_wait3A_516 : memref<1x1024xi32, #tpu.memory_space<vmem>> -> memref<1024xi32, #tpu.memory_space<vmem>>
        %dma_wait3A_518 = arith.constant 896 : i32
        %dma_wait3A_519 = tpu.memref_slice %dma_wait3A_517[%dma_wait3A_518] : memref<1024xi32, #tpu.memory_space<vmem>> -> memref<128xi32, #tpu.memory_space<vmem>>
        %dma_wait3A_520 = arith.constant 0 : i32
        %dma_wait3A_521 = arith.constant 0 : i32
        %dma_wait3A_522 = tpu.memref_slice %arg4[%dma_wait3A_520, %dma_wait3A_521] : memref<2600000x16xf32, #tpu.memory_space<hbm>> -> memref<2600000x16xf32, #tpu.memory_space<hbm>>
        tpu.wait_indirect_dma semaphore(%arg13 : memref<!tpu.dma_semaphore, #tpu.memory_space<semaphore_mem>>) src(%dma_wait3A_522 : memref<2600000x16xf32, #tpu.memory_space<hbm>>) dst(%dma_wait3A_514 : memref<128x16xf32, #tpu.memory_space<vmem>>)
        %dma_wait3A_523 = arith.constant 1 : i32
        %dma_wait3A_524 = arith.constant 1920 : i32
        %dma_wait3A_525 = arith.constant 0 : i32
        %dma_wait3A_526 = tpu.memref_slice %arg9[%dma_wait3A_524, %dma_wait3A_525] : memref<2048x16xf32, #tpu.memory_space<vmem>> -> memref<128x16xf32, #tpu.memory_space<vmem>>
        %dma_wait3A_527 = arith.constant 0 : i32
        %dma_wait3A_528 = tpu.memref_slice %arg7[%dma_wait3A_523, %dma_wait3A_527] : memref<2x1024xi32, #tpu.memory_space<vmem>> -> memref<1x1024xi32, #tpu.memory_space<vmem>>
        %dma_wait3A_529 = tpu.memref_squeeze %dma_wait3A_528 : memref<1x1024xi32, #tpu.memory_space<vmem>> -> memref<1024xi32, #tpu.memory_space<vmem>>
        %dma_wait3A_530 = arith.constant 896 : i32
        %dma_wait3A_531 = tpu.memref_slice %dma_wait3A_529[%dma_wait3A_530] : memref<1024xi32, #tpu.memory_space<vmem>> -> memref<128xi32, #tpu.memory_space<vmem>>
        %dma_wait3A_532 = arith.constant 0 : i32
        %dma_wait3A_533 = arith.constant 0 : i32
        %dma_wait3A_534 = tpu.memref_slice %arg4[%dma_wait3A_532, %dma_wait3A_533] : memref<2600000x16xf32, #tpu.memory_space<hbm>> -> memref<2600000x16xf32, #tpu.memory_space<hbm>>
        tpu.wait_indirect_dma semaphore(%arg13 : memref<!tpu.dma_semaphore, #tpu.memory_space<semaphore_mem>>) src(%dma_wait3A_534 : memref<2600000x16xf32, #tpu.memory_space<hbm>>) dst(%dma_wait3A_526 : memref<128x16xf32, #tpu.memory_space<vmem>>)
        %add3A_535 = arith.constant 2 : i32
        %add3A_536 = arith.addi %while3A_300, %add3A_535 : i32
        %lt3A_537 = arith.cmpi slt, %add3A_536, %add3A_4 : i32
        %convert_element_type3A_538 = arith.extui %lt3A_537 : i1 to i32
        %cond3A_539 = arith.constant 0 : i32
        %cond3A_540 = arith.cmpi ne, %convert_element_type3A_538, %cond3A_539 : i32
        scf.if %cond3A_540 {
          %add3A_607 = arith.constant 2 : i32
          %add3A_608 = arith.addi %while3A_300, %add3A_607 : i32
          %mul3A_609 = arith.constant 32 : i32
          %mul3A_610 = arith.muli %add3A_608, %mul3A_609 : i32
          %add3A_611 = arith.addi %add3A, %mul3A_610 : i32
          %mul3A_612 = arith.constant 1024 : i32
          %mul3A_613 = arith.muli %add3A_611, %mul3A_612 : i32
          %dma_start3A_614 = arith.constant 1 : i32
          %dma_start3A_615 = arith.constant 0 : i32
          %dma_start3A_616 = tpu.memref_slice %arg6[%dma_start3A_614, %dma_start3A_615] : memref<2x1024xi32, #tpu.memory_space<vmem>> -> memref<1x1024xi32, #tpu.memory_space<vmem>>
          %dma_start3A_617 = tpu.memref_squeeze %dma_start3A_616 : memref<1x1024xi32, #tpu.memory_space<vmem>> -> memref<1024xi32, #tpu.memory_space<vmem>>
          %dma_start3A_618 = tpu.memref_slice %arg2[%mul3A_613] : memref<1331200xi32, #tpu.memory_space<hbm>> -> memref<1024xi32, #tpu.memory_space<hbm>>
          %dma_start3A_619 = arith.constant 0 : i32
          %dma_start3A_620 = tpu.memref_slice %arg6[%dma_start3A_614, %dma_start3A_619] : memref<2x1024xi32, #tpu.memory_space<vmem>> -> memref<1x1024xi32, #tpu.memory_space<vmem>>
          %dma_start3A_621 = tpu.memref_squeeze %dma_start3A_620 : memref<1x1024xi32, #tpu.memory_space<vmem>> -> memref<1024xi32, #tpu.memory_space<vmem>>
          %dma_start3A_622 = tpu.memref_slice %arg2[%mul3A_613] : memref<1331200xi32, #tpu.memory_space<hbm>> -> memref<1024xi32, #tpu.memory_space<hbm>>
          tpu.enqueue_dma source(%dma_start3A_622 : memref<1024xi32, #tpu.memory_space<hbm>>) target(%dma_start3A_621 : memref<1024xi32, #tpu.memory_space<vmem>>) target_semaphore(%arg11 : memref<!tpu.dma_semaphore, #tpu.memory_space<semaphore_mem>>)
          %dma_start3A_623 = arith.constant 1 : i32
          %dma_start3A_624 = arith.constant 0 : i32
          %dma_start3A_625 = tpu.memref_slice %arg7[%dma_start3A_623, %dma_start3A_624] : memref<2x1024xi32, #tpu.memory_space<vmem>> -> memref<1x1024xi32, #tpu.memory_space<vmem>>
          %dma_start3A_626 = tpu.memref_squeeze %dma_start3A_625 : memref<1x1024xi32, #tpu.memory_space<vmem>> -> memref<1024xi32, #tpu.memory_space<vmem>>
          %dma_start3A_627 = tpu.memref_slice %arg3[%mul3A_613] : memref<1331200xi32, #tpu.memory_space<hbm>> -> memref<1024xi32, #tpu.memory_space<hbm>>
          %dma_start3A_628 = arith.constant 0 : i32
          %dma_start3A_629 = tpu.memref_slice %arg7[%dma_start3A_623, %dma_start3A_628] : memref<2x1024xi32, #tpu.memory_space<vmem>> -> memref<1x1024xi32, #tpu.memory_space<vmem>>
          %dma_start3A_630 = tpu.memref_squeeze %dma_start3A_629 : memref<1x1024xi32, #tpu.memory_space<vmem>> -> memref<1024xi32, #tpu.memory_space<vmem>>
          %dma_start3A_631 = tpu.memref_slice %arg3[%mul3A_613] : memref<1331200xi32, #tpu.memory_space<hbm>> -> memref<1024xi32, #tpu.memory_space<hbm>>
          tpu.enqueue_dma source(%dma_start3A_631 : memref<1024xi32, #tpu.memory_space<hbm>>) target(%dma_start3A_630 : memref<1024xi32, #tpu.memory_space<vmem>>) target_semaphore(%arg11 : memref<!tpu.dma_semaphore, #tpu.memory_space<semaphore_mem>>)
        } else {
        }
        %ge3A = arith.constant 2 : i32
        %ge3A_541 = arith.cmpi sge, %while3A_300, %ge3A : i32
        %convert_element_type3A_542 = arith.extui %ge3A_541 : i1 to i32
        %cond3A_543 = arith.constant 0 : i32
        %cond3A_544 = arith.cmpi ne, %convert_element_type3A_542, %cond3A_543 : i32
        scf.if %cond3A_544 {
          %dma_wait3A_607 = arith.constant 0 : i32
          %dma_wait3A_608 = arith.constant 16 : i32
          %dma_wait3A_609 = arith.constant 0 : i32
          %dma_wait3A_610 = tpu.memref_slice %arg10[%dma_wait3A_608, %dma_wait3A_609] : memref<32x1025xf32, #tpu.memory_space<vmem>> -> memref<16x1024xf32, #tpu.memory_space<vmem>>
          %dma_wait3A_611 = arith.constant 0 : i32
          %dma_wait3A_612 = arith.constant 0 : i32
          %dma_wait3A_613 = tpu.memref_slice %arg5[%dma_wait3A_607, %dma_wait3A_611, %dma_wait3A_612] : memref<325x16x4096xf32, #tpu.memory_space<hbm>> -> memref<1x16x1024xf32, #tpu.memory_space<hbm>>
          %dma_wait3A_614 = tpu.memref_squeeze %dma_wait3A_613 : memref<1x16x1024xf32, #tpu.memory_space<hbm>> -> memref<16x1024xf32, #tpu.memory_space<hbm>>
          %dma_wait3A_615 = arith.constant 0 : i32
          %dma_wait3A_616 = arith.constant 0 : i32
          %dma_wait3A_617 = tpu.memref_slice %arg5[%dma_wait3A_607, %dma_wait3A_615, %dma_wait3A_616] : memref<325x16x4096xf32, #tpu.memory_space<hbm>> -> memref<1x16x1024xf32, #tpu.memory_space<hbm>>
          %dma_wait3A_618 = tpu.memref_squeeze %dma_wait3A_617 : memref<1x16x1024xf32, #tpu.memory_space<hbm>> -> memref<16x1024xf32, #tpu.memory_space<hbm>>
          %dma_wait3A_619 = arith.constant 16 : i32
          %dma_wait3A_620 = arith.constant 0 : i32
          %dma_wait3A_621 = tpu.memref_slice %arg10[%dma_wait3A_619, %dma_wait3A_620] : memref<32x1025xf32, #tpu.memory_space<vmem>> -> memref<16x1024xf32, #tpu.memory_space<vmem>>
          tpu.wait_dma2 semaphore(%arg15 : memref<!tpu.dma_semaphore, #tpu.memory_space<semaphore_mem>>) src(%dma_wait3A_621 : memref<16x1024xf32, #tpu.memory_space<vmem>>) dst(%dma_wait3A_618 : memref<16x1024xf32, #tpu.memory_space<hbm>>)
        } else {
        }
        %add3A_545 = arith.constant 16 : i32
        %add3A_546 = vector.broadcast %add3A_545 : i32 to vector<16xi32>
        %add3A_547 = arith.addi %iota3A, %add3A_546 : vector<16xi32>
        %scan3A = arith.constant 0 : i32
        %scan3A_548 = arith.constant 0 : i32
        %scan3A_549 = arith.constant 128 : i32
        %scan3A_550 = arith.addi %scan3A_548, %scan3A_549 : i32
        %scan3A_551 = arith.constant 1 : i32
        scf.for %scan3A_607 = %scan3A_548 to %scan3A_550 step %scan3A_551  : i32 {
          %mul3A_608 = arith.constant 8 : i32
          %mul3A_609 = arith.muli %scan3A_607, %mul3A_608 : i32
          %mul3A_610 = arith.constant 0 : i32
          %mul3A_611 = vector.broadcast %mul3A_610 : i32 to vector<16xi32>
          %mul3A_612 = arith.muli %iota3A, %mul3A_611 : vector<16xi32>
          %add3A_613 = arith.constant 0 : i32
          %add3A_614 = arith.addi %mul3A_609, %add3A_613 : i32
          %add3A_615 = vector.broadcast %add3A_614 : i32 to vector<16xi32>
          %add3A_616 = arith.addi %mul3A_612, %add3A_615 : vector<16xi32>
          %add3A_617 = arith.constant 1024 : i32
          %add3A_618 = vector.broadcast %add3A_617 : i32 to vector<16xi32>
          %add3A_619 = arith.addi %add3A_616, %add3A_618 : vector<16xi32>
          %gather3A = tpu.vector_load_idx %arg8[%add3A_619, %iota3A] : memref<2048x16xf32, #tpu.memory_space<vmem>>[vector<16xi32>, vector<16xi32>], vector<16xf32>,
          %add3A_620 = arith.constant 1024 : i32
          %add3A_621 = vector.broadcast %add3A_620 : i32 to vector<16xi32>
          %add3A_622 = arith.addi %add3A_616, %add3A_621 : vector<16xi32>
          %gather3A_623 = tpu.vector_load_idx %arg9[%add3A_622, %iota3A] : memref<2048x16xf32, #tpu.memory_space<vmem>>[vector<16xi32>, vector<16xi32>], vector<16xf32>,
          %mul3A_624 = arith.mulf %gather3A, %gather3A_623 : vector<16xf32>
          tpu.vector_store_idx %arg10[%add3A_547, %add3A_616], %mul3A_624 : memref<32x1025xf32, #tpu.memory_space<vmem>>[vector<16xi32>, vector<16xi32>], vector<16xf32>,
          %mul3A_625 = arith.constant 0 : i32
          %mul3A_626 = vector.broadcast %mul3A_625 : i32 to vector<16xi32>
          %mul3A_627 = arith.muli %iota3A, %mul3A_626 : vector<16xi32>
          %add3A_628 = arith.constant 1 : i32
          %add3A_629 = arith.addi %mul3A_609, %add3A_628 : i32
          %add3A_630 = vector.broadcast %add3A_629 : i32 to vector<16xi32>
          %add3A_631 = arith.addi %mul3A_627, %add3A_630 : vector<16xi32>
          %add3A_632 = arith.constant 1024 : i32
          %add3A_633 = vector.broadcast %add3A_632 : i32 to vector<16xi32>
          %add3A_634 = arith.addi %add3A_631, %add3A_633 : vector<16xi32>
          %gather3A_635 = tpu.vector_load_idx %arg8[%add3A_634, %iota3A] : memref<2048x16xf32, #tpu.memory_space<vmem>>[vector<16xi32>, vector<16xi32>], vector<16xf32>,
          %add3A_636 = arith.constant 1024 : i32
          %add3A_637 = vector.broadcast %add3A_636 : i32 to vector<16xi32>
          %add3A_638 = arith.addi %add3A_631, %add3A_637 : vector<16xi32>
          %gather3A_639 = tpu.vector_load_idx %arg9[%add3A_638, %iota3A] : memref<2048x16xf32, #tpu.memory_space<vmem>>[vector<16xi32>, vector<16xi32>], vector<16xf32>,
          %mul3A_640 = arith.mulf %gather3A_635, %gather3A_639 : vector<16xf32>
          tpu.vector_store_idx %arg10[%add3A_547, %add3A_631], %mul3A_640 : memref<32x1025xf32, #tpu.memory_space<vmem>>[vector<16xi32>, vector<16xi32>], vector<16xf32>,
          %mul3A_641 = arith.constant 0 : i32
          %mul3A_642 = vector.broadcast %mul3A_641 : i32 to vector<16xi32>
          %mul3A_643 = arith.muli %iota3A, %mul3A_642 : vector<16xi32>
          %add3A_644 = arith.constant 2 : i32
          %add3A_645 = arith.addi %mul3A_609, %add3A_644 : i32
          %add3A_646 = vector.broadcast %add3A_645 : i32 to vector<16xi32>
          %add3A_647 = arith.addi %mul3A_643, %add3A_646 : vector<16xi32>
          %add3A_648 = arith.constant 1024 : i32
          %add3A_649 = vector.broadcast %add3A_648 : i32 to vector<16xi32>
          %add3A_650 = arith.addi %add3A_647, %add3A_649 : vector<16xi32>
          %gather3A_651 = tpu.vector_load_idx %arg8[%add3A_650, %iota3A] : memref<2048x16xf32, #tpu.memory_space<vmem>>[vector<16xi32>, vector<16xi32>], vector<16xf32>,
          %add3A_652 = arith.constant 1024 : i32
          %add3A_653 = vector.broadcast %add3A_652 : i32 to vector<16xi32>
          %add3A_654 = arith.addi %add3A_647, %add3A_653 : vector<16xi32>
          %gather3A_655 = tpu.vector_load_idx %arg9[%add3A_654, %iota3A] : memref<2048x16xf32, #tpu.memory_space<vmem>>[vector<16xi32>, vector<16xi32>], vector<16xf32>,
          %mul3A_656 = arith.mulf %gather3A_651, %gather3A_655 : vector<16xf32>
          tpu.vector_store_idx %arg10[%add3A_547, %add3A_647], %mul3A_656 : memref<32x1025xf32, #tpu.memory_space<vmem>>[vector<16xi32>, vector<16xi32>], vector<16xf32>,
          %mul3A_657 = arith.constant 0 : i32
          %mul3A_658 = vector.broadcast %mul3A_657 : i32 to vector<16xi32>
          %mul3A_659 = arith.muli %iota3A, %mul3A_658 : vector<16xi32>
          %add3A_660 = arith.constant 3 : i32
          %add3A_661 = arith.addi %mul3A_609, %add3A_660 : i32
          %add3A_662 = vector.broadcast %add3A_661 : i32 to vector<16xi32>
          %add3A_663 = arith.addi %mul3A_659, %add3A_662 : vector<16xi32>
          %add3A_664 = arith.constant 1024 : i32
          %add3A_665 = vector.broadcast %add3A_664 : i32 to vector<16xi32>
          %add3A_666 = arith.addi %add3A_663, %add3A_665 : vector<16xi32>
          %gather3A_667 = tpu.vector_load_idx %arg8[%add3A_666, %iota3A] : memref<2048x16xf32, #tpu.memory_space<vmem>>[vector<16xi32>, vector<16xi32>], vector<16xf32>,
          %add3A_668 = arith.constant 1024 : i32
          %add3A_669 = vector.broadcast %add3A_668 : i32 to vector<16xi32>
          %add3A_670 = arith.addi %add3A_663, %add3A_669 : vector<16xi32>
          %gather3A_671 = tpu.vector_load_idx %arg9[%add3A_670, %iota3A] : memref<2048x16xf32, #tpu.memory_space<vmem>>[vector<16xi32>, vector<16xi32>], vector<16xf32>,
          %mul3A_672 = arith.mulf %gather3A_667, %gather3A_671 : vector<16xf32>
          tpu.vector_store_idx %arg10[%add3A_547, %add3A_663], %mul3A_672 : memref<32x1025xf32, #tpu.memory_space<vmem>>[vector<16xi32>, vector<16xi32>], vector<16xf32>,
          %mul3A_673 = arith.constant 0 : i32
          %mul3A_674 = vector.broadcast %mul3A_673 : i32 to vector<16xi32>
          %mul3A_675 = arith.muli %iota3A, %mul3A_674 : vector<16xi32>
          %add3A_676 = arith.constant 4 : i32
          %add3A_677 = arith.addi %mul3A_609, %add3A_676 : i32
          %add3A_678 = vector.broadcast %add3A_677 : i32 to vector<16xi32>
          %add3A_679 = arith.addi %mul3A_675, %add3A_678 : vector<16xi32>
          %add3A_680 = arith.constant 1024 : i32
          %add3A_681 = vector.broadcast %add3A_680 : i32 to vector<16xi32>
          %add3A_682 = arith.addi %add3A_679, %add3A_681 : vector<16xi32>
          %gather3A_683 = tpu.vector_load_idx %arg8[%add3A_682, %iota3A] : memref<2048x16xf32, #tpu.memory_space<vmem>>[vector<16xi32>, vector<16xi32>], vector<16xf32>,
          %add3A_684 = arith.constant 1024 : i32
          %add3A_685 = vector.broadcast %add3A_684 : i32 to vector<16xi32>
          %add3A_686 = arith.addi %add3A_679, %add3A_685 : vector<16xi32>
          %gather3A_687 = tpu.vector_load_idx %arg9[%add3A_686, %iota3A] : memref<2048x16xf32, #tpu.memory_space<vmem>>[vector<16xi32>, vector<16xi32>], vector<16xf32>,
          %mul3A_688 = arith.mulf %gather3A_683, %gather3A_687 : vector<16xf32>
          tpu.vector_store_idx %arg10[%add3A_547, %add3A_679], %mul3A_688 : memref<32x1025xf32, #tpu.memory_space<vmem>>[vector<16xi32>, vector<16xi32>], vector<16xf32>,
          %mul3A_689 = arith.constant 0 : i32
          %mul3A_690 = vector.broadcast %mul3A_689 : i32 to vector<16xi32>
          %mul3A_691 = arith.muli %iota3A, %mul3A_690 : vector<16xi32>
          %add3A_692 = arith.constant 5 : i32
          %add3A_693 = arith.addi %mul3A_609, %add3A_692 : i32
          %add3A_694 = vector.broadcast %add3A_693 : i32 to vector<16xi32>
          %add3A_695 = arith.addi %mul3A_691, %add3A_694 : vector<16xi32>
          %add3A_696 = arith.constant 1024 : i32
          %add3A_697 = vector.broadcast %add3A_696 : i32 to vector<16xi32>
          %add3A_698 = arith.addi %add3A_695, %add3A_697 : vector<16xi32>
          %gather3A_699 = tpu.vector_load_idx %arg8[%add3A_698, %iota3A] : memref<2048x16xf32, #tpu.memory_space<vmem>>[vector<16xi32>, vector<16xi32>], vector<16xf32>,
          %add3A_700 = arith.constant 1024 : i32
          %add3A_701 = vector.broadcast %add3A_700 : i32 to vector<16xi32>
          %add3A_702 = arith.addi %add3A_695, %add3A_701 : vector<16xi32>
          %gather3A_703 = tpu.vector_load_idx %arg9[%add3A_702, %iota3A] : memref<2048x16xf32, #tpu.memory_space<vmem>>[vector<16xi32>, vector<16xi32>], vector<16xf32>,
          %mul3A_704 = arith.mulf %gather3A_699, %gather3A_703 : vector<16xf32>
          tpu.vector_store_idx %arg10[%add3A_547, %add3A_695], %mul3A_704 : memref<32x1025xf32, #tpu.memory_space<vmem>>[vector<16xi32>, vector<16xi32>], vector<16xf32>,
          %mul3A_705 = arith.constant 0 : i32
          %mul3A_706 = vector.broadcast %mul3A_705 : i32 to vector<16xi32>
          %mul3A_707 = arith.muli %iota3A, %mul3A_706 : vector<16xi32>
          %add3A_708 = arith.constant 6 : i32
          %add3A_709 = arith.addi %mul3A_609, %add3A_708 : i32
          %add3A_710 = vector.broadcast %add3A_709 : i32 to vector<16xi32>
          %add3A_711 = arith.addi %mul3A_707, %add3A_710 : vector<16xi32>
          %add3A_712 = arith.constant 1024 : i32
          %add3A_713 = vector.broadcast %add3A_712 : i32 to vector<16xi32>
          %add3A_714 = arith.addi %add3A_711, %add3A_713 : vector<16xi32>
          %gather3A_715 = tpu.vector_load_idx %arg8[%add3A_714, %iota3A] : memref<2048x16xf32, #tpu.memory_space<vmem>>[vector<16xi32>, vector<16xi32>], vector<16xf32>,
          %add3A_716 = arith.constant 1024 : i32
          %add3A_717 = vector.broadcast %add3A_716 : i32 to vector<16xi32>
          %add3A_718 = arith.addi %add3A_711, %add3A_717 : vector<16xi32>
          %gather3A_719 = tpu.vector_load_idx %arg9[%add3A_718, %iota3A] : memref<2048x16xf32, #tpu.memory_space<vmem>>[vector<16xi32>, vector<16xi32>], vector<16xf32>,
          %mul3A_720 = arith.mulf %gather3A_715, %gather3A_719 : vector<16xf32>
          tpu.vector_store_idx %arg10[%add3A_547, %add3A_711], %mul3A_720 : memref<32x1025xf32, #tpu.memory_space<vmem>>[vector<16xi32>, vector<16xi32>], vector<16xf32>,
          %mul3A_721 = arith.constant 0 : i32
          %mul3A_722 = vector.broadcast %mul3A_721 : i32 to vector<16xi32>
          %mul3A_723 = arith.muli %iota3A, %mul3A_722 : vector<16xi32>
          %add3A_724 = arith.constant 7 : i32
          %add3A_725 = arith.addi %mul3A_609, %add3A_724 : i32
          %add3A_726 = vector.broadcast %add3A_725 : i32 to vector<16xi32>
          %add3A_727 = arith.addi %mul3A_723, %add3A_726 : vector<16xi32>
          %add3A_728 = arith.constant 1024 : i32
          %add3A_729 = vector.broadcast %add3A_728 : i32 to vector<16xi32>
          %add3A_730 = arith.addi %add3A_727, %add3A_729 : vector<16xi32>
          %gather3A_731 = tpu.vector_load_idx %arg8[%add3A_730, %iota3A] : memref<2048x16xf32, #tpu.memory_space<vmem>>[vector<16xi32>, vector<16xi32>], vector<16xf32>,
          %add3A_732 = arith.constant 1024 : i32
          %add3A_733 = vector.broadcast %add3A_732 : i32 to vector<16xi32>
          %add3A_734 = arith.addi %add3A_727, %add3A_733 : vector<16xi32>
          %gather3A_735 = tpu.vector_load_idx %arg9[%add3A_734, %iota3A] : memref<2048x16xf32, #tpu.memory_space<vmem>>[vector<16xi32>, vector<16xi32>], vector<16xf32>,
          %mul3A_736 = arith.mulf %gather3A_731, %gather3A_735 : vector<16xf32>
          tpu.vector_store_idx %arg10[%add3A_547, %add3A_727], %mul3A_736 : memref<32x1025xf32, #tpu.memory_space<vmem>>[vector<16xi32>, vector<16xi32>], vector<16xf32>,
        }
        %scan3A_552 = arith.constant 128 : i32
        %mul3A_553 = arith.constant 32 : i32
        %mul3A_554 = arith.muli %while3A_300, %mul3A_553 : i32
        %add3A_555 = arith.addi %add3A, %mul3A_554 : i32
        %jit3A_556 = arith.constant 4 : i32
        %div3A = arith.divsi %add3A_555, %jit3A_556 : i32
        %sign3A = arith.constant 0 : i32
        %sign3A_557 = arith.cmpi sgt, %add3A_555, %sign3A : i32
        %sign3A_558 = arith.extui %sign3A_557 : i1 to i32
        %sign3A_559 = arith.constant 0 : i32
        %sign3A_560 = arith.cmpi slt, %add3A_555, %sign3A_559 : i32
        %sign3A_561 = arith.extui %sign3A_560 : i1 to i32
        %sign3A_562 = arith.subi %sign3A_558, %sign3A_561 : i32
        %sign3A_563 = arith.constant 0 : i32
        %sign3A_564 = arith.cmpi sgt, %jit3A_556, %sign3A_563 : i32
        %sign3A_565 = arith.extui %sign3A_564 : i1 to i32
        %sign3A_566 = arith.constant 0 : i32
        %sign3A_567 = arith.cmpi slt, %jit3A_556, %sign3A_566 : i32
        %sign3A_568 = arith.extui %sign3A_567 : i1 to i32
        %sign3A_569 = arith.subi %sign3A_565, %sign3A_568 : i32
        %ne3A_570 = arith.cmpi ne, %sign3A_562, %sign3A_569 : i32
        %rem3A_571 = arith.remsi %add3A_555, %jit3A_556 : i32
        %ne3A_572 = arith.constant 0 : i32
        %ne3A_573 = arith.cmpi ne, %rem3A_571, %ne3A_572 : i32
        %and3A_574 = arith.andi %ne3A_570, %ne3A_573 : i1
        %sub3A = arith.constant 1 : i32
        %sub3A_575 = arith.subi %div3A, %sub3A : i32
        %select_n3A_576 = arith.select %and3A_574, %sub3A_575, %div3A : i32
        %jit3A_577 = arith.constant 4 : i32
        %eq3A_578 = arith.constant 0 : i32
        %eq3A_579 = arith.cmpi eq, %jit3A_577, %eq3A_578 : i32
        %jit3A_580 = arith.constant 1 : i32
        %select_n3A_581 = arith.select %eq3A_579, %jit3A_580, %jit3A_577 : i32
        %rem3A_582 = arith.remsi %add3A_555, %select_n3A_581 : i32
        %ne3A_583 = arith.constant 0 : i32
        %ne3A_584 = arith.cmpi ne, %rem3A_582, %ne3A_583 : i32
        %lt3A_585 = arith.constant 0 : i32
        %lt3A_586 = arith.cmpi slt, %rem3A_582, %lt3A_585 : i32
        %lt3A_587 = arith.constant 0 : i32
        %lt3A_588 = arith.cmpi slt, %select_n3A_581, %lt3A_587 : i32
        %ne3A_589 = arith.xori %lt3A_586, %lt3A_588 : i1
        %and3A_590 = arith.andi %ne3A_589, %ne3A_584 : i1
        %add3A_591 = arith.addi %rem3A_582, %select_n3A_581 : i32
        %select_n3A_592 = arith.select %and3A_590, %add3A_591, %rem3A_582 : i32
        %mul3A_593 = arith.constant 1024 : i32
        %mul3A_594 = arith.muli %select_n3A_592, %mul3A_593 : i32
        %dma_start3A_595 = arith.constant 16 : i32
        %dma_start3A_596 = arith.constant 0 : i32
        %dma_start3A_597 = tpu.memref_slice %arg10[%dma_start3A_595, %dma_start3A_596] : memref<32x1025xf32, #tpu.memory_space<vmem>> -> memref<16x1024xf32, #tpu.memory_space<vmem>>
        %dma_start3A_598 = arith.constant 0 : i32
        %dma_start3A_599 = tpu.memref_slice %arg5[%select_n3A_576, %dma_start3A_598, %mul3A_594] : memref<325x16x4096xf32, #tpu.memory_space<hbm>> -> memref<1x16x1024xf32, #tpu.memory_space<hbm>>
        %dma_start3A_600 = tpu.memref_squeeze %dma_start3A_599 : memref<1x16x1024xf32, #tpu.memory_space<hbm>> -> memref<16x1024xf32, #tpu.memory_space<hbm>>
        %dma_start3A_601 = arith.constant 0 : i32
        %dma_start3A_602 = tpu.memref_slice %arg5[%select_n3A_576, %dma_start3A_601, %mul3A_594] : memref<325x16x4096xf32, #tpu.memory_space<hbm>> -> memref<1x16x1024xf32, #tpu.memory_space<hbm>>
        %dma_start3A_603 = tpu.memref_squeeze %dma_start3A_602 : memref<1x16x1024xf32, #tpu.memory_space<hbm>> -> memref<16x1024xf32, #tpu.memory_space<hbm>>
        %dma_start3A_604 = arith.constant 16 : i32
        %dma_start3A_605 = arith.constant 0 : i32
        %dma_start3A_606 = tpu.memref_slice %arg10[%dma_start3A_604, %dma_start3A_605] : memref<32x1025xf32, #tpu.memory_space<vmem>> -> memref<16x1024xf32, #tpu.memory_space<vmem>>
        tpu.enqueue_dma source(%dma_start3A_606 : memref<16x1024xf32, #tpu.memory_space<vmem>>) target(%dma_start3A_603 : memref<16x1024xf32, #tpu.memory_space<hbm>>) target_semaphore(%arg15 : memref<!tpu.dma_semaphore, #tpu.memory_space<semaphore_mem>>)
      } else {
      }
    }
    %dma_wait3A_270 = arith.constant 0 : i32
    %dma_wait3A_271 = arith.constant 0 : i32
    %dma_wait3A_272 = arith.constant 0 : i32
    %dma_wait3A_273 = tpu.memref_slice %arg10[%dma_wait3A_271, %dma_wait3A_272] : memref<32x1025xf32, #tpu.memory_space<vmem>> -> memref<16x1024xf32, #tpu.memory_space<vmem>>
    %dma_wait3A_274 = arith.constant 0 : i32
    %dma_wait3A_275 = arith.constant 0 : i32
    %dma_wait3A_276 = tpu.memref_slice %arg5[%dma_wait3A_270, %dma_wait3A_274, %dma_wait3A_275] : memref<325x16x4096xf32, #tpu.memory_space<hbm>> -> memref<1x16x1024xf32, #tpu.memory_space<hbm>>
    %dma_wait3A_277 = tpu.memref_squeeze %dma_wait3A_276 : memref<1x16x1024xf32, #tpu.memory_space<hbm>> -> memref<16x1024xf32, #tpu.memory_space<hbm>>
    %dma_wait3A_278 = arith.constant 0 : i32
    %dma_wait3A_279 = arith.constant 0 : i32
    %dma_wait3A_280 = tpu.memref_slice %arg5[%dma_wait3A_270, %dma_wait3A_278, %dma_wait3A_279] : memref<325x16x4096xf32, #tpu.memory_space<hbm>> -> memref<1x16x1024xf32, #tpu.memory_space<hbm>>
    %dma_wait3A_281 = tpu.memref_squeeze %dma_wait3A_280 : memref<1x16x1024xf32, #tpu.memory_space<hbm>> -> memref<16x1024xf32, #tpu.memory_space<hbm>>
    %dma_wait3A_282 = arith.constant 0 : i32
    %dma_wait3A_283 = arith.constant 0 : i32
    %dma_wait3A_284 = tpu.memref_slice %arg10[%dma_wait3A_282, %dma_wait3A_283] : memref<32x1025xf32, #tpu.memory_space<vmem>> -> memref<16x1024xf32, #tpu.memory_space<vmem>>
    tpu.wait_dma2 semaphore(%arg14 : memref<!tpu.dma_semaphore, #tpu.memory_space<semaphore_mem>>) src(%dma_wait3A_284 : memref<16x1024xf32, #tpu.memory_space<vmem>>) dst(%dma_wait3A_281 : memref<16x1024xf32, #tpu.memory_space<hbm>>)
    %dma_wait3A_285 = arith.constant 0 : i32
    %dma_wait3A_286 = arith.constant 16 : i32
    %dma_wait3A_287 = arith.constant 0 : i32
    %dma_wait3A_288 = tpu.memref_slice %arg10[%dma_wait3A_286, %dma_wait3A_287] : memref<32x1025xf32, #tpu.memory_space<vmem>> -> memref<16x1024xf32, #tpu.memory_space<vmem>>
    %dma_wait3A_289 = arith.constant 0 : i32
    %dma_wait3A_290 = arith.constant 0 : i32
    %dma_wait3A_291 = tpu.memref_slice %arg5[%dma_wait3A_285, %dma_wait3A_289, %dma_wait3A_290] : memref<325x16x4096xf32, #tpu.memory_space<hbm>> -> memref<1x16x1024xf32, #tpu.memory_space<hbm>>
    %dma_wait3A_292 = tpu.memref_squeeze %dma_wait3A_291 : memref<1x16x1024xf32, #tpu.memory_space<hbm>> -> memref<16x1024xf32, #tpu.memory_space<hbm>>
    %dma_wait3A_293 = arith.constant 0 : i32
    %dma_wait3A_294 = arith.constant 0 : i32
    %dma_wait3A_295 = tpu.memref_slice %arg5[%dma_wait3A_285, %dma_wait3A_293, %dma_wait3A_294] : memref<325x16x4096xf32, #tpu.memory_space<hbm>> -> memref<1x16x1024xf32, #tpu.memory_space<hbm>>
    %dma_wait3A_296 = tpu.memref_squeeze %dma_wait3A_295 : memref<1x16x1024xf32, #tpu.memory_space<hbm>> -> memref<16x1024xf32, #tpu.memory_space<hbm>>
    %dma_wait3A_297 = arith.constant 16 : i32
    %dma_wait3A_298 = arith.constant 0 : i32
    %dma_wait3A_299 = tpu.memref_slice %arg10[%dma_wait3A_297, %dma_wait3A_298] : memref<32x1025xf32, #tpu.memory_space<vmem>> -> memref<16x1024xf32, #tpu.memory_space<vmem>>
    tpu.wait_dma2 semaphore(%arg15 : memref<!tpu.dma_semaphore, #tpu.memory_space<semaphore_mem>>) src(%dma_wait3A_299 : memref<16x1024xf32, #tpu.memory_space<vmem>>) dst(%dma_wait3A_296 : memref<16x1024xf32, #tpu.memory_space<hbm>>)
    return
  }
}

</mosaic_0001>

<sc_bundles>
// kernel: kernel.3.cloned.1.call-start
scs
__scs_entry_jumppad:
0x0: {  	(pc) =	sbr.rel $0x88, $3  }
0x1: {  	(tag) =	ssettag $0x0;
	lr =	simm.s32 $0x1  }
0x2: {  	[smem:$0x3F9E] =	sst lr;
	_ =	strace $0xD0000000  }
0x3: {  	_ = 	snop  }
0x4: {  	_ = 	snop  }
0x5: {  	_ = 	snop  }
0x6: {  	_ = 	snop  }
0x7: {  	_ = 	snop  }
__scs_overlays_trampoline_lowered:
0x8: {  	[smem:$0x3FAD] =	sst s0  }
0x9: {  	[smem:$0x3FAE] =	sst s1  }
0xa: {  	[smem:$0x3FAF] =	sst s2  }
0xb: {  	[smem:$0x3FB0] =	sst s3  }
0xc: {  	[smem:$0x3FB1] =	sst s4  }
0xd: {  	[smem:$0x3FB2] =	sst s5  }
0xe: {  	[smem:$0x3FB3] =	sst s6  }
0xf: {  	[smem:$0x3FB4] =	sst s7  }
0x10: {  	[smem:$0x3FB5] =	sst s8  }
0x11: {  	[smem:$0x3FB6] =	sst s9;
	s0 =	simm.s32 @!p0 $0x0  }
0x12: {  	s1 =	sld [smem:$0x3F9C];
	s0 =	simm.s32 @p0 $0x1  }
0x13: {  	[smem:$0x3FB7] =	sst s0;
	s0 =	simm.s32 @!p1 $0x0  }
0x14: {  	s2 =	sld [smem:$0x3F9B];
	s0 =	simm.s32 @p1 $0x1  }
0x15: {  	[smem:$0x3FB8] =	sst s0;
	s0 =	simm.s32 @!p2 $0x0  }
0x16: {  	s3 =	sld [smem:$0x3FDB];
	s0 =	simm.s32 @p2 $0x1  }
0x17: {  	s4 =	simm.s32 $0x1BF5;
	[smem:$0x3FBA] =	sst s0  }
0x18: {  	s0 =	sld [smem:$0x3F9D];
	_ =	swait.ge [sflag:s4], $0x0  }
0x19: {  	s7 =	sld [smem:$0x3F9E]  }
0x1a: {  	s8 =	sadd.s32 $0xFFFFE003, lr  }
0x1b: {  	s9 =	sadd.s32 $0xFFFFFEF7, lr;
	s5 =	simm.s32 $0xFFFFFFFF;
	p2 =	slt.u32 s8, $0xFFFFF086  }
0x1c: {  	p1 =	slt.u32 s9, $0xF7A;
	s5 =	simm.s32 @!p2 $0x0  }
0x1d: {  	s5 =	simm.s32 @p1 $0x1;
	p0 =	seq.s32 s7, s2  }
0x1e: {  	s7 =	smul.u32 @!p0 $0xF7A, s2;
	p2 =	seq.s32 @!p0 s5, $0x0  }
0x1f: {  	s9 =	smul.u32 $0xF7A, s1;
	s8 =	simm.s32 @!p0 $0x1BF5;
	p2 =	por !p2, p0  }
0x20: {  	[sflag:s8] =	ssyncset.s32 @!p0 $0xFFFFF086;
	s6 =	sadd.s32 @!p0 s3, s7;
	s7 =	simm.s32 @!p0 $0x108  }
0x21: {  	s3 =	sadd.s32 s3, s9;
	s6 =	sadd.s32 @!p0 $0x88, s6;
	s7 =	simm.s32 @p2 $0x1082  }
0x22: {  	[simem:s7], [sflag:s8] =	dma.local @!p0 [hbm:s6], $0xF7A  }
0x23: {  	s9 =	sor.u32 $0xD0000000, s2;
	s6 =	simm.s32 $0x108;
	_ =	swait.ge @!p0 [sflag:s8], $0x0  }
0x24: {  	s3 =	sadd.s32 $0x88, s3;
	s6 =	simm.s32 @!p1 $0x1082;
	[sflag:s4] =	ssyncset.s32 $0xFFFFF086  }
0x25: {  	[simem:s6], [sflag:s4] =	dma.local [hbm:s3], $0xF7A  }
0x26: {  	[smem:$0x3F9E] =	sst s1;
	(tag) =	ssettag s2;
	_ =	strace s9  }
0x27: {  	s1 =	sld [smem:$0x3FAE]  }
0x28: {  	s2 =	sld [smem:$0x3FAF]  }
0x29: {  	s4 =	sld [smem:$0x3FB1]  }
0x2a: {  	p0 =	seq.s32 s5, $0x0;
	s5 =	sld [smem:$0x3FB2]  }
0x2b: {  	s6 =	sld [smem:$0x3FB3]  }
0x2c: {  	s7 =	sld [smem:$0x3FB4]  }
0x2d: {  	s3 =	simm.s32 $0x108;
	s8 =	sld [smem:$0x3FB5]  }
0x2e: {  	s3 =	simm.s32 @!p0 $0x1082;
	s9 =	sld [smem:$0x3FB6]  }
0x2f: {  	lr =	sadd.s32 s0, s3;
	s0 =	sld [smem:$0x3FAD]  }
0x30: {  	s3 =	sld [smem:$0x3FB0]  }
0x31: {  	[smem:$0x3FB9] =	sst s10  }
0x32: {  	s10 =	sld [smem:$0x3FB7];
	_ =	sdelay $0x3  }
0x33: {  	p0 =	seq.s32 s10, $0x1;
	s10 =	sld [smem:$0x3FB9];
	_ =	sdelay $0x3  }
0x34: {  	[smem:$0x3FB9] =	sst s10  }
0x35: {  	s10 =	sld [smem:$0x3FB8];
	_ =	sdelay $0x3  }
0x36: {  	p1 =	seq.s32 s10, $0x1;
	s10 =	sld [smem:$0x3FB9];
	_ =	sdelay $0x3  }
0x37: {  	[smem:$0x3FB9] =	sst s10  }
0x38: {  	s10 =	sld [smem:$0x3FBA]  }
0x39: {  	_ = 	snop;
	(pc) =	sbr.ind lr, $3  }
0x3a: {  	_ = 	snop  }
0x3b: {  	_ = 	snop  }
0x3c: {  	p2 =	seq.s32 s10, $0x1;
	s10 =	sld [smem:$0x3FB9]  }
0x3d: {  	_ =	shalt  }
0x3e: {  	_ =	shalt  }
0x3f: {  	_ =	shalt  }
0x40: {  	_ =	shalt  }
0x41: {  	_ =	shalt  }
0x42: {  	_ =	shalt  }
0x43: {  	_ =	shalt  }
0x44: {  	_ =	shalt  }
0x45: {  	_ =	shalt  }
0x46: {  	_ =	shalt  }
0x47: {  	_ =	shalt  }
0x48: {  	_ =	shalt  }
0x49: {  	_ =	shalt  }
0x4a: {  	_ =	shalt  }
0x4b: {  	_ =	shalt  }
0x4c: {  	_ =	shalt  }
0x4d: {  	_ =	shalt  }
0x4e: {  	_ =	shalt  }
0x4f: {  	_ =	shalt  }
0x50: {  	_ =	shalt  }
0x51: {  	_ =	shalt  }
0x52: {  	_ =	shalt  }
0x53: {  	_ =	shalt  }
0x54: {  	_ =	shalt  }
0x55: {  	_ =	shalt  }
0x56: {  	_ =	shalt  }
0x57: {  	_ =	shalt  }
0x58: {  	_ =	shalt  }
0x59: {  	_ =	shalt  }
0x5a: {  	_ =	shalt  }
0x5b: {  	_ =	shalt  }
0x5c: {  	_ =	shalt  }
0x5d: {  	_ =	shalt  }
0x5e: {  	_ =	shalt  }
0x5f: {  	_ =	shalt  }
0x60: {  	_ =	shalt  }
0x61: {  	_ =	shalt  }
0x62: {  	_ =	shalt  }
0x63: {  	_ =	shalt  }
0x64: {  	_ =	shalt  }
0x65: {  	_ =	shalt  }
0x66: {  	_ =	shalt  }
0x67: {  	_ =	shalt  }
0x68: {  	_ =	shalt  }
0x69: {  	_ =	shalt  }
0x6a: {  	_ =	shalt  }
0x6b: {  	_ =	shalt  }
0x6c: {  	_ =	shalt  }
0x6d: {  	_ =	shalt  }
0x6e: {  	_ =	shalt  }
0x6f: {  	_ =	shalt  }
0x70: {  	_ =	shalt  }
0x71: {  	_ =	shalt  }
0x72: {  	_ =	shalt  }
0x73: {  	_ =	shalt  }
0x74: {  	_ =	shalt  }
0x75: {  	_ =	shalt  }
0x76: {  	_ =	shalt  }
0x77: {  	_ =	shalt  }
0x78: {  	_ =	shalt  }
0x79: {  	_ =	shalt  }
0x7a: {  	_ =	shalt  }
0x7b: {  	_ =	shalt  }
0x7c: {  	_ =	shalt  }
0x7d: {  	_ =	shalt  }
0x7e: {  	_ =	shalt  }
0x7f: {  	_ =	shalt  }
0x80: {  	_ =	shalt  }
0x81: {  	_ =	shalt  }
0x82: {  	_ =	shalt  }
0x83: {  	_ =	shalt  }
0x84: {  	_ =	shalt  }
0x85: {  	_ =	shalt  }
0x86: {  	_ =	shalt  }
0x87: {  	_ =	shalt  }
.Lfunc_end0:
.L_simem_size_0:
called_computation_lowered:
.L_overlay_start_0:
0x88: {  	s2 =	sld [smem:$0x3FD9]  }
0x89: {  	s3 =	sld [smem:$0x3FFE];
	_ =	sdelay $0x1  }
0x8a: {  	s1 =	srdreg.scid  }
0x8b: {  	s0 =	sand.u32 $0x1, s1  }
0x8c: {  	s17 =	sshll.u32 s0, $0xA;
	s2 =	sadd.s32 s3, s2  }
0x8d: {  	s2 =	sadd.s32 s2, s17  }
0x8e: {  	[smem:$0x3FC5] =	sst s2  }
0x8f: {  	_ = 	snop  }
0x90: {  	s2 =	sld [smem:$0x3FD0];
	(tm) =	ssettm $0x1  }
0x91: {  	s18 =	sld [smem:$0x3FFB];
	_ =	sdelay $0x3  }
0x92: {  	_ =	strace s18  }
0x93: {  	s3 =	sld [smem:$0x3FFC];
	_ =	sdelay $0x3  }
0x94: {  	_ =	strace s3  }
0x95: {  	s3 =	sld [smem:$0x3FFD];
	_ =	sdelay $0x3  }
0x96: {  	_ =	strace s3  }
0x97: {  	_ =	strace $0x8FFFFFFF  }
0x98: {  	s19 =	sld [smem:$0x3FDB];
	_ =	sdelay $0x1  }
0x99: {  	s4 =	simm.s32 $_scs_section_size  }
0x9a: {  	s5 =	simm.s32 $_size__tile_overlayer_lowered;
	s6 =	simm.s32 $_tile_overlayer_lowered  }
0x9b: {  	s22 =	simm.s32 $0x1BFF;
	s21 =	sshll.u32 s6, $0x1;
	s3 =	sadd.s32 s4, s19  }
0x9c: {  	s7 =	simm.s32 $0x0;
	s20 =	sshll.u32 s5, $0x1;
	s5 =	sadd.s32 s21, s3  }
0x9d: {  	[timem:s7], [sflag:s22] =	dma.local [hbm:s5], s20  }
0x9e: {  	_ =	swait.ge [sflag:s22], s20  }
0x9f: {  	s4 =	ssub.s32 $0x0, s20;
	[sflag:s22] =	ssyncset.done $0x0  }
0xa0: {  	[sflag:s22] =	ssyncadd.s32 s4;
	_ =	sdelay $0x1  }
0xa1: {  	s23 =	simm.s32 $0x1B8B  }
0xa2: {  	_ =	swait.ge [sflag:s23], $0x1  }
0xa3: {  	[sflag:s23] =	ssyncset.done $0x0  }
0xa4: {  	s25 =	simm.s32 $0x1B8E;
	s24 =	sld [smem:$0x3FFE];
	[sflag:s23] =	ssyncadd.s32 $0xFFFFFFFF  }
0xa5: {  	s26 =	simm.s32 $execute0_lowered;
	[smem:$0x3FD2] =	sst s25  }
0xa6: {  	s5 =	sshll.u32 s26, $0x1;
	_ =	strace $0x80000046;
	[dreg:$0x1] =	wrdreg $0xFFFFFFFF  }
0xa7: {  	s28 =	simm.s32 $_size_execute0_lowered;
	s3 =	sadd.s32 s3, s5;
	[dreg:$0x0] =	wrdreg $0x0  }
0xa8: {  	s5 =	sshll.u32 s28, $0x1;
	[dreg:$0x2] =	wrdreg s3  }
0xa9: {  	[dreg:$0x3] =	wrdreg s5  }
0xaa: {  	[dreg:$0x4] =	wrdreg $0xC0  }
0xab: {  	_ =	task [dreg:s7], $0x5FFFF  }
0xac: {  	[dreg:$0x1] =	wrdreg $0xFFFFFFFF  }
0xad: {  	[dreg:$0x0] =	wrdreg $0x60  }
0xae: {  	[dreg:$0x2] =	wrdreg s2  }
0xaf: {  	[dreg:$0x3] =	wrdreg s24  }
0xb0: {  	[dreg:$0x4] =	wrdreg $0x9  }
0xb1: {  	_ =	task.clear_ibuf [dreg:s7], $0x5FFFF;
	_ =	strace $0x90000046  }
0xb2: {  	s29 =	simm.s32 $0x9;
	_ =	strace $0x80000048  }
0xb3: {  	_ =	swait.ge [sflag:s29], $0x1  }
0xb4: {  	[sflag:s29] =	ssyncadd.s32 $0xFFFFFFFF  }
0xb5: {  	_ =	strace $0x90000048  }
0xb6: {  	_ =	sfence  }
0xb7: {  	s30 =	sld [smem:$0x0];
	_ =	sdelay $0x2  }
0xb8: {  	s31 =	sshll.u32 s1, $0xD;
	s1 =	sshrl.u32 s1, $0x2  }
0xb9: {  	s3 =	sand.u32 $0x4000, s31;
	s1 =	sadd.s32 s1, s30  }
0xba: {  	s0 =	sor.u32 s3, s0;
	s1 =	sshll.u32 s1, $0x11  }
0xbb: {  	s0 =	sor.u32 s1, s0  }
0xbc: {  	s0 =	sadd.s32 $0x8F2B, s0  }
0xbd: {  	[sflag:s0] =	ssyncadd.remote.s32 $0x1  }
0xbe: {  	_ =	sfence.sel $0xFFFF  }
0xbf: {  	[dreg:$0x0] =	wrdreg $0xFFFFFFFF;
	(pc) =	sbr.abs _section_cstart, $3  }
0xc0: {  	[dreg:$0x1] =	wrdreg $0xFFFFFFFF  }
0xc1: {  	_ =	task.clear_ibuf [dreg:s7], $0x2FFFF;
	_ =	strace $0x9FFFFFFF  }
0xc2: {  	(tm) =	ssettm $0x7FFFFFFF  }
0xc3: {  	_ =	shalt  }
tec
execute0_lowered:
.L_overlay_start_1:
0x0: {  	(tag) =	ssettag $0x1  }
0x1: {  	s1 =	rddreg [dreg:$0x0]  }
0x2: {  	s0 =	rddreg [dreg:$0x1]  }
0x3: {  	s2 =	simm.s32 $0x0;
	s3 =	srdreg.scid;
	s8 =	stileid.u32  }
0x4: {  	s30 =	simm.s32 $0x3;
	s31 =	simm.s32 $0x11000;
	s28 =	simm.s32 $0x16CB8  }
0x5: {  	s29 =	simm.s32 $0x170C0;
	s17 =	simm.s32 $0x174C8;
	s10 =	simm.s32 $0x17CD8  }
0x6: {  	s12 =	simm.s32 $0x180E0;
	s13 =	simm.s32 $0x184E8;
	s15 =	simm.s32 $0x188F0  }
0x7: {  	s20 =	simm.s32 $0x18CF8;
	s21 =	simm.s32 $0x2;
	s18 =	simm.s32 $0x0  }
0x8: {  	[smem:$0x7FF] =	sst s2;
	s4 =	sadd.s32 $0x800, s0;
	s3 =	sand.u32 $0x1, s3  }
0x9: {  	s5 =	sadd.s32 $0x27D5600, s0;
	s7 =	sshll.u32 s8, $0x1;
	s6 =	sadd.s32 $0x29200, s0  }
0xa: {  	p0 =	slt.u32 s8, $0xA;
	s8 =	simm.s32 $0x29;
	_ =	strace $0x80000047  }
0xb: {  	s9 =	ssub.s32 $0x2, s3;
	s7 =	sor.u32 s3, s7;
	s8 =	simm.s32 @!p0 $0x28  }
0xc: {  	v0 =	vlaneseq.u32;
	s22 =	sshrl.u32 s9, $0x1;
	s3 =	sshll.u32 s7, $0x7;
	s11 =	sshll.u32 s7, $0xA  }
0xd: {  	v1 =	vmul.u32 $0x408, v0;
	s14 =	sadd.s32 $0xFFFFFFFF, s8;
	s26 =	sand.u32 $0x3, s7;
	s0 =	ssub.s32 s9, s22  }
0xe: {  	v2 =	vor.u32 $0x4000, v0;
	s23 =	sadd.s32 s1, s3;
	s24 =	sadd.s32 s4, s3;
	s3 =	sor.u32 $0x1000, s3  }
.Ltmp0:
0xf: {  	v3 =	vadd.s32 $0x4080, v1;
	v4 =	vadd.s32 $0x4081, v1;
	v5 =	vadd.s32 $0x4082, v1;
	s16 =	sand.u32 $0xC00, s11;
	[dreg:$0x3] =	wrdreg s23;
	(pc) =	sbr.rel .LBB2_1-.Ltmp0, $4  }
0x10: {  	v6 =	vadd.s32 $0x4083, v1;
	v7 =	vadd.s32 $0x4084, v1;
	v8 =	vadd.s32 $0x4085, v1;
	s22 =	simm.s32 $0x1000;
	[dreg:$0x4] =	wrdreg s24;
	s25 =	sadd.s32 s1, s3  }
0x11: {  	v9 =	vadd.s32 $0x4086, v1;
	v10 =	vadd.s32 $0x4087, v1;
	v11 =	vor.u32 $0x1, v1;
	p0 =	sne.s32 s26, $0x0;
	s3 =	sadd.s32 s4, s3;
	[dreg:$0x5] =	wrdreg s25  }
0x12: {  	v12 =	vor.u32 $0x2, v1;
	v13 =	vor.u32 $0x3, v1;
	v14 =	vor.u32 $0x4, v1;
	s26 =	simm.s32 $0x168B0;
	s0 =	smax.u32 s0, $0x1;
	[dreg:$0x6] =	wrdreg s3  }
0x13: {  	v15 =	vor.u32 $0x5, v1;
	v16 =	vor.u32 $0x6, v1;
	v17 =	vor.u32 $0x7, v1;
	s9 =	simm.s32 $0x178D0;
	s23 =	simm.s32 $0x9000;
	[dreg:$0x7] =	wrdreg s0  }
.LBB2_10:
0x14: {  	s0 =	simm.s32 $0x4  }
0x15: {  	_ =	swait.ge [sflag:s0], $0x4000  }
0x16: {  	[sflag:s0] =	ssyncset.done $0x0  }
0x17: {  	s3 =	simm.s32 $0x5;
	[sflag:s0] =	ssyncadd.s32 $0xFFFFC000  }
0x18: {  	_ =	swait.ge [sflag:s3], $0x4000  }
0x19: {  	s18 =	rddreg [dreg:$0x8]  }
0x1a: {  	s25 =	rddreg [dreg:$0x7];
	s18 =	sadd.s32 $0x1, s18  }
0x1b: {  	p1 =	sne.s32 s18, s25  }
.Ltmp1:
0x1c: {  	_ = 	snop;
	(pc) =	sbr.rel @!p1 .LBB2_11-.Ltmp1, $3  }
0x1d: {  	_ =	sdelay $0x1  }
0x1e: {  	[sflag:s3] =	ssyncset.done $0x0  }
0x1f: {  	[sflag:s3] =	ssyncadd.s32 $0xFFFFC000  }
.LBB2_1:
0x20: {  	[dreg:$0x8] =	wrdreg s18  }
0x21: {  	s0 =	rddreg [dreg:$0x3]  }
0x22: {  	[tilespmem:s2], [sflag:$0x1] =	stream.linear.gather [hbm4b:s0+s2], $0x400, $0x38;
	[tilespmem:$0x19100] =	vst v63  }
0x23: {  	s25 =	rddreg [dreg:$0x4];
	s3 =	simm.s32 $0x800  }
0x24: {  	[tilespmem:s3], [sflag:$0x1] =	stream.linear.gather [hbm4b:s25+s2], $0x400, $0x38;
	[tilespmem:$0x19100] =	vst v63  }
0x25: {  	s18 =	rddreg [dreg:$0x5];
	s19 =	simm.s32 $0x400  }
0x26: {  	[tilespmem:s19], [sflag:$0x1] =	stream.linear.gather [hbm4b:s18+s2], $0x400, $0x38;
	[tilespmem:$0x19100] =	vst v63  }
0x27: {  	s24 =	rddreg [dreg:$0x6];
	s25 =	simm.s32 $0xC00;
	s18 =	simm.s32 $0x1  }
0x28: {  	[tilespmem:s25], [sflag:$0x1] =	stream.linear.gather [hbm4b:s24+s2], $0x400, $0x38;
	[tilespmem:$0x19100] =	vst v63  }
0x29: {  	_ =	swait.ge [sflag:s18], $0x400  }
0x2a: {  	[sflag:s18] =	ssyncset.done $0x0  }
0x2b: {  	[sflag:s18] =	ssyncadd.s32 $0xFFFFFC00  }
0x2c: {  	_ =	swait.ge [sflag:s18], $0x400  }
0x2d: {  	[sflag:s18] =	ssyncset.done $0x0  }
0x2e: {  	s0 =	simm.s32 $0x80;
	[sflag:s18] =	ssyncadd.s32 $0xFFFFFC00  }
0x2f: {  	[tilespmem:s22], [sflag:$0x2] =	stream.indirect.gather [hbm4b:s5+s0], $0x10, s2, s0, $0xb8;
	[tilespmem:$0x19100] =	vst v63  }
0x30: {  	_ = 	snop  }
0x31: {  	[tilespmem:s23], [sflag:$0x2] =	stream.indirect.gather [hbm4b:s5+s0], $0x10, s3, s0, $0xb8;
	[tilespmem:$0x19100] =	vst v63  }
0x32: {  	s19 =	simm.s32 $0x1800  }
0x33: {  	[tilespmem:s19], [sflag:$0x2] =	stream.indirect.gather [hbm4b:s5+s0], $0x10, s0, s0, $0xb8;
	[tilespmem:$0x19100] =	vst v63  }
0x34: {  	s24 =	simm.s32 $0x880;
	s25 =	simm.s32 $0x9800  }
0x35: {  	[tilespmem:s25], [sflag:$0x2] =	stream.indirect.gather [hbm4b:s5+s0], $0x10, s24, s0, $0xb8;
	[tilespmem:$0x19100] =	vst v63  }
0x36: {  	s18 =	simm.s32 $0x100;
	s19 =	simm.s32 $0x2000  }
0x37: {  	[tilespmem:s19], [sflag:$0x2] =	stream.indirect.gather [hbm4b:s5+s0], $0x10, s18, s0, $0xb8;
	[tilespmem:$0x19100] =	vst v63  }
0x38: {  	s24 =	simm.s32 $0x900;
	s25 =	simm.s32 $0xA000  }
0x39: {  	[tilespmem:s25], [sflag:$0x2] =	stream.indirect.gather [hbm4b:s5+s0], $0x10, s24, s0, $0xb8;
	[tilespmem:$0x19100] =	vst v63  }
0x3a: {  	s18 =	simm.s32 $0x180;
	s19 =	simm.s32 $0x2800  }
0x3b: {  	[tilespmem:s19], [sflag:$0x2] =	stream.indirect.gather [hbm4b:s5+s0], $0x10, s18, s0, $0xb8;
	[tilespmem:$0x19100] =	vst v63  }
0x3c: {  	s24 =	simm.s32 $0x980;
	s25 =	simm.s32 $0xA800  }
0x3d: {  	[tilespmem:s25], [sflag:$0x2] =	stream.indirect.gather [hbm4b:s5+s0], $0x10, s24, s0, $0xb8;
	[tilespmem:$0x19100] =	vst v63  }
0x3e: {  	s18 =	simm.s32 $0x200;
	s19 =	simm.s32 $0x3000  }
0x3f: {  	[tilespmem:s19], [sflag:$0x2] =	stream.indirect.gather [hbm4b:s5+s0], $0x10, s18, s0, $0xb8;
	[tilespmem:$0x19100] =	vst v63  }
0x40: {  	s24 =	simm.s32 $0xA00;
	s25 =	simm.s32 $0xB000  }
0x41: {  	[tilespmem:s25], [sflag:$0x2] =	stream.indirect.gather [hbm4b:s5+s0], $0x10, s24, s0, $0xb8;
	[tilespmem:$0x19100] =	vst v63  }
0x42: {  	s18 =	simm.s32 $0x280;
	s19 =	simm.s32 $0x3800  }
0x43: {  	[tilespmem:s19], [sflag:$0x2] =	stream.indirect.gather [hbm4b:s5+s0], $0x10, s18, s0, $0xb8;
	[tilespmem:$0x19100] =	vst v63  }
0x44: {  	s24 =	simm.s32 $0xA80;
	s25 =	simm.s32 $0xB800  }
0x45: {  	[tilespmem:s25], [sflag:$0x2] =	stream.indirect.gather [hbm4b:s5+s0], $0x10, s24, s0, $0xb8;
	[tilespmem:$0x19100] =	vst v63  }
0x46: {  	s18 =	simm.s32 $0x300;
	s19 =	simm.s32 $0x4000  }
0x47: {  	[tilespmem:s19], [sflag:$0x2] =	stream.indirect.gather [hbm4b:s5+s0], $0x10, s18, s0, $0xb8;
	[tilespmem:$0x19100] =	vst v63  }
0x48: {  	s24 =	simm.s32 $0xB00;
	s25 =	simm.s32 $0xC000  }
0x49: {  	[tilespmem:s25], [sflag:$0x2] =	stream.indirect.gather [hbm4b:s5+s0], $0x10, s24, s0, $0xb8;
	[tilespmem:$0x19100] =	vst v63  }
.Ltmp2:
0x4a: {  	s18 =	simm.s32 $0x380;
	s19 =	simm.s32 $0x4800;
	(pc) =	sbr.rel .LBB2_2-.Ltmp2, $4  }
0x4b: {  	[tilespmem:s19], [sflag:$0x2] =	stream.indirect.gather [hbm4b:s5+s0], $0x10, s18, s0, $0xb8;
	[tilespmem:$0x19100] =	vst v63  }
0x4c: {  	s24 =	simm.s32 $0xB80;
	s25 =	simm.s32 $0xC800  }
0x4d: {  	[tilespmem:s25], [sflag:$0x2] =	stream.indirect.gather [hbm4b:s5+s0], $0x10, s24, s0, $0xb8;
	[tilespmem:$0x19100] =	vst v63  }
0x4e: {  	s0 =	simm.s32 $0x0  }
.LBB2_9:
0x4f: {  	s0 =	sadd.s32 $0x1, s0  }
0x50: {  	p1 =	sne.s32 s0, s8  }
.Ltmp3:
0x51: {  	_ = 	snop;
	(pc) =	sbr.rel @!p1 .LBB2_10-.Ltmp3, $1  }
0x52: {  	_ =	sdelay $0x3  }
.LBB2_2:
0x53: {  	s3 =	sand.u32 $0x1, s0  }
0x54: {  	p1 =	seq.s32 s3, $0x1  }
.Ltmp4:
0x55: {  	_ = 	snop;
	(pc) =	sbr.rel @p1 .LBB2_6-.Ltmp4, $1  }
0x56: {  	_ =	sdelay $0x3  }
0x57: {  	p1 =	sge.u32 s0, s14  }
0x58: {  	s18 =	simm.s32 @!p1 $0x1  }
0x59: {  	_ =	swait.ge @!p1 [sflag:s18], $0x400  }
0x5a: {  	[sflag:s18] =	ssyncset.done @!p1 $0x0  }
0x5b: {  	[sflag:s18] =	ssyncadd.s32 @!p1 $0xFFFFFC00  }
0x5c: {  	_ =	swait.ge @!p1 [sflag:s18], $0x400  }
0x5d: {  	s19 =	simm.s32 @!p1 $0x400;
	[sflag:s18] =	ssyncset.done @!p1 $0x0  }
0x5e: {  	s24 =	simm.s32 @!p1 $0x5000;
	[sflag:s18] =	ssyncadd.s32 @!p1 $0xFFFFFC00;
	s18 =	simm.s32 @!p1 $0x80  }
0x5f: {  	[tilespmem:s24], [sflag:$0x3] =	stream.indirect.gather @!p1 [hbm4b:s5+s18], $0x10, s19, s18, $0xb8;
	[tilespmem:$0x19100] =	vst v63  }
0x60: {  	s19 =	simm.s32 @!p1 $0xC00;
	s24 =	simm.s32 @!p1 $0xD000  }
0x61: {  	[tilespmem:s24], [sflag:$0x3] =	stream.indirect.gather @!p1 [hbm4b:s5+s18], $0x10, s19, s18, $0xb8;
	[tilespmem:$0x19100] =	vst v63  }
0x62: {  	s19 =	simm.s32 @!p1 $0x480;
	s24 =	simm.s32 @!p1 $0x5800  }
0x63: {  	[tilespmem:s24], [sflag:$0x3] =	stream.indirect.gather @!p1 [hbm4b:s5+s18], $0x10, s19, s18, $0xb8;
	[tilespmem:$0x19100] =	vst v63  }
0x64: {  	s19 =	simm.s32 @!p1 $0xC80;
	s24 =	simm.s32 @!p1 $0xD800  }
0x65: {  	[tilespmem:s24], [sflag:$0x3] =	stream.indirect.gather @!p1 [hbm4b:s5+s18], $0x10, s19, s18, $0xb8;
	[tilespmem:$0x19100] =	vst v63  }
0x66: {  	s19 =	simm.s32 @!p1 $0x500;
	s24 =	simm.s32 @!p1 $0x6000  }
0x67: {  	[tilespmem:s24], [sflag:$0x3] =	stream.indirect.gather @!p1 [hbm4b:s5+s18], $0x10, s19, s18, $0xb8;
	[tilespmem:$0x19100] =	vst v63  }
0x68: {  	s19 =	simm.s32 @!p1 $0xD00;
	s24 =	simm.s32 @!p1 $0xE000  }
0x69: {  	[tilespmem:s24], [sflag:$0x3] =	stream.indirect.gather @!p1 [hbm4b:s5+s18], $0x10, s19, s18, $0xb8;
	[tilespmem:$0x19100] =	vst v63  }
0x6a: {  	s19 =	simm.s32 @!p1 $0x580;
	s24 =	simm.s32 @!p1 $0x6800  }
0x6b: {  	[tilespmem:s24], [sflag:$0x3] =	stream.indirect.gather @!p1 [hbm4b:s5+s18], $0x10, s19, s18, $0xb8;
	[tilespmem:$0x19100] =	vst v63  }
0x6c: {  	s19 =	simm.s32 @!p1 $0xD80;
	s24 =	simm.s32 @!p1 $0xE800  }
0x6d: {  	[tilespmem:s24], [sflag:$0x3] =	stream.indirect.gather @!p1 [hbm4b:s5+s18], $0x10, s19, s18, $0xb8;
	[tilespmem:$0x19100] =	vst v63  }
0x6e: {  	s19 =	simm.s32 @!p1 $0x600;
	s24 =	simm.s32 @!p1 $0x7000  }
0x6f: {  	[tilespmem:s24], [sflag:$0x3] =	stream.indirect.gather @!p1 [hbm4b:s5+s18], $0x10, s19, s18, $0xb8;
	[tilespmem:$0x19100] =	vst v63  }
0x70: {  	s19 =	simm.s32 @!p1 $0xE00;
	s24 =	simm.s32 @!p1 $0xF000  }
0x71: {  	[tilespmem:s24], [sflag:$0x3] =	stream.indirect.gather @!p1 [hbm4b:s5+s18], $0x10, s19, s18, $0xb8;
	[tilespmem:$0x19100] =	vst v63  }
0x72: {  	s19 =	simm.s32 @!p1 $0x680;
	s24 =	simm.s32 @!p1 $0x7800  }
0x73: {  	[tilespmem:s24], [sflag:$0x3] =	stream.indirect.gather @!p1 [hbm4b:s5+s18], $0x10, s19, s18, $0xb8;
	[tilespmem:$0x19100] =	vst v63  }
0x74: {  	s19 =	simm.s32 @!p1 $0xE80;
	s24 =	simm.s32 @!p1 $0xF800  }
0x75: {  	[tilespmem:s24], [sflag:$0x3] =	stream.indirect.gather @!p1 [hbm4b:s5+s18], $0x10, s19, s18, $0xb8;
	[tilespmem:$0x19100] =	vst v63  }
0x76: {  	s19 =	simm.s32 @!p1 $0x700;
	s24 =	simm.s32 @!p1 $0x8000  }
0x77: {  	[tilespmem:s24], [sflag:$0x3] =	stream.indirect.gather @!p1 [hbm4b:s5+s18], $0x10, s19, s18, $0xb8;
	[tilespmem:$0x19100] =	vst v63  }
0x78: {  	s19 =	simm.s32 @!p1 $0xF00;
	s24 =	simm.s32 @!p1 $0x10000  }
0x79: {  	[tilespmem:s24], [sflag:$0x3] =	stream.indirect.gather @!p1 [hbm4b:s5+s18], $0x10, s19, s18, $0xb8;
	[tilespmem:$0x19100] =	vst v63  }
0x7a: {  	s19 =	simm.s32 @!p1 $0x780;
	s24 =	simm.s32 @!p1 $0x8800  }
0x7b: {  	[tilespmem:s24], [sflag:$0x3] =	stream.indirect.gather @!p1 [hbm4b:s5+s18], $0x10, s19, s18, $0xb8;
	[tilespmem:$0x19100] =	vst v63  }
0x7c: {  	s19 =	simm.s32 @!p1 $0xF80;
	s24 =	simm.s32 @!p1 $0x10800  }
0x7d: {  	[tilespmem:s24], [sflag:$0x3] =	stream.indirect.gather @!p1 [hbm4b:s5+s18], $0x10, s19, s18, $0xb8;
	[tilespmem:$0x19100] =	vst v63  }
0x7e: {  	_ =	swait.ge [sflag:s21], $0x800  }
0x7f: {  	[sflag:s21] =	ssyncset.done $0x0  }
0x80: {  	[sflag:s21] =	ssyncadd.s32 $0xFFFFF800  }
0x81: {  	_ =	swait.ge [sflag:s21], $0x800  }
0x82: {  	[sflag:s21] =	ssyncset.done $0x0  }
0x83: {  	[sflag:s21] =	ssyncadd.s32 $0xFFFFF800  }
0x84: {  	_ =	swait.ge [sflag:s21], $0x800  }
0x85: {  	[sflag:s21] =	ssyncset.done $0x0  }
0x86: {  	[sflag:s21] =	ssyncadd.s32 $0xFFFFF800  }
0x87: {  	_ =	swait.ge [sflag:s21], $0x800  }
0x88: {  	[sflag:s21] =	ssyncset.done $0x0  }
0x89: {  	[sflag:s21] =	ssyncadd.s32 $0xFFFFF800  }
0x8a: {  	_ =	swait.ge [sflag:s21], $0x800  }
0x8b: {  	[sflag:s21] =	ssyncset.done $0x0  }
0x8c: {  	[sflag:s21] =	ssyncadd.s32 $0xFFFFF800  }
0x8d: {  	_ =	swait.ge [sflag:s21], $0x800  }
0x8e: {  	[sflag:s21] =	ssyncset.done $0x0  }
0x8f: {  	[sflag:s21] =	ssyncadd.s32 $0xFFFFF800  }
0x90: {  	_ =	swait.ge [sflag:s21], $0x800  }
0x91: {  	[sflag:s21] =	ssyncset.done $0x0  }
0x92: {  	[sflag:s21] =	ssyncadd.s32 $0xFFFFF800  }
0x93: {  	_ =	swait.ge [sflag:s21], $0x800  }
0x94: {  	[sflag:s21] =	ssyncset.done $0x0  }
0x95: {  	[sflag:s21] =	ssyncadd.s32 $0xFFFFF800  }
0x96: {  	_ =	swait.ge [sflag:s21], $0x800  }
0x97: {  	[sflag:s21] =	ssyncset.done $0x0  }
0x98: {  	[sflag:s21] =	ssyncadd.s32 $0xFFFFF800  }
0x99: {  	_ =	swait.ge [sflag:s21], $0x800  }
0x9a: {  	[sflag:s21] =	ssyncset.done $0x0  }
0x9b: {  	[sflag:s21] =	ssyncadd.s32 $0xFFFFF800  }
0x9c: {  	_ =	swait.ge [sflag:s21], $0x800  }
0x9d: {  	[sflag:s21] =	ssyncset.done $0x0  }
0x9e: {  	[sflag:s21] =	ssyncadd.s32 $0xFFFFF800  }
0x9f: {  	_ =	swait.ge [sflag:s21], $0x800  }
0xa0: {  	[sflag:s21] =	ssyncset.done $0x0  }
0xa1: {  	[sflag:s21] =	ssyncadd.s32 $0xFFFFF800  }
0xa2: {  	_ =	swait.ge [sflag:s21], $0x800  }
0xa3: {  	[sflag:s21] =	ssyncset.done $0x0  }
0xa4: {  	[sflag:s21] =	ssyncadd.s32 $0xFFFFF800  }
0xa5: {  	_ =	swait.ge [sflag:s21], $0x800  }
0xa6: {  	[sflag:s21] =	ssyncset.done $0x0  }
0xa7: {  	[sflag:s21] =	ssyncadd.s32 $0xFFFFF800  }
0xa8: {  	s18 =	sadd.s32 $0x2, s0;
	_ =	swait.ge [sflag:s21], $0x800  }
0xa9: {  	p1 =	sge.u32 s18, s8;
	[sflag:s21] =	ssyncset.done $0x0  }
0xaa: {  	s18 =	sshll.u32 @!p1 s18, $0xF;
	[sflag:s21] =	ssyncadd.s32 $0xFFFFF800  }
0xab: {  	s18 =	sor.u32 @!p1 s11, s18;
	_ =	swait.ge [sflag:s21], $0x800  }
0xac: {  	s18 =	sshrl.u32 @!p1 s18, $0x3;
	[sflag:s21] =	ssyncset.done $0x0  }
0xad: {  	s24 =	simm.s32 @!p1 $0x0;
	s19 =	sadd.s32 @!p1 s1, s18;
	[sflag:s21] =	ssyncadd.s32 $0xFFFFF800  }
0xae: {  	[tilespmem:s24], [sflag:$0x1] =	stream.linear.gather @!p1 [hbm4b:s19+s24], $0x400, $0x38;
	[tilespmem:$0x19100] =	vst v63  }
0xaf: {  	s19 =	simm.s32 $0x0  }
0xb0: {  	s25 =	simm.s32 @!p1 $0x800;
	s18 =	sadd.s32 @!p1 s4, s18;
	v18 =	vmov s19  }
0xb1: {  	[tilespmem:s25], [sflag:$0x1] =	stream.linear.gather @!p1 [hbm4b:s18+s24], $0x400, $0x38;
	v18 =	vshll.u32 v18, $0x4;
	[tilespmem:$0x19100] =	vst v63  }
0xb2: {  	p1 =	slt.u32 s0, $0x2;
	v18 =	vor.u32 v0, v18  }
0xb3: {  	s18 =	simm.s32 @!p1 $0x4  }
0xb4: {  	_ =	swait.ge @!p1 [sflag:s18], $0x4000  }
0xb5: {  	[sflag:s18] =	ssyncset.done @!p1 $0x0  }
0xb6: {  	[sflag:s18] =	ssyncadd.s32 @!p1 $0xFFFFC000  }
0xb7: {  	v19 =	vld.idx.msk [tilespmem:v18+s22+$0x0], $0xffff  }
0xb8: {  	s25 =	simm.s32 $0x1;
	v18 =	vld.idx.msk [tilespmem:v18+s23+$0x0], $0xffff  }
0xb9: {  	v20 =	vmov s25  }
0xba: {  	v21 =	vadd.s32 s19, v1;
	v22 =	vshll.u32 v20, $0x4  }
0xbb: {  	v22 =	vor.u32 v0, v22;
	_ =	sdelay $0x1  }
0xbc: {  	v18 =	vmul.f32 v18, v19;
	_ =	sdelay $0x1  }
0xbd: {  	[tilespmem:v21+s31+$0x0] =	vst.idx.msk $0xffff, v18  }
0xbe: {  	v18 =	vld.idx.msk [tilespmem:v22+s22+$0x0], $0xffff  }
0xbf: {  	s19 =	simm.s32 $0x2;
	v19 =	vld.idx.msk [tilespmem:v22+s23+$0x0], $0xffff  }
0xc0: {  	v20 =	vand.u32 $0x3F8, v20;
	v21 =	vmov s19  }
0xc1: {  	v20 =	vadd.s32 v11, v20;
	v22 =	vshll.u32 v21, $0x4  }
0xc2: {  	v22 =	vor.u32 v0, v22;
	_ =	sdelay $0x1  }
0xc3: {  	v18 =	vmul.f32 v19, v18;
	_ =	sdelay $0x1  }
0xc4: {  	[tilespmem:v20+s31+$0x0] =	vst.idx.msk $0xffff, v18  }
0xc5: {  	v18 =	vld.idx.msk [tilespmem:v22+s22+$0x0], $0xffff  }
0xc6: {  	s24 =	simm.s32 $0x3;
	v19 =	vld.idx.msk [tilespmem:v22+s23+$0x0], $0xffff  }
0xc7: {  	v20 =	vand.u32 $0x3F8, v21;
	v21 =	vmov s24  }
0xc8: {  	v20 =	vadd.s32 v12, v20;
	v22 =	vshll.u32 v21, $0x4  }
0xc9: {  	v22 =	vor.u32 v0, v22;
	_ =	sdelay $0x1  }
0xca: {  	v18 =	vmul.f32 v19, v18;
	_ =	sdelay $0x1  }
0xcb: {  	[tilespmem:v20+s31+$0x0] =	vst.idx.msk $0xffff, v18  }
0xcc: {  	v18 =	vld.idx.msk [tilespmem:v22+s22+$0x0], $0xffff  }
0xcd: {  	s25 =	simm.s32 $0x4;
	v19 =	vld.idx.msk [tilespmem:v22+s23+$0x0], $0xffff  }
0xce: {  	v20 =	vand.u32 $0x3F8, v21;
	v21 =	vmov s25  }
0xcf: {  	v20 =	vadd.s32 v13, v20;
	v22 =	vshll.u32 v21, $0x4  }
0xd0: {  	v22 =	vor.u32 v0, v22;
	_ =	sdelay $0x1  }
0xd1: {  	v18 =	vmul.f32 v19, v18;
	_ =	sdelay $0x1  }
0xd2: {  	[tilespmem:v20+s31+$0x0] =	vst.idx.msk $0xffff, v18  }
0xd3: {  	v18 =	vld.idx.msk [tilespmem:v22+s22+$0x0], $0xffff  }
0xd4: {  	s19 =	simm.s32 $0x5;
	v19 =	vld.idx.msk [tilespmem:v22+s23+$0x0], $0xffff  }
0xd5: {  	v20 =	vand.u32 $0x3F8, v21;
	v21 =	vmov s19  }
0xd6: {  	v20 =	vadd.s32 v14, v20;
	v22 =	vshll.u32 v21, $0x4  }
0xd7: {  	v22 =	vor.u32 v0, v22;
	_ =	sdelay $0x1  }
0xd8: {  	v18 =	vmul.f32 v19, v18;
	_ =	sdelay $0x1  }
0xd9: {  	[tilespmem:v20+s31+$0x0] =	vst.idx.msk $0xffff, v18  }
0xda: {  	v18 =	vld.idx.msk [tilespmem:v22+s22+$0x0], $0xffff  }
0xdb: {  	s24 =	simm.s32 $0x6;
	v19 =	vld.idx.msk [tilespmem:v22+s23+$0x0], $0xffff  }
0xdc: {  	v20 =	vand.u32 $0x3F8, v21;
	v21 =	vmov s24  }
0xdd: {  	v20 =	vadd.s32 v15, v20;
	v22 =	vshll.u32 v21, $0x4  }
0xde: {  	v22 =	vor.u32 v0, v22;
	_ =	sdelay $0x1  }
0xdf: {  	v18 =	vmul.f32 v19, v18;
	_ =	sdelay $0x1  }
0xe0: {  	[tilespmem:v20+s31+$0x0] =	vst.idx.msk $0xffff, v18  }
0xe1: {  	v18 =	vld.idx.msk [tilespmem:v22+s22+$0x0], $0xffff  }
0xe2: {  	s25 =	simm.s32 $0x7;
	v19 =	vld.idx.msk [tilespmem:v22+s23+$0x0], $0xffff  }
0xe3: {  	v20 =	vand.u32 $0x3F8, v21;
	v21 =	vmov s25  }
0xe4: {  	v22 =	vadd.s32 v16, v20;
	v20 =	vshll.u32 v21, $0x4  }
0xe5: {  	v20 =	vor.u32 v0, v20;
	_ =	sdelay $0x1  }
0xe6: {  	v18 =	vmul.f32 v19, v18;
	_ =	sdelay $0x1  }
0xe7: {  	v19 =	vand.u32 $0x3F8, v21;
	[tilespmem:v22+s31+$0x0] =	vst.idx.msk $0xffff, v18  }
0xe8: {  	s18 =	simm.s32 $0xF;
	v18 =	vadd.s32 v17, v19;
	v19 =	vld.idx.msk [tilespmem:v20+s22+$0x0], $0xffff  }
.LBB2_4:
0xe9: {  	p1 =	sne.s32 s18, $0x3FF;
	v20 =	vld.idx.msk [tilespmem:v20+s23+$0x0], $0xffff;
	s19 =	smov.u32 s18;
	s18 =	sadd.s32 $0x8, s18  }
0xea: {  	s24 =	sadd.s32 $0xFFFFFFF9, s19  }
0xeb: {  	v21 =	vmov s24  }
0xec: {  	v21 =	vshll.u32 v21, $0x4  }
0xed: {  	v21 =	vor.u32 v0, v21;
	_ =	sdelay $0x1  }
0xee: {  	v19 =	vmul.f32 v20, v19;
	_ =	sdelay $0x1  }
0xef: {  	[tilespmem:v18+s31+$0x0] =	vst.idx.msk $0xffff, v19  }
0xf0: {  	v18 =	vld.idx.msk [tilespmem:v21+s22+$0x0], $0xffff  }
0xf1: {  	v19 =	vld.idx.msk [tilespmem:v21+s23+$0x0], $0xffff  }
0xf2: {  	s25 =	sadd.s32 $0xFFFFFFFA, s19  }
0xf3: {  	v20 =	vadd.s32 s24, v1;
	v21 =	vmov s25  }
0xf4: {  	v22 =	vshll.u32 v21, $0x4;
	v21 =	vand.u32 $0x3F8, v21  }
0xf5: {  	v22 =	vor.u32 v0, v22;
	_ =	sdelay $0x1  }
0xf6: {  	v18 =	vmul.f32 v19, v18;
	_ =	sdelay $0x1  }
0xf7: {  	[tilespmem:v20+s31+$0x0] =	vst.idx.msk $0xffff, v18  }
0xf8: {  	v18 =	vld.idx.msk [tilespmem:v22+s22+$0x0], $0xffff  }
0xf9: {  	v19 =	vld.idx.msk [tilespmem:v22+s23+$0x0], $0xffff  }
0xfa: {  	s24 =	sadd.s32 $0xFFFFFFFB, s19;
	v20 =	vadd.s32 v11, v21  }
0xfb: {  	v21 =	vmov s24  }
0xfc: {  	v22 =	vshll.u32 v21, $0x4;
	v21 =	vand.u32 $0x3F8, v21  }
0xfd: {  	v22 =	vor.u32 v0, v22;
	_ =	sdelay $0x1  }
0xfe: {  	v18 =	vmul.f32 v19, v18;
	_ =	sdelay $0x1  }
0xff: {  	[tilespmem:v20+s31+$0x0] =	vst.idx.msk $0xffff, v18  }
0x100: {  	v18 =	vld.idx.msk [tilespmem:v22+s22+$0x0], $0xffff  }
0x101: {  	v20 =	vadd.s32 v12, v21;
	v19 =	vld.idx.msk [tilespmem:v22+s23+$0x0], $0xffff  }
0x102: {  	s24 =	sadd.s32 $0xFFFFFFFC, s19  }
0x103: {  	v21 =	vmov s24  }
0x104: {  	v22 =	vshll.u32 v21, $0x4;
	v21 =	vand.u32 $0x3F8, v21  }
0x105: {  	v22 =	vor.u32 v0, v22;
	_ =	sdelay $0x1  }
0x106: {  	v18 =	vmul.f32 v19, v18;
	_ =	sdelay $0x1  }
0x107: {  	[tilespmem:v20+s31+$0x0] =	vst.idx.msk $0xffff, v18  }
0x108: {  	v19 =	vadd.s32 v13, v21;
	v18 =	vld.idx.msk [tilespmem:v22+s22+$0x0], $0xffff  }
0x109: {  	v20 =	vld.idx.msk [tilespmem:v22+s23+$0x0], $0xffff  }
0x10a: {  	s24 =	sadd.s32 $0xFFFFFFFD, s19  }
0x10b: {  	v21 =	vmov s24  }
0x10c: {  	v22 =	vshll.u32 v21, $0x4;
	v21 =	vand.u32 $0x3F8, v21  }
0x10d: {  	v22 =	vor.u32 v0, v22;
	_ =	sdelay $0x1  }
0x10e: {  	v18 =	vmul.f32 v20, v18;
	_ =	sdelay $0x1  }
0x10f: {  	[tilespmem:v19+s31+$0x0] =	vst.idx.msk $0xffff, v18;
	v18 =	vadd.s32 v14, v21  }
0x110: {  	v19 =	vld.idx.msk [tilespmem:v22+s22+$0x0], $0xffff  }
0x111: {  	v20 =	vld.idx.msk [tilespmem:v22+s23+$0x0], $0xffff  }
0x112: {  	s24 =	sadd.s32 $0xFFFFFFFE, s19  }
0x113: {  	v21 =	vmov s24  }
0x114: {  	v22 =	vshll.u32 v21, $0x4;
	v21 =	vand.u32 $0x3F8, v21  }
0x115: {  	v22 =	vor.u32 v0, v22;
	_ =	sdelay $0x1  }
0x116: {  	v19 =	vmul.f32 v20, v19  }
0x117: {  	v20 =	vadd.s32 v15, v21  }
0x118: {  	[tilespmem:v18+s31+$0x0] =	vst.idx.msk $0xffff, v19  }
0x119: {  	v18 =	vld.idx.msk [tilespmem:v22+s22+$0x0], $0xffff  }
0x11a: {  	v19 =	vld.idx.msk [tilespmem:v22+s23+$0x0], $0xffff  }
0x11b: {  	s24 =	sadd.s32 $0xFFFFFFFF, s19  }
0x11c: {  	v21 =	vmov s24  }
0x11d: {  	v22 =	vshll.u32 v21, $0x4;
	v21 =	vand.u32 $0x3F8, v21  }
0x11e: {  	v22 =	vor.u32 v0, v22;
	_ =	sdelay $0x1  }
0x11f: {  	v18 =	vmul.f32 v19, v18;
	v19 =	vadd.s32 v16, v21;
	_ =	sdelay $0x1  }
0x120: {  	[tilespmem:v20+s31+$0x0] =	vst.idx.msk $0xffff, v18  }
0x121: {  	v21 =	vld.idx.msk [tilespmem:v22+s22+$0x0], $0xffff  }
0x122: {  	v22 =	vld.idx.msk [tilespmem:v22+s23+$0x0], $0xffff;
	_ =	sdelay $0x1  }
0x123: {  	v18 =	vmov s19  }
0x124: {  	v20 =	vshll.u32 v18, $0x4;
	v18 =	vand.u32 $0x3F8, v18  }
0x125: {  	v20 =	vor.u32 v0, v20  }
.Ltmp5:
0x126: {  	v18 =	vadd.s32 v17, v18;
	(pc) =	sbr.rel @p1 .LBB2_4-.Ltmp5, $3  }
0x127: {  	v21 =	vmul.f32 v22, v21;
	_ =	sdelay $0x1  }
0x128: {  	[tilespmem:v19+s31+$0x0] =	vst.idx.msk $0xffff, v21  }
0x129: {  	v19 =	vld.idx.msk [tilespmem:v20+s22+$0x0], $0xffff  }
0x12a: {  	_ = 	snop  }
0x12b: {  	s18 =	sshll.u32 s0, $0x5  }
0x12c: {  	s18 =	sor.u32 s7, s18  }
0x12d: {  	p1 =	seq.s32 s18, $0x0  }
0x12e: {  	v20 =	vld.idx.msk [tilespmem:v20+s23+$0x0], $0xffff;
	p1 =	por !p1, !p0  }
0x12f: {  	s19 =	simm.s32 $0x1;
	p1 =	por !p1, !p1  }
0x130: {  	s18 =	sshrl.u32 s18, $0x2;
	s19 =	simm.s32 @!p1 $0x0  }
0x131: {  	s18 =	ssub.s32 s18, s19  }
0x132: {  	s18 =	sshll.u32 s18, $0x10  }
0x133: {  	v19 =	vmul.f32 v20, v19;
	s18 =	sor.u32 s16, s18  }
0x134: {  	s18 =	sshrl.u32 s18, $0x3  }
0x135: {  	[tilespmem:v18+s31+$0x0] =	vst.idx.msk $0xffff, v19;
	s18 =	sadd.s32 s6, s18  }
0x136: {  	[hbm4b:s18+s2] =	stream.linear.scatter [tilespmem:s31], [sflag:$0x4], $0x400, $0x38;
	[tilespmem:$0x19100] =	vst v63  }
0x137: {  	s24 =	simm.s32 $0x11408;
	s25 =	sadd.s32 $0x200, s18  }
0x138: {  	[hbm4b:s25+s2] =	stream.linear.scatter [tilespmem:s24], [sflag:$0x4], $0x400, $0x38;
	[tilespmem:$0x19100] =	vst v63  }
0x139: {  	s24 =	sadd.s32 $0x400, s18;
	s25 =	simm.s32 $0x11810  }
0x13a: {  	[hbm4b:s24+s2] =	stream.linear.scatter [tilespmem:s25], [sflag:$0x4], $0x400, $0x38;
	[tilespmem:$0x19100] =	vst v63  }
0x13b: {  	s24 =	sadd.s32 $0x600, s18;
	s25 =	simm.s32 $0x11C18  }
0x13c: {  	[hbm4b:s24+s2] =	stream.linear.scatter [tilespmem:s25], [sflag:$0x4], $0x400, $0x38;
	[tilespmem:$0x19100] =	vst v63  }
0x13d: {  	s24 =	sadd.s32 $0x800, s18;
	s25 =	simm.s32 $0x12020  }
0x13e: {  	[hbm4b:s24+s2] =	stream.linear.scatter [tilespmem:s25], [sflag:$0x4], $0x400, $0x38;
	[tilespmem:$0x19100] =	vst v63  }
0x13f: {  	s24 =	sadd.s32 $0xA00, s18;
	s25 =	simm.s32 $0x12428  }
0x140: {  	[hbm4b:s24+s2] =	stream.linear.scatter [tilespmem:s25], [sflag:$0x4], $0x400, $0x38;
	[tilespmem:$0x19100] =	vst v63  }
0x141: {  	s24 =	sadd.s32 $0xC00, s18;
	s25 =	simm.s32 $0x12830  }
0x142: {  	[hbm4b:s24+s2] =	stream.linear.scatter [tilespmem:s25], [sflag:$0x4], $0x400, $0x38;
	[tilespmem:$0x19100] =	vst v63  }
0x143: {  	s24 =	sadd.s32 $0xE00, s18;
	s25 =	simm.s32 $0x12C38  }
0x144: {  	[hbm4b:s24+s2] =	stream.linear.scatter [tilespmem:s25], [sflag:$0x4], $0x400, $0x38;
	[tilespmem:$0x19100] =	vst v63  }
0x145: {  	s24 =	sadd.s32 $0x1000, s18;
	s25 =	simm.s32 $0x13040  }
0x146: {  	[hbm4b:s24+s2] =	stream.linear.scatter [tilespmem:s25], [sflag:$0x4], $0x400, $0x38;
	[tilespmem:$0x19100] =	vst v63  }
0x147: {  	s24 =	sadd.s32 $0x1200, s18;
	s25 =	simm.s32 $0x13448  }
0x148: {  	[hbm4b:s24+s2] =	stream.linear.scatter [tilespmem:s25], [sflag:$0x4], $0x400, $0x38;
	[tilespmem:$0x19100] =	vst v63  }
0x149: {  	s24 =	sadd.s32 $0x1400, s18;
	s25 =	simm.s32 $0x13850  }
0x14a: {  	[hbm4b:s24+s2] =	stream.linear.scatter [tilespmem:s25], [sflag:$0x4], $0x400, $0x38;
	[tilespmem:$0x19100] =	vst v63  }
0x14b: {  	s24 =	sadd.s32 $0x1600, s18;
	s25 =	simm.s32 $0x13C58  }
0x14c: {  	[hbm4b:s24+s2] =	stream.linear.scatter [tilespmem:s25], [sflag:$0x4], $0x400, $0x38;
	[tilespmem:$0x19100] =	vst v63  }
0x14d: {  	s24 =	sadd.s32 $0x1800, s18;
	s25 =	simm.s32 $0x14060  }
0x14e: {  	[hbm4b:s24+s2] =	stream.linear.scatter [tilespmem:s25], [sflag:$0x4], $0x400, $0x38;
	[tilespmem:$0x19100] =	vst v63  }
0x14f: {  	p1 =	seq.s32 s3, $0x0;
	s24 =	sadd.s32 $0x1A00, s18;
	s25 =	simm.s32 $0x14468  }
0x150: {  	[hbm4b:s24+s2] =	stream.linear.scatter [tilespmem:s25], [sflag:$0x4], $0x400, $0x38;
	[tilespmem:$0x19100] =	vst v63  }
.Ltmp6:
0x151: {  	_ = 	snop;
	(pc) =	sbr.rel @p1 .LBB2_9-.Ltmp6, $4  }
0x152: {  	s24 =	sadd.s32 $0x1C00, s18;
	s25 =	simm.s32 $0x14870  }
0x153: {  	[hbm4b:s24+s2] =	stream.linear.scatter [tilespmem:s25], [sflag:$0x4], $0x400, $0x38;
	[tilespmem:$0x19100] =	vst v63  }
0x154: {  	s18 =	sadd.s32 $0x1E00, s18;
	s25 =	simm.s32 $0x14C78  }
0x155: {  	[hbm4b:s18+s2] =	stream.linear.scatter [tilespmem:s25], [sflag:$0x4], $0x400, $0x38;
	[tilespmem:$0x19100] =	vst v63  }
.LBB2_6:
0x156: {  	p1 =	sge.u32 s0, s14  }
0x157: {  	s3 =	simm.s32 @!p1 $0x1  }
0x158: {  	_ =	swait.ge @!p1 [sflag:s3], $0x400  }
0x159: {  	[sflag:s3] =	ssyncset.done @!p1 $0x0  }
0x15a: {  	[sflag:s3] =	ssyncadd.s32 @!p1 $0xFFFFFC00  }
0x15b: {  	_ =	swait.ge @!p1 [sflag:s3], $0x400  }
0x15c: {  	s18 =	simm.s32 @!p1 $0x0;
	[sflag:s3] =	ssyncset.done @!p1 $0x0  }
0x15d: {  	s19 =	simm.s32 @!p1 $0x1000;
	[sflag:s3] =	ssyncadd.s32 @!p1 $0xFFFFFC00;
	s3 =	simm.s32 @!p1 $0x80  }
0x15e: {  	[tilespmem:s19], [sflag:$0x2] =	stream.indirect.gather @!p1 [hbm4b:s5+s3], $0x10, s18, s3, $0xb8;
	[tilespmem:$0x19100] =	vst v63  }
0x15f: {  	s18 =	simm.s32 @!p1 $0x800;
	s19 =	simm.s32 @!p1 $0x9000  }
0x160: {  	[tilespmem:s19], [sflag:$0x2] =	stream.indirect.gather @!p1 [hbm4b:s5+s3], $0x10, s18, s3, $0xb8;
	[tilespmem:$0x19100] =	vst v63  }
0x161: {  	s18 =	simm.s32 @!p1 $0x1800  }
0x162: {  	[tilespmem:s18], [sflag:$0x2] =	stream.indirect.gather @!p1 [hbm4b:s5+s3], $0x10, s3, s3, $0xb8;
	[tilespmem:$0x19100] =	vst v63  }
0x163: {  	s19 =	simm.s32 @!p1 $0x9800;
	s18 =	simm.s32 @!p1 $0x880  }
0x164: {  	[tilespmem:s19], [sflag:$0x2] =	stream.indirect.gather @!p1 [hbm4b:s5+s3], $0x10, s18, s3, $0xb8;
	[tilespmem:$0x19100] =	vst v63  }
0x165: {  	s18 =	simm.s32 @!p1 $0x100;
	s19 =	simm.s32 @!p1 $0x2000  }
0x166: {  	[tilespmem:s19], [sflag:$0x2] =	stream.indirect.gather @!p1 [hbm4b:s5+s3], $0x10, s18, s3, $0xb8;
	[tilespmem:$0x19100] =	vst v63  }
0x167: {  	s18 =	simm.s32 @!p1 $0x900;
	s19 =	simm.s32 @!p1 $0xA000  }
0x168: {  	[tilespmem:s19], [sflag:$0x2] =	stream.indirect.gather @!p1 [hbm4b:s5+s3], $0x10, s18, s3, $0xb8;
	[tilespmem:$0x19100] =	vst v63  }
0x169: {  	s18 =	simm.s32 @!p1 $0x180;
	s19 =	simm.s32 @!p1 $0x2800  }
0x16a: {  	[tilespmem:s19], [sflag:$0x2] =	stream.indirect.gather @!p1 [hbm4b:s5+s3], $0x10, s18, s3, $0xb8;
	[tilespmem:$0x19100] =	vst v63  }
0x16b: {  	s18 =	simm.s32 @!p1 $0x980;
	s19 =	simm.s32 @!p1 $0xA800  }
0x16c: {  	[tilespmem:s19], [sflag:$0x2] =	stream.indirect.gather @!p1 [hbm4b:s5+s3], $0x10, s18, s3, $0xb8;
	[tilespmem:$0x19100] =	vst v63  }
0x16d: {  	s18 =	simm.s32 @!p1 $0x200;
	s19 =	simm.s32 @!p1 $0x3000  }
0x16e: {  	[tilespmem:s19], [sflag:$0x2] =	stream.indirect.gather @!p1 [hbm4b:s5+s3], $0x10, s18, s3, $0xb8;
	[tilespmem:$0x19100] =	vst v63  }
0x16f: {  	s18 =	simm.s32 @!p1 $0xA00;
	s19 =	simm.s32 @!p1 $0xB000  }
0x170: {  	[tilespmem:s19], [sflag:$0x2] =	stream.indirect.gather @!p1 [hbm4b:s5+s3], $0x10, s18, s3, $0xb8;
	[tilespmem:$0x19100] =	vst v63  }
0x171: {  	s18 =	simm.s32 @!p1 $0x280;
	s19 =	simm.s32 @!p1 $0x3800  }
0x172: {  	[tilespmem:s19], [sflag:$0x2] =	stream.indirect.gather @!p1 [hbm4b:s5+s3], $0x10, s18, s3, $0xb8;
	[tilespmem:$0x19100] =	vst v63  }
0x173: {  	s18 =	simm.s32 @!p1 $0xA80;
	s19 =	simm.s32 @!p1 $0xB800  }
0x174: {  	[tilespmem:s19], [sflag:$0x2] =	stream.indirect.gather @!p1 [hbm4b:s5+s3], $0x10, s18, s3, $0xb8;
	[tilespmem:$0x19100] =	vst v63  }
0x175: {  	s18 =	simm.s32 @!p1 $0x300;
	s19 =	simm.s32 @!p1 $0x4000  }
0x176: {  	[tilespmem:s19], [sflag:$0x2] =	stream.indirect.gather @!p1 [hbm4b:s5+s3], $0x10, s18, s3, $0xb8;
	[tilespmem:$0x19100] =	vst v63  }
0x177: {  	s18 =	simm.s32 @!p1 $0xB00;
	s19 =	simm.s32 @!p1 $0xC000  }
0x178: {  	[tilespmem:s19], [sflag:$0x2] =	stream.indirect.gather @!p1 [hbm4b:s5+s3], $0x10, s18, s3, $0xb8;
	[tilespmem:$0x19100] =	vst v63  }
0x179: {  	s18 =	simm.s32 @!p1 $0x380;
	s19 =	simm.s32 @!p1 $0x4800  }
0x17a: {  	[tilespmem:s19], [sflag:$0x2] =	stream.indirect.gather @!p1 [hbm4b:s5+s3], $0x10, s18, s3, $0xb8;
	[tilespmem:$0x19100] =	vst v63  }
0x17b: {  	s18 =	simm.s32 @!p1 $0xB80;
	s19 =	simm.s32 @!p1 $0xC800  }
0x17c: {  	[tilespmem:s19], [sflag:$0x2] =	stream.indirect.gather @!p1 [hbm4b:s5+s3], $0x10, s18, s3, $0xb8;
	[tilespmem:$0x19100] =	vst v63  }
0x17d: {  	_ =	swait.ge [sflag:s30], $0x800  }
0x17e: {  	[sflag:s30] =	ssyncset.done $0x0  }
0x17f: {  	[sflag:s30] =	ssyncadd.s32 $0xFFFFF800  }
0x180: {  	_ =	swait.ge [sflag:s30], $0x800  }
0x181: {  	[sflag:s30] =	ssyncset.done $0x0  }
0x182: {  	[sflag:s30] =	ssyncadd.s32 $0xFFFFF800  }
0x183: {  	_ =	swait.ge [sflag:s30], $0x800  }
0x184: {  	[sflag:s30] =	ssyncset.done $0x0  }
0x185: {  	[sflag:s30] =	ssyncadd.s32 $0xFFFFF800  }
0x186: {  	_ =	swait.ge [sflag:s30], $0x800  }
0x187: {  	[sflag:s30] =	ssyncset.done $0x0  }
0x188: {  	[sflag:s30] =	ssyncadd.s32 $0xFFFFF800  }
0x189: {  	_ =	swait.ge [sflag:s30], $0x800  }
0x18a: {  	[sflag:s30] =	ssyncset.done $0x0  }
0x18b: {  	[sflag:s30] =	ssyncadd.s32 $0xFFFFF800  }
0x18c: {  	_ =	swait.ge [sflag:s30], $0x800  }
0x18d: {  	[sflag:s30] =	ssyncset.done $0x0  }
0x18e: {  	[sflag:s30] =	ssyncadd.s32 $0xFFFFF800  }
0x18f: {  	_ =	swait.ge [sflag:s30], $0x800  }
0x190: {  	[sflag:s30] =	ssyncset.done $0x0  }
0x191: {  	[sflag:s30] =	ssyncadd.s32 $0xFFFFF800  }
0x192: {  	_ =	swait.ge [sflag:s30], $0x800  }
0x193: {  	[sflag:s30] =	ssyncset.done $0x0  }
0x194: {  	[sflag:s30] =	ssyncadd.s32 $0xFFFFF800  }
0x195: {  	_ =	swait.ge [sflag:s30], $0x800  }
0x196: {  	[sflag:s30] =	ssyncset.done $0x0  }
0x197: {  	[sflag:s30] =	ssyncadd.s32 $0xFFFFF800  }
0x198: {  	_ =	swait.ge [sflag:s30], $0x800  }
0x199: {  	[sflag:s30] =	ssyncset.done $0x0  }
0x19a: {  	[sflag:s30] =	ssyncadd.s32 $0xFFFFF800  }
0x19b: {  	_ =	swait.ge [sflag:s30], $0x800  }
0x19c: {  	[sflag:s30] =	ssyncset.done $0x0  }
0x19d: {  	[sflag:s30] =	ssyncadd.s32 $0xFFFFF800  }
0x19e: {  	_ =	swait.ge [sflag:s30], $0x800  }
0x19f: {  	[sflag:s30] =	ssyncset.done $0x0  }
0x1a0: {  	[sflag:s30] =	ssyncadd.s32 $0xFFFFF800  }
0x1a1: {  	_ =	swait.ge [sflag:s30], $0x800  }
0x1a2: {  	[sflag:s30] =	ssyncset.done $0x0  }
0x1a3: {  	[sflag:s30] =	ssyncadd.s32 $0xFFFFF800  }
0x1a4: {  	_ =	swait.ge [sflag:s30], $0x800  }
0x1a5: {  	[sflag:s30] =	ssyncset.done $0x0  }
0x1a6: {  	[sflag:s30] =	ssyncadd.s32 $0xFFFFF800  }
0x1a7: {  	s3 =	sadd.s32 $0x2, s0;
	_ =	swait.ge [sflag:s30], $0x800  }
0x1a8: {  	p1 =	sge.u32 s3, s8;
	[sflag:s30] =	ssyncset.done $0x0  }
0x1a9: {  	s3 =	sshll.u32 @!p1 s3, $0xF;
	[sflag:s30] =	ssyncadd.s32 $0xFFFFF800  }
0x1aa: {  	s25 =	simm.s32 $0x0;
	s3 =	sor.u32 @!p1 s11, s3;
	_ =	swait.ge [sflag:s30], $0x800  }
0x1ab: {  	s19 =	simm.s32 @!p1 $0x0;
	s3 =	sshrl.u32 @!p1 s3, $0x3;
	[sflag:s30] =	ssyncset.done $0x0  }
0x1ac: {  	s24 =	simm.s32 @!p1 $0x400;
	s18 =	sadd.s32 @!p1 s1, s3;
	[sflag:s30] =	ssyncadd.s32 $0xFFFFF800  }
0x1ad: {  	[tilespmem:s24], [sflag:$0x1] =	stream.linear.gather @!p1 [hbm4b:s18+s19], $0x400, $0x38;
	[tilespmem:$0x19100] =	vst v63  }
0x1ae: {  	v18 =	vmov s25;
	s3 =	sadd.s32 @!p1 s4, s3;
	s24 =	simm.s32 @!p1 $0xC00  }
0x1af: {  	v18 =	vshll.u32 v18, $0x4;
	[tilespmem:s24], [sflag:$0x1] =	stream.linear.gather @!p1 [hbm4b:s3+s19], $0x400, $0x38;
	[tilespmem:$0x19100] =	vst v63  }
0x1b0: {  	v18 =	vadd.s32 v2, v18;
	p1 =	slt.u32 s0, $0x2  }
0x1b1: {  	s3 =	simm.s32 @!p1 $0x5  }
0x1b2: {  	_ =	swait.ge @!p1 [sflag:s3], $0x4000  }
0x1b3: {  	[sflag:s3] =	ssyncset.done @!p1 $0x0  }
0x1b4: {  	[sflag:s3] =	ssyncadd.s32 @!p1 $0xFFFFC000  }
0x1b5: {  	v19 =	vld.idx.msk [tilespmem:v18+s22+$0x0], $0xffff  }
0x1b6: {  	s19 =	simm.s32 $0x1;
	v18 =	vld.idx.msk [tilespmem:v18+s23+$0x0], $0xffff  }
0x1b7: {  	v20 =	vmov s19  }
0x1b8: {  	v21 =	vadd.s32 s25, v3;
	v22 =	vshll.u32 v20, $0x4  }
0x1b9: {  	v22 =	vadd.s32 v2, v22;
	_ =	sdelay $0x1  }
0x1ba: {  	v18 =	vmul.f32 v18, v19;
	_ =	sdelay $0x1  }
0x1bb: {  	[tilespmem:v21+s31+$0x0] =	vst.idx.msk $0xffff, v18  }
0x1bc: {  	v18 =	vld.idx.msk [tilespmem:v22+s22+$0x0], $0xffff  }
0x1bd: {  	s24 =	simm.s32 $0x2;
	v19 =	vld.idx.msk [tilespmem:v22+s23+$0x0], $0xffff  }
0x1be: {  	v20 =	vand.u32 $0x3F8, v20;
	v21 =	vmov s24  }
0x1bf: {  	v20 =	vadd.s32 v4, v20;
	v22 =	vshll.u32 v21, $0x4  }
0x1c0: {  	v22 =	vadd.s32 v2, v22;
	_ =	sdelay $0x1  }
0x1c1: {  	v18 =	vmul.f32 v19, v18;
	_ =	sdelay $0x1  }
0x1c2: {  	[tilespmem:v20+s31+$0x0] =	vst.idx.msk $0xffff, v18  }
0x1c3: {  	v18 =	vld.idx.msk [tilespmem:v22+s22+$0x0], $0xffff  }
0x1c4: {  	s25 =	simm.s32 $0x3;
	v19 =	vld.idx.msk [tilespmem:v22+s23+$0x0], $0xffff  }
0x1c5: {  	v20 =	vand.u32 $0x3F8, v21;
	v21 =	vmov s25  }
0x1c6: {  	v20 =	vadd.s32 v5, v20;
	v22 =	vshll.u32 v21, $0x4  }
0x1c7: {  	v22 =	vadd.s32 v2, v22;
	_ =	sdelay $0x1  }
0x1c8: {  	v18 =	vmul.f32 v19, v18;
	_ =	sdelay $0x1  }
0x1c9: {  	[tilespmem:v20+s31+$0x0] =	vst.idx.msk $0xffff, v18  }
0x1ca: {  	v18 =	vld.idx.msk [tilespmem:v22+s22+$0x0], $0xffff  }
0x1cb: {  	s18 =	simm.s32 $0x4;
	v19 =	vld.idx.msk [tilespmem:v22+s23+$0x0], $0xffff  }
0x1cc: {  	v20 =	vand.u32 $0x3F8, v21;
	v21 =	vmov s18  }
0x1cd: {  	v20 =	vadd.s32 v6, v20;
	v22 =	vshll.u32 v21, $0x4  }
0x1ce: {  	v22 =	vadd.s32 v2, v22;
	_ =	sdelay $0x1  }
0x1cf: {  	v18 =	vmul.f32 v19, v18;
	_ =	sdelay $0x1  }
0x1d0: {  	[tilespmem:v20+s31+$0x0] =	vst.idx.msk $0xffff, v18  }
0x1d1: {  	v18 =	vld.idx.msk [tilespmem:v22+s22+$0x0], $0xffff  }
0x1d2: {  	s19 =	simm.s32 $0x5;
	v19 =	vld.idx.msk [tilespmem:v22+s23+$0x0], $0xffff  }
0x1d3: {  	v20 =	vand.u32 $0x3F8, v21;
	v21 =	vmov s19  }
0x1d4: {  	v20 =	vadd.s32 v7, v20;
	v22 =	vshll.u32 v21, $0x4  }
0x1d5: {  	v22 =	vadd.s32 v2, v22;
	_ =	sdelay $0x1  }
0x1d6: {  	v18 =	vmul.f32 v19, v18;
	_ =	sdelay $0x1  }
0x1d7: {  	[tilespmem:v20+s31+$0x0] =	vst.idx.msk $0xffff, v18  }
0x1d8: {  	v18 =	vld.idx.msk [tilespmem:v22+s22+$0x0], $0xffff  }
0x1d9: {  	s24 =	simm.s32 $0x6;
	v19 =	vld.idx.msk [tilespmem:v22+s23+$0x0], $0xffff  }
0x1da: {  	v20 =	vand.u32 $0x3F8, v21;
	v21 =	vmov s24  }
0x1db: {  	v20 =	vadd.s32 v8, v20;
	v22 =	vshll.u32 v21, $0x4  }
0x1dc: {  	v22 =	vadd.s32 v2, v22;
	_ =	sdelay $0x1  }
0x1dd: {  	v18 =	vmul.f32 v19, v18;
	_ =	sdelay $0x1  }
0x1de: {  	[tilespmem:v20+s31+$0x0] =	vst.idx.msk $0xffff, v18  }
0x1df: {  	v18 =	vld.idx.msk [tilespmem:v22+s22+$0x0], $0xffff  }
0x1e0: {  	s25 =	simm.s32 $0x7;
	v19 =	vld.idx.msk [tilespmem:v22+s23+$0x0], $0xffff  }
0x1e1: {  	v20 =	vand.u32 $0x3F8, v21;
	v21 =	vmov s25  }
0x1e2: {  	v22 =	vadd.s32 v9, v20;
	v20 =	vshll.u32 v21, $0x4  }
0x1e3: {  	v20 =	vadd.s32 v2, v20;
	_ =	sdelay $0x1  }
0x1e4: {  	v18 =	vmul.f32 v19, v18;
	_ =	sdelay $0x1  }
0x1e5: {  	v19 =	vand.u32 $0x3F8, v21;
	[tilespmem:v22+s31+$0x0] =	vst.idx.msk $0xffff, v18  }
0x1e6: {  	s3 =	simm.s32 $0xF;
	v18 =	vadd.s32 v10, v19;
	v19 =	vld.idx.msk [tilespmem:v20+s22+$0x0], $0xffff  }
.LBB2_7:
0x1e7: {  	p1 =	sne.s32 s3, $0x3FF;
	v20 =	vld.idx.msk [tilespmem:v20+s23+$0x0], $0xffff;
	s18 =	smov.u32 s3;
	s3 =	sadd.s32 $0x8, s3  }
0x1e8: {  	s19 =	sadd.s32 $0xFFFFFFF9, s18  }
0x1e9: {  	v21 =	vmov s19  }
0x1ea: {  	v21 =	vshll.u32 v21, $0x4  }
0x1eb: {  	v21 =	vadd.s32 v2, v21;
	_ =	sdelay $0x1  }
0x1ec: {  	v19 =	vmul.f32 v20, v19;
	_ =	sdelay $0x1  }
0x1ed: {  	[tilespmem:v18+s31+$0x0] =	vst.idx.msk $0xffff, v19  }
0x1ee: {  	v18 =	vld.idx.msk [tilespmem:v21+s22+$0x0], $0xffff  }
0x1ef: {  	v19 =	vld.idx.msk [tilespmem:v21+s23+$0x0], $0xffff  }
0x1f0: {  	s24 =	sadd.s32 $0xFFFFFFFA, s18  }
0x1f1: {  	v20 =	vadd.s32 s19, v3;
	v21 =	vmov s24  }
0x1f2: {  	v22 =	vshll.u32 v21, $0x4;
	v21 =	vand.u32 $0x3F8, v21  }
0x1f3: {  	v22 =	vadd.s32 v2, v22;
	_ =	sdelay $0x1  }
0x1f4: {  	v18 =	vmul.f32 v19, v18;
	_ =	sdelay $0x1  }
0x1f5: {  	[tilespmem:v20+s31+$0x0] =	vst.idx.msk $0xffff, v18  }
0x1f6: {  	v18 =	vld.idx.msk [tilespmem:v22+s22+$0x0], $0xffff  }
0x1f7: {  	v19 =	vld.idx.msk [tilespmem:v22+s23+$0x0], $0xffff  }
0x1f8: {  	s19 =	sadd.s32 $0xFFFFFFFB, s18;
	v20 =	vadd.s32 v4, v21  }
0x1f9: {  	v21 =	vmov s19  }
0x1fa: {  	v22 =	vshll.u32 v21, $0x4;
	v21 =	vand.u32 $0x3F8, v21  }
0x1fb: {  	v22 =	vadd.s32 v2, v22;
	_ =	sdelay $0x1  }
0x1fc: {  	v18 =	vmul.f32 v19, v18;
	_ =	sdelay $0x1  }
0x1fd: {  	[tilespmem:v20+s31+$0x0] =	vst.idx.msk $0xffff, v18  }
0x1fe: {  	v18 =	vld.idx.msk [tilespmem:v22+s22+$0x0], $0xffff  }
0x1ff: {  	v20 =	vadd.s32 v5, v21;
	v19 =	vld.idx.msk [tilespmem:v22+s23+$0x0], $0xffff  }
0x200: {  	s19 =	sadd.s32 $0xFFFFFFFC, s18  }
0x201: {  	v21 =	vmov s19  }
0x202: {  	v22 =	vshll.u32 v21, $0x4;
	v21 =	vand.u32 $0x3F8, v21  }
0x203: {  	v22 =	vadd.s32 v2, v22;
	_ =	sdelay $0x1  }
0x204: {  	v18 =	vmul.f32 v19, v18;
	_ =	sdelay $0x1  }
0x205: {  	[tilespmem:v20+s31+$0x0] =	vst.idx.msk $0xffff, v18  }
0x206: {  	v19 =	vadd.s32 v6, v21;
	v18 =	vld.idx.msk [tilespmem:v22+s22+$0x0], $0xffff  }
0x207: {  	v20 =	vld.idx.msk [tilespmem:v22+s23+$0x0], $0xffff  }
0x208: {  	s19 =	sadd.s32 $0xFFFFFFFD, s18  }
0x209: {  	v21 =	vmov s19  }
0x20a: {  	v22 =	vshll.u32 v21, $0x4;
	v21 =	vand.u32 $0x3F8, v21  }
0x20b: {  	v22 =	vadd.s32 v2, v22;
	_ =	sdelay $0x1  }
0x20c: {  	v18 =	vmul.f32 v20, v18;
	_ =	sdelay $0x1  }
0x20d: {  	[tilespmem:v19+s31+$0x0] =	vst.idx.msk $0xffff, v18;
	v18 =	vadd.s32 v7, v21  }
0x20e: {  	v19 =	vld.idx.msk [tilespmem:v22+s22+$0x0], $0xffff  }
0x20f: {  	v20 =	vld.idx.msk [tilespmem:v22+s23+$0x0], $0xffff  }
0x210: {  	s19 =	sadd.s32 $0xFFFFFFFE, s18  }
0x211: {  	v21 =	vmov s19  }
0x212: {  	v22 =	vshll.u32 v21, $0x4;
	v21 =	vand.u32 $0x3F8, v21  }
0x213: {  	v22 =	vadd.s32 v2, v22;
	_ =	sdelay $0x1  }
0x214: {  	v19 =	vmul.f32 v20, v19  }
0x215: {  	v20 =	vadd.s32 v8, v21  }
0x216: {  	[tilespmem:v18+s31+$0x0] =	vst.idx.msk $0xffff, v19  }
0x217: {  	v18 =	vld.idx.msk [tilespmem:v22+s22+$0x0], $0xffff  }
0x218: {  	v19 =	vld.idx.msk [tilespmem:v22+s23+$0x0], $0xffff  }
0x219: {  	s19 =	sadd.s32 $0xFFFFFFFF, s18  }
0x21a: {  	v21 =	vmov s19  }
0x21b: {  	v22 =	vshll.u32 v21, $0x4;
	v21 =	vand.u32 $0x3F8, v21  }
0x21c: {  	v22 =	vadd.s32 v2, v22;
	_ =	sdelay $0x1  }
0x21d: {  	v18 =	vmul.f32 v19, v18;
	v19 =	vadd.s32 v9, v21;
	_ =	sdelay $0x1  }
0x21e: {  	[tilespmem:v20+s31+$0x0] =	vst.idx.msk $0xffff, v18  }
0x21f: {  	v21 =	vld.idx.msk [tilespmem:v22+s22+$0x0], $0xffff  }
0x220: {  	v22 =	vld.idx.msk [tilespmem:v22+s23+$0x0], $0xffff;
	_ =	sdelay $0x1  }
0x221: {  	v18 =	vmov s18  }
0x222: {  	v20 =	vshll.u32 v18, $0x4;
	v18 =	vand.u32 $0x3F8, v18  }
0x223: {  	v20 =	vadd.s32 v2, v20  }
.Ltmp7:
0x224: {  	v18 =	vadd.s32 v10, v18;
	(pc) =	sbr.rel @p1 .LBB2_7-.Ltmp7, $3  }
0x225: {  	v21 =	vmul.f32 v22, v21;
	_ =	sdelay $0x1  }
0x226: {  	[tilespmem:v19+s31+$0x0] =	vst.idx.msk $0xffff, v21  }
0x227: {  	v19 =	vld.idx.msk [tilespmem:v20+s22+$0x0], $0xffff  }
0x228: {  	_ = 	snop  }
0x229: {  	s3 =	sshll.u32 s0, $0x5  }
0x22a: {  	s3 =	sor.u32 s7, s3  }
0x22b: {  	p1 =	seq.s32 s3, $0x0  }
0x22c: {  	v20 =	vld.idx.msk [tilespmem:v20+s23+$0x0], $0xffff;
	p1 =	por !p1, !p0  }
0x22d: {  	s18 =	simm.s32 $0x1;
	p1 =	por !p1, !p1  }
0x22e: {  	s3 =	sshrl.u32 s3, $0x2;
	s18 =	simm.s32 @!p1 $0x0  }
0x22f: {  	s3 =	ssub.s32 s3, s18  }
0x230: {  	s3 =	sshll.u32 s3, $0x10  }
0x231: {  	v19 =	vmul.f32 v20, v19;
	s3 =	sor.u32 s16, s3  }
0x232: {  	s3 =	sshrl.u32 s3, $0x3  }
0x233: {  	s24 =	simm.s32 $0x15080;
	[tilespmem:v18+s31+$0x0] =	vst.idx.msk $0xffff, v19;
	s3 =	sadd.s32 s6, s3  }
0x234: {  	[hbm4b:s3+s2] =	stream.linear.scatter [tilespmem:s24], [sflag:$0x5], $0x400, $0x38;
	[tilespmem:$0x19100] =	vst v63  }
0x235: {  	s19 =	simm.s32 $0x15488;
	s25 =	sadd.s32 $0x200, s3  }
0x236: {  	[hbm4b:s25+s2] =	stream.linear.scatter [tilespmem:s19], [sflag:$0x5], $0x400, $0x38;
	[tilespmem:$0x19100] =	vst v63  }
0x237: {  	s24 =	sadd.s32 $0x400, s3;
	s25 =	simm.s32 $0x15890  }
0x238: {  	[hbm4b:s24+s2] =	stream.linear.scatter [tilespmem:s25], [sflag:$0x5], $0x400, $0x38;
	[tilespmem:$0x19100] =	vst v63  }
0x239: {  	s24 =	sadd.s32 $0x600, s3;
	s25 =	simm.s32 $0x15C98  }
0x23a: {  	[hbm4b:s24+s2] =	stream.linear.scatter [tilespmem:s25], [sflag:$0x5], $0x400, $0x38;
	[tilespmem:$0x19100] =	vst v63  }
0x23b: {  	s24 =	sadd.s32 $0x800, s3;
	s25 =	simm.s32 $0x160A0  }
0x23c: {  	[hbm4b:s24+s2] =	stream.linear.scatter [tilespmem:s25], [sflag:$0x5], $0x400, $0x38;
	[tilespmem:$0x19100] =	vst v63  }
0x23d: {  	s24 =	sadd.s32 $0xA00, s3;
	s25 =	simm.s32 $0x164A8  }
0x23e: {  	[hbm4b:s24+s2] =	stream.linear.scatter [tilespmem:s25], [sflag:$0x5], $0x400, $0x38;
	[tilespmem:$0x19100] =	vst v63  }
0x23f: {  	s19 =	sadd.s32 $0xC00, s3  }
0x240: {  	[hbm4b:s19+s2] =	stream.linear.scatter [tilespmem:s26], [sflag:$0x5], $0x400, $0x38;
	[tilespmem:$0x19100] =	vst v63  }
0x241: {  	s24 =	sadd.s32 $0xE00, s3  }
0x242: {  	[hbm4b:s24+s2] =	stream.linear.scatter [tilespmem:s28], [sflag:$0x5], $0x400, $0x38;
	[tilespmem:$0x19100] =	vst v63  }
0x243: {  	s25 =	sadd.s32 $0x1000, s3  }
0x244: {  	[hbm4b:s25+s2] =	stream.linear.scatter [tilespmem:s29], [sflag:$0x5], $0x400, $0x38;
	[tilespmem:$0x19100] =	vst v63  }
0x245: {  	s19 =	sadd.s32 $0x1200, s3  }
0x246: {  	[hbm4b:s19+s2] =	stream.linear.scatter [tilespmem:s17], [sflag:$0x5], $0x400, $0x38;
	[tilespmem:$0x19100] =	vst v63  }
0x247: {  	s24 =	sadd.s32 $0x1400, s3  }
0x248: {  	[hbm4b:s24+s2] =	stream.linear.scatter [tilespmem:s9], [sflag:$0x5], $0x400, $0x38;
	[tilespmem:$0x19100] =	vst v63  }
0x249: {  	s25 =	sadd.s32 $0x1600, s3  }
0x24a: {  	[hbm4b:s25+s2] =	stream.linear.scatter [tilespmem:s10], [sflag:$0x5], $0x400, $0x38;
	[tilespmem:$0x19100] =	vst v63  }
0x24b: {  	s19 =	sadd.s32 $0x1800, s3  }
0x24c: {  	[hbm4b:s19+s2] =	stream.linear.scatter [tilespmem:s12], [sflag:$0x5], $0x400, $0x38;
	[tilespmem:$0x19100] =	vst v63  }
0x24d: {  	s24 =	sadd.s32 $0x1A00, s3  }
0x24e: {  	[hbm4b:s24+s2] =	stream.linear.scatter [tilespmem:s13], [sflag:$0x5], $0x400, $0x38;
	[tilespmem:$0x19100] =	vst v63  }
.Ltmp8:
0x24f: {  	_ = 	snop;
	(pc) =	sbr.rel .LBB2_9-.Ltmp8, $4  }
0x250: {  	s25 =	sadd.s32 $0x1C00, s3  }
0x251: {  	[hbm4b:s25+s2] =	stream.linear.scatter [tilespmem:s15], [sflag:$0x5], $0x400, $0x38;
	[tilespmem:$0x19100] =	vst v63  }
0x252: {  	s3 =	sadd.s32 $0x1E00, s3  }
0x253: {  	[hbm4b:s3+s2] =	stream.linear.scatter [tilespmem:s20], [sflag:$0x5], $0x400, $0x38;
	[tilespmem:$0x19100] =	vst v63  }
.LBB2_11:
0x254: {  	_ =	sfence.sel $0x180000  }
0x255: {  	[bflag:$0x0] =	sbarrier.arrive $0xFFFF  }
0x256: {  	_ =	strace $0x90000047  }
0x257: {  	s0 =	stileid.u32;
	[bflag:$0x2] =	sbarrier.arrive $0xFFFF  }
0x258: {  	p0 =	sne.s32 s0, $0x0;
	s0 =	rddreg [dreg:$0x2]  }
0x259: {  	s0 =	sadd.s32 @!p0 $0x100000, s0  }
0x25a: {  	[sflag:s0] =	ssyncadd.tile.s32 @!p0 $0x1;
	_ =	shalt  }
.Lfunc_end2:
_tile_overlayer_lowered:
.L_overlay_start_2:
0x25b: {  	(tag) =	ssettag $0x2  }
0x25c: {  	s0 =	rddreg [dreg:$0x0];
	s2 =	stileid.u32  }
0x25d: {  	s1 =	rddreg [dreg:$0x1];
	p0 =	sne.s32 s2, $0x0  }
0x25e: {  	s3 =	rddreg [dreg:$0x2];
	[bflag:$0x3] =	sbarrier.arrive $0xFFFF;
	s2 =	simm.s32 @!p0 $0x1C06  }
0x25f: {  	[timem:s3], [sflag:s2] =	dma.local @!p0 [hbm:s0], s1  }
0x260: {  	s0 =	simm.s32 @!p0 $0x6  }
0x261: {  	_ =	swait.ge @!p0 [sflag:s0], s1  }
0x262: {  	s1 =	ssub.s32 @!p0 $0x0, s1;
	[sflag:s0] =	ssyncset.done @!p0 $0x0  }
0x263: {  	[sflag:s0] =	ssyncadd.s32 @!p0 s1  }
0x264: {  	[bflag:$0x3] =	sbarrier.arrive $0xFFFF  }
0x265: {  	_ =	shalt  }

</sc_bundles>
